<compile_context>
chip_gen: v7x
topology: tpu7x:2x2x1
jax: 0.10.2.dev20260603
libtpu: 0.0.44.dev20260713+nightly
codegen_flags: <defaults>
</compile_context>

<pallas_src>
import functools

import jax
import jax.numpy as jnp
from jax import lax
from jax.experimental import pallas as pl
from jax.experimental.pallas import tpu as pltpu
from jax.experimental.pallas import tpu_sc as plsc

_EMBED_DIM = 64
_BATCH = 16384
_NUM_CORES = 2
_NUM_SUBCORES = 16
_LANES = 16
_NW = _NUM_CORES * _NUM_SUBCORES
_BPW = _BATCH // _NW
_NGROUPS = _BPW // _LANES
_BROWS = _BPW // 2

_RSQRT_MAGIC = 0x5F3759DF


@functools.partial(
    pl.kernel,
    out_type=jax.ShapeDtypeStruct((_BATCH,), jnp.float32),
    mesh=plsc.VectorSubcoreMesh(core_axis_name="c", subcore_axis_name="s"),
    compiler_params=pltpu.CompilerParams(needs_layout_passes=False),
    scratch_types=[
        pltpu.VMEM((_BPW,), jnp.int32),
        pltpu.VMEM((_BPW,), jnp.int32),
        pltpu.VMEM((_BPW,), jnp.int32),
        pltpu.VMEM((_BROWS, 128), jnp.float32),
        pltpu.VMEM((_BROWS, 128), jnp.float32),
        pltpu.VMEM((_BROWS, 128), jnp.float32),
        pltpu.VMEM((_BPW,), jnp.float32),
        pltpu.SemaphoreType.DMA,
        pltpu.SemaphoreType.DMA,
        pltpu.SemaphoreType.DMA,
    ],
)
def _transe_sc(heads_hbm, rels_hbm, tails_hbm, ent_hbm, rel_hbm,
               out_hbm, hidx, ridx, tidx, hrows, rrows, trows, scores,
               sem_h, sem_r, sem_t):
    wid = lax.axis_index("s") * _NUM_CORES + lax.axis_index("c")
    base = wid * _BPW

    pltpu.sync_copy(heads_hbm.at[pl.ds(base, _BPW)], hidx)
    pltpu.sync_copy(rels_hbm.at[pl.ds(base, _BPW)], ridx)
    pltpu.sync_copy(tails_hbm.at[pl.ds(base, _BPW)], tidx)

    lanes = lax.iota(jnp.int32, _LANES)

    def fire(chunk, carry):
        s = chunk * _LANES
        hv = hidx[pl.ds(s, _LANES)]
        rv = ridx[pl.ds(s, _LANES)]
        tv = tidx[pl.ds(s, _LANES)]
        for l in range(_LANES):
            h = hv[l]
            r = rv[l]
            t = tv[l]
            brow = chunk * (_LANES // 2) + (l // 2)
            half = pl.ds((l % 2) * _EMBED_DIM, _EMBED_DIM)
            pltpu.async_copy(ent_hbm.at[h], hrows.at[brow, half], sem_h)
            pltpu.async_copy(rel_hbm.at[r], rrows.at[brow, half], sem_r)
            pltpu.async_copy(ent_hbm.at[t], trows.at[brow, half], sem_t)
        return carry

    lax.fori_loop(0, _NGROUPS, fire, 0)

    def drain(b, carry):
        for half in (pl.ds(0, _EMBED_DIM), pl.ds(_EMBED_DIM, _EMBED_DIM)):
            pltpu.make_async_copy(ent_hbm.at[0], hrows.at[b, half], sem_h).wait()
            pltpu.make_async_copy(rel_hbm.at[0], rrows.at[b, half], sem_r).wait()
            pltpu.make_async_copy(ent_hbm.at[0], trows.at[b, half], sem_t).wait()
        return carry

    lax.fori_loop(0, _BROWS, drain, 0)

    halflane = lanes // 2
    colbase = (lanes % 2) * _EMBED_DIM

    def group_body(g, carry):
        rowv = g * (_LANES // 2) + halflane
        acc = jnp.zeros((_LANES,), jnp.float32)
        for d in range(_EMBED_DIM):
            colv = colbase + d
            vh = plsc.load_gather(hrows, [rowv, colv])
            vr = plsc.load_gather(rrows, [rowv, colv])
            vt = plsc.load_gather(trows, [rowv, colv])
            dif = vh + vr - vt
            acc = acc + dif * dif
        x = jnp.maximum(acc, jnp.float32(1e-30))
        i = plsc.bitcast(x, jnp.int32)
        y = plsc.bitcast(jnp.int32(_RSQRT_MAGIC) - (i >> 1), jnp.float32)
        for _ in range(3):
            y = y * (jnp.float32(1.5) - jnp.float32(0.5) * x * y * y)
        plsc.store_scatter(scores, [g * _LANES + lanes], x * y)
        return carry

    lax.fori_loop(0, _NGROUPS, group_body, 0)

    pltpu.sync_copy(scores, out_hbm.at[pl.ds(base, _BPW)])


def kernel(heads, relations, tails, entity_embeddings, relation_embeddings):
    return _transe_sc(heads, relations, tails,
                      entity_embeddings, relation_embeddings)

# --- scband reference (transcript-rebuilt; emitter-appended) ---
"""Pipeline reference for scband-trans-e-43782896615530 (READ-ONLY COPY).

The authoritative reference and input builder live on the scoring server;
editing this copy changes nothing except your own understanding.
"""

import jax, jax.numpy as jnp
import numpy as np

ENTITY_NUM = 1000000
RELATION_NUM = 1000
EMBED_DIM = 64
BATCH = 16384


def _xavier_uniform(key, shape):
    fan_in, fan_out = shape[0], shape[1]
    limit = jnp.sqrt(6.0 / (fan_in + fan_out))
    return jax.random.uniform(key, shape, dtype=jnp.float32, minval=-limit, maxval=limit)


def setup_inputs(seed: int = 0) -> dict:
    key = jax.random.key(seed)
    k1, k2, k3, k4, k5 = jax.random.split(key, 5)
    heads = jax.random.randint(k1, (BATCH,), 0, ENTITY_NUM, dtype=jnp.int64 if jax.config.jax_enable_x64 else jnp.int32).astype(jnp.int32)
    relations = jax.random.randint(k2, (BATCH,), 0, RELATION_NUM).astype(jnp.int32)
    tails = jax.random.randint(k3, (BATCH,), 0, ENTITY_NUM).astype(jnp.int32)
    entity_embeddings = _xavier_uniform(k4, (ENTITY_NUM, EMBED_DIM))
    relation_embeddings = _xavier_uniform(k5, (RELATION_NUM, EMBED_DIM))
    return {
        "heads": heads,
        "relations": relations,
        "tails": tails,
        "entity_embeddings": entity_embeddings,
        "relation_embeddings": relation_embeddings,
    }


def reference(heads, relations, tails, entity_embeddings, relation_embeddings):
    head_embeds = jnp.take(entity_embeddings, heads, axis=0)
    relation_embeds = jnp.take(relation_embeddings, relations, axis=0)
    tail_embeds = jnp.take(entity_embeddings, tails, axis=0)
    diff = head_embeds + relation_embeds - tail_embeds
    score = jnp.linalg.norm(diff, ord=2, axis=1)
    return score

if __name__ == "__main__":
    import jax
    _d = setup_inputs()
    print(jax.jit(kernel)(*tuple(_d.values())))

</pallas_src>

<mosaic_0001>
#map = affine_map<(d0, d1) -> (0)>
#map1 = affine_map<(d0, d1) -> (0, 0)>
module attributes {stable_mosaic.version = 14 : i64} {
  func.func @_transe_sc(%arg0: i32, %arg1: i32, %arg2: memref<16384xi32, #tpu.memory_space<hbm>>, %arg3: memref<16384xi32, #tpu.memory_space<hbm>>, %arg4: memref<16384xi32, #tpu.memory_space<hbm>>, %arg5: memref<1000000x64xf32, #tpu.memory_space<hbm>>, %arg6: memref<1000x64xf32, #tpu.memory_space<hbm>>, %arg7: memref<16384xf32, #tpu.memory_space<hbm>>, %arg8: memref<512xi32, #tpu.memory_space<vmem>>, %arg9: memref<512xi32, #tpu.memory_space<vmem>>, %arg10: memref<512xi32, #tpu.memory_space<vmem>>, %arg11: memref<256x128xf32, #tpu.memory_space<vmem>>, %arg12: memref<256x128xf32, #tpu.memory_space<vmem>>, %arg13: memref<256x128xf32, #tpu.memory_space<vmem>>, %arg14: memref<512xf32, #tpu.memory_space<vmem>>, %arg15: memref<!tpu.dma_semaphore, #tpu.memory_space<semaphore_mem>>, %arg16: memref<!tpu.dma_semaphore, #tpu.memory_space<semaphore_mem>>, %arg17: memref<!tpu.dma_semaphore, #tpu.memory_space<semaphore_mem>>) attributes {dimension_semantics = [#tpu.dimension_semantics<core_parallel>, #tpu.dimension_semantics<subcore_parallel>], iteration_bounds = array<i64: 2, 16>, scalar_prefetch = 0 : i64, scratch_operands = 10 : i64, tpu.core_type = #tpu.core_type<sc_vector_subcore>, window_params = [{transform_indices = #map}, {transform_indices = #map}, {transform_indices = #map}, {transform_indices = #map1}, {transform_indices = #map1}, {transform_indices = #map}]} {
    %mul3A = arith.constant 2 : i32
    %mul3A_0 = arith.muli %arg1, %mul3A : i32
    %add3A = arith.addi %mul3A_0, %arg0 : i32
    %mul3A_1 = arith.constant 512 : i32
    %mul3A_2 = arith.muli %add3A, %mul3A_1 : i32
    "tpu.region"() ({
      %run_scoped3A = tpu.sem_alloc : memref<!tpu.dma_semaphore, #tpu.memory_space<semaphore_mem>>
      %dma_start3A = tpu.memref_slice %arg2[%mul3A_2] : memref<16384xi32, #tpu.memory_space<hbm>> -> memref<512xi32, #tpu.memory_space<hbm>>
      %dma_start3A_66 = tpu.memref_slice %arg2[%mul3A_2] : memref<16384xi32, #tpu.memory_space<hbm>> -> memref<512xi32, #tpu.memory_space<hbm>>
      tpu.enqueue_dma source(%dma_start3A_66 : memref<512xi32, #tpu.memory_space<hbm>>) target(%arg8 : memref<512xi32, #tpu.memory_space<vmem>>) target_semaphore(%run_scoped3A : memref<!tpu.dma_semaphore, #tpu.memory_space<semaphore_mem>>)
      %dma_wait3A = tpu.memref_slice %arg2[%mul3A_2] : memref<16384xi32, #tpu.memory_space<hbm>> -> memref<512xi32, #tpu.memory_space<hbm>>
      %dma_wait3A_67 = tpu.memref_slice %arg2[%mul3A_2] : memref<16384xi32, #tpu.memory_space<hbm>> -> memref<512xi32, #tpu.memory_space<hbm>>
      tpu.wait_dma2 semaphore(%run_scoped3A : memref<!tpu.dma_semaphore, #tpu.memory_space<semaphore_mem>>) src(%dma_wait3A_67 : memref<512xi32, #tpu.memory_space<hbm>>) dst(%arg8 : memref<512xi32, #tpu.memory_space<vmem>>)
      tpu.yield
    }) : () -> ()
    "tpu.region"() ({
      %run_scoped3A = tpu.sem_alloc : memref<!tpu.dma_semaphore, #tpu.memory_space<semaphore_mem>>
      %dma_start3A = tpu.memref_slice %arg3[%mul3A_2] : memref<16384xi32, #tpu.memory_space<hbm>> -> memref<512xi32, #tpu.memory_space<hbm>>
      %dma_start3A_66 = tpu.memref_slice %arg3[%mul3A_2] : memref<16384xi32, #tpu.memory_space<hbm>> -> memref<512xi32, #tpu.memory_space<hbm>>
      tpu.enqueue_dma source(%dma_start3A_66 : memref<512xi32, #tpu.memory_space<hbm>>) target(%arg9 : memref<512xi32, #tpu.memory_space<vmem>>) target_semaphore(%run_scoped3A : memref<!tpu.dma_semaphore, #tpu.memory_space<semaphore_mem>>)
      %dma_wait3A = tpu.memref_slice %arg3[%mul3A_2] : memref<16384xi32, #tpu.memory_space<hbm>> -> memref<512xi32, #tpu.memory_space<hbm>>
      %dma_wait3A_67 = tpu.memref_slice %arg3[%mul3A_2] : memref<16384xi32, #tpu.memory_space<hbm>> -> memref<512xi32, #tpu.memory_space<hbm>>
      tpu.wait_dma2 semaphore(%run_scoped3A : memref<!tpu.dma_semaphore, #tpu.memory_space<semaphore_mem>>) src(%dma_wait3A_67 : memref<512xi32, #tpu.memory_space<hbm>>) dst(%arg9 : memref<512xi32, #tpu.memory_space<vmem>>)
      tpu.yield
    }) : () -> ()
    "tpu.region"() ({
      %run_scoped3A = tpu.sem_alloc : memref<!tpu.dma_semaphore, #tpu.memory_space<semaphore_mem>>
      %dma_start3A = tpu.memref_slice %arg4[%mul3A_2] : memref<16384xi32, #tpu.memory_space<hbm>> -> memref<512xi32, #tpu.memory_space<hbm>>
      %dma_start3A_66 = tpu.memref_slice %arg4[%mul3A_2] : memref<16384xi32, #tpu.memory_space<hbm>> -> memref<512xi32, #tpu.memory_space<hbm>>
      tpu.enqueue_dma source(%dma_start3A_66 : memref<512xi32, #tpu.memory_space<hbm>>) target(%arg10 : memref<512xi32, #tpu.memory_space<vmem>>) target_semaphore(%run_scoped3A : memref<!tpu.dma_semaphore, #tpu.memory_space<semaphore_mem>>)
      %dma_wait3A = tpu.memref_slice %arg4[%mul3A_2] : memref<16384xi32, #tpu.memory_space<hbm>> -> memref<512xi32, #tpu.memory_space<hbm>>
      %dma_wait3A_67 = tpu.memref_slice %arg4[%mul3A_2] : memref<16384xi32, #tpu.memory_space<hbm>> -> memref<512xi32, #tpu.memory_space<hbm>>
      tpu.wait_dma2 semaphore(%run_scoped3A : memref<!tpu.dma_semaphore, #tpu.memory_space<semaphore_mem>>) src(%dma_wait3A_67 : memref<512xi32, #tpu.memory_space<hbm>>) dst(%arg10 : memref<512xi32, #tpu.memory_space<vmem>>)
      tpu.yield
    }) : () -> ()
    %iota3A = tpu.iota {dimensions = array<i32: 0>} : vector<16xi32>
    %scan3A = arith.constant 0 : i32
    %scan3A_3 = arith.constant 0 : i32
    %scan3A_4 = arith.constant 32 : i32
    %scan3A_5 = arith.addi %scan3A_3, %scan3A_4 : i32
    %scan3A_6 = arith.constant 1 : i32
    scf.for %scan3A_66 = %scan3A_3 to %scan3A_5 step %scan3A_6  : i32 {
      %mul3A_67 = arith.constant 16 : i32
      %mul3A_68 = arith.muli %scan3A_66, %mul3A_67 : i32
      %get3A = arith.index_cast %mul3A_68 : i32 to index
      %get3A_69 = tpu.vector_load %arg8[%get3A] {strides = array<i32>} : memref<512xi32, #tpu.memory_space<vmem>>, vector<16xi32>,
      %get3A_70 = arith.index_cast %mul3A_68 : i32 to index
      %get3A_71 = tpu.vector_load %arg9[%get3A_70] {strides = array<i32>} : memref<512xi32, #tpu.memory_space<vmem>>, vector<16xi32>,
      %get3A_72 = arith.index_cast %mul3A_68 : i32 to index
      %get3A_73 = tpu.vector_load %arg10[%get3A_72] {strides = array<i32>} : memref<512xi32, #tpu.memory_space<vmem>>, vector<16xi32>,
      %slice3A = vector.extract_strided_slice %get3A_69 {offsets = [0], sizes = [1], strides = [1]} : vector<16xi32> to vector<1xi32>
      %squeeze3A = vector.extract %slice3A[0] : i32 from vector<1xi32>
      %slice3A_74 = vector.extract_strided_slice %get3A_71 {offsets = [0], sizes = [1], strides = [1]} : vector<16xi32> to vector<1xi32>
      %squeeze3A_75 = vector.extract %slice3A_74[0] : i32 from vector<1xi32>
      %slice3A_76 = vector.extract_strided_slice %get3A_73 {offsets = [0], sizes = [1], strides = [1]} : vector<16xi32> to vector<1xi32>
      %squeeze3A_77 = vector.extract %slice3A_76[0] : i32 from vector<1xi32>
      %mul3A_78 = arith.constant 8 : i32
      %mul3A_79 = arith.muli %scan3A_66, %mul3A_78 : i32
      %add3A_80 = arith.constant 0 : i32
      %add3A_81 = arith.addi %mul3A_79, %add3A_80 : i32
      %dma_start3A = arith.constant 0 : i32
      %dma_start3A_82 = tpu.memref_slice %arg11[%add3A_81, %dma_start3A] : memref<256x128xf32, #tpu.memory_space<vmem>> -> memref<1x64xf32, #tpu.memory_space<vmem>>
      %dma_start3A_83 = tpu.memref_squeeze %dma_start3A_82 : memref<1x64xf32, #tpu.memory_space<vmem>> -> memref<64xf32, #tpu.memory_space<vmem>>
      %dma_start3A_84 = arith.constant 0 : i32
      %dma_start3A_85 = tpu.memref_slice %arg5[%squeeze3A, %dma_start3A_84] : memref<1000000x64xf32, #tpu.memory_space<hbm>> -> memref<1x64xf32, #tpu.memory_space<hbm>>
      %dma_start3A_86 = tpu.memref_squeeze %dma_start3A_85 : memref<1x64xf32, #tpu.memory_space<hbm>> -> memref<64xf32, #tpu.memory_space<hbm>>
      %dma_start3A_87 = arith.constant 0 : i32
      %dma_start3A_88 = tpu.memref_slice %arg11[%add3A_81, %dma_start3A_87] : memref<256x128xf32, #tpu.memory_space<vmem>> -> memref<1x64xf32, #tpu.memory_space<vmem>>
      %dma_start3A_89 = tpu.memref_squeeze %dma_start3A_88 : memref<1x64xf32, #tpu.memory_space<vmem>> -> memref<64xf32, #tpu.memory_space<vmem>>
      %dma_start3A_90 = arith.constant 0 : i32
      %dma_start3A_91 = tpu.memref_slice %arg5[%squeeze3A, %dma_start3A_90] : memref<1000000x64xf32, #tpu.memory_space<hbm>> -> memref<1x64xf32, #tpu.memory_space<hbm>>
      %dma_start3A_92 = tpu.memref_squeeze %dma_start3A_91 : memref<1x64xf32, #tpu.memory_space<hbm>> -> memref<64xf32, #tpu.memory_space<hbm>>
      tpu.enqueue_dma source(%dma_start3A_92 : memref<64xf32, #tpu.memory_space<hbm>>) target(%dma_start3A_89 : memref<64xf32, #tpu.memory_space<vmem>>) target_semaphore(%arg15 : memref<!tpu.dma_semaphore, #tpu.memory_space<semaphore_mem>>)
      %dma_start3A_93 = arith.constant 0 : i32
      %dma_start3A_94 = tpu.memref_slice %arg12[%add3A_81, %dma_start3A_93] : memref<256x128xf32, #tpu.memory_space<vmem>> -> memref<1x64xf32, #tpu.memory_space<vmem>>
      %dma_start3A_95 = tpu.memref_squeeze %dma_start3A_94 : memref<1x64xf32, #tpu.memory_space<vmem>> -> memref<64xf32, #tpu.memory_space<vmem>>
      %dma_start3A_96 = arith.constant 0 : i32
      %dma_start3A_97 = tpu.memref_slice %arg6[%squeeze3A_75, %dma_start3A_96] : memref<1000x64xf32, #tpu.memory_space<hbm>> -> memref<1x64xf32, #tpu.memory_space<hbm>>
      %dma_start3A_98 = tpu.memref_squeeze %dma_start3A_97 : memref<1x64xf32, #tpu.memory_space<hbm>> -> memref<64xf32, #tpu.memory_space<hbm>>
      %dma_start3A_99 = arith.constant 0 : i32
      %dma_start3A_100 = tpu.memref_slice %arg12[%add3A_81, %dma_start3A_99] : memref<256x128xf32, #tpu.memory_space<vmem>> -> memref<1x64xf32, #tpu.memory_space<vmem>>
      %dma_start3A_101 = tpu.memref_squeeze %dma_start3A_100 : memref<1x64xf32, #tpu.memory_space<vmem>> -> memref<64xf32, #tpu.memory_space<vmem>>
      %dma_start3A_102 = arith.constant 0 : i32
      %dma_start3A_103 = tpu.memref_slice %arg6[%squeeze3A_75, %dma_start3A_102] : memref<1000x64xf32, #tpu.memory_space<hbm>> -> memref<1x64xf32, #tpu.memory_space<hbm>>
      %dma_start3A_104 = tpu.memref_squeeze %dma_start3A_103 : memref<1x64xf32, #tpu.memory_space<hbm>> -> memref<64xf32, #tpu.memory_space<hbm>>
      tpu.enqueue_dma source(%dma_start3A_104 : memref<64xf32, #tpu.memory_space<hbm>>) target(%dma_start3A_101 : memref<64xf32, #tpu.memory_space<vmem>>) target_semaphore(%arg16 : memref<!tpu.dma_semaphore, #tpu.memory_space<semaphore_mem>>)
      %dma_start3A_105 = arith.constant 0 : i32
      %dma_start3A_106 = tpu.memref_slice %arg13[%add3A_81, %dma_start3A_105] : memref<256x128xf32, #tpu.memory_space<vmem>> -> memref<1x64xf32, #tpu.memory_space<vmem>>
      %dma_start3A_107 = tpu.memref_squeeze %dma_start3A_106 : memref<1x64xf32, #tpu.memory_space<vmem>> -> memref<64xf32, #tpu.memory_space<vmem>>
      %dma_start3A_108 = arith.constant 0 : i32
      %dma_start3A_109 = tpu.memref_slice %arg5[%squeeze3A_77, %dma_start3A_108] : memref<1000000x64xf32, #tpu.memory_space<hbm>> -> memref<1x64xf32, #tpu.memory_space<hbm>>
      %dma_start3A_110 = tpu.memref_squeeze %dma_start3A_109 : memref<1x64xf32, #tpu.memory_space<hbm>> -> memref<64xf32, #tpu.memory_space<hbm>>
      %dma_start3A_111 = arith.constant 0 : i32
      %dma_start3A_112 = tpu.memref_slice %arg13[%add3A_81, %dma_start3A_111] : memref<256x128xf32, #tpu.memory_space<vmem>> -> memref<1x64xf32, #tpu.memory_space<vmem>>
      %dma_start3A_113 = tpu.memref_squeeze %dma_start3A_112 : memref<1x64xf32, #tpu.memory_space<vmem>> -> memref<64xf32, #tpu.memory_space<vmem>>
      %dma_start3A_114 = arith.constant 0 : i32
      %dma_start3A_115 = tpu.memref_slice %arg5[%squeeze3A_77, %dma_start3A_114] : memref<1000000x64xf32, #tpu.memory_space<hbm>> -> memref<1x64xf32, #tpu.memory_space<hbm>>
      %dma_start3A_116 = tpu.memref_squeeze %dma_start3A_115 : memref<1x64xf32, #tpu.memory_space<hbm>> -> memref<64xf32, #tpu.memory_space<hbm>>
      tpu.enqueue_dma source(%dma_start3A_116 : memref<64xf32, #tpu.memory_space<hbm>>) target(%dma_start3A_113 : memref<64xf32, #tpu.memory_space<vmem>>) target_semaphore(%arg17 : memref<!tpu.dma_semaphore, #tpu.memory_space<semaphore_mem>>)
      %slice3A_117 = vector.extract_strided_slice %get3A_69 {offsets = [1], sizes = [1], strides = [1]} : vector<16xi32> to vector<1xi32>
      %squeeze3A_118 = vector.extract %slice3A_117[0] : i32 from vector<1xi32>
      %slice3A_119 = vector.extract_strided_slice %get3A_71 {offsets = [1], sizes = [1], strides = [1]} : vector<16xi32> to vector<1xi32>
      %squeeze3A_120 = vector.extract %slice3A_119[0] : i32 from vector<1xi32>
      %slice3A_121 = vector.extract_strided_slice %get3A_73 {offsets = [1], sizes = [1], strides = [1]} : vector<16xi32> to vector<1xi32>
      %squeeze3A_122 = vector.extract %slice3A_121[0] : i32 from vector<1xi32>
      %mul3A_123 = arith.constant 8 : i32
      %mul3A_124 = arith.muli %scan3A_66, %mul3A_123 : i32
      %add3A_125 = arith.constant 0 : i32
      %add3A_126 = arith.addi %mul3A_124, %add3A_125 : i32
      %dma_start3A_127 = arith.constant 64 : i32
      %dma_start3A_128 = tpu.memref_slice %arg11[%add3A_126, %dma_start3A_127] : memref<256x128xf32, #tpu.memory_space<vmem>> -> memref<1x64xf32, #tpu.memory_space<vmem>>
      %dma_start3A_129 = tpu.memref_squeeze %dma_start3A_128 : memref<1x64xf32, #tpu.memory_space<vmem>> -> memref<64xf32, #tpu.memory_space<vmem>>
      %dma_start3A_130 = arith.constant 0 : i32
      %dma_start3A_131 = tpu.memref_slice %arg5[%squeeze3A_118, %dma_start3A_130] : memref<1000000x64xf32, #tpu.memory_space<hbm>> -> memref<1x64xf32, #tpu.memory_space<hbm>>
      %dma_start3A_132 = tpu.memref_squeeze %dma_start3A_131 : memref<1x64xf32, #tpu.memory_space<hbm>> -> memref<64xf32, #tpu.memory_space<hbm>>
      %dma_start3A_133 = arith.constant 64 : i32
      %dma_start3A_134 = tpu.memref_slice %arg11[%add3A_126, %dma_start3A_133] : memref<256x128xf32, #tpu.memory_space<vmem>> -> memref<1x64xf32, #tpu.memory_space<vmem>>
      %dma_start3A_135 = tpu.memref_squeeze %dma_start3A_134 : memref<1x64xf32, #tpu.memory_space<vmem>> -> memref<64xf32, #tpu.memory_space<vmem>>
      %dma_start3A_136 = arith.constant 0 : i32
      %dma_start3A_137 = tpu.memref_slice %arg5[%squeeze3A_118, %dma_start3A_136] : memref<1000000x64xf32, #tpu.memory_space<hbm>> -> memref<1x64xf32, #tpu.memory_space<hbm>>
      %dma_start3A_138 = tpu.memref_squeeze %dma_start3A_137 : memref<1x64xf32, #tpu.memory_space<hbm>> -> memref<64xf32, #tpu.memory_space<hbm>>
      tpu.enqueue_dma source(%dma_start3A_138 : memref<64xf32, #tpu.memory_space<hbm>>) target(%dma_start3A_135 : memref<64xf32, #tpu.memory_space<vmem>>) target_semaphore(%arg15 : memref<!tpu.dma_semaphore, #tpu.memory_space<semaphore_mem>>)
      %dma_start3A_139 = arith.constant 64 : i32
      %dma_start3A_140 = tpu.memref_slice %arg12[%add3A_126, %dma_start3A_139] : memref<256x128xf32, #tpu.memory_space<vmem>> -> memref<1x64xf32, #tpu.memory_space<vmem>>
      %dma_start3A_141 = tpu.memref_squeeze %dma_start3A_140 : memref<1x64xf32, #tpu.memory_space<vmem>> -> memref<64xf32, #tpu.memory_space<vmem>>
      %dma_start3A_142 = arith.constant 0 : i32
      %dma_start3A_143 = tpu.memref_slice %arg6[%squeeze3A_120, %dma_start3A_142] : memref<1000x64xf32, #tpu.memory_space<hbm>> -> memref<1x64xf32, #tpu.memory_space<hbm>>
      %dma_start3A_144 = tpu.memref_squeeze %dma_start3A_143 : memref<1x64xf32, #tpu.memory_space<hbm>> -> memref<64xf32, #tpu.memory_space<hbm>>
      %dma_start3A_145 = arith.constant 64 : i32
      %dma_start3A_146 = tpu.memref_slice %arg12[%add3A_126, %dma_start3A_145] : memref<256x128xf32, #tpu.memory_space<vmem>> -> memref<1x64xf32, #tpu.memory_space<vmem>>
      %dma_start3A_147 = tpu.memref_squeeze %dma_start3A_146 : memref<1x64xf32, #tpu.memory_space<vmem>> -> memref<64xf32, #tpu.memory_space<vmem>>
      %dma_start3A_148 = arith.constant 0 : i32
      %dma_start3A_149 = tpu.memref_slice %arg6[%squeeze3A_120, %dma_start3A_148] : memref<1000x64xf32, #tpu.memory_space<hbm>> -> memref<1x64xf32, #tpu.memory_space<hbm>>
      %dma_start3A_150 = tpu.memref_squeeze %dma_start3A_149 : memref<1x64xf32, #tpu.memory_space<hbm>> -> memref<64xf32, #tpu.memory_space<hbm>>
      tpu.enqueue_dma source(%dma_start3A_150 : memref<64xf32, #tpu.memory_space<hbm>>) target(%dma_start3A_147 : memref<64xf32, #tpu.memory_space<vmem>>) target_semaphore(%arg16 : memref<!tpu.dma_semaphore, #tpu.memory_space<semaphore_mem>>)
      %dma_start3A_151 = arith.constant 64 : i32
      %dma_start3A_152 = tpu.memref_slice %arg13[%add3A_126, %dma_start3A_151] : memref<256x128xf32, #tpu.memory_space<vmem>> -> memref<1x64xf32, #tpu.memory_space<vmem>>
      %dma_start3A_153 = tpu.memref_squeeze %dma_start3A_152 : memref<1x64xf32, #tpu.memory_space<vmem>> -> memref<64xf32, #tpu.memory_space<vmem>>
      %dma_start3A_154 = arith.constant 0 : i32
      %dma_start3A_155 = tpu.memref_slice %arg5[%squeeze3A_122, %dma_start3A_154] : memref<1000000x64xf32, #tpu.memory_space<hbm>> -> memref<1x64xf32, #tpu.memory_space<hbm>>
      %dma_start3A_156 = tpu.memref_squeeze %dma_start3A_155 : memref<1x64xf32, #tpu.memory_space<hbm>> -> memref<64xf32, #tpu.memory_space<hbm>>
      %dma_start3A_157 = arith.constant 64 : i32
      %dma_start3A_158 = tpu.memref_slice %arg13[%add3A_126, %dma_start3A_157] : memref<256x128xf32, #tpu.memory_space<vmem>> -> memref<1x64xf32, #tpu.memory_space<vmem>>
      %dma_start3A_159 = tpu.memref_squeeze %dma_start3A_158 : memref<1x64xf32, #tpu.memory_space<vmem>> -> memref<64xf32, #tpu.memory_space<vmem>>
      %dma_start3A_160 = arith.constant 0 : i32
      %dma_start3A_161 = tpu.memref_slice %arg5[%squeeze3A_122, %dma_start3A_160] : memref<1000000x64xf32, #tpu.memory_space<hbm>> -> memref<1x64xf32, #tpu.memory_space<hbm>>
      %dma_start3A_162 = tpu.memref_squeeze %dma_start3A_161 : memref<1x64xf32, #tpu.memory_space<hbm>> -> memref<64xf32, #tpu.memory_space<hbm>>
      tpu.enqueue_dma source(%dma_start3A_162 : memref<64xf32, #tpu.memory_space<hbm>>) target(%dma_start3A_159 : memref<64xf32, #tpu.memory_space<vmem>>) target_semaphore(%arg17 : memref<!tpu.dma_semaphore, #tpu.memory_space<semaphore_mem>>)
      %slice3A_163 = vector.extract_strided_slice %get3A_69 {offsets = [2], sizes = [1], strides = [1]} : vector<16xi32> to vector<1xi32>
      %squeeze3A_164 = vector.extract %slice3A_163[0] : i32 from vector<1xi32>
      %slice3A_165 = vector.extract_strided_slice %get3A_71 {offsets = [2], sizes = [1], strides = [1]} : vector<16xi32> to vector<1xi32>
      %squeeze3A_166 = vector.extract %slice3A_165[0] : i32 from vector<1xi32>
      %slice3A_167 = vector.extract_strided_slice %get3A_73 {offsets = [2], sizes = [1], strides = [1]} : vector<16xi32> to vector<1xi32>
      %squeeze3A_168 = vector.extract %slice3A_167[0] : i32 from vector<1xi32>
      %mul3A_169 = arith.constant 8 : i32
      %mul3A_170 = arith.muli %scan3A_66, %mul3A_169 : i32
      %add3A_171 = arith.constant 1 : i32
      %add3A_172 = arith.addi %mul3A_170, %add3A_171 : i32
      %dma_start3A_173 = arith.constant 0 : i32
      %dma_start3A_174 = tpu.memref_slice %arg11[%add3A_172, %dma_start3A_173] : memref<256x128xf32, #tpu.memory_space<vmem>> -> memref<1x64xf32, #tpu.memory_space<vmem>>
      %dma_start3A_175 = tpu.memref_squeeze %dma_start3A_174 : memref<1x64xf32, #tpu.memory_space<vmem>> -> memref<64xf32, #tpu.memory_space<vmem>>
      %dma_start3A_176 = arith.constant 0 : i32
      %dma_start3A_177 = tpu.memref_slice %arg5[%squeeze3A_164, %dma_start3A_176] : memref<1000000x64xf32, #tpu.memory_space<hbm>> -> memref<1x64xf32, #tpu.memory_space<hbm>>
      %dma_start3A_178 = tpu.memref_squeeze %dma_start3A_177 : memref<1x64xf32, #tpu.memory_space<hbm>> -> memref<64xf32, #tpu.memory_space<hbm>>
      %dma_start3A_179 = arith.constant 0 : i32
      %dma_start3A_180 = tpu.memref_slice %arg11[%add3A_172, %dma_start3A_179] : memref<256x128xf32, #tpu.memory_space<vmem>> -> memref<1x64xf32, #tpu.memory_space<vmem>>
      %dma_start3A_181 = tpu.memref_squeeze %dma_start3A_180 : memref<1x64xf32, #tpu.memory_space<vmem>> -> memref<64xf32, #tpu.memory_space<vmem>>
      %dma_start3A_182 = arith.constant 0 : i32
      %dma_start3A_183 = tpu.memref_slice %arg5[%squeeze3A_164, %dma_start3A_182] : memref<1000000x64xf32, #tpu.memory_space<hbm>> -> memref<1x64xf32, #tpu.memory_space<hbm>>
      %dma_start3A_184 = tpu.memref_squeeze %dma_start3A_183 : memref<1x64xf32, #tpu.memory_space<hbm>> -> memref<64xf32, #tpu.memory_space<hbm>>
      tpu.enqueue_dma source(%dma_start3A_184 : memref<64xf32, #tpu.memory_space<hbm>>) target(%dma_start3A_181 : memref<64xf32, #tpu.memory_space<vmem>>) target_semaphore(%arg15 : memref<!tpu.dma_semaphore, #tpu.memory_space<semaphore_mem>>)
      %dma_start3A_185 = arith.constant 0 : i32
      %dma_start3A_186 = tpu.memref_slice %arg12[%add3A_172, %dma_start3A_185] : memref<256x128xf32, #tpu.memory_space<vmem>> -> memref<1x64xf32, #tpu.memory_space<vmem>>
      %dma_start3A_187 = tpu.memref_squeeze %dma_start3A_186 : memref<1x64xf32, #tpu.memory_space<vmem>> -> memref<64xf32, #tpu.memory_space<vmem>>
      %dma_start3A_188 = arith.constant 0 : i32
      %dma_start3A_189 = tpu.memref_slice %arg6[%squeeze3A_166, %dma_start3A_188] : memref<1000x64xf32, #tpu.memory_space<hbm>> -> memref<1x64xf32, #tpu.memory_space<hbm>>
      %dma_start3A_190 = tpu.memref_squeeze %dma_start3A_189 : memref<1x64xf32, #tpu.memory_space<hbm>> -> memref<64xf32, #tpu.memory_space<hbm>>
      %dma_start3A_191 = arith.constant 0 : i32
      %dma_start3A_192 = tpu.memref_slice %arg12[%add3A_172, %dma_start3A_191] : memref<256x128xf32, #tpu.memory_space<vmem>> -> memref<1x64xf32, #tpu.memory_space<vmem>>
      %dma_start3A_193 = tpu.memref_squeeze %dma_start3A_192 : memref<1x64xf32, #tpu.memory_space<vmem>> -> memref<64xf32, #tpu.memory_space<vmem>>
      %dma_start3A_194 = arith.constant 0 : i32
      %dma_start3A_195 = tpu.memref_slice %arg6[%squeeze3A_166, %dma_start3A_194] : memref<1000x64xf32, #tpu.memory_space<hbm>> -> memref<1x64xf32, #tpu.memory_space<hbm>>
      %dma_start3A_196 = tpu.memref_squeeze %dma_start3A_195 : memref<1x64xf32, #tpu.memory_space<hbm>> -> memref<64xf32, #tpu.memory_space<hbm>>
      tpu.enqueue_dma source(%dma_start3A_196 : memref<64xf32, #tpu.memory_space<hbm>>) target(%dma_start3A_193 : memref<64xf32, #tpu.memory_space<vmem>>) target_semaphore(%arg16 : memref<!tpu.dma_semaphore, #tpu.memory_space<semaphore_mem>>)
      %dma_start3A_197 = arith.constant 0 : i32
      %dma_start3A_198 = tpu.memref_slice %arg13[%add3A_172, %dma_start3A_197] : memref<256x128xf32, #tpu.memory_space<vmem>> -> memref<1x64xf32, #tpu.memory_space<vmem>>
      %dma_start3A_199 = tpu.memref_squeeze %dma_start3A_198 : memref<1x64xf32, #tpu.memory_space<vmem>> -> memref<64xf32, #tpu.memory_space<vmem>>
      %dma_start3A_200 = arith.constant 0 : i32
      %dma_start3A_201 = tpu.memref_slice %arg5[%squeeze3A_168, %dma_start3A_200] : memref<1000000x64xf32, #tpu.memory_space<hbm>> -> memref<1x64xf32, #tpu.memory_space<hbm>>
      %dma_start3A_202 = tpu.memref_squeeze %dma_start3A_201 : memref<1x64xf32, #tpu.memory_space<hbm>> -> memref<64xf32, #tpu.memory_space<hbm>>
      %dma_start3A_203 = arith.constant 0 : i32
      %dma_start3A_204 = tpu.memref_slice %arg13[%add3A_172, %dma_start3A_203] : memref<256x128xf32, #tpu.memory_space<vmem>> -> memref<1x64xf32, #tpu.memory_space<vmem>>
      %dma_start3A_205 = tpu.memref_squeeze %dma_start3A_204 : memref<1x64xf32, #tpu.memory_space<vmem>> -> memref<64xf32, #tpu.memory_space<vmem>>
      %dma_start3A_206 = arith.constant 0 : i32
      %dma_start3A_207 = tpu.memref_slice %arg5[%squeeze3A_168, %dma_start3A_206] : memref<1000000x64xf32, #tpu.memory_space<hbm>> -> memref<1x64xf32, #tpu.memory_space<hbm>>
      %dma_start3A_208 = tpu.memref_squeeze %dma_start3A_207 : memref<1x64xf32, #tpu.memory_space<hbm>> -> memref<64xf32, #tpu.memory_space<hbm>>
      tpu.enqueue_dma source(%dma_start3A_208 : memref<64xf32, #tpu.memory_space<hbm>>) target(%dma_start3A_205 : memref<64xf32, #tpu.memory_space<vmem>>) target_semaphore(%arg17 : memref<!tpu.dma_semaphore, #tpu.memory_space<semaphore_mem>>)
      %slice3A_209 = vector.extract_strided_slice %get3A_69 {offsets = [3], sizes = [1], strides = [1]} : vector<16xi32> to vector<1xi32>
      %squeeze3A_210 = vector.extract %slice3A_209[0] : i32 from vector<1xi32>
      %slice3A_211 = vector.extract_strided_slice %get3A_71 {offsets = [3], sizes = [1], strides = [1]} : vector<16xi32> to vector<1xi32>
      %squeeze3A_212 = vector.extract %slice3A_211[0] : i32 from vector<1xi32>
      %slice3A_213 = vector.extract_strided_slice %get3A_73 {offsets = [3], sizes = [1], strides = [1]} : vector<16xi32> to vector<1xi32>
      %squeeze3A_214 = vector.extract %slice3A_213[0] : i32 from vector<1xi32>
      %mul3A_215 = arith.constant 8 : i32
      %mul3A_216 = arith.muli %scan3A_66, %mul3A_215 : i32
      %add3A_217 = arith.constant 1 : i32
      %add3A_218 = arith.addi %mul3A_216, %add3A_217 : i32
      %dma_start3A_219 = arith.constant 64 : i32
      %dma_start3A_220 = tpu.memref_slice %arg11[%add3A_218, %dma_start3A_219] : memref<256x128xf32, #tpu.memory_space<vmem>> -> memref<1x64xf32, #tpu.memory_space<vmem>>
      %dma_start3A_221 = tpu.memref_squeeze %dma_start3A_220 : memref<1x64xf32, #tpu.memory_space<vmem>> -> memref<64xf32, #tpu.memory_space<vmem>>
      %dma_start3A_222 = arith.constant 0 : i32
      %dma_start3A_223 = tpu.memref_slice %arg5[%squeeze3A_210, %dma_start3A_222] : memref<1000000x64xf32, #tpu.memory_space<hbm>> -> memref<1x64xf32, #tpu.memory_space<hbm>>
      %dma_start3A_224 = tpu.memref_squeeze %dma_start3A_223 : memref<1x64xf32, #tpu.memory_space<hbm>> -> memref<64xf32, #tpu.memory_space<hbm>>
      %dma_start3A_225 = arith.constant 64 : i32
      %dma_start3A_226 = tpu.memref_slice %arg11[%add3A_218, %dma_start3A_225] : memref<256x128xf32, #tpu.memory_space<vmem>> -> memref<1x64xf32, #tpu.memory_space<vmem>>
      %dma_start3A_227 = tpu.memref_squeeze %dma_start3A_226 : memref<1x64xf32, #tpu.memory_space<vmem>> -> memref<64xf32, #tpu.memory_space<vmem>>
      %dma_start3A_228 = arith.constant 0 : i32
      %dma_start3A_229 = tpu.memref_slice %arg5[%squeeze3A_210, %dma_start3A_228] : memref<1000000x64xf32, #tpu.memory_space<hbm>> -> memref<1x64xf32, #tpu.memory_space<hbm>>
      %dma_start3A_230 = tpu.memref_squeeze %dma_start3A_229 : memref<1x64xf32, #tpu.memory_space<hbm>> -> memref<64xf32, #tpu.memory_space<hbm>>
      tpu.enqueue_dma source(%dma_start3A_230 : memref<64xf32, #tpu.memory_space<hbm>>) target(%dma_start3A_227 : memref<64xf32, #tpu.memory_space<vmem>>) target_semaphore(%arg15 : memref<!tpu.dma_semaphore, #tpu.memory_space<semaphore_mem>>)
      %dma_start3A_231 = arith.constant 64 : i32
      %dma_start3A_232 = tpu.memref_slice %arg12[%add3A_218, %dma_start3A_231] : memref<256x128xf32, #tpu.memory_space<vmem>> -> memref<1x64xf32, #tpu.memory_space<vmem>>
      %dma_start3A_233 = tpu.memref_squeeze %dma_start3A_232 : memref<1x64xf32, #tpu.memory_space<vmem>> -> memref<64xf32, #tpu.memory_space<vmem>>
      %dma_start3A_234 = arith.constant 0 : i32
      %dma_start3A_235 = tpu.memref_slice %arg6[%squeeze3A_212, %dma_start3A_234] : memref<1000x64xf32, #tpu.memory_space<hbm>> -> memref<1x64xf32, #tpu.memory_space<hbm>>
      %dma_start3A_236 = tpu.memref_squeeze %dma_start3A_235 : memref<1x64xf32, #tpu.memory_space<hbm>> -> memref<64xf32, #tpu.memory_space<hbm>>
      %dma_start3A_237 = arith.constant 64 : i32
      %dma_start3A_238 = tpu.memref_slice %arg12[%add3A_218, %dma_start3A_237] : memref<256x128xf32, #tpu.memory_space<vmem>> -> memref<1x64xf32, #tpu.memory_space<vmem>>
      %dma_start3A_239 = tpu.memref_squeeze %dma_start3A_238 : memref<1x64xf32, #tpu.memory_space<vmem>> -> memref<64xf32, #tpu.memory_space<vmem>>
      %dma_start3A_240 = arith.constant 0 : i32
      %dma_start3A_241 = tpu.memref_slice %arg6[%squeeze3A_212, %dma_start3A_240] : memref<1000x64xf32, #tpu.memory_space<hbm>> -> memref<1x64xf32, #tpu.memory_space<hbm>>
      %dma_start3A_242 = tpu.memref_squeeze %dma_start3A_241 : memref<1x64xf32, #tpu.memory_space<hbm>> -> memref<64xf32, #tpu.memory_space<hbm>>
      tpu.enqueue_dma source(%dma_start3A_242 : memref<64xf32, #tpu.memory_space<hbm>>) target(%dma_start3A_239 : memref<64xf32, #tpu.memory_space<vmem>>) target_semaphore(%arg16 : memref<!tpu.dma_semaphore, #tpu.memory_space<semaphore_mem>>)
      %dma_start3A_243 = arith.constant 64 : i32
      %dma_start3A_244 = tpu.memref_slice %arg13[%add3A_218, %dma_start3A_243] : memref<256x128xf32, #tpu.memory_space<vmem>> -> memref<1x64xf32, #tpu.memory_space<vmem>>
      %dma_start3A_245 = tpu.memref_squeeze %dma_start3A_244 : memref<1x64xf32, #tpu.memory_space<vmem>> -> memref<64xf32, #tpu.memory_space<vmem>>
      %dma_start3A_246 = arith.constant 0 : i32
      %dma_start3A_247 = tpu.memref_slice %arg5[%squeeze3A_214, %dma_start3A_246] : memref<1000000x64xf32, #tpu.memory_space<hbm>> -> memref<1x64xf32, #tpu.memory_space<hbm>>
      %dma_start3A_248 = tpu.memref_squeeze %dma_start3A_247 : memref<1x64xf32, #tpu.memory_space<hbm>> -> memref<64xf32, #tpu.memory_space<hbm>>
      %dma_start3A_249 = arith.constant 64 : i32
      %dma_start3A_250 = tpu.memref_slice %arg13[%add3A_218, %dma_start3A_249] : memref<256x128xf32, #tpu.memory_space<vmem>> -> memref<1x64xf32, #tpu.memory_space<vmem>>
      %dma_start3A_251 = tpu.memref_squeeze %dma_start3A_250 : memref<1x64xf32, #tpu.memory_space<vmem>> -> memref<64xf32, #tpu.memory_space<vmem>>
      %dma_start3A_252 = arith.constant 0 : i32
      %dma_start3A_253 = tpu.memref_slice %arg5[%squeeze3A_214, %dma_start3A_252] : memref<1000000x64xf32, #tpu.memory_space<hbm>> -> memref<1x64xf32, #tpu.memory_space<hbm>>
      %dma_start3A_254 = tpu.memref_squeeze %dma_start3A_253 : memref<1x64xf32, #tpu.memory_space<hbm>> -> memref<64xf32, #tpu.memory_space<hbm>>
      tpu.enqueue_dma source(%dma_start3A_254 : memref<64xf32, #tpu.memory_space<hbm>>) target(%dma_start3A_251 : memref<64xf32, #tpu.memory_space<vmem>>) target_semaphore(%arg17 : memref<!tpu.dma_semaphore, #tpu.memory_space<semaphore_mem>>)
      %slice3A_255 = vector.extract_strided_slice %get3A_69 {offsets = [4], sizes = [1], strides = [1]} : vector<16xi32> to vector<1xi32>
      %squeeze3A_256 = vector.extract %slice3A_255[0] : i32 from vector<1xi32>
      %slice3A_257 = vector.extract_strided_slice %get3A_71 {offsets = [4], sizes = [1], strides = [1]} : vector<16xi32> to vector<1xi32>
      %squeeze3A_258 = vector.extract %slice3A_257[0] : i32 from vector<1xi32>
      %slice3A_259 = vector.extract_strided_slice %get3A_73 {offsets = [4], sizes = [1], strides = [1]} : vector<16xi32> to vector<1xi32>
      %squeeze3A_260 = vector.extract %slice3A_259[0] : i32 from vector<1xi32>
      %mul3A_261 = arith.constant 8 : i32
      %mul3A_262 = arith.muli %scan3A_66, %mul3A_261 : i32
      %add3A_263 = arith.constant 2 : i32
      %add3A_264 = arith.addi %mul3A_262, %add3A_263 : i32
      %dma_start3A_265 = arith.constant 0 : i32
      %dma_start3A_266 = tpu.memref_slice %arg11[%add3A_264, %dma_start3A_265] : memref<256x128xf32, #tpu.memory_space<vmem>> -> memref<1x64xf32, #tpu.memory_space<vmem>>
      %dma_start3A_267 = tpu.memref_squeeze %dma_start3A_266 : memref<1x64xf32, #tpu.memory_space<vmem>> -> memref<64xf32, #tpu.memory_space<vmem>>
      %dma_start3A_268 = arith.constant 0 : i32
      %dma_start3A_269 = tpu.memref_slice %arg5[%squeeze3A_256, %dma_start3A_268] : memref<1000000x64xf32, #tpu.memory_space<hbm>> -> memref<1x64xf32, #tpu.memory_space<hbm>>
      %dma_start3A_270 = tpu.memref_squeeze %dma_start3A_269 : memref<1x64xf32, #tpu.memory_space<hbm>> -> memref<64xf32, #tpu.memory_space<hbm>>
      %dma_start3A_271 = arith.constant 0 : i32
      %dma_start3A_272 = tpu.memref_slice %arg11[%add3A_264, %dma_start3A_271] : memref<256x128xf32, #tpu.memory_space<vmem>> -> memref<1x64xf32, #tpu.memory_space<vmem>>
      %dma_start3A_273 = tpu.memref_squeeze %dma_start3A_272 : memref<1x64xf32, #tpu.memory_space<vmem>> -> memref<64xf32, #tpu.memory_space<vmem>>
      %dma_start3A_274 = arith.constant 0 : i32
      %dma_start3A_275 = tpu.memref_slice %arg5[%squeeze3A_256, %dma_start3A_274] : memref<1000000x64xf32, #tpu.memory_space<hbm>> -> memref<1x64xf32, #tpu.memory_space<hbm>>
      %dma_start3A_276 = tpu.memref_squeeze %dma_start3A_275 : memref<1x64xf32, #tpu.memory_space<hbm>> -> memref<64xf32, #tpu.memory_space<hbm>>
      tpu.enqueue_dma source(%dma_start3A_276 : memref<64xf32, #tpu.memory_space<hbm>>) target(%dma_start3A_273 : memref<64xf32, #tpu.memory_space<vmem>>) target_semaphore(%arg15 : memref<!tpu.dma_semaphore, #tpu.memory_space<semaphore_mem>>)
      %dma_start3A_277 = arith.constant 0 : i32
      %dma_start3A_278 = tpu.memref_slice %arg12[%add3A_264, %dma_start3A_277] : memref<256x128xf32, #tpu.memory_space<vmem>> -> memref<1x64xf32, #tpu.memory_space<vmem>>
      %dma_start3A_279 = tpu.memref_squeeze %dma_start3A_278 : memref<1x64xf32, #tpu.memory_space<vmem>> -> memref<64xf32, #tpu.memory_space<vmem>>
      %dma_start3A_280 = arith.constant 0 : i32
      %dma_start3A_281 = tpu.memref_slice %arg6[%squeeze3A_258, %dma_start3A_280] : memref<1000x64xf32, #tpu.memory_space<hbm>> -> memref<1x64xf32, #tpu.memory_space<hbm>>
      %dma_start3A_282 = tpu.memref_squeeze %dma_start3A_281 : memref<1x64xf32, #tpu.memory_space<hbm>> -> memref<64xf32, #tpu.memory_space<hbm>>
      %dma_start3A_283 = arith.constant 0 : i32
      %dma_start3A_284 = tpu.memref_slice %arg12[%add3A_264, %dma_start3A_283] : memref<256x128xf32, #tpu.memory_space<vmem>> -> memref<1x64xf32, #tpu.memory_space<vmem>>
      %dma_start3A_285 = tpu.memref_squeeze %dma_start3A_284 : memref<1x64xf32, #tpu.memory_space<vmem>> -> memref<64xf32, #tpu.memory_space<vmem>>
      %dma_start3A_286 = arith.constant 0 : i32
      %dma_start3A_287 = tpu.memref_slice %arg6[%squeeze3A_258, %dma_start3A_286] : memref<1000x64xf32, #tpu.memory_space<hbm>> -> memref<1x64xf32, #tpu.memory_space<hbm>>
      %dma_start3A_288 = tpu.memref_squeeze %dma_start3A_287 : memref<1x64xf32, #tpu.memory_space<hbm>> -> memref<64xf32, #tpu.memory_space<hbm>>
      tpu.enqueue_dma source(%dma_start3A_288 : memref<64xf32, #tpu.memory_space<hbm>>) target(%dma_start3A_285 : memref<64xf32, #tpu.memory_space<vmem>>) target_semaphore(%arg16 : memref<!tpu.dma_semaphore, #tpu.memory_space<semaphore_mem>>)
      %dma_start3A_289 = arith.constant 0 : i32
      %dma_start3A_290 = tpu.memref_slice %arg13[%add3A_264, %dma_start3A_289] : memref<256x128xf32, #tpu.memory_space<vmem>> -> memref<1x64xf32, #tpu.memory_space<vmem>>
      %dma_start3A_291 = tpu.memref_squeeze %dma_start3A_290 : memref<1x64xf32, #tpu.memory_space<vmem>> -> memref<64xf32, #tpu.memory_space<vmem>>
      %dma_start3A_292 = arith.constant 0 : i32
      %dma_start3A_293 = tpu.memref_slice %arg5[%squeeze3A_260, %dma_start3A_292] : memref<1000000x64xf32, #tpu.memory_space<hbm>> -> memref<1x64xf32, #tpu.memory_space<hbm>>
      %dma_start3A_294 = tpu.memref_squeeze %dma_start3A_293 : memref<1x64xf32, #tpu.memory_space<hbm>> -> memref<64xf32, #tpu.memory_space<hbm>>
      %dma_start3A_295 = arith.constant 0 : i32
      %dma_start3A_296 = tpu.memref_slice %arg13[%add3A_264, %dma_start3A_295] : memref<256x128xf32, #tpu.memory_space<vmem>> -> memref<1x64xf32, #tpu.memory_space<vmem>>
      %dma_start3A_297 = tpu.memref_squeeze %dma_start3A_296 : memref<1x64xf32, #tpu.memory_space<vmem>> -> memref<64xf32, #tpu.memory_space<vmem>>
      %dma_start3A_298 = arith.constant 0 : i32
      %dma_start3A_299 = tpu.memref_slice %arg5[%squeeze3A_260, %dma_start3A_298] : memref<1000000x64xf32, #tpu.memory_space<hbm>> -> memref<1x64xf32, #tpu.memory_space<hbm>>
      %dma_start3A_300 = tpu.memref_squeeze %dma_start3A_299 : memref<1x64xf32, #tpu.memory_space<hbm>> -> memref<64xf32, #tpu.memory_space<hbm>>
      tpu.enqueue_dma source(%dma_start3A_300 : memref<64xf32, #tpu.memory_space<hbm>>) target(%dma_start3A_297 : memref<64xf32, #tpu.memory_space<vmem>>) target_semaphore(%arg17 : memref<!tpu.dma_semaphore, #tpu.memory_space<semaphore_mem>>)
      %slice3A_301 = vector.extract_strided_slice %get3A_69 {offsets = [5], sizes = [1], strides = [1]} : vector<16xi32> to vector<1xi32>
      %squeeze3A_302 = vector.extract %slice3A_301[0] : i32 from vector<1xi32>
      %slice3A_303 = vector.extract_strided_slice %get3A_71 {offsets = [5], sizes = [1], strides = [1]} : vector<16xi32> to vector<1xi32>
      %squeeze3A_304 = vector.extract %slice3A_303[0] : i32 from vector<1xi32>
      %slice3A_305 = vector.extract_strided_slice %get3A_73 {offsets = [5], sizes = [1], strides = [1]} : vector<16xi32> to vector<1xi32>
      %squeeze3A_306 = vector.extract %slice3A_305[0] : i32 from vector<1xi32>
      %mul3A_307 = arith.constant 8 : i32
      %mul3A_308 = arith.muli %scan3A_66, %mul3A_307 : i32
      %add3A_309 = arith.constant 2 : i32
      %add3A_310 = arith.addi %mul3A_308, %add3A_309 : i32
      %dma_start3A_311 = arith.constant 64 : i32
      %dma_start3A_312 = tpu.memref_slice %arg11[%add3A_310, %dma_start3A_311] : memref<256x128xf32, #tpu.memory_space<vmem>> -> memref<1x64xf32, #tpu.memory_space<vmem>>
      %dma_start3A_313 = tpu.memref_squeeze %dma_start3A_312 : memref<1x64xf32, #tpu.memory_space<vmem>> -> memref<64xf32, #tpu.memory_space<vmem>>
      %dma_start3A_314 = arith.constant 0 : i32
      %dma_start3A_315 = tpu.memref_slice %arg5[%squeeze3A_302, %dma_start3A_314] : memref<1000000x64xf32, #tpu.memory_space<hbm>> -> memref<1x64xf32, #tpu.memory_space<hbm>>
      %dma_start3A_316 = tpu.memref_squeeze %dma_start3A_315 : memref<1x64xf32, #tpu.memory_space<hbm>> -> memref<64xf32, #tpu.memory_space<hbm>>
      %dma_start3A_317 = arith.constant 64 : i32
      %dma_start3A_318 = tpu.memref_slice %arg11[%add3A_310, %dma_start3A_317] : memref<256x128xf32, #tpu.memory_space<vmem>> -> memref<1x64xf32, #tpu.memory_space<vmem>>
      %dma_start3A_319 = tpu.memref_squeeze %dma_start3A_318 : memref<1x64xf32, #tpu.memory_space<vmem>> -> memref<64xf32, #tpu.memory_space<vmem>>
      %dma_start3A_320 = arith.constant 0 : i32
      %dma_start3A_321 = tpu.memref_slice %arg5[%squeeze3A_302, %dma_start3A_320] : memref<1000000x64xf32, #tpu.memory_space<hbm>> -> memref<1x64xf32, #tpu.memory_space<hbm>>
      %dma_start3A_322 = tpu.memref_squeeze %dma_start3A_321 : memref<1x64xf32, #tpu.memory_space<hbm>> -> memref<64xf32, #tpu.memory_space<hbm>>
      tpu.enqueue_dma source(%dma_start3A_322 : memref<64xf32, #tpu.memory_space<hbm>>) target(%dma_start3A_319 : memref<64xf32, #tpu.memory_space<vmem>>) target_semaphore(%arg15 : memref<!tpu.dma_semaphore, #tpu.memory_space<semaphore_mem>>)
      %dma_start3A_323 = arith.constant 64 : i32
      %dma_start3A_324 = tpu.memref_slice %arg12[%add3A_310, %dma_start3A_323] : memref<256x128xf32, #tpu.memory_space<vmem>> -> memref<1x64xf32, #tpu.memory_space<vmem>>
      %dma_start3A_325 = tpu.memref_squeeze %dma_start3A_324 : memref<1x64xf32, #tpu.memory_space<vmem>> -> memref<64xf32, #tpu.memory_space<vmem>>
      %dma_start3A_326 = arith.constant 0 : i32
      %dma_start3A_327 = tpu.memref_slice %arg6[%squeeze3A_304, %dma_start3A_326] : memref<1000x64xf32, #tpu.memory_space<hbm>> -> memref<1x64xf32, #tpu.memory_space<hbm>>
      %dma_start3A_328 = tpu.memref_squeeze %dma_start3A_327 : memref<1x64xf32, #tpu.memory_space<hbm>> -> memref<64xf32, #tpu.memory_space<hbm>>
      %dma_start3A_329 = arith.constant 64 : i32
      %dma_start3A_330 = tpu.memref_slice %arg12[%add3A_310, %dma_start3A_329] : memref<256x128xf32, #tpu.memory_space<vmem>> -> memref<1x64xf32, #tpu.memory_space<vmem>>
      %dma_start3A_331 = tpu.memref_squeeze %dma_start3A_330 : memref<1x64xf32, #tpu.memory_space<vmem>> -> memref<64xf32, #tpu.memory_space<vmem>>
      %dma_start3A_332 = arith.constant 0 : i32
      %dma_start3A_333 = tpu.memref_slice %arg6[%squeeze3A_304, %dma_start3A_332] : memref<1000x64xf32, #tpu.memory_space<hbm>> -> memref<1x64xf32, #tpu.memory_space<hbm>>
      %dma_start3A_334 = tpu.memref_squeeze %dma_start3A_333 : memref<1x64xf32, #tpu.memory_space<hbm>> -> memref<64xf32, #tpu.memory_space<hbm>>
      tpu.enqueue_dma source(%dma_start3A_334 : memref<64xf32, #tpu.memory_space<hbm>>) target(%dma_start3A_331 : memref<64xf32, #tpu.memory_space<vmem>>) target_semaphore(%arg16 : memref<!tpu.dma_semaphore, #tpu.memory_space<semaphore_mem>>)
      %dma_start3A_335 = arith.constant 64 : i32
      %dma_start3A_336 = tpu.memref_slice %arg13[%add3A_310, %dma_start3A_335] : memref<256x128xf32, #tpu.memory_space<vmem>> -> memref<1x64xf32, #tpu.memory_space<vmem>>
      %dma_start3A_337 = tpu.memref_squeeze %dma_start3A_336 : memref<1x64xf32, #tpu.memory_space<vmem>> -> memref<64xf32, #tpu.memory_space<vmem>>
      %dma_start3A_338 = arith.constant 0 : i32
      %dma_start3A_339 = tpu.memref_slice %arg5[%squeeze3A_306, %dma_start3A_338] : memref<1000000x64xf32, #tpu.memory_space<hbm>> -> memref<1x64xf32, #tpu.memory_space<hbm>>
      %dma_start3A_340 = tpu.memref_squeeze %dma_start3A_339 : memref<1x64xf32, #tpu.memory_space<hbm>> -> memref<64xf32, #tpu.memory_space<hbm>>
      %dma_start3A_341 = arith.constant 64 : i32
      %dma_start3A_342 = tpu.memref_slice %arg13[%add3A_310, %dma_start3A_341] : memref<256x128xf32, #tpu.memory_space<vmem>> -> memref<1x64xf32, #tpu.memory_space<vmem>>
      %dma_start3A_343 = tpu.memref_squeeze %dma_start3A_342 : memref<1x64xf32, #tpu.memory_space<vmem>> -> memref<64xf32, #tpu.memory_space<vmem>>
      %dma_start3A_344 = arith.constant 0 : i32
      %dma_start3A_345 = tpu.memref_slice %arg5[%squeeze3A_306, %dma_start3A_344] : memref<1000000x64xf32, #tpu.memory_space<hbm>> -> memref<1x64xf32, #tpu.memory_space<hbm>>
      %dma_start3A_346 = tpu.memref_squeeze %dma_start3A_345 : memref<1x64xf32, #tpu.memory_space<hbm>> -> memref<64xf32, #tpu.memory_space<hbm>>
      tpu.enqueue_dma source(%dma_start3A_346 : memref<64xf32, #tpu.memory_space<hbm>>) target(%dma_start3A_343 : memref<64xf32, #tpu.memory_space<vmem>>) target_semaphore(%arg17 : memref<!tpu.dma_semaphore, #tpu.memory_space<semaphore_mem>>)
      %slice3A_347 = vector.extract_strided_slice %get3A_69 {offsets = [6], sizes = [1], strides = [1]} : vector<16xi32> to vector<1xi32>
      %squeeze3A_348 = vector.extract %slice3A_347[0] : i32 from vector<1xi32>
      %slice3A_349 = vector.extract_strided_slice %get3A_71 {offsets = [6], sizes = [1], strides = [1]} : vector<16xi32> to vector<1xi32>
      %squeeze3A_350 = vector.extract %slice3A_349[0] : i32 from vector<1xi32>
      %slice3A_351 = vector.extract_strided_slice %get3A_73 {offsets = [6], sizes = [1], strides = [1]} : vector<16xi32> to vector<1xi32>
      %squeeze3A_352 = vector.extract %slice3A_351[0] : i32 from vector<1xi32>
      %mul3A_353 = arith.constant 8 : i32
      %mul3A_354 = arith.muli %scan3A_66, %mul3A_353 : i32
      %add3A_355 = arith.constant 3 : i32
      %add3A_356 = arith.addi %mul3A_354, %add3A_355 : i32
      %dma_start3A_357 = arith.constant 0 : i32
      %dma_start3A_358 = tpu.memref_slice %arg11[%add3A_356, %dma_start3A_357] : memref<256x128xf32, #tpu.memory_space<vmem>> -> memref<1x64xf32, #tpu.memory_space<vmem>>
      %dma_start3A_359 = tpu.memref_squeeze %dma_start3A_358 : memref<1x64xf32, #tpu.memory_space<vmem>> -> memref<64xf32, #tpu.memory_space<vmem>>
      %dma_start3A_360 = arith.constant 0 : i32
      %dma_start3A_361 = tpu.memref_slice %arg5[%squeeze3A_348, %dma_start3A_360] : memref<1000000x64xf32, #tpu.memory_space<hbm>> -> memref<1x64xf32, #tpu.memory_space<hbm>>
      %dma_start3A_362 = tpu.memref_squeeze %dma_start3A_361 : memref<1x64xf32, #tpu.memory_space<hbm>> -> memref<64xf32, #tpu.memory_space<hbm>>
      %dma_start3A_363 = arith.constant 0 : i32
      %dma_start3A_364 = tpu.memref_slice %arg11[%add3A_356, %dma_start3A_363] : memref<256x128xf32, #tpu.memory_space<vmem>> -> memref<1x64xf32, #tpu.memory_space<vmem>>
      %dma_start3A_365 = tpu.memref_squeeze %dma_start3A_364 : memref<1x64xf32, #tpu.memory_space<vmem>> -> memref<64xf32, #tpu.memory_space<vmem>>
      %dma_start3A_366 = arith.constant 0 : i32
      %dma_start3A_367 = tpu.memref_slice %arg5[%squeeze3A_348, %dma_start3A_366] : memref<1000000x64xf32, #tpu.memory_space<hbm>> -> memref<1x64xf32, #tpu.memory_space<hbm>>
      %dma_start3A_368 = tpu.memref_squeeze %dma_start3A_367 : memref<1x64xf32, #tpu.memory_space<hbm>> -> memref<64xf32, #tpu.memory_space<hbm>>
      tpu.enqueue_dma source(%dma_start3A_368 : memref<64xf32, #tpu.memory_space<hbm>>) target(%dma_start3A_365 : memref<64xf32, #tpu.memory_space<vmem>>) target_semaphore(%arg15 : memref<!tpu.dma_semaphore, #tpu.memory_space<semaphore_mem>>)
      %dma_start3A_369 = arith.constant 0 : i32
      %dma_start3A_370 = tpu.memref_slice %arg12[%add3A_356, %dma_start3A_369] : memref<256x128xf32, #tpu.memory_space<vmem>> -> memref<1x64xf32, #tpu.memory_space<vmem>>
      %dma_start3A_371 = tpu.memref_squeeze %dma_start3A_370 : memref<1x64xf32, #tpu.memory_space<vmem>> -> memref<64xf32, #tpu.memory_space<vmem>>
      %dma_start3A_372 = arith.constant 0 : i32
      %dma_start3A_373 = tpu.memref_slice %arg6[%squeeze3A_350, %dma_start3A_372] : memref<1000x64xf32, #tpu.memory_space<hbm>> -> memref<1x64xf32, #tpu.memory_space<hbm>>
      %dma_start3A_374 = tpu.memref_squeeze %dma_start3A_373 : memref<1x64xf32, #tpu.memory_space<hbm>> -> memref<64xf32, #tpu.memory_space<hbm>>
      %dma_start3A_375 = arith.constant 0 : i32
      %dma_start3A_376 = tpu.memref_slice %arg12[%add3A_356, %dma_start3A_375] : memref<256x128xf32, #tpu.memory_space<vmem>> -> memref<1x64xf32, #tpu.memory_space<vmem>>
      %dma_start3A_377 = tpu.memref_squeeze %dma_start3A_376 : memref<1x64xf32, #tpu.memory_space<vmem>> -> memref<64xf32, #tpu.memory_space<vmem>>
      %dma_start3A_378 = arith.constant 0 : i32
      %dma_start3A_379 = tpu.memref_slice %arg6[%squeeze3A_350, %dma_start3A_378] : memref<1000x64xf32, #tpu.memory_space<hbm>> -> memref<1x64xf32, #tpu.memory_space<hbm>>
      %dma_start3A_380 = tpu.memref_squeeze %dma_start3A_379 : memref<1x64xf32, #tpu.memory_space<hbm>> -> memref<64xf32, #tpu.memory_space<hbm>>
      tpu.enqueue_dma source(%dma_start3A_380 : memref<64xf32, #tpu.memory_space<hbm>>) target(%dma_start3A_377 : memref<64xf32, #tpu.memory_space<vmem>>) target_semaphore(%arg16 : memref<!tpu.dma_semaphore, #tpu.memory_space<semaphore_mem>>)
      %dma_start3A_381 = arith.constant 0 : i32
      %dma_start3A_382 = tpu.memref_slice %arg13[%add3A_356, %dma_start3A_381] : memref<256x128xf32, #tpu.memory_space<vmem>> -> memref<1x64xf32, #tpu.memory_space<vmem>>
      %dma_start3A_383 = tpu.memref_squeeze %dma_start3A_382 : memref<1x64xf32, #tpu.memory_space<vmem>> -> memref<64xf32, #tpu.memory_space<vmem>>
      %dma_start3A_384 = arith.constant 0 : i32
      %dma_start3A_385 = tpu.memref_slice %arg5[%squeeze3A_352, %dma_start3A_384] : memref<1000000x64xf32, #tpu.memory_space<hbm>> -> memref<1x64xf32, #tpu.memory_space<hbm>>
      %dma_start3A_386 = tpu.memref_squeeze %dma_start3A_385 : memref<1x64xf32, #tpu.memory_space<hbm>> -> memref<64xf32, #tpu.memory_space<hbm>>
      %dma_start3A_387 = arith.constant 0 : i32
      %dma_start3A_388 = tpu.memref_slice %arg13[%add3A_356, %dma_start3A_387] : memref<256x128xf32, #tpu.memory_space<vmem>> -> memref<1x64xf32, #tpu.memory_space<vmem>>
      %dma_start3A_389 = tpu.memref_squeeze %dma_start3A_388 : memref<1x64xf32, #tpu.memory_space<vmem>> -> memref<64xf32, #tpu.memory_space<vmem>>
      %dma_start3A_390 = arith.constant 0 : i32
      %dma_start3A_391 = tpu.memref_slice %arg5[%squeeze3A_352, %dma_start3A_390] : memref<1000000x64xf32, #tpu.memory_space<hbm>> -> memref<1x64xf32, #tpu.memory_space<hbm>>
      %dma_start3A_392 = tpu.memref_squeeze %dma_start3A_391 : memref<1x64xf32, #tpu.memory_space<hbm>> -> memref<64xf32, #tpu.memory_space<hbm>>
      tpu.enqueue_dma source(%dma_start3A_392 : memref<64xf32, #tpu.memory_space<hbm>>) target(%dma_start3A_389 : memref<64xf32, #tpu.memory_space<vmem>>) target_semaphore(%arg17 : memref<!tpu.dma_semaphore, #tpu.memory_space<semaphore_mem>>)
      %slice3A_393 = vector.extract_strided_slice %get3A_69 {offsets = [7], sizes = [1], strides = [1]} : vector<16xi32> to vector<1xi32>
      %squeeze3A_394 = vector.extract %slice3A_393[0] : i32 from vector<1xi32>
      %slice3A_395 = vector.extract_strided_slice %get3A_71 {offsets = [7], sizes = [1], strides = [1]} : vector<16xi32> to vector<1xi32>
      %squeeze3A_396 = vector.extract %slice3A_395[0] : i32 from vector<1xi32>
      %slice3A_397 = vector.extract_strided_slice %get3A_73 {offsets = [7], sizes = [1], strides = [1]} : vector<16xi32> to vector<1xi32>
      %squeeze3A_398 = vector.extract %slice3A_397[0] : i32 from vector<1xi32>
      %mul3A_399 = arith.constant 8 : i32
      %mul3A_400 = arith.muli %scan3A_66, %mul3A_399 : i32
      %add3A_401 = arith.constant 3 : i32
      %add3A_402 = arith.addi %mul3A_400, %add3A_401 : i32
      %dma_start3A_403 = arith.constant 64 : i32
      %dma_start3A_404 = tpu.memref_slice %arg11[%add3A_402, %dma_start3A_403] : memref<256x128xf32, #tpu.memory_space<vmem>> -> memref<1x64xf32, #tpu.memory_space<vmem>>
      %dma_start3A_405 = tpu.memref_squeeze %dma_start3A_404 : memref<1x64xf32, #tpu.memory_space<vmem>> -> memref<64xf32, #tpu.memory_space<vmem>>
      %dma_start3A_406 = arith.constant 0 : i32
      %dma_start3A_407 = tpu.memref_slice %arg5[%squeeze3A_394, %dma_start3A_406] : memref<1000000x64xf32, #tpu.memory_space<hbm>> -> memref<1x64xf32, #tpu.memory_space<hbm>>
      %dma_start3A_408 = tpu.memref_squeeze %dma_start3A_407 : memref<1x64xf32, #tpu.memory_space<hbm>> -> memref<64xf32, #tpu.memory_space<hbm>>
      %dma_start3A_409 = arith.constant 64 : i32
      %dma_start3A_410 = tpu.memref_slice %arg11[%add3A_402, %dma_start3A_409] : memref<256x128xf32, #tpu.memory_space<vmem>> -> memref<1x64xf32, #tpu.memory_space<vmem>>
      %dma_start3A_411 = tpu.memref_squeeze %dma_start3A_410 : memref<1x64xf32, #tpu.memory_space<vmem>> -> memref<64xf32, #tpu.memory_space<vmem>>
      %dma_start3A_412 = arith.constant 0 : i32
      %dma_start3A_413 = tpu.memref_slice %arg5[%squeeze3A_394, %dma_start3A_412] : memref<1000000x64xf32, #tpu.memory_space<hbm>> -> memref<1x64xf32, #tpu.memory_space<hbm>>
      %dma_start3A_414 = tpu.memref_squeeze %dma_start3A_413 : memref<1x64xf32, #tpu.memory_space<hbm>> -> memref<64xf32, #tpu.memory_space<hbm>>
      tpu.enqueue_dma source(%dma_start3A_414 : memref<64xf32, #tpu.memory_space<hbm>>) target(%dma_start3A_411 : memref<64xf32, #tpu.memory_space<vmem>>) target_semaphore(%arg15 : memref<!tpu.dma_semaphore, #tpu.memory_space<semaphore_mem>>)
      %dma_start3A_415 = arith.constant 64 : i32
      %dma_start3A_416 = tpu.memref_slice %arg12[%add3A_402, %dma_start3A_415] : memref<256x128xf32, #tpu.memory_space<vmem>> -> memref<1x64xf32, #tpu.memory_space<vmem>>
      %dma_start3A_417 = tpu.memref_squeeze %dma_start3A_416 : memref<1x64xf32, #tpu.memory_space<vmem>> -> memref<64xf32, #tpu.memory_space<vmem>>
      %dma_start3A_418 = arith.constant 0 : i32
      %dma_start3A_419 = tpu.memref_slice %arg6[%squeeze3A_396, %dma_start3A_418] : memref<1000x64xf32, #tpu.memory_space<hbm>> -> memref<1x64xf32, #tpu.memory_space<hbm>>
      %dma_start3A_420 = tpu.memref_squeeze %dma_start3A_419 : memref<1x64xf32, #tpu.memory_space<hbm>> -> memref<64xf32, #tpu.memory_space<hbm>>
      %dma_start3A_421 = arith.constant 64 : i32
      %dma_start3A_422 = tpu.memref_slice %arg12[%add3A_402, %dma_start3A_421] : memref<256x128xf32, #tpu.memory_space<vmem>> -> memref<1x64xf32, #tpu.memory_space<vmem>>
      %dma_start3A_423 = tpu.memref_squeeze %dma_start3A_422 : memref<1x64xf32, #tpu.memory_space<vmem>> -> memref<64xf32, #tpu.memory_space<vmem>>
      %dma_start3A_424 = arith.constant 0 : i32
      %dma_start3A_425 = tpu.memref_slice %arg6[%squeeze3A_396, %dma_start3A_424] : memref<1000x64xf32, #tpu.memory_space<hbm>> -> memref<1x64xf32, #tpu.memory_space<hbm>>
      %dma_start3A_426 = tpu.memref_squeeze %dma_start3A_425 : memref<1x64xf32, #tpu.memory_space<hbm>> -> memref<64xf32, #tpu.memory_space<hbm>>
      tpu.enqueue_dma source(%dma_start3A_426 : memref<64xf32, #tpu.memory_space<hbm>>) target(%dma_start3A_423 : memref<64xf32, #tpu.memory_space<vmem>>) target_semaphore(%arg16 : memref<!tpu.dma_semaphore, #tpu.memory_space<semaphore_mem>>)
      %dma_start3A_427 = arith.constant 64 : i32
      %dma_start3A_428 = tpu.memref_slice %arg13[%add3A_402, %dma_start3A_427] : memref<256x128xf32, #tpu.memory_space<vmem>> -> memref<1x64xf32, #tpu.memory_space<vmem>>
      %dma_start3A_429 = tpu.memref_squeeze %dma_start3A_428 : memref<1x64xf32, #tpu.memory_space<vmem>> -> memref<64xf32, #tpu.memory_space<vmem>>
      %dma_start3A_430 = arith.constant 0 : i32
      %dma_start3A_431 = tpu.memref_slice %arg5[%squeeze3A_398, %dma_start3A_430] : memref<1000000x64xf32, #tpu.memory_space<hbm>> -> memref<1x64xf32, #tpu.memory_space<hbm>>
      %dma_start3A_432 = tpu.memref_squeeze %dma_start3A_431 : memref<1x64xf32, #tpu.memory_space<hbm>> -> memref<64xf32, #tpu.memory_space<hbm>>
      %dma_start3A_433 = arith.constant 64 : i32
      %dma_start3A_434 = tpu.memref_slice %arg13[%add3A_402, %dma_start3A_433] : memref<256x128xf32, #tpu.memory_space<vmem>> -> memref<1x64xf32, #tpu.memory_space<vmem>>
      %dma_start3A_435 = tpu.memref_squeeze %dma_start3A_434 : memref<1x64xf32, #tpu.memory_space<vmem>> -> memref<64xf32, #tpu.memory_space<vmem>>
      %dma_start3A_436 = arith.constant 0 : i32
      %dma_start3A_437 = tpu.memref_slice %arg5[%squeeze3A_398, %dma_start3A_436] : memref<1000000x64xf32, #tpu.memory_space<hbm>> -> memref<1x64xf32, #tpu.memory_space<hbm>>
      %dma_start3A_438 = tpu.memref_squeeze %dma_start3A_437 : memref<1x64xf32, #tpu.memory_space<hbm>> -> memref<64xf32, #tpu.memory_space<hbm>>
      tpu.enqueue_dma source(%dma_start3A_438 : memref<64xf32, #tpu.memory_space<hbm>>) target(%dma_start3A_435 : memref<64xf32, #tpu.memory_space<vmem>>) target_semaphore(%arg17 : memref<!tpu.dma_semaphore, #tpu.memory_space<semaphore_mem>>)
      %slice3A_439 = vector.extract_strided_slice %get3A_69 {offsets = [8], sizes = [1], strides = [1]} : vector<16xi32> to vector<1xi32>
      %squeeze3A_440 = vector.extract %slice3A_439[0] : i32 from vector<1xi32>
      %slice3A_441 = vector.extract_strided_slice %get3A_71 {offsets = [8], sizes = [1], strides = [1]} : vector<16xi32> to vector<1xi32>
      %squeeze3A_442 = vector.extract %slice3A_441[0] : i32 from vector<1xi32>
      %slice3A_443 = vector.extract_strided_slice %get3A_73 {offsets = [8], sizes = [1], strides = [1]} : vector<16xi32> to vector<1xi32>
      %squeeze3A_444 = vector.extract %slice3A_443[0] : i32 from vector<1xi32>
      %mul3A_445 = arith.constant 8 : i32
      %mul3A_446 = arith.muli %scan3A_66, %mul3A_445 : i32
      %add3A_447 = arith.constant 4 : i32
      %add3A_448 = arith.addi %mul3A_446, %add3A_447 : i32
      %dma_start3A_449 = arith.constant 0 : i32
      %dma_start3A_450 = tpu.memref_slice %arg11[%add3A_448, %dma_start3A_449] : memref<256x128xf32, #tpu.memory_space<vmem>> -> memref<1x64xf32, #tpu.memory_space<vmem>>
      %dma_start3A_451 = tpu.memref_squeeze %dma_start3A_450 : memref<1x64xf32, #tpu.memory_space<vmem>> -> memref<64xf32, #tpu.memory_space<vmem>>
      %dma_start3A_452 = arith.constant 0 : i32
      %dma_start3A_453 = tpu.memref_slice %arg5[%squeeze3A_440, %dma_start3A_452] : memref<1000000x64xf32, #tpu.memory_space<hbm>> -> memref<1x64xf32, #tpu.memory_space<hbm>>
      %dma_start3A_454 = tpu.memref_squeeze %dma_start3A_453 : memref<1x64xf32, #tpu.memory_space<hbm>> -> memref<64xf32, #tpu.memory_space<hbm>>
      %dma_start3A_455 = arith.constant 0 : i32
      %dma_start3A_456 = tpu.memref_slice %arg11[%add3A_448, %dma_start3A_455] : memref<256x128xf32, #tpu.memory_space<vmem>> -> memref<1x64xf32, #tpu.memory_space<vmem>>
      %dma_start3A_457 = tpu.memref_squeeze %dma_start3A_456 : memref<1x64xf32, #tpu.memory_space<vmem>> -> memref<64xf32, #tpu.memory_space<vmem>>
      %dma_start3A_458 = arith.constant 0 : i32
      %dma_start3A_459 = tpu.memref_slice %arg5[%squeeze3A_440, %dma_start3A_458] : memref<1000000x64xf32, #tpu.memory_space<hbm>> -> memref<1x64xf32, #tpu.memory_space<hbm>>
      %dma_start3A_460 = tpu.memref_squeeze %dma_start3A_459 : memref<1x64xf32, #tpu.memory_space<hbm>> -> memref<64xf32, #tpu.memory_space<hbm>>
      tpu.enqueue_dma source(%dma_start3A_460 : memref<64xf32, #tpu.memory_space<hbm>>) target(%dma_start3A_457 : memref<64xf32, #tpu.memory_space<vmem>>) target_semaphore(%arg15 : memref<!tpu.dma_semaphore, #tpu.memory_space<semaphore_mem>>)
      %dma_start3A_461 = arith.constant 0 : i32
      %dma_start3A_462 = tpu.memref_slice %arg12[%add3A_448, %dma_start3A_461] : memref<256x128xf32, #tpu.memory_space<vmem>> -> memref<1x64xf32, #tpu.memory_space<vmem>>
      %dma_start3A_463 = tpu.memref_squeeze %dma_start3A_462 : memref<1x64xf32, #tpu.memory_space<vmem>> -> memref<64xf32, #tpu.memory_space<vmem>>
      %dma_start3A_464 = arith.constant 0 : i32
      %dma_start3A_465 = tpu.memref_slice %arg6[%squeeze3A_442, %dma_start3A_464] : memref<1000x64xf32, #tpu.memory_space<hbm>> -> memref<1x64xf32, #tpu.memory_space<hbm>>
      %dma_start3A_466 = tpu.memref_squeeze %dma_start3A_465 : memref<1x64xf32, #tpu.memory_space<hbm>> -> memref<64xf32, #tpu.memory_space<hbm>>
      %dma_start3A_467 = arith.constant 0 : i32
      %dma_start3A_468 = tpu.memref_slice %arg12[%add3A_448, %dma_start3A_467] : memref<256x128xf32, #tpu.memory_space<vmem>> -> memref<1x64xf32, #tpu.memory_space<vmem>>
      %dma_start3A_469 = tpu.memref_squeeze %dma_start3A_468 : memref<1x64xf32, #tpu.memory_space<vmem>> -> memref<64xf32, #tpu.memory_space<vmem>>
      %dma_start3A_470 = arith.constant 0 : i32
      %dma_start3A_471 = tpu.memref_slice %arg6[%squeeze3A_442, %dma_start3A_470] : memref<1000x64xf32, #tpu.memory_space<hbm>> -> memref<1x64xf32, #tpu.memory_space<hbm>>
      %dma_start3A_472 = tpu.memref_squeeze %dma_start3A_471 : memref<1x64xf32, #tpu.memory_space<hbm>> -> memref<64xf32, #tpu.memory_space<hbm>>
      tpu.enqueue_dma source(%dma_start3A_472 : memref<64xf32, #tpu.memory_space<hbm>>) target(%dma_start3A_469 : memref<64xf32, #tpu.memory_space<vmem>>) target_semaphore(%arg16 : memref<!tpu.dma_semaphore, #tpu.memory_space<semaphore_mem>>)
      %dma_start3A_473 = arith.constant 0 : i32
      %dma_start3A_474 = tpu.memref_slice %arg13[%add3A_448, %dma_start3A_473] : memref<256x128xf32, #tpu.memory_space<vmem>> -> memref<1x64xf32, #tpu.memory_space<vmem>>
      %dma_start3A_475 = tpu.memref_squeeze %dma_start3A_474 : memref<1x64xf32, #tpu.memory_space<vmem>> -> memref<64xf32, #tpu.memory_space<vmem>>
      %dma_start3A_476 = arith.constant 0 : i32
      %dma_start3A_477 = tpu.memref_slice %arg5[%squeeze3A_444, %dma_start3A_476] : memref<1000000x64xf32, #tpu.memory_space<hbm>> -> memref<1x64xf32, #tpu.memory_space<hbm>>
      %dma_start3A_478 = tpu.memref_squeeze %dma_start3A_477 : memref<1x64xf32, #tpu.memory_space<hbm>> -> memref<64xf32, #tpu.memory_space<hbm>>
      %dma_start3A_479 = arith.constant 0 : i32
      %dma_start3A_480 = tpu.memref_slice %arg13[%add3A_448, %dma_start3A_479] : memref<256x128xf32, #tpu.memory_space<vmem>> -> memref<1x64xf32, #tpu.memory_space<vmem>>
      %dma_start3A_481 = tpu.memref_squeeze %dma_start3A_480 : memref<1x64xf32, #tpu.memory_space<vmem>> -> memref<64xf32, #tpu.memory_space<vmem>>
      %dma_start3A_482 = arith.constant 0 : i32
      %dma_start3A_483 = tpu.memref_slice %arg5[%squeeze3A_444, %dma_start3A_482] : memref<1000000x64xf32, #tpu.memory_space<hbm>> -> memref<1x64xf32, #tpu.memory_space<hbm>>
      %dma_start3A_484 = tpu.memref_squeeze %dma_start3A_483 : memref<1x64xf32, #tpu.memory_space<hbm>> -> memref<64xf32, #tpu.memory_space<hbm>>
      tpu.enqueue_dma source(%dma_start3A_484 : memref<64xf32, #tpu.memory_space<hbm>>) target(%dma_start3A_481 : memref<64xf32, #tpu.memory_space<vmem>>) target_semaphore(%arg17 : memref<!tpu.dma_semaphore, #tpu.memory_space<semaphore_mem>>)
      %slice3A_485 = vector.extract_strided_slice %get3A_69 {offsets = [9], sizes = [1], strides = [1]} : vector<16xi32> to vector<1xi32>
      %squeeze3A_486 = vector.extract %slice3A_485[0] : i32 from vector<1xi32>
      %slice3A_487 = vector.extract_strided_slice %get3A_71 {offsets = [9], sizes = [1], strides = [1]} : vector<16xi32> to vector<1xi32>
      %squeeze3A_488 = vector.extract %slice3A_487[0] : i32 from vector<1xi32>
      %slice3A_489 = vector.extract_strided_slice %get3A_73 {offsets = [9], sizes = [1], strides = [1]} : vector<16xi32> to vector<1xi32>
      %squeeze3A_490 = vector.extract %slice3A_489[0] : i32 from vector<1xi32>
      %mul3A_491 = arith.constant 8 : i32
      %mul3A_492 = arith.muli %scan3A_66, %mul3A_491 : i32
      %add3A_493 = arith.constant 4 : i32
      %add3A_494 = arith.addi %mul3A_492, %add3A_493 : i32
      %dma_start3A_495 = arith.constant 64 : i32
      %dma_start3A_496 = tpu.memref_slice %arg11[%add3A_494, %dma_start3A_495] : memref<256x128xf32, #tpu.memory_space<vmem>> -> memref<1x64xf32, #tpu.memory_space<vmem>>
      %dma_start3A_497 = tpu.memref_squeeze %dma_start3A_496 : memref<1x64xf32, #tpu.memory_space<vmem>> -> memref<64xf32, #tpu.memory_space<vmem>>
      %dma_start3A_498 = arith.constant 0 : i32
      %dma_start3A_499 = tpu.memref_slice %arg5[%squeeze3A_486, %dma_start3A_498] : memref<1000000x64xf32, #tpu.memory_space<hbm>> -> memref<1x64xf32, #tpu.memory_space<hbm>>
      %dma_start3A_500 = tpu.memref_squeeze %dma_start3A_499 : memref<1x64xf32, #tpu.memory_space<hbm>> -> memref<64xf32, #tpu.memory_space<hbm>>
      %dma_start3A_501 = arith.constant 64 : i32
      %dma_start3A_502 = tpu.memref_slice %arg11[%add3A_494, %dma_start3A_501] : memref<256x128xf32, #tpu.memory_space<vmem>> -> memref<1x64xf32, #tpu.memory_space<vmem>>
      %dma_start3A_503 = tpu.memref_squeeze %dma_start3A_502 : memref<1x64xf32, #tpu.memory_space<vmem>> -> memref<64xf32, #tpu.memory_space<vmem>>
      %dma_start3A_504 = arith.constant 0 : i32
      %dma_start3A_505 = tpu.memref_slice %arg5[%squeeze3A_486, %dma_start3A_504] : memref<1000000x64xf32, #tpu.memory_space<hbm>> -> memref<1x64xf32, #tpu.memory_space<hbm>>
      %dma_start3A_506 = tpu.memref_squeeze %dma_start3A_505 : memref<1x64xf32, #tpu.memory_space<hbm>> -> memref<64xf32, #tpu.memory_space<hbm>>
      tpu.enqueue_dma source(%dma_start3A_506 : memref<64xf32, #tpu.memory_space<hbm>>) target(%dma_start3A_503 : memref<64xf32, #tpu.memory_space<vmem>>) target_semaphore(%arg15 : memref<!tpu.dma_semaphore, #tpu.memory_space<semaphore_mem>>)
      %dma_start3A_507 = arith.constant 64 : i32
      %dma_start3A_508 = tpu.memref_slice %arg12[%add3A_494, %dma_start3A_507] : memref<256x128xf32, #tpu.memory_space<vmem>> -> memref<1x64xf32, #tpu.memory_space<vmem>>
      %dma_start3A_509 = tpu.memref_squeeze %dma_start3A_508 : memref<1x64xf32, #tpu.memory_space<vmem>> -> memref<64xf32, #tpu.memory_space<vmem>>
      %dma_start3A_510 = arith.constant 0 : i32
      %dma_start3A_511 = tpu.memref_slice %arg6[%squeeze3A_488, %dma_start3A_510] : memref<1000x64xf32, #tpu.memory_space<hbm>> -> memref<1x64xf32, #tpu.memory_space<hbm>>
      %dma_start3A_512 = tpu.memref_squeeze %dma_start3A_511 : memref<1x64xf32, #tpu.memory_space<hbm>> -> memref<64xf32, #tpu.memory_space<hbm>>
      %dma_start3A_513 = arith.constant 64 : i32
      %dma_start3A_514 = tpu.memref_slice %arg12[%add3A_494, %dma_start3A_513] : memref<256x128xf32, #tpu.memory_space<vmem>> -> memref<1x64xf32, #tpu.memory_space<vmem>>
      %dma_start3A_515 = tpu.memref_squeeze %dma_start3A_514 : memref<1x64xf32, #tpu.memory_space<vmem>> -> memref<64xf32, #tpu.memory_space<vmem>>
      %dma_start3A_516 = arith.constant 0 : i32
      %dma_start3A_517 = tpu.memref_slice %arg6[%squeeze3A_488, %dma_start3A_516] : memref<1000x64xf32, #tpu.memory_space<hbm>> -> memref<1x64xf32, #tpu.memory_space<hbm>>
      %dma_start3A_518 = tpu.memref_squeeze %dma_start3A_517 : memref<1x64xf32, #tpu.memory_space<hbm>> -> memref<64xf32, #tpu.memory_space<hbm>>
      tpu.enqueue_dma source(%dma_start3A_518 : memref<64xf32, #tpu.memory_space<hbm>>) target(%dma_start3A_515 : memref<64xf32, #tpu.memory_space<vmem>>) target_semaphore(%arg16 : memref<!tpu.dma_semaphore, #tpu.memory_space<semaphore_mem>>)
      %dma_start3A_519 = arith.constant 64 : i32
      %dma_start3A_520 = tpu.memref_slice %arg13[%add3A_494, %dma_start3A_519] : memref<256x128xf32, #tpu.memory_space<vmem>> -> memref<1x64xf32, #tpu.memory_space<vmem>>
      %dma_start3A_521 = tpu.memref_squeeze %dma_start3A_520 : memref<1x64xf32, #tpu.memory_space<vmem>> -> memref<64xf32, #tpu.memory_space<vmem>>
      %dma_start3A_522 = arith.constant 0 : i32
      %dma_start3A_523 = tpu.memref_slice %arg5[%squeeze3A_490, %dma_start3A_522] : memref<1000000x64xf32, #tpu.memory_space<hbm>> -> memref<1x64xf32, #tpu.memory_space<hbm>>
      %dma_start3A_524 = tpu.memref_squeeze %dma_start3A_523 : memref<1x64xf32, #tpu.memory_space<hbm>> -> memref<64xf32, #tpu.memory_space<hbm>>
      %dma_start3A_525 = arith.constant 64 : i32
      %dma_start3A_526 = tpu.memref_slice %arg13[%add3A_494, %dma_start3A_525] : memref<256x128xf32, #tpu.memory_space<vmem>> -> memref<1x64xf32, #tpu.memory_space<vmem>>
      %dma_start3A_527 = tpu.memref_squeeze %dma_start3A_526 : memref<1x64xf32, #tpu.memory_space<vmem>> -> memref<64xf32, #tpu.memory_space<vmem>>
      %dma_start3A_528 = arith.constant 0 : i32
      %dma_start3A_529 = tpu.memref_slice %arg5[%squeeze3A_490, %dma_start3A_528] : memref<1000000x64xf32, #tpu.memory_space<hbm>> -> memref<1x64xf32, #tpu.memory_space<hbm>>
      %dma_start3A_530 = tpu.memref_squeeze %dma_start3A_529 : memref<1x64xf32, #tpu.memory_space<hbm>> -> memref<64xf32, #tpu.memory_space<hbm>>
      tpu.enqueue_dma source(%dma_start3A_530 : memref<64xf32, #tpu.memory_space<hbm>>) target(%dma_start3A_527 : memref<64xf32, #tpu.memory_space<vmem>>) target_semaphore(%arg17 : memref<!tpu.dma_semaphore, #tpu.memory_space<semaphore_mem>>)
      %slice3A_531 = vector.extract_strided_slice %get3A_69 {offsets = [10], sizes = [1], strides = [1]} : vector<16xi32> to vector<1xi32>
      %squeeze3A_532 = vector.extract %slice3A_531[0] : i32 from vector<1xi32>
      %slice3A_533 = vector.extract_strided_slice %get3A_71 {offsets = [10], sizes = [1], strides = [1]} : vector<16xi32> to vector<1xi32>
      %squeeze3A_534 = vector.extract %slice3A_533[0] : i32 from vector<1xi32>
      %slice3A_535 = vector.extract_strided_slice %get3A_73 {offsets = [10], sizes = [1], strides = [1]} : vector<16xi32> to vector<1xi32>
      %squeeze3A_536 = vector.extract %slice3A_535[0] : i32 from vector<1xi32>
      %mul3A_537 = arith.constant 8 : i32
      %mul3A_538 = arith.muli %scan3A_66, %mul3A_537 : i32
      %add3A_539 = arith.constant 5 : i32
      %add3A_540 = arith.addi %mul3A_538, %add3A_539 : i32
      %dma_start3A_541 = arith.constant 0 : i32
      %dma_start3A_542 = tpu.memref_slice %arg11[%add3A_540, %dma_start3A_541] : memref<256x128xf32, #tpu.memory_space<vmem>> -> memref<1x64xf32, #tpu.memory_space<vmem>>
      %dma_start3A_543 = tpu.memref_squeeze %dma_start3A_542 : memref<1x64xf32, #tpu.memory_space<vmem>> -> memref<64xf32, #tpu.memory_space<vmem>>
      %dma_start3A_544 = arith.constant 0 : i32
      %dma_start3A_545 = tpu.memref_slice %arg5[%squeeze3A_532, %dma_start3A_544] : memref<1000000x64xf32, #tpu.memory_space<hbm>> -> memref<1x64xf32, #tpu.memory_space<hbm>>
      %dma_start3A_546 = tpu.memref_squeeze %dma_start3A_545 : memref<1x64xf32, #tpu.memory_space<hbm>> -> memref<64xf32, #tpu.memory_space<hbm>>
      %dma_start3A_547 = arith.constant 0 : i32
      %dma_start3A_548 = tpu.memref_slice %arg11[%add3A_540, %dma_start3A_547] : memref<256x128xf32, #tpu.memory_space<vmem>> -> memref<1x64xf32, #tpu.memory_space<vmem>>
      %dma_start3A_549 = tpu.memref_squeeze %dma_start3A_548 : memref<1x64xf32, #tpu.memory_space<vmem>> -> memref<64xf32, #tpu.memory_space<vmem>>
      %dma_start3A_550 = arith.constant 0 : i32
      %dma_start3A_551 = tpu.memref_slice %arg5[%squeeze3A_532, %dma_start3A_550] : memref<1000000x64xf32, #tpu.memory_space<hbm>> -> memref<1x64xf32, #tpu.memory_space<hbm>>
      %dma_start3A_552 = tpu.memref_squeeze %dma_start3A_551 : memref<1x64xf32, #tpu.memory_space<hbm>> -> memref<64xf32, #tpu.memory_space<hbm>>
      tpu.enqueue_dma source(%dma_start3A_552 : memref<64xf32, #tpu.memory_space<hbm>>) target(%dma_start3A_549 : memref<64xf32, #tpu.memory_space<vmem>>) target_semaphore(%arg15 : memref<!tpu.dma_semaphore, #tpu.memory_space<semaphore_mem>>)
      %dma_start3A_553 = arith.constant 0 : i32
      %dma_start3A_554 = tpu.memref_slice %arg12[%add3A_540, %dma_start3A_553] : memref<256x128xf32, #tpu.memory_space<vmem>> -> memref<1x64xf32, #tpu.memory_space<vmem>>
      %dma_start3A_555 = tpu.memref_squeeze %dma_start3A_554 : memref<1x64xf32, #tpu.memory_space<vmem>> -> memref<64xf32, #tpu.memory_space<vmem>>
      %dma_start3A_556 = arith.constant 0 : i32
      %dma_start3A_557 = tpu.memref_slice %arg6[%squeeze3A_534, %dma_start3A_556] : memref<1000x64xf32, #tpu.memory_space<hbm>> -> memref<1x64xf32, #tpu.memory_space<hbm>>
      %dma_start3A_558 = tpu.memref_squeeze %dma_start3A_557 : memref<1x64xf32, #tpu.memory_space<hbm>> -> memref<64xf32, #tpu.memory_space<hbm>>
      %dma_start3A_559 = arith.constant 0 : i32
      %dma_start3A_560 = tpu.memref_slice %arg12[%add3A_540, %dma_start3A_559] : memref<256x128xf32, #tpu.memory_space<vmem>> -> memref<1x64xf32, #tpu.memory_space<vmem>>
      %dma_start3A_561 = tpu.memref_squeeze %dma_start3A_560 : memref<1x64xf32, #tpu.memory_space<vmem>> -> memref<64xf32, #tpu.memory_space<vmem>>
      %dma_start3A_562 = arith.constant 0 : i32
      %dma_start3A_563 = tpu.memref_slice %arg6[%squeeze3A_534, %dma_start3A_562] : memref<1000x64xf32, #tpu.memory_space<hbm>> -> memref<1x64xf32, #tpu.memory_space<hbm>>
      %dma_start3A_564 = tpu.memref_squeeze %dma_start3A_563 : memref<1x64xf32, #tpu.memory_space<hbm>> -> memref<64xf32, #tpu.memory_space<hbm>>
      tpu.enqueue_dma source(%dma_start3A_564 : memref<64xf32, #tpu.memory_space<hbm>>) target(%dma_start3A_561 : memref<64xf32, #tpu.memory_space<vmem>>) target_semaphore(%arg16 : memref<!tpu.dma_semaphore, #tpu.memory_space<semaphore_mem>>)
      %dma_start3A_565 = arith.constant 0 : i32
      %dma_start3A_566 = tpu.memref_slice %arg13[%add3A_540, %dma_start3A_565] : memref<256x128xf32, #tpu.memory_space<vmem>> -> memref<1x64xf32, #tpu.memory_space<vmem>>
      %dma_start3A_567 = tpu.memref_squeeze %dma_start3A_566 : memref<1x64xf32, #tpu.memory_space<vmem>> -> memref<64xf32, #tpu.memory_space<vmem>>
      %dma_start3A_568 = arith.constant 0 : i32
      %dma_start3A_569 = tpu.memref_slice %arg5[%squeeze3A_536, %dma_start3A_568] : memref<1000000x64xf32, #tpu.memory_space<hbm>> -> memref<1x64xf32, #tpu.memory_space<hbm>>
      %dma_start3A_570 = tpu.memref_squeeze %dma_start3A_569 : memref<1x64xf32, #tpu.memory_space<hbm>> -> memref<64xf32, #tpu.memory_space<hbm>>
      %dma_start3A_571 = arith.constant 0 : i32
      %dma_start3A_572 = tpu.memref_slice %arg13[%add3A_540, %dma_start3A_571] : memref<256x128xf32, #tpu.memory_space<vmem>> -> memref<1x64xf32, #tpu.memory_space<vmem>>
      %dma_start3A_573 = tpu.memref_squeeze %dma_start3A_572 : memref<1x64xf32, #tpu.memory_space<vmem>> -> memref<64xf32, #tpu.memory_space<vmem>>
      %dma_start3A_574 = arith.constant 0 : i32
      %dma_start3A_575 = tpu.memref_slice %arg5[%squeeze3A_536, %dma_start3A_574] : memref<1000000x64xf32, #tpu.memory_space<hbm>> -> memref<1x64xf32, #tpu.memory_space<hbm>>
      %dma_start3A_576 = tpu.memref_squeeze %dma_start3A_575 : memref<1x64xf32, #tpu.memory_space<hbm>> -> memref<64xf32, #tpu.memory_space<hbm>>
      tpu.enqueue_dma source(%dma_start3A_576 : memref<64xf32, #tpu.memory_space<hbm>>) target(%dma_start3A_573 : memref<64xf32, #tpu.memory_space<vmem>>) target_semaphore(%arg17 : memref<!tpu.dma_semaphore, #tpu.memory_space<semaphore_mem>>)
      %slice3A_577 = vector.extract_strided_slice %get3A_69 {offsets = [11], sizes = [1], strides = [1]} : vector<16xi32> to vector<1xi32>
      %squeeze3A_578 = vector.extract %slice3A_577[0] : i32 from vector<1xi32>
      %slice3A_579 = vector.extract_strided_slice %get3A_71 {offsets = [11], sizes = [1], strides = [1]} : vector<16xi32> to vector<1xi32>
      %squeeze3A_580 = vector.extract %slice3A_579[0] : i32 from vector<1xi32>
      %slice3A_581 = vector.extract_strided_slice %get3A_73 {offsets = [11], sizes = [1], strides = [1]} : vector<16xi32> to vector<1xi32>
      %squeeze3A_582 = vector.extract %slice3A_581[0] : i32 from vector<1xi32>
      %mul3A_583 = arith.constant 8 : i32
      %mul3A_584 = arith.muli %scan3A_66, %mul3A_583 : i32
      %add3A_585 = arith.constant 5 : i32
      %add3A_586 = arith.addi %mul3A_584, %add3A_585 : i32
      %dma_start3A_587 = arith.constant 64 : i32
      %dma_start3A_588 = tpu.memref_slice %arg11[%add3A_586, %dma_start3A_587] : memref<256x128xf32, #tpu.memory_space<vmem>> -> memref<1x64xf32, #tpu.memory_space<vmem>>
      %dma_start3A_589 = tpu.memref_squeeze %dma_start3A_588 : memref<1x64xf32, #tpu.memory_space<vmem>> -> memref<64xf32, #tpu.memory_space<vmem>>
      %dma_start3A_590 = arith.constant 0 : i32
      %dma_start3A_591 = tpu.memref_slice %arg5[%squeeze3A_578, %dma_start3A_590] : memref<1000000x64xf32, #tpu.memory_space<hbm>> -> memref<1x64xf32, #tpu.memory_space<hbm>>
      %dma_start3A_592 = tpu.memref_squeeze %dma_start3A_591 : memref<1x64xf32, #tpu.memory_space<hbm>> -> memref<64xf32, #tpu.memory_space<hbm>>
      %dma_start3A_593 = arith.constant 64 : i32
      %dma_start3A_594 = tpu.memref_slice %arg11[%add3A_586, %dma_start3A_593] : memref<256x128xf32, #tpu.memory_space<vmem>> -> memref<1x64xf32, #tpu.memory_space<vmem>>
      %dma_start3A_595 = tpu.memref_squeeze %dma_start3A_594 : memref<1x64xf32, #tpu.memory_space<vmem>> -> memref<64xf32, #tpu.memory_space<vmem>>
      %dma_start3A_596 = arith.constant 0 : i32
      %dma_start3A_597 = tpu.memref_slice %arg5[%squeeze3A_578, %dma_start3A_596] : memref<1000000x64xf32, #tpu.memory_space<hbm>> -> memref<1x64xf32, #tpu.memory_space<hbm>>
      %dma_start3A_598 = tpu.memref_squeeze %dma_start3A_597 : memref<1x64xf32, #tpu.memory_space<hbm>> -> memref<64xf32, #tpu.memory_space<hbm>>
      tpu.enqueue_dma source(%dma_start3A_598 : memref<64xf32, #tpu.memory_space<hbm>>) target(%dma_start3A_595 : memref<64xf32, #tpu.memory_space<vmem>>) target_semaphore(%arg15 : memref<!tpu.dma_semaphore, #tpu.memory_space<semaphore_mem>>)
      %dma_start3A_599 = arith.constant 64 : i32
      %dma_start3A_600 = tpu.memref_slice %arg12[%add3A_586, %dma_start3A_599] : memref<256x128xf32, #tpu.memory_space<vmem>> -> memref<1x64xf32, #tpu.memory_space<vmem>>
      %dma_start3A_601 = tpu.memref_squeeze %dma_start3A_600 : memref<1x64xf32, #tpu.memory_space<vmem>> -> memref<64xf32, #tpu.memory_space<vmem>>
      %dma_start3A_602 = arith.constant 0 : i32
      %dma_start3A_603 = tpu.memref_slice %arg6[%squeeze3A_580, %dma_start3A_602] : memref<1000x64xf32, #tpu.memory_space<hbm>> -> memref<1x64xf32, #tpu.memory_space<hbm>>
      %dma_start3A_604 = tpu.memref_squeeze %dma_start3A_603 : memref<1x64xf32, #tpu.memory_space<hbm>> -> memref<64xf32, #tpu.memory_space<hbm>>
      %dma_start3A_605 = arith.constant 64 : i32
      %dma_start3A_606 = tpu.memref_slice %arg12[%add3A_586, %dma_start3A_605] : memref<256x128xf32, #tpu.memory_space<vmem>> -> memref<1x64xf32, #tpu.memory_space<vmem>>
      %dma_start3A_607 = tpu.memref_squeeze %dma_start3A_606 : memref<1x64xf32, #tpu.memory_space<vmem>> -> memref<64xf32, #tpu.memory_space<vmem>>
      %dma_start3A_608 = arith.constant 0 : i32
      %dma_start3A_609 = tpu.memref_slice %arg6[%squeeze3A_580, %dma_start3A_608] : memref<1000x64xf32, #tpu.memory_space<hbm>> -> memref<1x64xf32, #tpu.memory_space<hbm>>
      %dma_start3A_610 = tpu.memref_squeeze %dma_start3A_609 : memref<1x64xf32, #tpu.memory_space<hbm>> -> memref<64xf32, #tpu.memory_space<hbm>>
      tpu.enqueue_dma source(%dma_start3A_610 : memref<64xf32, #tpu.memory_space<hbm>>) target(%dma_start3A_607 : memref<64xf32, #tpu.memory_space<vmem>>) target_semaphore(%arg16 : memref<!tpu.dma_semaphore, #tpu.memory_space<semaphore_mem>>)
      %dma_start3A_611 = arith.constant 64 : i32
      %dma_start3A_612 = tpu.memref_slice %arg13[%add3A_586, %dma_start3A_611] : memref<256x128xf32, #tpu.memory_space<vmem>> -> memref<1x64xf32, #tpu.memory_space<vmem>>
      %dma_start3A_613 = tpu.memref_squeeze %dma_start3A_612 : memref<1x64xf32, #tpu.memory_space<vmem>> -> memref<64xf32, #tpu.memory_space<vmem>>
      %dma_start3A_614 = arith.constant 0 : i32
      %dma_start3A_615 = tpu.memref_slice %arg5[%squeeze3A_582, %dma_start3A_614] : memref<1000000x64xf32, #tpu.memory_space<hbm>> -> memref<1x64xf32, #tpu.memory_space<hbm>>
      %dma_start3A_616 = tpu.memref_squeeze %dma_start3A_615 : memref<1x64xf32, #tpu.memory_space<hbm>> -> memref<64xf32, #tpu.memory_space<hbm>>
      %dma_start3A_617 = arith.constant 64 : i32
      %dma_start3A_618 = tpu.memref_slice %arg13[%add3A_586, %dma_start3A_617] : memref<256x128xf32, #tpu.memory_space<vmem>> -> memref<1x64xf32, #tpu.memory_space<vmem>>
      %dma_start3A_619 = tpu.memref_squeeze %dma_start3A_618 : memref<1x64xf32, #tpu.memory_space<vmem>> -> memref<64xf32, #tpu.memory_space<vmem>>
      %dma_start3A_620 = arith.constant 0 : i32
      %dma_start3A_621 = tpu.memref_slice %arg5[%squeeze3A_582, %dma_start3A_620] : memref<1000000x64xf32, #tpu.memory_space<hbm>> -> memref<1x64xf32, #tpu.memory_space<hbm>>
      %dma_start3A_622 = tpu.memref_squeeze %dma_start3A_621 : memref<1x64xf32, #tpu.memory_space<hbm>> -> memref<64xf32, #tpu.memory_space<hbm>>
      tpu.enqueue_dma source(%dma_start3A_622 : memref<64xf32, #tpu.memory_space<hbm>>) target(%dma_start3A_619 : memref<64xf32, #tpu.memory_space<vmem>>) target_semaphore(%arg17 : memref<!tpu.dma_semaphore, #tpu.memory_space<semaphore_mem>>)
      %slice3A_623 = vector.extract_strided_slice %get3A_69 {offsets = [12], sizes = [1], strides = [1]} : vector<16xi32> to vector<1xi32>
      %squeeze3A_624 = vector.extract %slice3A_623[0] : i32 from vector<1xi32>
      %slice3A_625 = vector.extract_strided_slice %get3A_71 {offsets = [12], sizes = [1], strides = [1]} : vector<16xi32> to vector<1xi32>
      %squeeze3A_626 = vector.extract %slice3A_625[0] : i32 from vector<1xi32>
      %slice3A_627 = vector.extract_strided_slice %get3A_73 {offsets = [12], sizes = [1], strides = [1]} : vector<16xi32> to vector<1xi32>
      %squeeze3A_628 = vector.extract %slice3A_627[0] : i32 from vector<1xi32>
      %mul3A_629 = arith.constant 8 : i32
      %mul3A_630 = arith.muli %scan3A_66, %mul3A_629 : i32
      %add3A_631 = arith.constant 6 : i32
      %add3A_632 = arith.addi %mul3A_630, %add3A_631 : i32
      %dma_start3A_633 = arith.constant 0 : i32
      %dma_start3A_634 = tpu.memref_slice %arg11[%add3A_632, %dma_start3A_633] : memref<256x128xf32, #tpu.memory_space<vmem>> -> memref<1x64xf32, #tpu.memory_space<vmem>>
      %dma_start3A_635 = tpu.memref_squeeze %dma_start3A_634 : memref<1x64xf32, #tpu.memory_space<vmem>> -> memref<64xf32, #tpu.memory_space<vmem>>
      %dma_start3A_636 = arith.constant 0 : i32
      %dma_start3A_637 = tpu.memref_slice %arg5[%squeeze3A_624, %dma_start3A_636] : memref<1000000x64xf32, #tpu.memory_space<hbm>> -> memref<1x64xf32, #tpu.memory_space<hbm>>
      %dma_start3A_638 = tpu.memref_squeeze %dma_start3A_637 : memref<1x64xf32, #tpu.memory_space<hbm>> -> memref<64xf32, #tpu.memory_space<hbm>>
      %dma_start3A_639 = arith.constant 0 : i32
      %dma_start3A_640 = tpu.memref_slice %arg11[%add3A_632, %dma_start3A_639] : memref<256x128xf32, #tpu.memory_space<vmem>> -> memref<1x64xf32, #tpu.memory_space<vmem>>
      %dma_start3A_641 = tpu.memref_squeeze %dma_start3A_640 : memref<1x64xf32, #tpu.memory_space<vmem>> -> memref<64xf32, #tpu.memory_space<vmem>>
      %dma_start3A_642 = arith.constant 0 : i32
      %dma_start3A_643 = tpu.memref_slice %arg5[%squeeze3A_624, %dma_start3A_642] : memref<1000000x64xf32, #tpu.memory_space<hbm>> -> memref<1x64xf32, #tpu.memory_space<hbm>>
      %dma_start3A_644 = tpu.memref_squeeze %dma_start3A_643 : memref<1x64xf32, #tpu.memory_space<hbm>> -> memref<64xf32, #tpu.memory_space<hbm>>
      tpu.enqueue_dma source(%dma_start3A_644 : memref<64xf32, #tpu.memory_space<hbm>>) target(%dma_start3A_641 : memref<64xf32, #tpu.memory_space<vmem>>) target_semaphore(%arg15 : memref<!tpu.dma_semaphore, #tpu.memory_space<semaphore_mem>>)
      %dma_start3A_645 = arith.constant 0 : i32
      %dma_start3A_646 = tpu.memref_slice %arg12[%add3A_632, %dma_start3A_645] : memref<256x128xf32, #tpu.memory_space<vmem>> -> memref<1x64xf32, #tpu.memory_space<vmem>>
      %dma_start3A_647 = tpu.memref_squeeze %dma_start3A_646 : memref<1x64xf32, #tpu.memory_space<vmem>> -> memref<64xf32, #tpu.memory_space<vmem>>
      %dma_start3A_648 = arith.constant 0 : i32
      %dma_start3A_649 = tpu.memref_slice %arg6[%squeeze3A_626, %dma_start3A_648] : memref<1000x64xf32, #tpu.memory_space<hbm>> -> memref<1x64xf32, #tpu.memory_space<hbm>>
      %dma_start3A_650 = tpu.memref_squeeze %dma_start3A_649 : memref<1x64xf32, #tpu.memory_space<hbm>> -> memref<64xf32, #tpu.memory_space<hbm>>
      %dma_start3A_651 = arith.constant 0 : i32
      %dma_start3A_652 = tpu.memref_slice %arg12[%add3A_632, %dma_start3A_651] : memref<256x128xf32, #tpu.memory_space<vmem>> -> memref<1x64xf32, #tpu.memory_space<vmem>>
      %dma_start3A_653 = tpu.memref_squeeze %dma_start3A_652 : memref<1x64xf32, #tpu.memory_space<vmem>> -> memref<64xf32, #tpu.memory_space<vmem>>
      %dma_start3A_654 = arith.constant 0 : i32
      %dma_start3A_655 = tpu.memref_slice %arg6[%squeeze3A_626, %dma_start3A_654] : memref<1000x64xf32, #tpu.memory_space<hbm>> -> memref<1x64xf32, #tpu.memory_space<hbm>>
      %dma_start3A_656 = tpu.memref_squeeze %dma_start3A_655 : memref<1x64xf32, #tpu.memory_space<hbm>> -> memref<64xf32, #tpu.memory_space<hbm>>
      tpu.enqueue_dma source(%dma_start3A_656 : memref<64xf32, #tpu.memory_space<hbm>>) target(%dma_start3A_653 : memref<64xf32, #tpu.memory_space<vmem>>) target_semaphore(%arg16 : memref<!tpu.dma_semaphore, #tpu.memory_space<semaphore_mem>>)
      %dma_start3A_657 = arith.constant 0 : i32
      %dma_start3A_658 = tpu.memref_slice %arg13[%add3A_632, %dma_start3A_657] : memref<256x128xf32, #tpu.memory_space<vmem>> -> memref<1x64xf32, #tpu.memory_space<vmem>>
      %dma_start3A_659 = tpu.memref_squeeze %dma_start3A_658 : memref<1x64xf32, #tpu.memory_space<vmem>> -> memref<64xf32, #tpu.memory_space<vmem>>
      %dma_start3A_660 = arith.constant 0 : i32
      %dma_start3A_661 = tpu.memref_slice %arg5[%squeeze3A_628, %dma_start3A_660] : memref<1000000x64xf32, #tpu.memory_space<hbm>> -> memref<1x64xf32, #tpu.memory_space<hbm>>
      %dma_start3A_662 = tpu.memref_squeeze %dma_start3A_661 : memref<1x64xf32, #tpu.memory_space<hbm>> -> memref<64xf32, #tpu.memory_space<hbm>>
      %dma_start3A_663 = arith.constant 0 : i32
      %dma_start3A_664 = tpu.memref_slice %arg13[%add3A_632, %dma_start3A_663] : memref<256x128xf32, #tpu.memory_space<vmem>> -> memref<1x64xf32, #tpu.memory_space<vmem>>
      %dma_start3A_665 = tpu.memref_squeeze %dma_start3A_664 : memref<1x64xf32, #tpu.memory_space<vmem>> -> memref<64xf32, #tpu.memory_space<vmem>>
      %dma_start3A_666 = arith.constant 0 : i32
      %dma_start3A_667 = tpu.memref_slice %arg5[%squeeze3A_628, %dma_start3A_666] : memref<1000000x64xf32, #tpu.memory_space<hbm>> -> memref<1x64xf32, #tpu.memory_space<hbm>>
      %dma_start3A_668 = tpu.memref_squeeze %dma_start3A_667 : memref<1x64xf32, #tpu.memory_space<hbm>> -> memref<64xf32, #tpu.memory_space<hbm>>
      tpu.enqueue_dma source(%dma_start3A_668 : memref<64xf32, #tpu.memory_space<hbm>>) target(%dma_start3A_665 : memref<64xf32, #tpu.memory_space<vmem>>) target_semaphore(%arg17 : memref<!tpu.dma_semaphore, #tpu.memory_space<semaphore_mem>>)
      %slice3A_669 = vector.extract_strided_slice %get3A_69 {offsets = [13], sizes = [1], strides = [1]} : vector<16xi32> to vector<1xi32>
      %squeeze3A_670 = vector.extract %slice3A_669[0] : i32 from vector<1xi32>
      %slice3A_671 = vector.extract_strided_slice %get3A_71 {offsets = [13], sizes = [1], strides = [1]} : vector<16xi32> to vector<1xi32>
      %squeeze3A_672 = vector.extract %slice3A_671[0] : i32 from vector<1xi32>
      %slice3A_673 = vector.extract_strided_slice %get3A_73 {offsets = [13], sizes = [1], strides = [1]} : vector<16xi32> to vector<1xi32>
      %squeeze3A_674 = vector.extract %slice3A_673[0] : i32 from vector<1xi32>
      %mul3A_675 = arith.constant 8 : i32
      %mul3A_676 = arith.muli %scan3A_66, %mul3A_675 : i32
      %add3A_677 = arith.constant 6 : i32
      %add3A_678 = arith.addi %mul3A_676, %add3A_677 : i32
      %dma_start3A_679 = arith.constant 64 : i32
      %dma_start3A_680 = tpu.memref_slice %arg11[%add3A_678, %dma_start3A_679] : memref<256x128xf32, #tpu.memory_space<vmem>> -> memref<1x64xf32, #tpu.memory_space<vmem>>
      %dma_start3A_681 = tpu.memref_squeeze %dma_start3A_680 : memref<1x64xf32, #tpu.memory_space<vmem>> -> memref<64xf32, #tpu.memory_space<vmem>>
      %dma_start3A_682 = arith.constant 0 : i32
      %dma_start3A_683 = tpu.memref_slice %arg5[%squeeze3A_670, %dma_start3A_682] : memref<1000000x64xf32, #tpu.memory_space<hbm>> -> memref<1x64xf32, #tpu.memory_space<hbm>>
      %dma_start3A_684 = tpu.memref_squeeze %dma_start3A_683 : memref<1x64xf32, #tpu.memory_space<hbm>> -> memref<64xf32, #tpu.memory_space<hbm>>
      %dma_start3A_685 = arith.constant 64 : i32
      %dma_start3A_686 = tpu.memref_slice %arg11[%add3A_678, %dma_start3A_685] : memref<256x128xf32, #tpu.memory_space<vmem>> -> memref<1x64xf32, #tpu.memory_space<vmem>>
      %dma_start3A_687 = tpu.memref_squeeze %dma_start3A_686 : memref<1x64xf32, #tpu.memory_space<vmem>> -> memref<64xf32, #tpu.memory_space<vmem>>
      %dma_start3A_688 = arith.constant 0 : i32
      %dma_start3A_689 = tpu.memref_slice %arg5[%squeeze3A_670, %dma_start3A_688] : memref<1000000x64xf32, #tpu.memory_space<hbm>> -> memref<1x64xf32, #tpu.memory_space<hbm>>
      %dma_start3A_690 = tpu.memref_squeeze %dma_start3A_689 : memref<1x64xf32, #tpu.memory_space<hbm>> -> memref<64xf32, #tpu.memory_space<hbm>>
      tpu.enqueue_dma source(%dma_start3A_690 : memref<64xf32, #tpu.memory_space<hbm>>) target(%dma_start3A_687 : memref<64xf32, #tpu.memory_space<vmem>>) target_semaphore(%arg15 : memref<!tpu.dma_semaphore, #tpu.memory_space<semaphore_mem>>)
      %dma_start3A_691 = arith.constant 64 : i32
      %dma_start3A_692 = tpu.memref_slice %arg12[%add3A_678, %dma_start3A_691] : memref<256x128xf32, #tpu.memory_space<vmem>> -> memref<1x64xf32, #tpu.memory_space<vmem>>
      %dma_start3A_693 = tpu.memref_squeeze %dma_start3A_692 : memref<1x64xf32, #tpu.memory_space<vmem>> -> memref<64xf32, #tpu.memory_space<vmem>>
      %dma_start3A_694 = arith.constant 0 : i32
      %dma_start3A_695 = tpu.memref_slice %arg6[%squeeze3A_672, %dma_start3A_694] : memref<1000x64xf32, #tpu.memory_space<hbm>> -> memref<1x64xf32, #tpu.memory_space<hbm>>
      %dma_start3A_696 = tpu.memref_squeeze %dma_start3A_695 : memref<1x64xf32, #tpu.memory_space<hbm>> -> memref<64xf32, #tpu.memory_space<hbm>>
      %dma_start3A_697 = arith.constant 64 : i32
      %dma_start3A_698 = tpu.memref_slice %arg12[%add3A_678, %dma_start3A_697] : memref<256x128xf32, #tpu.memory_space<vmem>> -> memref<1x64xf32, #tpu.memory_space<vmem>>
      %dma_start3A_699 = tpu.memref_squeeze %dma_start3A_698 : memref<1x64xf32, #tpu.memory_space<vmem>> -> memref<64xf32, #tpu.memory_space<vmem>>
      %dma_start3A_700 = arith.constant 0 : i32
      %dma_start3A_701 = tpu.memref_slice %arg6[%squeeze3A_672, %dma_start3A_700] : memref<1000x64xf32, #tpu.memory_space<hbm>> -> memref<1x64xf32, #tpu.memory_space<hbm>>
      %dma_start3A_702 = tpu.memref_squeeze %dma_start3A_701 : memref<1x64xf32, #tpu.memory_space<hbm>> -> memref<64xf32, #tpu.memory_space<hbm>>
      tpu.enqueue_dma source(%dma_start3A_702 : memref<64xf32, #tpu.memory_space<hbm>>) target(%dma_start3A_699 : memref<64xf32, #tpu.memory_space<vmem>>) target_semaphore(%arg16 : memref<!tpu.dma_semaphore, #tpu.memory_space<semaphore_mem>>)
      %dma_start3A_703 = arith.constant 64 : i32
      %dma_start3A_704 = tpu.memref_slice %arg13[%add3A_678, %dma_start3A_703] : memref<256x128xf32, #tpu.memory_space<vmem>> -> memref<1x64xf32, #tpu.memory_space<vmem>>
      %dma_start3A_705 = tpu.memref_squeeze %dma_start3A_704 : memref<1x64xf32, #tpu.memory_space<vmem>> -> memref<64xf32, #tpu.memory_space<vmem>>
      %dma_start3A_706 = arith.constant 0 : i32
      %dma_start3A_707 = tpu.memref_slice %arg5[%squeeze3A_674, %dma_start3A_706] : memref<1000000x64xf32, #tpu.memory_space<hbm>> -> memref<1x64xf32, #tpu.memory_space<hbm>>
      %dma_start3A_708 = tpu.memref_squeeze %dma_start3A_707 : memref<1x64xf32, #tpu.memory_space<hbm>> -> memref<64xf32, #tpu.memory_space<hbm>>
      %dma_start3A_709 = arith.constant 64 : i32
      %dma_start3A_710 = tpu.memref_slice %arg13[%add3A_678, %dma_start3A_709] : memref<256x128xf32, #tpu.memory_space<vmem>> -> memref<1x64xf32, #tpu.memory_space<vmem>>
      %dma_start3A_711 = tpu.memref_squeeze %dma_start3A_710 : memref<1x64xf32, #tpu.memory_space<vmem>> -> memref<64xf32, #tpu.memory_space<vmem>>
      %dma_start3A_712 = arith.constant 0 : i32
      %dma_start3A_713 = tpu.memref_slice %arg5[%squeeze3A_674, %dma_start3A_712] : memref<1000000x64xf32, #tpu.memory_space<hbm>> -> memref<1x64xf32, #tpu.memory_space<hbm>>
      %dma_start3A_714 = tpu.memref_squeeze %dma_start3A_713 : memref<1x64xf32, #tpu.memory_space<hbm>> -> memref<64xf32, #tpu.memory_space<hbm>>
      tpu.enqueue_dma source(%dma_start3A_714 : memref<64xf32, #tpu.memory_space<hbm>>) target(%dma_start3A_711 : memref<64xf32, #tpu.memory_space<vmem>>) target_semaphore(%arg17 : memref<!tpu.dma_semaphore, #tpu.memory_space<semaphore_mem>>)
      %slice3A_715 = vector.extract_strided_slice %get3A_69 {offsets = [14], sizes = [1], strides = [1]} : vector<16xi32> to vector<1xi32>
      %squeeze3A_716 = vector.extract %slice3A_715[0] : i32 from vector<1xi32>
      %slice3A_717 = vector.extract_strided_slice %get3A_71 {offsets = [14], sizes = [1], strides = [1]} : vector<16xi32> to vector<1xi32>
      %squeeze3A_718 = vector.extract %slice3A_717[0] : i32 from vector<1xi32>
      %slice3A_719 = vector.extract_strided_slice %get3A_73 {offsets = [14], sizes = [1], strides = [1]} : vector<16xi32> to vector<1xi32>
      %squeeze3A_720 = vector.extract %slice3A_719[0] : i32 from vector<1xi32>
      %mul3A_721 = arith.constant 8 : i32
      %mul3A_722 = arith.muli %scan3A_66, %mul3A_721 : i32
      %add3A_723 = arith.constant 7 : i32
      %add3A_724 = arith.addi %mul3A_722, %add3A_723 : i32
      %dma_start3A_725 = arith.constant 0 : i32
      %dma_start3A_726 = tpu.memref_slice %arg11[%add3A_724, %dma_start3A_725] : memref<256x128xf32, #tpu.memory_space<vmem>> -> memref<1x64xf32, #tpu.memory_space<vmem>>
      %dma_start3A_727 = tpu.memref_squeeze %dma_start3A_726 : memref<1x64xf32, #tpu.memory_space<vmem>> -> memref<64xf32, #tpu.memory_space<vmem>>
      %dma_start3A_728 = arith.constant 0 : i32
      %dma_start3A_729 = tpu.memref_slice %arg5[%squeeze3A_716, %dma_start3A_728] : memref<1000000x64xf32, #tpu.memory_space<hbm>> -> memref<1x64xf32, #tpu.memory_space<hbm>>
      %dma_start3A_730 = tpu.memref_squeeze %dma_start3A_729 : memref<1x64xf32, #tpu.memory_space<hbm>> -> memref<64xf32, #tpu.memory_space<hbm>>
      %dma_start3A_731 = arith.constant 0 : i32
      %dma_start3A_732 = tpu.memref_slice %arg11[%add3A_724, %dma_start3A_731] : memref<256x128xf32, #tpu.memory_space<vmem>> -> memref<1x64xf32, #tpu.memory_space<vmem>>
      %dma_start3A_733 = tpu.memref_squeeze %dma_start3A_732 : memref<1x64xf32, #tpu.memory_space<vmem>> -> memref<64xf32, #tpu.memory_space<vmem>>
      %dma_start3A_734 = arith.constant 0 : i32
      %dma_start3A_735 = tpu.memref_slice %arg5[%squeeze3A_716, %dma_start3A_734] : memref<1000000x64xf32, #tpu.memory_space<hbm>> -> memref<1x64xf32, #tpu.memory_space<hbm>>
      %dma_start3A_736 = tpu.memref_squeeze %dma_start3A_735 : memref<1x64xf32, #tpu.memory_space<hbm>> -> memref<64xf32, #tpu.memory_space<hbm>>
      tpu.enqueue_dma source(%dma_start3A_736 : memref<64xf32, #tpu.memory_space<hbm>>) target(%dma_start3A_733 : memref<64xf32, #tpu.memory_space<vmem>>) target_semaphore(%arg15 : memref<!tpu.dma_semaphore, #tpu.memory_space<semaphore_mem>>)
      %dma_start3A_737 = arith.constant 0 : i32
      %dma_start3A_738 = tpu.memref_slice %arg12[%add3A_724, %dma_start3A_737] : memref<256x128xf32, #tpu.memory_space<vmem>> -> memref<1x64xf32, #tpu.memory_space<vmem>>
      %dma_start3A_739 = tpu.memref_squeeze %dma_start3A_738 : memref<1x64xf32, #tpu.memory_space<vmem>> -> memref<64xf32, #tpu.memory_space<vmem>>
      %dma_start3A_740 = arith.constant 0 : i32
      %dma_start3A_741 = tpu.memref_slice %arg6[%squeeze3A_718, %dma_start3A_740] : memref<1000x64xf32, #tpu.memory_space<hbm>> -> memref<1x64xf32, #tpu.memory_space<hbm>>
      %dma_start3A_742 = tpu.memref_squeeze %dma_start3A_741 : memref<1x64xf32, #tpu.memory_space<hbm>> -> memref<64xf32, #tpu.memory_space<hbm>>
      %dma_start3A_743 = arith.constant 0 : i32
      %dma_start3A_744 = tpu.memref_slice %arg12[%add3A_724, %dma_start3A_743] : memref<256x128xf32, #tpu.memory_space<vmem>> -> memref<1x64xf32, #tpu.memory_space<vmem>>
      %dma_start3A_745 = tpu.memref_squeeze %dma_start3A_744 : memref<1x64xf32, #tpu.memory_space<vmem>> -> memref<64xf32, #tpu.memory_space<vmem>>
      %dma_start3A_746 = arith.constant 0 : i32
      %dma_start3A_747 = tpu.memref_slice %arg6[%squeeze3A_718, %dma_start3A_746] : memref<1000x64xf32, #tpu.memory_space<hbm>> -> memref<1x64xf32, #tpu.memory_space<hbm>>
      %dma_start3A_748 = tpu.memref_squeeze %dma_start3A_747 : memref<1x64xf32, #tpu.memory_space<hbm>> -> memref<64xf32, #tpu.memory_space<hbm>>
      tpu.enqueue_dma source(%dma_start3A_748 : memref<64xf32, #tpu.memory_space<hbm>>) target(%dma_start3A_745 : memref<64xf32, #tpu.memory_space<vmem>>) target_semaphore(%arg16 : memref<!tpu.dma_semaphore, #tpu.memory_space<semaphore_mem>>)
      %dma_start3A_749 = arith.constant 0 : i32
      %dma_start3A_750 = tpu.memref_slice %arg13[%add3A_724, %dma_start3A_749] : memref<256x128xf32, #tpu.memory_space<vmem>> -> memref<1x64xf32, #tpu.memory_space<vmem>>
      %dma_start3A_751 = tpu.memref_squeeze %dma_start3A_750 : memref<1x64xf32, #tpu.memory_space<vmem>> -> memref<64xf32, #tpu.memory_space<vmem>>
      %dma_start3A_752 = arith.constant 0 : i32
      %dma_start3A_753 = tpu.memref_slice %arg5[%squeeze3A_720, %dma_start3A_752] : memref<1000000x64xf32, #tpu.memory_space<hbm>> -> memref<1x64xf32, #tpu.memory_space<hbm>>
      %dma_start3A_754 = tpu.memref_squeeze %dma_start3A_753 : memref<1x64xf32, #tpu.memory_space<hbm>> -> memref<64xf32, #tpu.memory_space<hbm>>
      %dma_start3A_755 = arith.constant 0 : i32
      %dma_start3A_756 = tpu.memref_slice %arg13[%add3A_724, %dma_start3A_755] : memref<256x128xf32, #tpu.memory_space<vmem>> -> memref<1x64xf32, #tpu.memory_space<vmem>>
      %dma_start3A_757 = tpu.memref_squeeze %dma_start3A_756 : memref<1x64xf32, #tpu.memory_space<vmem>> -> memref<64xf32, #tpu.memory_space<vmem>>
      %dma_start3A_758 = arith.constant 0 : i32
      %dma_start3A_759 = tpu.memref_slice %arg5[%squeeze3A_720, %dma_start3A_758] : memref<1000000x64xf32, #tpu.memory_space<hbm>> -> memref<1x64xf32, #tpu.memory_space<hbm>>
      %dma_start3A_760 = tpu.memref_squeeze %dma_start3A_759 : memref<1x64xf32, #tpu.memory_space<hbm>> -> memref<64xf32, #tpu.memory_space<hbm>>
      tpu.enqueue_dma source(%dma_start3A_760 : memref<64xf32, #tpu.memory_space<hbm>>) target(%dma_start3A_757 : memref<64xf32, #tpu.memory_space<vmem>>) target_semaphore(%arg17 : memref<!tpu.dma_semaphore, #tpu.memory_space<semaphore_mem>>)
      %slice3A_761 = vector.extract_strided_slice %get3A_69 {offsets = [15], sizes = [1], strides = [1]} : vector<16xi32> to vector<1xi32>
      %squeeze3A_762 = vector.extract %slice3A_761[0] : i32 from vector<1xi32>
      %slice3A_763 = vector.extract_strided_slice %get3A_71 {offsets = [15], sizes = [1], strides = [1]} : vector<16xi32> to vector<1xi32>
      %squeeze3A_764 = vector.extract %slice3A_763[0] : i32 from vector<1xi32>
      %slice3A_765 = vector.extract_strided_slice %get3A_73 {offsets = [15], sizes = [1], strides = [1]} : vector<16xi32> to vector<1xi32>
      %squeeze3A_766 = vector.extract %slice3A_765[0] : i32 from vector<1xi32>
      %mul3A_767 = arith.constant 8 : i32
      %mul3A_768 = arith.muli %scan3A_66, %mul3A_767 : i32
      %add3A_769 = arith.constant 7 : i32
      %add3A_770 = arith.addi %mul3A_768, %add3A_769 : i32
      %dma_start3A_771 = arith.constant 64 : i32
      %dma_start3A_772 = tpu.memref_slice %arg11[%add3A_770, %dma_start3A_771] : memref<256x128xf32, #tpu.memory_space<vmem>> -> memref<1x64xf32, #tpu.memory_space<vmem>>
      %dma_start3A_773 = tpu.memref_squeeze %dma_start3A_772 : memref<1x64xf32, #tpu.memory_space<vmem>> -> memref<64xf32, #tpu.memory_space<vmem>>
      %dma_start3A_774 = arith.constant 0 : i32
      %dma_start3A_775 = tpu.memref_slice %arg5[%squeeze3A_762, %dma_start3A_774] : memref<1000000x64xf32, #tpu.memory_space<hbm>> -> memref<1x64xf32, #tpu.memory_space<hbm>>
      %dma_start3A_776 = tpu.memref_squeeze %dma_start3A_775 : memref<1x64xf32, #tpu.memory_space<hbm>> -> memref<64xf32, #tpu.memory_space<hbm>>
      %dma_start3A_777 = arith.constant 64 : i32
      %dma_start3A_778 = tpu.memref_slice %arg11[%add3A_770, %dma_start3A_777] : memref<256x128xf32, #tpu.memory_space<vmem>> -> memref<1x64xf32, #tpu.memory_space<vmem>>
      %dma_start3A_779 = tpu.memref_squeeze %dma_start3A_778 : memref<1x64xf32, #tpu.memory_space<vmem>> -> memref<64xf32, #tpu.memory_space<vmem>>
      %dma_start3A_780 = arith.constant 0 : i32
      %dma_start3A_781 = tpu.memref_slice %arg5[%squeeze3A_762, %dma_start3A_780] : memref<1000000x64xf32, #tpu.memory_space<hbm>> -> memref<1x64xf32, #tpu.memory_space<hbm>>
      %dma_start3A_782 = tpu.memref_squeeze %dma_start3A_781 : memref<1x64xf32, #tpu.memory_space<hbm>> -> memref<64xf32, #tpu.memory_space<hbm>>
      tpu.enqueue_dma source(%dma_start3A_782 : memref<64xf32, #tpu.memory_space<hbm>>) target(%dma_start3A_779 : memref<64xf32, #tpu.memory_space<vmem>>) target_semaphore(%arg15 : memref<!tpu.dma_semaphore, #tpu.memory_space<semaphore_mem>>)
      %dma_start3A_783 = arith.constant 64 : i32
      %dma_start3A_784 = tpu.memref_slice %arg12[%add3A_770, %dma_start3A_783] : memref<256x128xf32, #tpu.memory_space<vmem>> -> memref<1x64xf32, #tpu.memory_space<vmem>>
      %dma_start3A_785 = tpu.memref_squeeze %dma_start3A_784 : memref<1x64xf32, #tpu.memory_space<vmem>> -> memref<64xf32, #tpu.memory_space<vmem>>
      %dma_start3A_786 = arith.constant 0 : i32
      %dma_start3A_787 = tpu.memref_slice %arg6[%squeeze3A_764, %dma_start3A_786] : memref<1000x64xf32, #tpu.memory_space<hbm>> -> memref<1x64xf32, #tpu.memory_space<hbm>>
      %dma_start3A_788 = tpu.memref_squeeze %dma_start3A_787 : memref<1x64xf32, #tpu.memory_space<hbm>> -> memref<64xf32, #tpu.memory_space<hbm>>
      %dma_start3A_789 = arith.constant 64 : i32
      %dma_start3A_790 = tpu.memref_slice %arg12[%add3A_770, %dma_start3A_789] : memref<256x128xf32, #tpu.memory_space<vmem>> -> memref<1x64xf32, #tpu.memory_space<vmem>>
      %dma_start3A_791 = tpu.memref_squeeze %dma_start3A_790 : memref<1x64xf32, #tpu.memory_space<vmem>> -> memref<64xf32, #tpu.memory_space<vmem>>
      %dma_start3A_792 = arith.constant 0 : i32
      %dma_start3A_793 = tpu.memref_slice %arg6[%squeeze3A_764, %dma_start3A_792] : memref<1000x64xf32, #tpu.memory_space<hbm>> -> memref<1x64xf32, #tpu.memory_space<hbm>>
      %dma_start3A_794 = tpu.memref_squeeze %dma_start3A_793 : memref<1x64xf32, #tpu.memory_space<hbm>> -> memref<64xf32, #tpu.memory_space<hbm>>
      tpu.enqueue_dma source(%dma_start3A_794 : memref<64xf32, #tpu.memory_space<hbm>>) target(%dma_start3A_791 : memref<64xf32, #tpu.memory_space<vmem>>) target_semaphore(%arg16 : memref<!tpu.dma_semaphore, #tpu.memory_space<semaphore_mem>>)
      %dma_start3A_795 = arith.constant 64 : i32
      %dma_start3A_796 = tpu.memref_slice %arg13[%add3A_770, %dma_start3A_795] : memref<256x128xf32, #tpu.memory_space<vmem>> -> memref<1x64xf32, #tpu.memory_space<vmem>>
      %dma_start3A_797 = tpu.memref_squeeze %dma_start3A_796 : memref<1x64xf32, #tpu.memory_space<vmem>> -> memref<64xf32, #tpu.memory_space<vmem>>
      %dma_start3A_798 = arith.constant 0 : i32
      %dma_start3A_799 = tpu.memref_slice %arg5[%squeeze3A_766, %dma_start3A_798] : memref<1000000x64xf32, #tpu.memory_space<hbm>> -> memref<1x64xf32, #tpu.memory_space<hbm>>
      %dma_start3A_800 = tpu.memref_squeeze %dma_start3A_799 : memref<1x64xf32, #tpu.memory_space<hbm>> -> memref<64xf32, #tpu.memory_space<hbm>>
      %dma_start3A_801 = arith.constant 64 : i32
      %dma_start3A_802 = tpu.memref_slice %arg13[%add3A_770, %dma_start3A_801] : memref<256x128xf32, #tpu.memory_space<vmem>> -> memref<1x64xf32, #tpu.memory_space<vmem>>
      %dma_start3A_803 = tpu.memref_squeeze %dma_start3A_802 : memref<1x64xf32, #tpu.memory_space<vmem>> -> memref<64xf32, #tpu.memory_space<vmem>>
      %dma_start3A_804 = arith.constant 0 : i32
      %dma_start3A_805 = tpu.memref_slice %arg5[%squeeze3A_766, %dma_start3A_804] : memref<1000000x64xf32, #tpu.memory_space<hbm>> -> memref<1x64xf32, #tpu.memory_space<hbm>>
      %dma_start3A_806 = tpu.memref_squeeze %dma_start3A_805 : memref<1x64xf32, #tpu.memory_space<hbm>> -> memref<64xf32, #tpu.memory_space<hbm>>
      tpu.enqueue_dma source(%dma_start3A_806 : memref<64xf32, #tpu.memory_space<hbm>>) target(%dma_start3A_803 : memref<64xf32, #tpu.memory_space<vmem>>) target_semaphore(%arg17 : memref<!tpu.dma_semaphore, #tpu.memory_space<semaphore_mem>>)
    }
    %scan3A_7 = arith.constant 32 : i32
    %scan3A_8 = arith.constant 0 : i32
    %scan3A_9 = arith.constant 0 : i32
    %scan3A_10 = arith.constant 256 : i32
    %scan3A_11 = arith.addi %scan3A_9, %scan3A_10 : i32
    %scan3A_12 = arith.constant 1 : i32
    scf.for %scan3A_66 = %scan3A_9 to %scan3A_11 step %scan3A_12  : i32 {
      %dma_wait3A = arith.constant 0 : i32
      %dma_wait3A_67 = arith.constant 0 : i32
      %dma_wait3A_68 = tpu.memref_slice %arg11[%scan3A_66, %dma_wait3A_67] : memref<256x128xf32, #tpu.memory_space<vmem>> -> memref<1x64xf32, #tpu.memory_space<vmem>>
      %dma_wait3A_69 = tpu.memref_squeeze %dma_wait3A_68 : memref<1x64xf32, #tpu.memory_space<vmem>> -> memref<64xf32, #tpu.memory_space<vmem>>
      %dma_wait3A_70 = arith.constant 0 : i32
      %dma_wait3A_71 = tpu.memref_slice %arg5[%dma_wait3A, %dma_wait3A_70] : memref<1000000x64xf32, #tpu.memory_space<hbm>> -> memref<1x64xf32, #tpu.memory_space<hbm>>
      %dma_wait3A_72 = tpu.memref_squeeze %dma_wait3A_71 : memref<1x64xf32, #tpu.memory_space<hbm>> -> memref<64xf32, #tpu.memory_space<hbm>>
      %dma_wait3A_73 = arith.constant 0 : i32
      %dma_wait3A_74 = tpu.memref_slice %arg11[%scan3A_66, %dma_wait3A_73] : memref<256x128xf32, #tpu.memory_space<vmem>> -> memref<1x64xf32, #tpu.memory_space<vmem>>
      %dma_wait3A_75 = tpu.memref_squeeze %dma_wait3A_74 : memref<1x64xf32, #tpu.memory_space<vmem>> -> memref<64xf32, #tpu.memory_space<vmem>>
      %dma_wait3A_76 = arith.constant 0 : i32
      %dma_wait3A_77 = tpu.memref_slice %arg5[%dma_wait3A, %dma_wait3A_76] : memref<1000000x64xf32, #tpu.memory_space<hbm>> -> memref<1x64xf32, #tpu.memory_space<hbm>>
      %dma_wait3A_78 = tpu.memref_squeeze %dma_wait3A_77 : memref<1x64xf32, #tpu.memory_space<hbm>> -> memref<64xf32, #tpu.memory_space<hbm>>
      tpu.wait_dma2 semaphore(%arg15 : memref<!tpu.dma_semaphore, #tpu.memory_space<semaphore_mem>>) src(%dma_wait3A_78 : memref<64xf32, #tpu.memory_space<hbm>>) dst(%dma_wait3A_75 : memref<64xf32, #tpu.memory_space<vmem>>)
      %dma_wait3A_79 = arith.constant 0 : i32
      %dma_wait3A_80 = arith.constant 0 : i32
      %dma_wait3A_81 = tpu.memref_slice %arg12[%scan3A_66, %dma_wait3A_80] : memref<256x128xf32, #tpu.memory_space<vmem>> -> memref<1x64xf32, #tpu.memory_space<vmem>>
      %dma_wait3A_82 = tpu.memref_squeeze %dma_wait3A_81 : memref<1x64xf32, #tpu.memory_space<vmem>> -> memref<64xf32, #tpu.memory_space<vmem>>
      %dma_wait3A_83 = arith.constant 0 : i32
      %dma_wait3A_84 = tpu.memref_slice %arg6[%dma_wait3A_79, %dma_wait3A_83] : memref<1000x64xf32, #tpu.memory_space<hbm>> -> memref<1x64xf32, #tpu.memory_space<hbm>>
      %dma_wait3A_85 = tpu.memref_squeeze %dma_wait3A_84 : memref<1x64xf32, #tpu.memory_space<hbm>> -> memref<64xf32, #tpu.memory_space<hbm>>
      %dma_wait3A_86 = arith.constant 0 : i32
      %dma_wait3A_87 = tpu.memref_slice %arg12[%scan3A_66, %dma_wait3A_86] : memref<256x128xf32, #tpu.memory_space<vmem>> -> memref<1x64xf32, #tpu.memory_space<vmem>>
      %dma_wait3A_88 = tpu.memref_squeeze %dma_wait3A_87 : memref<1x64xf32, #tpu.memory_space<vmem>> -> memref<64xf32, #tpu.memory_space<vmem>>
      %dma_wait3A_89 = arith.constant 0 : i32
      %dma_wait3A_90 = tpu.memref_slice %arg6[%dma_wait3A_79, %dma_wait3A_89] : memref<1000x64xf32, #tpu.memory_space<hbm>> -> memref<1x64xf32, #tpu.memory_space<hbm>>
      %dma_wait3A_91 = tpu.memref_squeeze %dma_wait3A_90 : memref<1x64xf32, #tpu.memory_space<hbm>> -> memref<64xf32, #tpu.memory_space<hbm>>
      tpu.wait_dma2 semaphore(%arg16 : memref<!tpu.dma_semaphore, #tpu.memory_space<semaphore_mem>>) src(%dma_wait3A_91 : memref<64xf32, #tpu.memory_space<hbm>>) dst(%dma_wait3A_88 : memref<64xf32, #tpu.memory_space<vmem>>)
      %dma_wait3A_92 = arith.constant 0 : i32
      %dma_wait3A_93 = arith.constant 0 : i32
      %dma_wait3A_94 = tpu.memref_slice %arg13[%scan3A_66, %dma_wait3A_93] : memref<256x128xf32, #tpu.memory_space<vmem>> -> memref<1x64xf32, #tpu.memory_space<vmem>>
      %dma_wait3A_95 = tpu.memref_squeeze %dma_wait3A_94 : memref<1x64xf32, #tpu.memory_space<vmem>> -> memref<64xf32, #tpu.memory_space<vmem>>
      %dma_wait3A_96 = arith.constant 0 : i32
      %dma_wait3A_97 = tpu.memref_slice %arg5[%dma_wait3A_92, %dma_wait3A_96] : memref<1000000x64xf32, #tpu.memory_space<hbm>> -> memref<1x64xf32, #tpu.memory_space<hbm>>
      %dma_wait3A_98 = tpu.memref_squeeze %dma_wait3A_97 : memref<1x64xf32, #tpu.memory_space<hbm>> -> memref<64xf32, #tpu.memory_space<hbm>>
      %dma_wait3A_99 = arith.constant 0 : i32
      %dma_wait3A_100 = tpu.memref_slice %arg13[%scan3A_66, %dma_wait3A_99] : memref<256x128xf32, #tpu.memory_space<vmem>> -> memref<1x64xf32, #tpu.memory_space<vmem>>
      %dma_wait3A_101 = tpu.memref_squeeze %dma_wait3A_100 : memref<1x64xf32, #tpu.memory_space<vmem>> -> memref<64xf32, #tpu.memory_space<vmem>>
      %dma_wait3A_102 = arith.constant 0 : i32
      %dma_wait3A_103 = tpu.memref_slice %arg5[%dma_wait3A_92, %dma_wait3A_102] : memref<1000000x64xf32, #tpu.memory_space<hbm>> -> memref<1x64xf32, #tpu.memory_space<hbm>>
      %dma_wait3A_104 = tpu.memref_squeeze %dma_wait3A_103 : memref<1x64xf32, #tpu.memory_space<hbm>> -> memref<64xf32, #tpu.memory_space<hbm>>
      tpu.wait_dma2 semaphore(%arg17 : memref<!tpu.dma_semaphore, #tpu.memory_space<semaphore_mem>>) src(%dma_wait3A_104 : memref<64xf32, #tpu.memory_space<hbm>>) dst(%dma_wait3A_101 : memref<64xf32, #tpu.memory_space<vmem>>)
      %dma_wait3A_105 = arith.constant 0 : i32
      %dma_wait3A_106 = arith.constant 64 : i32
      %dma_wait3A_107 = tpu.memref_slice %arg11[%scan3A_66, %dma_wait3A_106] : memref<256x128xf32, #tpu.memory_space<vmem>> -> memref<1x64xf32, #tpu.memory_space<vmem>>
      %dma_wait3A_108 = tpu.memref_squeeze %dma_wait3A_107 : memref<1x64xf32, #tpu.memory_space<vmem>> -> memref<64xf32, #tpu.memory_space<vmem>>
      %dma_wait3A_109 = arith.constant 0 : i32
      %dma_wait3A_110 = tpu.memref_slice %arg5[%dma_wait3A_105, %dma_wait3A_109] : memref<1000000x64xf32, #tpu.memory_space<hbm>> -> memref<1x64xf32, #tpu.memory_space<hbm>>
      %dma_wait3A_111 = tpu.memref_squeeze %dma_wait3A_110 : memref<1x64xf32, #tpu.memory_space<hbm>> -> memref<64xf32, #tpu.memory_space<hbm>>
      %dma_wait3A_112 = arith.constant 64 : i32
      %dma_wait3A_113 = tpu.memref_slice %arg11[%scan3A_66, %dma_wait3A_112] : memref<256x128xf32, #tpu.memory_space<vmem>> -> memref<1x64xf32, #tpu.memory_space<vmem>>
      %dma_wait3A_114 = tpu.memref_squeeze %dma_wait3A_113 : memref<1x64xf32, #tpu.memory_space<vmem>> -> memref<64xf32, #tpu.memory_space<vmem>>
      %dma_wait3A_115 = arith.constant 0 : i32
      %dma_wait3A_116 = tpu.memref_slice %arg5[%dma_wait3A_105, %dma_wait3A_115] : memref<1000000x64xf32, #tpu.memory_space<hbm>> -> memref<1x64xf32, #tpu.memory_space<hbm>>
      %dma_wait3A_117 = tpu.memref_squeeze %dma_wait3A_116 : memref<1x64xf32, #tpu.memory_space<hbm>> -> memref<64xf32, #tpu.memory_space<hbm>>
      tpu.wait_dma2 semaphore(%arg15 : memref<!tpu.dma_semaphore, #tpu.memory_space<semaphore_mem>>) src(%dma_wait3A_117 : memref<64xf32, #tpu.memory_space<hbm>>) dst(%dma_wait3A_114 : memref<64xf32, #tpu.memory_space<vmem>>)
      %dma_wait3A_118 = arith.constant 0 : i32
      %dma_wait3A_119 = arith.constant 64 : i32
      %dma_wait3A_120 = tpu.memref_slice %arg12[%scan3A_66, %dma_wait3A_119] : memref<256x128xf32, #tpu.memory_space<vmem>> -> memref<1x64xf32, #tpu.memory_space<vmem>>
      %dma_wait3A_121 = tpu.memref_squeeze %dma_wait3A_120 : memref<1x64xf32, #tpu.memory_space<vmem>> -> memref<64xf32, #tpu.memory_space<vmem>>
      %dma_wait3A_122 = arith.constant 0 : i32
      %dma_wait3A_123 = tpu.memref_slice %arg6[%dma_wait3A_118, %dma_wait3A_122] : memref<1000x64xf32, #tpu.memory_space<hbm>> -> memref<1x64xf32, #tpu.memory_space<hbm>>
      %dma_wait3A_124 = tpu.memref_squeeze %dma_wait3A_123 : memref<1x64xf32, #tpu.memory_space<hbm>> -> memref<64xf32, #tpu.memory_space<hbm>>
      %dma_wait3A_125 = arith.constant 64 : i32
      %dma_wait3A_126 = tpu.memref_slice %arg12[%scan3A_66, %dma_wait3A_125] : memref<256x128xf32, #tpu.memory_space<vmem>> -> memref<1x64xf32, #tpu.memory_space<vmem>>
      %dma_wait3A_127 = tpu.memref_squeeze %dma_wait3A_126 : memref<1x64xf32, #tpu.memory_space<vmem>> -> memref<64xf32, #tpu.memory_space<vmem>>
      %dma_wait3A_128 = arith.constant 0 : i32
      %dma_wait3A_129 = tpu.memref_slice %arg6[%dma_wait3A_118, %dma_wait3A_128] : memref<1000x64xf32, #tpu.memory_space<hbm>> -> memref<1x64xf32, #tpu.memory_space<hbm>>
      %dma_wait3A_130 = tpu.memref_squeeze %dma_wait3A_129 : memref<1x64xf32, #tpu.memory_space<hbm>> -> memref<64xf32, #tpu.memory_space<hbm>>
      tpu.wait_dma2 semaphore(%arg16 : memref<!tpu.dma_semaphore, #tpu.memory_space<semaphore_mem>>) src(%dma_wait3A_130 : memref<64xf32, #tpu.memory_space<hbm>>) dst(%dma_wait3A_127 : memref<64xf32, #tpu.memory_space<vmem>>)
      %dma_wait3A_131 = arith.constant 0 : i32
      %dma_wait3A_132 = arith.constant 64 : i32
      %dma_wait3A_133 = tpu.memref_slice %arg13[%scan3A_66, %dma_wait3A_132] : memref<256x128xf32, #tpu.memory_space<vmem>> -> memref<1x64xf32, #tpu.memory_space<vmem>>
      %dma_wait3A_134 = tpu.memref_squeeze %dma_wait3A_133 : memref<1x64xf32, #tpu.memory_space<vmem>> -> memref<64xf32, #tpu.memory_space<vmem>>
      %dma_wait3A_135 = arith.constant 0 : i32
      %dma_wait3A_136 = tpu.memref_slice %arg5[%dma_wait3A_131, %dma_wait3A_135] : memref<1000000x64xf32, #tpu.memory_space<hbm>> -> memref<1x64xf32, #tpu.memory_space<hbm>>
      %dma_wait3A_137 = tpu.memref_squeeze %dma_wait3A_136 : memref<1x64xf32, #tpu.memory_space<hbm>> -> memref<64xf32, #tpu.memory_space<hbm>>
      %dma_wait3A_138 = arith.constant 64 : i32
      %dma_wait3A_139 = tpu.memref_slice %arg13[%scan3A_66, %dma_wait3A_138] : memref<256x128xf32, #tpu.memory_space<vmem>> -> memref<1x64xf32, #tpu.memory_space<vmem>>
      %dma_wait3A_140 = tpu.memref_squeeze %dma_wait3A_139 : memref<1x64xf32, #tpu.memory_space<vmem>> -> memref<64xf32, #tpu.memory_space<vmem>>
      %dma_wait3A_141 = arith.constant 0 : i32
      %dma_wait3A_142 = tpu.memref_slice %arg5[%dma_wait3A_131, %dma_wait3A_141] : memref<1000000x64xf32, #tpu.memory_space<hbm>> -> memref<1x64xf32, #tpu.memory_space<hbm>>
      %dma_wait3A_143 = tpu.memref_squeeze %dma_wait3A_142 : memref<1x64xf32, #tpu.memory_space<hbm>> -> memref<64xf32, #tpu.memory_space<hbm>>
      tpu.wait_dma2 semaphore(%arg17 : memref<!tpu.dma_semaphore, #tpu.memory_space<semaphore_mem>>) src(%dma_wait3A_143 : memref<64xf32, #tpu.memory_space<hbm>>) dst(%dma_wait3A_140 : memref<64xf32, #tpu.memory_space<vmem>>)
    }
    %scan3A_13 = arith.constant 256 : i32
    %jit3A = arith.constant 2 : i32
    %div3A = vector.broadcast %jit3A : i32 to vector<16xi32>
    %div3A_14 = arith.divsi %iota3A, %div3A : vector<16xi32>
    %sign3A = arith.constant 0 : i32
    %sign3A_15 = vector.broadcast %sign3A : i32 to vector<16xi32>
    %sign3A_16 = arith.cmpi sgt, %iota3A, %sign3A_15 : vector<16xi32>
    %sign3A_17 = arith.extui %sign3A_16 : vector<16xi1> to vector<16xi32>
    %sign3A_18 = arith.constant 0 : i32
    %sign3A_19 = vector.broadcast %sign3A_18 : i32 to vector<16xi32>
    %sign3A_20 = arith.cmpi slt, %iota3A, %sign3A_19 : vector<16xi32>
    %sign3A_21 = arith.extui %sign3A_20 : vector<16xi1> to vector<16xi32>
    %sign3A_22 = arith.subi %sign3A_17, %sign3A_21 : vector<16xi32>
    %sign3A_23 = arith.constant 0 : i32
    %sign3A_24 = arith.cmpi sgt, %jit3A, %sign3A_23 : i32
    %sign3A_25 = arith.extui %sign3A_24 : i1 to i32
    %sign3A_26 = arith.constant 0 : i32
    %sign3A_27 = arith.cmpi slt, %jit3A, %sign3A_26 : i32
    %sign3A_28 = arith.extui %sign3A_27 : i1 to i32
    %sign3A_29 = arith.subi %sign3A_25, %sign3A_28 : i32
    %ne3A = vector.broadcast %sign3A_29 : i32 to vector<16xi32>
    %ne3A_30 = arith.cmpi ne, %sign3A_22, %ne3A : vector<16xi32>
    %rem3A = vector.broadcast %jit3A : i32 to vector<16xi32>
    %rem3A_31 = arith.remsi %iota3A, %rem3A : vector<16xi32>
    %ne3A_32 = arith.constant 0 : i32
    %ne3A_33 = vector.broadcast %ne3A_32 : i32 to vector<16xi32>
    %ne3A_34 = arith.cmpi ne, %rem3A_31, %ne3A_33 : vector<16xi32>
    %and3A = arith.andi %ne3A_30, %ne3A_34 : vector<16xi1>
    %sub3A = arith.constant 1 : i32
    %sub3A_35 = vector.broadcast %sub3A : i32 to vector<16xi32>
    %sub3A_36 = arith.subi %div3A_14, %sub3A_35 : vector<16xi32>
    %select_n3A = arith.select %and3A, %sub3A_36, %div3A_14 : vector<16xi1>, vector<16xi32>
    %jit3A_37 = arith.constant 2 : i32
    %eq3A = arith.constant 0 : i32
    %eq3A_38 = arith.cmpi eq, %jit3A_37, %eq3A : i32
    %jit3A_39 = arith.constant 1 : i32
    %select_n3A_40 = arith.select %eq3A_38, %jit3A_39, %jit3A_37 : i32
    %rem3A_41 = vector.broadcast %select_n3A_40 : i32 to vector<16xi32>
    %rem3A_42 = arith.remsi %iota3A, %rem3A_41 : vector<16xi32>
    %ne3A_43 = arith.constant 0 : i32
    %ne3A_44 = vector.broadcast %ne3A_43 : i32 to vector<16xi32>
    %ne3A_45 = arith.cmpi ne, %rem3A_42, %ne3A_44 : vector<16xi32>
    %lt3A = arith.constant 0 : i32
    %lt3A_46 = vector.broadcast %lt3A : i32 to vector<16xi32>
    %lt3A_47 = arith.cmpi slt, %rem3A_42, %lt3A_46 : vector<16xi32>
    %lt3A_48 = arith.constant 0 : i32
    %lt3A_49 = arith.cmpi slt, %select_n3A_40, %lt3A_48 : i32
    %ne3A_50 = vector.broadcast %lt3A_49 : i1 to vector<16xi1>
    %ne3A_51 = vector.broadcast %ne3A_50 : vector<16xi1> to vector<16xi1>
    %ne3A_52 = arith.xori %lt3A_47, %ne3A_51 : vector<16xi1>
    %and3A_53 = arith.andi %ne3A_52, %ne3A_45 : vector<16xi1>
    %add3A_54 = vector.broadcast %select_n3A_40 : i32 to vector<16xi32>
    %add3A_55 = arith.addi %rem3A_42, %add3A_54 : vector<16xi32>
    %select_n3A_56 = arith.select %and3A_53, %add3A_55, %rem3A_42 : vector<16xi1>, vector<16xi32>
    %mul3A_57 = arith.constant 64 : i32
    %mul3A_58 = vector.broadcast %mul3A_57 : i32 to vector<16xi32>
    %mul3A_59 = arith.muli %select_n3A_56, %mul3A_58 : vector<16xi32>
    %scan3A_60 = arith.constant 0 : i32
    %scan3A_61 = arith.constant 0 : i32
    %scan3A_62 = arith.constant 32 : i32
    %scan3A_63 = arith.addi %scan3A_61, %scan3A_62 : i32
    %scan3A_64 = arith.constant 1 : i32
    scf.for %scan3A_66 = %scan3A_61 to %scan3A_63 step %scan3A_64  : i32 {
      %mul3A_67 = arith.constant 8 : i32
      %mul3A_68 = arith.muli %scan3A_66, %mul3A_67 : i32
      %add3A_69 = vector.broadcast %mul3A_68 : i32 to vector<16xi32>
      %add3A_70 = arith.addi %add3A_69, %select_n3A : vector<16xi32>
      %broadcast_in_dim3A = arith.constant 0.000000e+00 : f32
      %broadcast_in_dim3A_71 = vector.broadcast %broadcast_in_dim3A : f32 to vector<16xf32>
      %add3A_72 = arith.constant 0 : i32
      %add3A_73 = vector.broadcast %add3A_72 : i32 to vector<16xi32>
      %add3A_74 = arith.addi %mul3A_59, %add3A_73 : vector<16xi32>
      %gather3A = tpu.vector_load_idx %arg11[%add3A_70, %add3A_74] : memref<256x128xf32, #tpu.memory_space<vmem>>[vector<16xi32>, vector<16xi32>], vector<16xf32>,
      %gather3A_75 = tpu.vector_load_idx %arg12[%add3A_70, %add3A_74] : memref<256x128xf32, #tpu.memory_space<vmem>>[vector<16xi32>, vector<16xi32>], vector<16xf32>,
      %gather3A_76 = tpu.vector_load_idx %arg13[%add3A_70, %add3A_74] : memref<256x128xf32, #tpu.memory_space<vmem>>[vector<16xi32>, vector<16xi32>], vector<16xf32>,
      %add3A_77 = arith.addf %gather3A, %gather3A_75 : vector<16xf32>
      %sub3A_78 = arith.subf %add3A_77, %gather3A_76 : vector<16xf32>
      %mul3A_79 = arith.mulf %sub3A_78, %sub3A_78 : vector<16xf32>
      %add3A_80 = arith.addf %broadcast_in_dim3A_71, %mul3A_79 : vector<16xf32>
      %add3A_81 = arith.constant 1 : i32
      %add3A_82 = vector.broadcast %add3A_81 : i32 to vector<16xi32>
      %add3A_83 = arith.addi %mul3A_59, %add3A_82 : vector<16xi32>
      %gather3A_84 = tpu.vector_load_idx %arg11[%add3A_70, %add3A_83] : memref<256x128xf32, #tpu.memory_space<vmem>>[vector<16xi32>, vector<16xi32>], vector<16xf32>,
      %gather3A_85 = tpu.vector_load_idx %arg12[%add3A_70, %add3A_83] : memref<256x128xf32, #tpu.memory_space<vmem>>[vector<16xi32>, vector<16xi32>], vector<16xf32>,
      %gather3A_86 = tpu.vector_load_idx %arg13[%add3A_70, %add3A_83] : memref<256x128xf32, #tpu.memory_space<vmem>>[vector<16xi32>, vector<16xi32>], vector<16xf32>,
      %add3A_87 = arith.addf %gather3A_84, %gather3A_85 : vector<16xf32>
      %sub3A_88 = arith.subf %add3A_87, %gather3A_86 : vector<16xf32>
      %mul3A_89 = arith.mulf %sub3A_88, %sub3A_88 : vector<16xf32>
      %add3A_90 = arith.addf %add3A_80, %mul3A_89 : vector<16xf32>
      %add3A_91 = arith.constant 2 : i32
      %add3A_92 = vector.broadcast %add3A_91 : i32 to vector<16xi32>
      %add3A_93 = arith.addi %mul3A_59, %add3A_92 : vector<16xi32>
      %gather3A_94 = tpu.vector_load_idx %arg11[%add3A_70, %add3A_93] : memref<256x128xf32, #tpu.memory_space<vmem>>[vector<16xi32>, vector<16xi32>], vector<16xf32>,
      %gather3A_95 = tpu.vector_load_idx %arg12[%add3A_70, %add3A_93] : memref<256x128xf32, #tpu.memory_space<vmem>>[vector<16xi32>, vector<16xi32>], vector<16xf32>,
      %gather3A_96 = tpu.vector_load_idx %arg13[%add3A_70, %add3A_93] : memref<256x128xf32, #tpu.memory_space<vmem>>[vector<16xi32>, vector<16xi32>], vector<16xf32>,
      %add3A_97 = arith.addf %gather3A_94, %gather3A_95 : vector<16xf32>
      %sub3A_98 = arith.subf %add3A_97, %gather3A_96 : vector<16xf32>
      %mul3A_99 = arith.mulf %sub3A_98, %sub3A_98 : vector<16xf32>
      %add3A_100 = arith.addf %add3A_90, %mul3A_99 : vector<16xf32>
      %add3A_101 = arith.constant 3 : i32
      %add3A_102 = vector.broadcast %add3A_101 : i32 to vector<16xi32>
      %add3A_103 = arith.addi %mul3A_59, %add3A_102 : vector<16xi32>
      %gather3A_104 = tpu.vector_load_idx %arg11[%add3A_70, %add3A_103] : memref<256x128xf32, #tpu.memory_space<vmem>>[vector<16xi32>, vector<16xi32>], vector<16xf32>,
      %gather3A_105 = tpu.vector_load_idx %arg12[%add3A_70, %add3A_103] : memref<256x128xf32, #tpu.memory_space<vmem>>[vector<16xi32>, vector<16xi32>], vector<16xf32>,
      %gather3A_106 = tpu.vector_load_idx %arg13[%add3A_70, %add3A_103] : memref<256x128xf32, #tpu.memory_space<vmem>>[vector<16xi32>, vector<16xi32>], vector<16xf32>,
      %add3A_107 = arith.addf %gather3A_104, %gather3A_105 : vector<16xf32>
      %sub3A_108 = arith.subf %add3A_107, %gather3A_106 : vector<16xf32>
      %mul3A_109 = arith.mulf %sub3A_108, %sub3A_108 : vector<16xf32>
      %add3A_110 = arith.addf %add3A_100, %mul3A_109 : vector<16xf32>
      %add3A_111 = arith.constant 4 : i32
      %add3A_112 = vector.broadcast %add3A_111 : i32 to vector<16xi32>
      %add3A_113 = arith.addi %mul3A_59, %add3A_112 : vector<16xi32>
      %gather3A_114 = tpu.vector_load_idx %arg11[%add3A_70, %add3A_113] : memref<256x128xf32, #tpu.memory_space<vmem>>[vector<16xi32>, vector<16xi32>], vector<16xf32>,
      %gather3A_115 = tpu.vector_load_idx %arg12[%add3A_70, %add3A_113] : memref<256x128xf32, #tpu.memory_space<vmem>>[vector<16xi32>, vector<16xi32>], vector<16xf32>,
      %gather3A_116 = tpu.vector_load_idx %arg13[%add3A_70, %add3A_113] : memref<256x128xf32, #tpu.memory_space<vmem>>[vector<16xi32>, vector<16xi32>], vector<16xf32>,
      %add3A_117 = arith.addf %gather3A_114, %gather3A_115 : vector<16xf32>
      %sub3A_118 = arith.subf %add3A_117, %gather3A_116 : vector<16xf32>
      %mul3A_119 = arith.mulf %sub3A_118, %sub3A_118 : vector<16xf32>
      %add3A_120 = arith.addf %add3A_110, %mul3A_119 : vector<16xf32>
      %add3A_121 = arith.constant 5 : i32
      %add3A_122 = vector.broadcast %add3A_121 : i32 to vector<16xi32>
      %add3A_123 = arith.addi %mul3A_59, %add3A_122 : vector<16xi32>
      %gather3A_124 = tpu.vector_load_idx %arg11[%add3A_70, %add3A_123] : memref<256x128xf32, #tpu.memory_space<vmem>>[vector<16xi32>, vector<16xi32>], vector<16xf32>,
      %gather3A_125 = tpu.vector_load_idx %arg12[%add3A_70, %add3A_123] : memref<256x128xf32, #tpu.memory_space<vmem>>[vector<16xi32>, vector<16xi32>], vector<16xf32>,
      %gather3A_126 = tpu.vector_load_idx %arg13[%add3A_70, %add3A_123] : memref<256x128xf32, #tpu.memory_space<vmem>>[vector<16xi32>, vector<16xi32>], vector<16xf32>,
      %add3A_127 = arith.addf %gather3A_124, %gather3A_125 : vector<16xf32>
      %sub3A_128 = arith.subf %add3A_127, %gather3A_126 : vector<16xf32>
      %mul3A_129 = arith.mulf %sub3A_128, %sub3A_128 : vector<16xf32>
      %add3A_130 = arith.addf %add3A_120, %mul3A_129 : vector<16xf32>
      %add3A_131 = arith.constant 6 : i32
      %add3A_132 = vector.broadcast %add3A_131 : i32 to vector<16xi32>
      %add3A_133 = arith.addi %mul3A_59, %add3A_132 : vector<16xi32>
      %gather3A_134 = tpu.vector_load_idx %arg11[%add3A_70, %add3A_133] : memref<256x128xf32, #tpu.memory_space<vmem>>[vector<16xi32>, vector<16xi32>], vector<16xf32>,
      %gather3A_135 = tpu.vector_load_idx %arg12[%add3A_70, %add3A_133] : memref<256x128xf32, #tpu.memory_space<vmem>>[vector<16xi32>, vector<16xi32>], vector<16xf32>,
      %gather3A_136 = tpu.vector_load_idx %arg13[%add3A_70, %add3A_133] : memref<256x128xf32, #tpu.memory_space<vmem>>[vector<16xi32>, vector<16xi32>], vector<16xf32>,
      %add3A_137 = arith.addf %gather3A_134, %gather3A_135 : vector<16xf32>
      %sub3A_138 = arith.subf %add3A_137, %gather3A_136 : vector<16xf32>
      %mul3A_139 = arith.mulf %sub3A_138, %sub3A_138 : vector<16xf32>
      %add3A_140 = arith.addf %add3A_130, %mul3A_139 : vector<16xf32>
      %add3A_141 = arith.constant 7 : i32
      %add3A_142 = vector.broadcast %add3A_141 : i32 to vector<16xi32>
      %add3A_143 = arith.addi %mul3A_59, %add3A_142 : vector<16xi32>
      %gather3A_144 = tpu.vector_load_idx %arg11[%add3A_70, %add3A_143] : memref<256x128xf32, #tpu.memory_space<vmem>>[vector<16xi32>, vector<16xi32>], vector<16xf32>,
      %gather3A_145 = tpu.vector_load_idx %arg12[%add3A_70, %add3A_143] : memref<256x128xf32, #tpu.memory_space<vmem>>[vector<16xi32>, vector<16xi32>], vector<16xf32>,
      %gather3A_146 = tpu.vector_load_idx %arg13[%add3A_70, %add3A_143] : memref<256x128xf32, #tpu.memory_space<vmem>>[vector<16xi32>, vector<16xi32>], vector<16xf32>,
      %add3A_147 = arith.addf %gather3A_144, %gather3A_145 : vector<16xf32>
      %sub3A_148 = arith.subf %add3A_147, %gather3A_146 : vector<16xf32>
      %mul3A_149 = arith.mulf %sub3A_148, %sub3A_148 : vector<16xf32>
      %add3A_150 = arith.addf %add3A_140, %mul3A_149 : vector<16xf32>
      %add3A_151 = arith.constant 8 : i32
      %add3A_152 = vector.broadcast %add3A_151 : i32 to vector<16xi32>
      %add3A_153 = arith.addi %mul3A_59, %add3A_152 : vector<16xi32>
      %gather3A_154 = tpu.vector_load_idx %arg11[%add3A_70, %add3A_153] : memref<256x128xf32, #tpu.memory_space<vmem>>[vector<16xi32>, vector<16xi32>], vector<16xf32>,
      %gather3A_155 = tpu.vector_load_idx %arg12[%add3A_70, %add3A_153] : memref<256x128xf32, #tpu.memory_space<vmem>>[vector<16xi32>, vector<16xi32>], vector<16xf32>,
      %gather3A_156 = tpu.vector_load_idx %arg13[%add3A_70, %add3A_153] : memref<256x128xf32, #tpu.memory_space<vmem>>[vector<16xi32>, vector<16xi32>], vector<16xf32>,
      %add3A_157 = arith.addf %gather3A_154, %gather3A_155 : vector<16xf32>
      %sub3A_158 = arith.subf %add3A_157, %gather3A_156 : vector<16xf32>
      %mul3A_159 = arith.mulf %sub3A_158, %sub3A_158 : vector<16xf32>
      %add3A_160 = arith.addf %add3A_150, %mul3A_159 : vector<16xf32>
      %add3A_161 = arith.constant 9 : i32
      %add3A_162 = vector.broadcast %add3A_161 : i32 to vector<16xi32>
      %add3A_163 = arith.addi %mul3A_59, %add3A_162 : vector<16xi32>
      %gather3A_164 = tpu.vector_load_idx %arg11[%add3A_70, %add3A_163] : memref<256x128xf32, #tpu.memory_space<vmem>>[vector<16xi32>, vector<16xi32>], vector<16xf32>,
      %gather3A_165 = tpu.vector_load_idx %arg12[%add3A_70, %add3A_163] : memref<256x128xf32, #tpu.memory_space<vmem>>[vector<16xi32>, vector<16xi32>], vector<16xf32>,
      %gather3A_166 = tpu.vector_load_idx %arg13[%add3A_70, %add3A_163] : memref<256x128xf32, #tpu.memory_space<vmem>>[vector<16xi32>, vector<16xi32>], vector<16xf32>,
      %add3A_167 = arith.addf %gather3A_164, %gather3A_165 : vector<16xf32>
      %sub3A_168 = arith.subf %add3A_167, %gather3A_166 : vector<16xf32>
      %mul3A_169 = arith.mulf %sub3A_168, %sub3A_168 : vector<16xf32>
      %add3A_170 = arith.addf %add3A_160, %mul3A_169 : vector<16xf32>
      %add3A_171 = arith.constant 10 : i32
      %add3A_172 = vector.broadcast %add3A_171 : i32 to vector<16xi32>
      %add3A_173 = arith.addi %mul3A_59, %add3A_172 : vector<16xi32>
      %gather3A_174 = tpu.vector_load_idx %arg11[%add3A_70, %add3A_173] : memref<256x128xf32, #tpu.memory_space<vmem>>[vector<16xi32>, vector<16xi32>], vector<16xf32>,
      %gather3A_175 = tpu.vector_load_idx %arg12[%add3A_70, %add3A_173] : memref<256x128xf32, #tpu.memory_space<vmem>>[vector<16xi32>, vector<16xi32>], vector<16xf32>,
      %gather3A_176 = tpu.vector_load_idx %arg13[%add3A_70, %add3A_173] : memref<256x128xf32, #tpu.memory_space<vmem>>[vector<16xi32>, vector<16xi32>], vector<16xf32>,
      %add3A_177 = arith.addf %gather3A_174, %gather3A_175 : vector<16xf32>
      %sub3A_178 = arith.subf %add3A_177, %gather3A_176 : vector<16xf32>
      %mul3A_179 = arith.mulf %sub3A_178, %sub3A_178 : vector<16xf32>
      %add3A_180 = arith.addf %add3A_170, %mul3A_179 : vector<16xf32>
      %add3A_181 = arith.constant 11 : i32
      %add3A_182 = vector.broadcast %add3A_181 : i32 to vector<16xi32>
      %add3A_183 = arith.addi %mul3A_59, %add3A_182 : vector<16xi32>
      %gather3A_184 = tpu.vector_load_idx %arg11[%add3A_70, %add3A_183] : memref<256x128xf32, #tpu.memory_space<vmem>>[vector<16xi32>, vector<16xi32>], vector<16xf32>,
      %gather3A_185 = tpu.vector_load_idx %arg12[%add3A_70, %add3A_183] : memref<256x128xf32, #tpu.memory_space<vmem>>[vector<16xi32>, vector<16xi32>], vector<16xf32>,
      %gather3A_186 = tpu.vector_load_idx %arg13[%add3A_70, %add3A_183] : memref<256x128xf32, #tpu.memory_space<vmem>>[vector<16xi32>, vector<16xi32>], vector<16xf32>,
      %add3A_187 = arith.addf %gather3A_184, %gather3A_185 : vector<16xf32>
      %sub3A_188 = arith.subf %add3A_187, %gather3A_186 : vector<16xf32>
      %mul3A_189 = arith.mulf %sub3A_188, %sub3A_188 : vector<16xf32>
      %add3A_190 = arith.addf %add3A_180, %mul3A_189 : vector<16xf32>
      %add3A_191 = arith.constant 12 : i32
      %add3A_192 = vector.broadcast %add3A_191 : i32 to vector<16xi32>
      %add3A_193 = arith.addi %mul3A_59, %add3A_192 : vector<16xi32>
      %gather3A_194 = tpu.vector_load_idx %arg11[%add3A_70, %add3A_193] : memref<256x128xf32, #tpu.memory_space<vmem>>[vector<16xi32>, vector<16xi32>], vector<16xf32>,
      %gather3A_195 = tpu.vector_load_idx %arg12[%add3A_70, %add3A_193] : memref<256x128xf32, #tpu.memory_space<vmem>>[vector<16xi32>, vector<16xi32>], vector<16xf32>,
      %gather3A_196 = tpu.vector_load_idx %arg13[%add3A_70, %add3A_193] : memref<256x128xf32, #tpu.memory_space<vmem>>[vector<16xi32>, vector<16xi32>], vector<16xf32>,
      %add3A_197 = arith.addf %gather3A_194, %gather3A_195 : vector<16xf32>
      %sub3A_198 = arith.subf %add3A_197, %gather3A_196 : vector<16xf32>
      %mul3A_199 = arith.mulf %sub3A_198, %sub3A_198 : vector<16xf32>
      %add3A_200 = arith.addf %add3A_190, %mul3A_199 : vector<16xf32>
      %add3A_201 = arith.constant 13 : i32
      %add3A_202 = vector.broadcast %add3A_201 : i32 to vector<16xi32>
      %add3A_203 = arith.addi %mul3A_59, %add3A_202 : vector<16xi32>
      %gather3A_204 = tpu.vector_load_idx %arg11[%add3A_70, %add3A_203] : memref<256x128xf32, #tpu.memory_space<vmem>>[vector<16xi32>, vector<16xi32>], vector<16xf32>,
      %gather3A_205 = tpu.vector_load_idx %arg12[%add3A_70, %add3A_203] : memref<256x128xf32, #tpu.memory_space<vmem>>[vector<16xi32>, vector<16xi32>], vector<16xf32>,
      %gather3A_206 = tpu.vector_load_idx %arg13[%add3A_70, %add3A_203] : memref<256x128xf32, #tpu.memory_space<vmem>>[vector<16xi32>, vector<16xi32>], vector<16xf32>,
      %add3A_207 = arith.addf %gather3A_204, %gather3A_205 : vector<16xf32>
      %sub3A_208 = arith.subf %add3A_207, %gather3A_206 : vector<16xf32>
      %mul3A_209 = arith.mulf %sub3A_208, %sub3A_208 : vector<16xf32>
      %add3A_210 = arith.addf %add3A_200, %mul3A_209 : vector<16xf32>
      %add3A_211 = arith.constant 14 : i32
      %add3A_212 = vector.broadcast %add3A_211 : i32 to vector<16xi32>
      %add3A_213 = arith.addi %mul3A_59, %add3A_212 : vector<16xi32>
      %gather3A_214 = tpu.vector_load_idx %arg11[%add3A_70, %add3A_213] : memref<256x128xf32, #tpu.memory_space<vmem>>[vector<16xi32>, vector<16xi32>], vector<16xf32>,
      %gather3A_215 = tpu.vector_load_idx %arg12[%add3A_70, %add3A_213] : memref<256x128xf32, #tpu.memory_space<vmem>>[vector<16xi32>, vector<16xi32>], vector<16xf32>,
      %gather3A_216 = tpu.vector_load_idx %arg13[%add3A_70, %add3A_213] : memref<256x128xf32, #tpu.memory_space<vmem>>[vector<16xi32>, vector<16xi32>], vector<16xf32>,
      %add3A_217 = arith.addf %gather3A_214, %gather3A_215 : vector<16xf32>
      %sub3A_218 = arith.subf %add3A_217, %gather3A_216 : vector<16xf32>
      %mul3A_219 = arith.mulf %sub3A_218, %sub3A_218 : vector<16xf32>
      %add3A_220 = arith.addf %add3A_210, %mul3A_219 : vector<16xf32>
      %add3A_221 = arith.constant 15 : i32
      %add3A_222 = vector.broadcast %add3A_221 : i32 to vector<16xi32>
      %add3A_223 = arith.addi %mul3A_59, %add3A_222 : vector<16xi32>
      %gather3A_224 = tpu.vector_load_idx %arg11[%add3A_70, %add3A_223] : memref<256x128xf32, #tpu.memory_space<vmem>>[vector<16xi32>, vector<16xi32>], vector<16xf32>,
      %gather3A_225 = tpu.vector_load_idx %arg12[%add3A_70, %add3A_223] : memref<256x128xf32, #tpu.memory_space<vmem>>[vector<16xi32>, vector<16xi32>], vector<16xf32>,
      %gather3A_226 = tpu.vector_load_idx %arg13[%add3A_70, %add3A_223] : memref<256x128xf32, #tpu.memory_space<vmem>>[vector<16xi32>, vector<16xi32>], vector<16xf32>,
      %add3A_227 = arith.addf %gather3A_224, %gather3A_225 : vector<16xf32>
      %sub3A_228 = arith.subf %add3A_227, %gather3A_226 : vector<16xf32>
      %mul3A_229 = arith.mulf %sub3A_228, %sub3A_228 : vector<16xf32>
      %add3A_230 = arith.addf %add3A_220, %mul3A_229 : vector<16xf32>
      %add3A_231 = arith.constant 16 : i32
      %add3A_232 = vector.broadcast %add3A_231 : i32 to vector<16xi32>
      %add3A_233 = arith.addi %mul3A_59, %add3A_232 : vector<16xi32>
      %gather3A_234 = tpu.vector_load_idx %arg11[%add3A_70, %add3A_233] : memref<256x128xf32, #tpu.memory_space<vmem>>[vector<16xi32>, vector<16xi32>], vector<16xf32>,
      %gather3A_235 = tpu.vector_load_idx %arg12[%add3A_70, %add3A_233] : memref<256x128xf32, #tpu.memory_space<vmem>>[vector<16xi32>, vector<16xi32>], vector<16xf32>,
      %gather3A_236 = tpu.vector_load_idx %arg13[%add3A_70, %add3A_233] : memref<256x128xf32, #tpu.memory_space<vmem>>[vector<16xi32>, vector<16xi32>], vector<16xf32>,
      %add3A_237 = arith.addf %gather3A_234, %gather3A_235 : vector<16xf32>
      %sub3A_238 = arith.subf %add3A_237, %gather3A_236 : vector<16xf32>
      %mul3A_239 = arith.mulf %sub3A_238, %sub3A_238 : vector<16xf32>
      %add3A_240 = arith.addf %add3A_230, %mul3A_239 : vector<16xf32>
      %add3A_241 = arith.constant 17 : i32
      %add3A_242 = vector.broadcast %add3A_241 : i32 to vector<16xi32>
      %add3A_243 = arith.addi %mul3A_59, %add3A_242 : vector<16xi32>
      %gather3A_244 = tpu.vector_load_idx %arg11[%add3A_70, %add3A_243] : memref<256x128xf32, #tpu.memory_space<vmem>>[vector<16xi32>, vector<16xi32>], vector<16xf32>,
      %gather3A_245 = tpu.vector_load_idx %arg12[%add3A_70, %add3A_243] : memref<256x128xf32, #tpu.memory_space<vmem>>[vector<16xi32>, vector<16xi32>], vector<16xf32>,
      %gather3A_246 = tpu.vector_load_idx %arg13[%add3A_70, %add3A_243] : memref<256x128xf32, #tpu.memory_space<vmem>>[vector<16xi32>, vector<16xi32>], vector<16xf32>,
      %add3A_247 = arith.addf %gather3A_244, %gather3A_245 : vector<16xf32>
      %sub3A_248 = arith.subf %add3A_247, %gather3A_246 : vector<16xf32>
      %mul3A_249 = arith.mulf %sub3A_248, %sub3A_248 : vector<16xf32>
      %add3A_250 = arith.addf %add3A_240, %mul3A_249 : vector<16xf32>
      %add3A_251 = arith.constant 18 : i32
      %add3A_252 = vector.broadcast %add3A_251 : i32 to vector<16xi32>
      %add3A_253 = arith.addi %mul3A_59, %add3A_252 : vector<16xi32>
      %gather3A_254 = tpu.vector_load_idx %arg11[%add3A_70, %add3A_253] : memref<256x128xf32, #tpu.memory_space<vmem>>[vector<16xi32>, vector<16xi32>], vector<16xf32>,
      %gather3A_255 = tpu.vector_load_idx %arg12[%add3A_70, %add3A_253] : memref<256x128xf32, #tpu.memory_space<vmem>>[vector<16xi32>, vector<16xi32>], vector<16xf32>,
      %gather3A_256 = tpu.vector_load_idx %arg13[%add3A_70, %add3A_253] : memref<256x128xf32, #tpu.memory_space<vmem>>[vector<16xi32>, vector<16xi32>], vector<16xf32>,
      %add3A_257 = arith.addf %gather3A_254, %gather3A_255 : vector<16xf32>
      %sub3A_258 = arith.subf %add3A_257, %gather3A_256 : vector<16xf32>
      %mul3A_259 = arith.mulf %sub3A_258, %sub3A_258 : vector<16xf32>
      %add3A_260 = arith.addf %add3A_250, %mul3A_259 : vector<16xf32>
      %add3A_261 = arith.constant 19 : i32
      %add3A_262 = vector.broadcast %add3A_261 : i32 to vector<16xi32>
      %add3A_263 = arith.addi %mul3A_59, %add3A_262 : vector<16xi32>
      %gather3A_264 = tpu.vector_load_idx %arg11[%add3A_70, %add3A_263] : memref<256x128xf32, #tpu.memory_space<vmem>>[vector<16xi32>, vector<16xi32>], vector<16xf32>,
      %gather3A_265 = tpu.vector_load_idx %arg12[%add3A_70, %add3A_263] : memref<256x128xf32, #tpu.memory_space<vmem>>[vector<16xi32>, vector<16xi32>], vector<16xf32>,
      %gather3A_266 = tpu.vector_load_idx %arg13[%add3A_70, %add3A_263] : memref<256x128xf32, #tpu.memory_space<vmem>>[vector<16xi32>, vector<16xi32>], vector<16xf32>,
      %add3A_267 = arith.addf %gather3A_264, %gather3A_265 : vector<16xf32>
      %sub3A_268 = arith.subf %add3A_267, %gather3A_266 : vector<16xf32>
      %mul3A_269 = arith.mulf %sub3A_268, %sub3A_268 : vector<16xf32>
      %add3A_270 = arith.addf %add3A_260, %mul3A_269 : vector<16xf32>
      %add3A_271 = arith.constant 20 : i32
      %add3A_272 = vector.broadcast %add3A_271 : i32 to vector<16xi32>
      %add3A_273 = arith.addi %mul3A_59, %add3A_272 : vector<16xi32>
      %gather3A_274 = tpu.vector_load_idx %arg11[%add3A_70, %add3A_273] : memref<256x128xf32, #tpu.memory_space<vmem>>[vector<16xi32>, vector<16xi32>], vector<16xf32>,
      %gather3A_275 = tpu.vector_load_idx %arg12[%add3A_70, %add3A_273] : memref<256x128xf32, #tpu.memory_space<vmem>>[vector<16xi32>, vector<16xi32>], vector<16xf32>,
      %gather3A_276 = tpu.vector_load_idx %arg13[%add3A_70, %add3A_273] : memref<256x128xf32, #tpu.memory_space<vmem>>[vector<16xi32>, vector<16xi32>], vector<16xf32>,
      %add3A_277 = arith.addf %gather3A_274, %gather3A_275 : vector<16xf32>
      %sub3A_278 = arith.subf %add3A_277, %gather3A_276 : vector<16xf32>
      %mul3A_279 = arith.mulf %sub3A_278, %sub3A_278 : vector<16xf32>
      %add3A_280 = arith.addf %add3A_270, %mul3A_279 : vector<16xf32>
      %add3A_281 = arith.constant 21 : i32
      %add3A_282 = vector.broadcast %add3A_281 : i32 to vector<16xi32>
      %add3A_283 = arith.addi %mul3A_59, %add3A_282 : vector<16xi32>
      %gather3A_284 = tpu.vector_load_idx %arg11[%add3A_70, %add3A_283] : memref<256x128xf32, #tpu.memory_space<vmem>>[vector<16xi32>, vector<16xi32>], vector<16xf32>,
      %gather3A_285 = tpu.vector_load_idx %arg12[%add3A_70, %add3A_283] : memref<256x128xf32, #tpu.memory_space<vmem>>[vector<16xi32>, vector<16xi32>], vector<16xf32>,
      %gather3A_286 = tpu.vector_load_idx %arg13[%add3A_70, %add3A_283] : memref<256x128xf32, #tpu.memory_space<vmem>>[vector<16xi32>, vector<16xi32>], vector<16xf32>,
      %add3A_287 = arith.addf %gather3A_284, %gather3A_285 : vector<16xf32>
      %sub3A_288 = arith.subf %add3A_287, %gather3A_286 : vector<16xf32>
      %mul3A_289 = arith.mulf %sub3A_288, %sub3A_288 : vector<16xf32>
      %add3A_290 = arith.addf %add3A_280, %mul3A_289 : vector<16xf32>
      %add3A_291 = arith.constant 22 : i32
      %add3A_292 = vector.broadcast %add3A_291 : i32 to vector<16xi32>
      %add3A_293 = arith.addi %mul3A_59, %add3A_292 : vector<16xi32>
      %gather3A_294 = tpu.vector_load_idx %arg11[%add3A_70, %add3A_293] : memref<256x128xf32, #tpu.memory_space<vmem>>[vector<16xi32>, vector<16xi32>], vector<16xf32>,
      %gather3A_295 = tpu.vector_load_idx %arg12[%add3A_70, %add3A_293] : memref<256x128xf32, #tpu.memory_space<vmem>>[vector<16xi32>, vector<16xi32>], vector<16xf32>,
      %gather3A_296 = tpu.vector_load_idx %arg13[%add3A_70, %add3A_293] : memref<256x128xf32, #tpu.memory_space<vmem>>[vector<16xi32>, vector<16xi32>], vector<16xf32>,
      %add3A_297 = arith.addf %gather3A_294, %gather3A_295 : vector<16xf32>
      %sub3A_298 = arith.subf %add3A_297, %gather3A_296 : vector<16xf32>
      %mul3A_299 = arith.mulf %sub3A_298, %sub3A_298 : vector<16xf32>
      %add3A_300 = arith.addf %add3A_290, %mul3A_299 : vector<16xf32>
      %add3A_301 = arith.constant 23 : i32
      %add3A_302 = vector.broadcast %add3A_301 : i32 to vector<16xi32>
      %add3A_303 = arith.addi %mul3A_59, %add3A_302 : vector<16xi32>
      %gather3A_304 = tpu.vector_load_idx %arg11[%add3A_70, %add3A_303] : memref<256x128xf32, #tpu.memory_space<vmem>>[vector<16xi32>, vector<16xi32>], vector<16xf32>,
      %gather3A_305 = tpu.vector_load_idx %arg12[%add3A_70, %add3A_303] : memref<256x128xf32, #tpu.memory_space<vmem>>[vector<16xi32>, vector<16xi32>], vector<16xf32>,
      %gather3A_306 = tpu.vector_load_idx %arg13[%add3A_70, %add3A_303] : memref<256x128xf32, #tpu.memory_space<vmem>>[vector<16xi32>, vector<16xi32>], vector<16xf32>,
      %add3A_307 = arith.addf %gather3A_304, %gather3A_305 : vector<16xf32>
      %sub3A_308 = arith.subf %add3A_307, %gather3A_306 : vector<16xf32>
      %mul3A_309 = arith.mulf %sub3A_308, %sub3A_308 : vector<16xf32>
      %add3A_310 = arith.addf %add3A_300, %mul3A_309 : vector<16xf32>
      %add3A_311 = arith.constant 24 : i32
      %add3A_312 = vector.broadcast %add3A_311 : i32 to vector<16xi32>
      %add3A_313 = arith.addi %mul3A_59, %add3A_312 : vector<16xi32>
      %gather3A_314 = tpu.vector_load_idx %arg11[%add3A_70, %add3A_313] : memref<256x128xf32, #tpu.memory_space<vmem>>[vector<16xi32>, vector<16xi32>], vector<16xf32>,
      %gather3A_315 = tpu.vector_load_idx %arg12[%add3A_70, %add3A_313] : memref<256x128xf32, #tpu.memory_space<vmem>>[vector<16xi32>, vector<16xi32>], vector<16xf32>,
      %gather3A_316 = tpu.vector_load_idx %arg13[%add3A_70, %add3A_313] : memref<256x128xf32, #tpu.memory_space<vmem>>[vector<16xi32>, vector<16xi32>], vector<16xf32>,
      %add3A_317 = arith.addf %gather3A_314, %gather3A_315 : vector<16xf32>
      %sub3A_318 = arith.subf %add3A_317, %gather3A_316 : vector<16xf32>
      %mul3A_319 = arith.mulf %sub3A_318, %sub3A_318 : vector<16xf32>
      %add3A_320 = arith.addf %add3A_310, %mul3A_319 : vector<16xf32>
      %add3A_321 = arith.constant 25 : i32
      %add3A_322 = vector.broadcast %add3A_321 : i32 to vector<16xi32>
      %add3A_323 = arith.addi %mul3A_59, %add3A_322 : vector<16xi32>
      %gather3A_324 = tpu.vector_load_idx %arg11[%add3A_70, %add3A_323] : memref<256x128xf32, #tpu.memory_space<vmem>>[vector<16xi32>, vector<16xi32>], vector<16xf32>,
      %gather3A_325 = tpu.vector_load_idx %arg12[%add3A_70, %add3A_323] : memref<256x128xf32, #tpu.memory_space<vmem>>[vector<16xi32>, vector<16xi32>], vector<16xf32>,
      %gather3A_326 = tpu.vector_load_idx %arg13[%add3A_70, %add3A_323] : memref<256x128xf32, #tpu.memory_space<vmem>>[vector<16xi32>, vector<16xi32>], vector<16xf32>,
      %add3A_327 = arith.addf %gather3A_324, %gather3A_325 : vector<16xf32>
      %sub3A_328 = arith.subf %add3A_327, %gather3A_326 : vector<16xf32>
      %mul3A_329 = arith.mulf %sub3A_328, %sub3A_328 : vector<16xf32>
      %add3A_330 = arith.addf %add3A_320, %mul3A_329 : vector<16xf32>
      %add3A_331 = arith.constant 26 : i32
      %add3A_332 = vector.broadcast %add3A_331 : i32 to vector<16xi32>
      %add3A_333 = arith.addi %mul3A_59, %add3A_332 : vector<16xi32>
      %gather3A_334 = tpu.vector_load_idx %arg11[%add3A_70, %add3A_333] : memref<256x128xf32, #tpu.memory_space<vmem>>[vector<16xi32>, vector<16xi32>], vector<16xf32>,
      %gather3A_335 = tpu.vector_load_idx %arg12[%add3A_70, %add3A_333] : memref<256x128xf32, #tpu.memory_space<vmem>>[vector<16xi32>, vector<16xi32>], vector<16xf32>,
      %gather3A_336 = tpu.vector_load_idx %arg13[%add3A_70, %add3A_333] : memref<256x128xf32, #tpu.memory_space<vmem>>[vector<16xi32>, vector<16xi32>], vector<16xf32>,
      %add3A_337 = arith.addf %gather3A_334, %gather3A_335 : vector<16xf32>
      %sub3A_338 = arith.subf %add3A_337, %gather3A_336 : vector<16xf32>
      %mul3A_339 = arith.mulf %sub3A_338, %sub3A_338 : vector<16xf32>
      %add3A_340 = arith.addf %add3A_330, %mul3A_339 : vector<16xf32>
      %add3A_341 = arith.constant 27 : i32
      %add3A_342 = vector.broadcast %add3A_341 : i32 to vector<16xi32>
      %add3A_343 = arith.addi %mul3A_59, %add3A_342 : vector<16xi32>
      %gather3A_344 = tpu.vector_load_idx %arg11[%add3A_70, %add3A_343] : memref<256x128xf32, #tpu.memory_space<vmem>>[vector<16xi32>, vector<16xi32>], vector<16xf32>,
      %gather3A_345 = tpu.vector_load_idx %arg12[%add3A_70, %add3A_343] : memref<256x128xf32, #tpu.memory_space<vmem>>[vector<16xi32>, vector<16xi32>], vector<16xf32>,
      %gather3A_346 = tpu.vector_load_idx %arg13[%add3A_70, %add3A_343] : memref<256x128xf32, #tpu.memory_space<vmem>>[vector<16xi32>, vector<16xi32>], vector<16xf32>,
      %add3A_347 = arith.addf %gather3A_344, %gather3A_345 : vector<16xf32>
      %sub3A_348 = arith.subf %add3A_347, %gather3A_346 : vector<16xf32>
      %mul3A_349 = arith.mulf %sub3A_348, %sub3A_348 : vector<16xf32>
      %add3A_350 = arith.addf %add3A_340, %mul3A_349 : vector<16xf32>
      %add3A_351 = arith.constant 28 : i32
      %add3A_352 = vector.broadcast %add3A_351 : i32 to vector<16xi32>
      %add3A_353 = arith.addi %mul3A_59, %add3A_352 : vector<16xi32>
      %gather3A_354 = tpu.vector_load_idx %arg11[%add3A_70, %add3A_353] : memref<256x128xf32, #tpu.memory_space<vmem>>[vector<16xi32>, vector<16xi32>], vector<16xf32>,
      %gather3A_355 = tpu.vector_load_idx %arg12[%add3A_70, %add3A_353] : memref<256x128xf32, #tpu.memory_space<vmem>>[vector<16xi32>, vector<16xi32>], vector<16xf32>,
      %gather3A_356 = tpu.vector_load_idx %arg13[%add3A_70, %add3A_353] : memref<256x128xf32, #tpu.memory_space<vmem>>[vector<16xi32>, vector<16xi32>], vector<16xf32>,
      %add3A_357 = arith.addf %gather3A_354, %gather3A_355 : vector<16xf32>
      %sub3A_358 = arith.subf %add3A_357, %gather3A_356 : vector<16xf32>
      %mul3A_359 = arith.mulf %sub3A_358, %sub3A_358 : vector<16xf32>
      %add3A_360 = arith.addf %add3A_350, %mul3A_359 : vector<16xf32>
      %add3A_361 = arith.constant 29 : i32
      %add3A_362 = vector.broadcast %add3A_361 : i32 to vector<16xi32>
      %add3A_363 = arith.addi %mul3A_59, %add3A_362 : vector<16xi32>
      %gather3A_364 = tpu.vector_load_idx %arg11[%add3A_70, %add3A_363] : memref<256x128xf32, #tpu.memory_space<vmem>>[vector<16xi32>, vector<16xi32>], vector<16xf32>,
      %gather3A_365 = tpu.vector_load_idx %arg12[%add3A_70, %add3A_363] : memref<256x128xf32, #tpu.memory_space<vmem>>[vector<16xi32>, vector<16xi32>], vector<16xf32>,
      %gather3A_366 = tpu.vector_load_idx %arg13[%add3A_70, %add3A_363] : memref<256x128xf32, #tpu.memory_space<vmem>>[vector<16xi32>, vector<16xi32>], vector<16xf32>,
      %add3A_367 = arith.addf %gather3A_364, %gather3A_365 : vector<16xf32>
      %sub3A_368 = arith.subf %add3A_367, %gather3A_366 : vector<16xf32>
      %mul3A_369 = arith.mulf %sub3A_368, %sub3A_368 : vector<16xf32>
      %add3A_370 = arith.addf %add3A_360, %mul3A_369 : vector<16xf32>
      %add3A_371 = arith.constant 30 : i32
      %add3A_372 = vector.broadcast %add3A_371 : i32 to vector<16xi32>
      %add3A_373 = arith.addi %mul3A_59, %add3A_372 : vector<16xi32>
      %gather3A_374 = tpu.vector_load_idx %arg11[%add3A_70, %add3A_373] : memref<256x128xf32, #tpu.memory_space<vmem>>[vector<16xi32>, vector<16xi32>], vector<16xf32>,
      %gather3A_375 = tpu.vector_load_idx %arg12[%add3A_70, %add3A_373] : memref<256x128xf32, #tpu.memory_space<vmem>>[vector<16xi32>, vector<16xi32>], vector<16xf32>,
      %gather3A_376 = tpu.vector_load_idx %arg13[%add3A_70, %add3A_373] : memref<256x128xf32, #tpu.memory_space<vmem>>[vector<16xi32>, vector<16xi32>], vector<16xf32>,
      %add3A_377 = arith.addf %gather3A_374, %gather3A_375 : vector<16xf32>
      %sub3A_378 = arith.subf %add3A_377, %gather3A_376 : vector<16xf32>
      %mul3A_379 = arith.mulf %sub3A_378, %sub3A_378 : vector<16xf32>
      %add3A_380 = arith.addf %add3A_370, %mul3A_379 : vector<16xf32>
      %add3A_381 = arith.constant 31 : i32
      %add3A_382 = vector.broadcast %add3A_381 : i32 to vector<16xi32>
      %add3A_383 = arith.addi %mul3A_59, %add3A_382 : vector<16xi32>
      %gather3A_384 = tpu.vector_load_idx %arg11[%add3A_70, %add3A_383] : memref<256x128xf32, #tpu.memory_space<vmem>>[vector<16xi32>, vector<16xi32>], vector<16xf32>,
      %gather3A_385 = tpu.vector_load_idx %arg12[%add3A_70, %add3A_383] : memref<256x128xf32, #tpu.memory_space<vmem>>[vector<16xi32>, vector<16xi32>], vector<16xf32>,
      %gather3A_386 = tpu.vector_load_idx %arg13[%add3A_70, %add3A_383] : memref<256x128xf32, #tpu.memory_space<vmem>>[vector<16xi32>, vector<16xi32>], vector<16xf32>,
      %add3A_387 = arith.addf %gather3A_384, %gather3A_385 : vector<16xf32>
      %sub3A_388 = arith.subf %add3A_387, %gather3A_386 : vector<16xf32>
      %mul3A_389 = arith.mulf %sub3A_388, %sub3A_388 : vector<16xf32>
      %add3A_390 = arith.addf %add3A_380, %mul3A_389 : vector<16xf32>
      %add3A_391 = arith.constant 32 : i32
      %add3A_392 = vector.broadcast %add3A_391 : i32 to vector<16xi32>
      %add3A_393 = arith.addi %mul3A_59, %add3A_392 : vector<16xi32>
      %gather3A_394 = tpu.vector_load_idx %arg11[%add3A_70, %add3A_393] : memref<256x128xf32, #tpu.memory_space<vmem>>[vector<16xi32>, vector<16xi32>], vector<16xf32>,
      %gather3A_395 = tpu.vector_load_idx %arg12[%add3A_70, %add3A_393] : memref<256x128xf32, #tpu.memory_space<vmem>>[vector<16xi32>, vector<16xi32>], vector<16xf32>,
      %gather3A_396 = tpu.vector_load_idx %arg13[%add3A_70, %add3A_393] : memref<256x128xf32, #tpu.memory_space<vmem>>[vector<16xi32>, vector<16xi32>], vector<16xf32>,
      %add3A_397 = arith.addf %gather3A_394, %gather3A_395 : vector<16xf32>
      %sub3A_398 = arith.subf %add3A_397, %gather3A_396 : vector<16xf32>
      %mul3A_399 = arith.mulf %sub3A_398, %sub3A_398 : vector<16xf32>
      %add3A_400 = arith.addf %add3A_390, %mul3A_399 : vector<16xf32>
      %add3A_401 = arith.constant 33 : i32
      %add3A_402 = vector.broadcast %add3A_401 : i32 to vector<16xi32>
      %add3A_403 = arith.addi %mul3A_59, %add3A_402 : vector<16xi32>
      %gather3A_404 = tpu.vector_load_idx %arg11[%add3A_70, %add3A_403] : memref<256x128xf32, #tpu.memory_space<vmem>>[vector<16xi32>, vector<16xi32>], vector<16xf32>,
      %gather3A_405 = tpu.vector_load_idx %arg12[%add3A_70, %add3A_403] : memref<256x128xf32, #tpu.memory_space<vmem>>[vector<16xi32>, vector<16xi32>], vector<16xf32>,
      %gather3A_406 = tpu.vector_load_idx %arg13[%add3A_70, %add3A_403] : memref<256x128xf32, #tpu.memory_space<vmem>>[vector<16xi32>, vector<16xi32>], vector<16xf32>,
      %add3A_407 = arith.addf %gather3A_404, %gather3A_405 : vector<16xf32>
      %sub3A_408 = arith.subf %add3A_407, %gather3A_406 : vector<16xf32>
      %mul3A_409 = arith.mulf %sub3A_408, %sub3A_408 : vector<16xf32>
      %add3A_410 = arith.addf %add3A_400, %mul3A_409 : vector<16xf32>
      %add3A_411 = arith.constant 34 : i32
      %add3A_412 = vector.broadcast %add3A_411 : i32 to vector<16xi32>
      %add3A_413 = arith.addi %mul3A_59, %add3A_412 : vector<16xi32>
      %gather3A_414 = tpu.vector_load_idx %arg11[%add3A_70, %add3A_413] : memref<256x128xf32, #tpu.memory_space<vmem>>[vector<16xi32>, vector<16xi32>], vector<16xf32>,
      %gather3A_415 = tpu.vector_load_idx %arg12[%add3A_70, %add3A_413] : memref<256x128xf32, #tpu.memory_space<vmem>>[vector<16xi32>, vector<16xi32>], vector<16xf32>,
      %gather3A_416 = tpu.vector_load_idx %arg13[%add3A_70, %add3A_413] : memref<256x128xf32, #tpu.memory_space<vmem>>[vector<16xi32>, vector<16xi32>], vector<16xf32>,
      %add3A_417 = arith.addf %gather3A_414, %gather3A_415 : vector<16xf32>
      %sub3A_418 = arith.subf %add3A_417, %gather3A_416 : vector<16xf32>
      %mul3A_419 = arith.mulf %sub3A_418, %sub3A_418 : vector<16xf32>
      %add3A_420 = arith.addf %add3A_410, %mul3A_419 : vector<16xf32>
      %add3A_421 = arith.constant 35 : i32
      %add3A_422 = vector.broadcast %add3A_421 : i32 to vector<16xi32>
      %add3A_423 = arith.addi %mul3A_59, %add3A_422 : vector<16xi32>
      %gather3A_424 = tpu.vector_load_idx %arg11[%add3A_70, %add3A_423] : memref<256x128xf32, #tpu.memory_space<vmem>>[vector<16xi32>, vector<16xi32>], vector<16xf32>,
      %gather3A_425 = tpu.vector_load_idx %arg12[%add3A_70, %add3A_423] : memref<256x128xf32, #tpu.memory_space<vmem>>[vector<16xi32>, vector<16xi32>], vector<16xf32>,
      %gather3A_426 = tpu.vector_load_idx %arg13[%add3A_70, %add3A_423] : memref<256x128xf32, #tpu.memory_space<vmem>>[vector<16xi32>, vector<16xi32>], vector<16xf32>,
      %add3A_427 = arith.addf %gather3A_424, %gather3A_425 : vector<16xf32>
      %sub3A_428 = arith.subf %add3A_427, %gather3A_426 : vector<16xf32>
      %mul3A_429 = arith.mulf %sub3A_428, %sub3A_428 : vector<16xf32>
      %add3A_430 = arith.addf %add3A_420, %mul3A_429 : vector<16xf32>
      %add3A_431 = arith.constant 36 : i32
      %add3A_432 = vector.broadcast %add3A_431 : i32 to vector<16xi32>
      %add3A_433 = arith.addi %mul3A_59, %add3A_432 : vector<16xi32>
      %gather3A_434 = tpu.vector_load_idx %arg11[%add3A_70, %add3A_433] : memref<256x128xf32, #tpu.memory_space<vmem>>[vector<16xi32>, vector<16xi32>], vector<16xf32>,
      %gather3A_435 = tpu.vector_load_idx %arg12[%add3A_70, %add3A_433] : memref<256x128xf32, #tpu.memory_space<vmem>>[vector<16xi32>, vector<16xi32>], vector<16xf32>,
      %gather3A_436 = tpu.vector_load_idx %arg13[%add3A_70, %add3A_433] : memref<256x128xf32, #tpu.memory_space<vmem>>[vector<16xi32>, vector<16xi32>], vector<16xf32>,
      %add3A_437 = arith.addf %gather3A_434, %gather3A_435 : vector<16xf32>
      %sub3A_438 = arith.subf %add3A_437, %gather3A_436 : vector<16xf32>
      %mul3A_439 = arith.mulf %sub3A_438, %sub3A_438 : vector<16xf32>
      %add3A_440 = arith.addf %add3A_430, %mul3A_439 : vector<16xf32>
      %add3A_441 = arith.constant 37 : i32
      %add3A_442 = vector.broadcast %add3A_441 : i32 to vector<16xi32>
      %add3A_443 = arith.addi %mul3A_59, %add3A_442 : vector<16xi32>
      %gather3A_444 = tpu.vector_load_idx %arg11[%add3A_70, %add3A_443] : memref<256x128xf32, #tpu.memory_space<vmem>>[vector<16xi32>, vector<16xi32>], vector<16xf32>,
      %gather3A_445 = tpu.vector_load_idx %arg12[%add3A_70, %add3A_443] : memref<256x128xf32, #tpu.memory_space<vmem>>[vector<16xi32>, vector<16xi32>], vector<16xf32>,
      %gather3A_446 = tpu.vector_load_idx %arg13[%add3A_70, %add3A_443] : memref<256x128xf32, #tpu.memory_space<vmem>>[vector<16xi32>, vector<16xi32>], vector<16xf32>,
      %add3A_447 = arith.addf %gather3A_444, %gather3A_445 : vector<16xf32>
      %sub3A_448 = arith.subf %add3A_447, %gather3A_446 : vector<16xf32>
      %mul3A_449 = arith.mulf %sub3A_448, %sub3A_448 : vector<16xf32>
      %add3A_450 = arith.addf %add3A_440, %mul3A_449 : vector<16xf32>
      %add3A_451 = arith.constant 38 : i32
      %add3A_452 = vector.broadcast %add3A_451 : i32 to vector<16xi32>
      %add3A_453 = arith.addi %mul3A_59, %add3A_452 : vector<16xi32>
      %gather3A_454 = tpu.vector_load_idx %arg11[%add3A_70, %add3A_453] : memref<256x128xf32, #tpu.memory_space<vmem>>[vector<16xi32>, vector<16xi32>], vector<16xf32>,
      %gather3A_455 = tpu.vector_load_idx %arg12[%add3A_70, %add3A_453] : memref<256x128xf32, #tpu.memory_space<vmem>>[vector<16xi32>, vector<16xi32>], vector<16xf32>,
      %gather3A_456 = tpu.vector_load_idx %arg13[%add3A_70, %add3A_453] : memref<256x128xf32, #tpu.memory_space<vmem>>[vector<16xi32>, vector<16xi32>], vector<16xf32>,
      %add3A_457 = arith.addf %gather3A_454, %gather3A_455 : vector<16xf32>
      %sub3A_458 = arith.subf %add3A_457, %gather3A_456 : vector<16xf32>
      %mul3A_459 = arith.mulf %sub3A_458, %sub3A_458 : vector<16xf32>
      %add3A_460 = arith.addf %add3A_450, %mul3A_459 : vector<16xf32>
      %add3A_461 = arith.constant 39 : i32
      %add3A_462 = vector.broadcast %add3A_461 : i32 to vector<16xi32>
      %add3A_463 = arith.addi %mul3A_59, %add3A_462 : vector<16xi32>
      %gather3A_464 = tpu.vector_load_idx %arg11[%add3A_70, %add3A_463] : memref<256x128xf32, #tpu.memory_space<vmem>>[vector<16xi32>, vector<16xi32>], vector<16xf32>,
      %gather3A_465 = tpu.vector_load_idx %arg12[%add3A_70, %add3A_463] : memref<256x128xf32, #tpu.memory_space<vmem>>[vector<16xi32>, vector<16xi32>], vector<16xf32>,
      %gather3A_466 = tpu.vector_load_idx %arg13[%add3A_70, %add3A_463] : memref<256x128xf32, #tpu.memory_space<vmem>>[vector<16xi32>, vector<16xi32>], vector<16xf32>,
      %add3A_467 = arith.addf %gather3A_464, %gather3A_465 : vector<16xf32>
      %sub3A_468 = arith.subf %add3A_467, %gather3A_466 : vector<16xf32>
      %mul3A_469 = arith.mulf %sub3A_468, %sub3A_468 : vector<16xf32>
      %add3A_470 = arith.addf %add3A_460, %mul3A_469 : vector<16xf32>
      %add3A_471 = arith.constant 40 : i32
      %add3A_472 = vector.broadcast %add3A_471 : i32 to vector<16xi32>
      %add3A_473 = arith.addi %mul3A_59, %add3A_472 : vector<16xi32>
      %gather3A_474 = tpu.vector_load_idx %arg11[%add3A_70, %add3A_473] : memref<256x128xf32, #tpu.memory_space<vmem>>[vector<16xi32>, vector<16xi32>], vector<16xf32>,
      %gather3A_475 = tpu.vector_load_idx %arg12[%add3A_70, %add3A_473] : memref<256x128xf32, #tpu.memory_space<vmem>>[vector<16xi32>, vector<16xi32>], vector<16xf32>,
      %gather3A_476 = tpu.vector_load_idx %arg13[%add3A_70, %add3A_473] : memref<256x128xf32, #tpu.memory_space<vmem>>[vector<16xi32>, vector<16xi32>], vector<16xf32>,
      %add3A_477 = arith.addf %gather3A_474, %gather3A_475 : vector<16xf32>
      %sub3A_478 = arith.subf %add3A_477, %gather3A_476 : vector<16xf32>
      %mul3A_479 = arith.mulf %sub3A_478, %sub3A_478 : vector<16xf32>
      %add3A_480 = arith.addf %add3A_470, %mul3A_479 : vector<16xf32>
      %add3A_481 = arith.constant 41 : i32
      %add3A_482 = vector.broadcast %add3A_481 : i32 to vector<16xi32>
      %add3A_483 = arith.addi %mul3A_59, %add3A_482 : vector<16xi32>
      %gather3A_484 = tpu.vector_load_idx %arg11[%add3A_70, %add3A_483] : memref<256x128xf32, #tpu.memory_space<vmem>>[vector<16xi32>, vector<16xi32>], vector<16xf32>,
      %gather3A_485 = tpu.vector_load_idx %arg12[%add3A_70, %add3A_483] : memref<256x128xf32, #tpu.memory_space<vmem>>[vector<16xi32>, vector<16xi32>], vector<16xf32>,
      %gather3A_486 = tpu.vector_load_idx %arg13[%add3A_70, %add3A_483] : memref<256x128xf32, #tpu.memory_space<vmem>>[vector<16xi32>, vector<16xi32>], vector<16xf32>,
      %add3A_487 = arith.addf %gather3A_484, %gather3A_485 : vector<16xf32>
      %sub3A_488 = arith.subf %add3A_487, %gather3A_486 : vector<16xf32>
      %mul3A_489 = arith.mulf %sub3A_488, %sub3A_488 : vector<16xf32>
      %add3A_490 = arith.addf %add3A_480, %mul3A_489 : vector<16xf32>
      %add3A_491 = arith.constant 42 : i32
      %add3A_492 = vector.broadcast %add3A_491 : i32 to vector<16xi32>
      %add3A_493 = arith.addi %mul3A_59, %add3A_492 : vector<16xi32>
      %gather3A_494 = tpu.vector_load_idx %arg11[%add3A_70, %add3A_493] : memref<256x128xf32, #tpu.memory_space<vmem>>[vector<16xi32>, vector<16xi32>], vector<16xf32>,
      %gather3A_495 = tpu.vector_load_idx %arg12[%add3A_70, %add3A_493] : memref<256x128xf32, #tpu.memory_space<vmem>>[vector<16xi32>, vector<16xi32>], vector<16xf32>,
      %gather3A_496 = tpu.vector_load_idx %arg13[%add3A_70, %add3A_493] : memref<256x128xf32, #tpu.memory_space<vmem>>[vector<16xi32>, vector<16xi32>], vector<16xf32>,
      %add3A_497 = arith.addf %gather3A_494, %gather3A_495 : vector<16xf32>
      %sub3A_498 = arith.subf %add3A_497, %gather3A_496 : vector<16xf32>
      %mul3A_499 = arith.mulf %sub3A_498, %sub3A_498 : vector<16xf32>
      %add3A_500 = arith.addf %add3A_490, %mul3A_499 : vector<16xf32>
      %add3A_501 = arith.constant 43 : i32
      %add3A_502 = vector.broadcast %add3A_501 : i32 to vector<16xi32>
      %add3A_503 = arith.addi %mul3A_59, %add3A_502 : vector<16xi32>
      %gather3A_504 = tpu.vector_load_idx %arg11[%add3A_70, %add3A_503] : memref<256x128xf32, #tpu.memory_space<vmem>>[vector<16xi32>, vector<16xi32>], vector<16xf32>,
      %gather3A_505 = tpu.vector_load_idx %arg12[%add3A_70, %add3A_503] : memref<256x128xf32, #tpu.memory_space<vmem>>[vector<16xi32>, vector<16xi32>], vector<16xf32>,
      %gather3A_506 = tpu.vector_load_idx %arg13[%add3A_70, %add3A_503] : memref<256x128xf32, #tpu.memory_space<vmem>>[vector<16xi32>, vector<16xi32>], vector<16xf32>,
      %add3A_507 = arith.addf %gather3A_504, %gather3A_505 : vector<16xf32>
      %sub3A_508 = arith.subf %add3A_507, %gather3A_506 : vector<16xf32>
      %mul3A_509 = arith.mulf %sub3A_508, %sub3A_508 : vector<16xf32>
      %add3A_510 = arith.addf %add3A_500, %mul3A_509 : vector<16xf32>
      %add3A_511 = arith.constant 44 : i32
      %add3A_512 = vector.broadcast %add3A_511 : i32 to vector<16xi32>
      %add3A_513 = arith.addi %mul3A_59, %add3A_512 : vector<16xi32>
      %gather3A_514 = tpu.vector_load_idx %arg11[%add3A_70, %add3A_513] : memref<256x128xf32, #tpu.memory_space<vmem>>[vector<16xi32>, vector<16xi32>], vector<16xf32>,
      %gather3A_515 = tpu.vector_load_idx %arg12[%add3A_70, %add3A_513] : memref<256x128xf32, #tpu.memory_space<vmem>>[vector<16xi32>, vector<16xi32>], vector<16xf32>,
      %gather3A_516 = tpu.vector_load_idx %arg13[%add3A_70, %add3A_513] : memref<256x128xf32, #tpu.memory_space<vmem>>[vector<16xi32>, vector<16xi32>], vector<16xf32>,
      %add3A_517 = arith.addf %gather3A_514, %gather3A_515 : vector<16xf32>
      %sub3A_518 = arith.subf %add3A_517, %gather3A_516 : vector<16xf32>
      %mul3A_519 = arith.mulf %sub3A_518, %sub3A_518 : vector<16xf32>
      %add3A_520 = arith.addf %add3A_510, %mul3A_519 : vector<16xf32>
      %add3A_521 = arith.constant 45 : i32
      %add3A_522 = vector.broadcast %add3A_521 : i32 to vector<16xi32>
      %add3A_523 = arith.addi %mul3A_59, %add3A_522 : vector<16xi32>
      %gather3A_524 = tpu.vector_load_idx %arg11[%add3A_70, %add3A_523] : memref<256x128xf32, #tpu.memory_space<vmem>>[vector<16xi32>, vector<16xi32>], vector<16xf32>,
      %gather3A_525 = tpu.vector_load_idx %arg12[%add3A_70, %add3A_523] : memref<256x128xf32, #tpu.memory_space<vmem>>[vector<16xi32>, vector<16xi32>], vector<16xf32>,
      %gather3A_526 = tpu.vector_load_idx %arg13[%add3A_70, %add3A_523] : memref<256x128xf32, #tpu.memory_space<vmem>>[vector<16xi32>, vector<16xi32>], vector<16xf32>,
      %add3A_527 = arith.addf %gather3A_524, %gather3A_525 : vector<16xf32>
      %sub3A_528 = arith.subf %add3A_527, %gather3A_526 : vector<16xf32>
      %mul3A_529 = arith.mulf %sub3A_528, %sub3A_528 : vector<16xf32>
      %add3A_530 = arith.addf %add3A_520, %mul3A_529 : vector<16xf32>
      %add3A_531 = arith.constant 46 : i32
      %add3A_532 = vector.broadcast %add3A_531 : i32 to vector<16xi32>
      %add3A_533 = arith.addi %mul3A_59, %add3A_532 : vector<16xi32>
      %gather3A_534 = tpu.vector_load_idx %arg11[%add3A_70, %add3A_533] : memref<256x128xf32, #tpu.memory_space<vmem>>[vector<16xi32>, vector<16xi32>], vector<16xf32>,
      %gather3A_535 = tpu.vector_load_idx %arg12[%add3A_70, %add3A_533] : memref<256x128xf32, #tpu.memory_space<vmem>>[vector<16xi32>, vector<16xi32>], vector<16xf32>,
      %gather3A_536 = tpu.vector_load_idx %arg13[%add3A_70, %add3A_533] : memref<256x128xf32, #tpu.memory_space<vmem>>[vector<16xi32>, vector<16xi32>], vector<16xf32>,
      %add3A_537 = arith.addf %gather3A_534, %gather3A_535 : vector<16xf32>
      %sub3A_538 = arith.subf %add3A_537, %gather3A_536 : vector<16xf32>
      %mul3A_539 = arith.mulf %sub3A_538, %sub3A_538 : vector<16xf32>
      %add3A_540 = arith.addf %add3A_530, %mul3A_539 : vector<16xf32>
      %add3A_541 = arith.constant 47 : i32
      %add3A_542 = vector.broadcast %add3A_541 : i32 to vector<16xi32>
      %add3A_543 = arith.addi %mul3A_59, %add3A_542 : vector<16xi32>
      %gather3A_544 = tpu.vector_load_idx %arg11[%add3A_70, %add3A_543] : memref<256x128xf32, #tpu.memory_space<vmem>>[vector<16xi32>, vector<16xi32>], vector<16xf32>,
      %gather3A_545 = tpu.vector_load_idx %arg12[%add3A_70, %add3A_543] : memref<256x128xf32, #tpu.memory_space<vmem>>[vector<16xi32>, vector<16xi32>], vector<16xf32>,
      %gather3A_546 = tpu.vector_load_idx %arg13[%add3A_70, %add3A_543] : memref<256x128xf32, #tpu.memory_space<vmem>>[vector<16xi32>, vector<16xi32>], vector<16xf32>,
      %add3A_547 = arith.addf %gather3A_544, %gather3A_545 : vector<16xf32>
      %sub3A_548 = arith.subf %add3A_547, %gather3A_546 : vector<16xf32>
      %mul3A_549 = arith.mulf %sub3A_548, %sub3A_548 : vector<16xf32>
      %add3A_550 = arith.addf %add3A_540, %mul3A_549 : vector<16xf32>
      %add3A_551 = arith.constant 48 : i32
      %add3A_552 = vector.broadcast %add3A_551 : i32 to vector<16xi32>
      %add3A_553 = arith.addi %mul3A_59, %add3A_552 : vector<16xi32>
      %gather3A_554 = tpu.vector_load_idx %arg11[%add3A_70, %add3A_553] : memref<256x128xf32, #tpu.memory_space<vmem>>[vector<16xi32>, vector<16xi32>], vector<16xf32>,
      %gather3A_555 = tpu.vector_load_idx %arg12[%add3A_70, %add3A_553] : memref<256x128xf32, #tpu.memory_space<vmem>>[vector<16xi32>, vector<16xi32>], vector<16xf32>,
      %gather3A_556 = tpu.vector_load_idx %arg13[%add3A_70, %add3A_553] : memref<256x128xf32, #tpu.memory_space<vmem>>[vector<16xi32>, vector<16xi32>], vector<16xf32>,
      %add3A_557 = arith.addf %gather3A_554, %gather3A_555 : vector<16xf32>
      %sub3A_558 = arith.subf %add3A_557, %gather3A_556 : vector<16xf32>
      %mul3A_559 = arith.mulf %sub3A_558, %sub3A_558 : vector<16xf32>
      %add3A_560 = arith.addf %add3A_550, %mul3A_559 : vector<16xf32>
      %add3A_561 = arith.constant 49 : i32
      %add3A_562 = vector.broadcast %add3A_561 : i32 to vector<16xi32>
      %add3A_563 = arith.addi %mul3A_59, %add3A_562 : vector<16xi32>
      %gather3A_564 = tpu.vector_load_idx %arg11[%add3A_70, %add3A_563] : memref<256x128xf32, #tpu.memory_space<vmem>>[vector<16xi32>, vector<16xi32>], vector<16xf32>,
      %gather3A_565 = tpu.vector_load_idx %arg12[%add3A_70, %add3A_563] : memref<256x128xf32, #tpu.memory_space<vmem>>[vector<16xi32>, vector<16xi32>], vector<16xf32>,
      %gather3A_566 = tpu.vector_load_idx %arg13[%add3A_70, %add3A_563] : memref<256x128xf32, #tpu.memory_space<vmem>>[vector<16xi32>, vector<16xi32>], vector<16xf32>,
      %add3A_567 = arith.addf %gather3A_564, %gather3A_565 : vector<16xf32>
      %sub3A_568 = arith.subf %add3A_567, %gather3A_566 : vector<16xf32>
      %mul3A_569 = arith.mulf %sub3A_568, %sub3A_568 : vector<16xf32>
      %add3A_570 = arith.addf %add3A_560, %mul3A_569 : vector<16xf32>
      %add3A_571 = arith.constant 50 : i32
      %add3A_572 = vector.broadcast %add3A_571 : i32 to vector<16xi32>
      %add3A_573 = arith.addi %mul3A_59, %add3A_572 : vector<16xi32>
      %gather3A_574 = tpu.vector_load_idx %arg11[%add3A_70, %add3A_573] : memref<256x128xf32, #tpu.memory_space<vmem>>[vector<16xi32>, vector<16xi32>], vector<16xf32>,
      %gather3A_575 = tpu.vector_load_idx %arg12[%add3A_70, %add3A_573] : memref<256x128xf32, #tpu.memory_space<vmem>>[vector<16xi32>, vector<16xi32>], vector<16xf32>,
      %gather3A_576 = tpu.vector_load_idx %arg13[%add3A_70, %add3A_573] : memref<256x128xf32, #tpu.memory_space<vmem>>[vector<16xi32>, vector<16xi32>], vector<16xf32>,
      %add3A_577 = arith.addf %gather3A_574, %gather3A_575 : vector<16xf32>
      %sub3A_578 = arith.subf %add3A_577, %gather3A_576 : vector<16xf32>
      %mul3A_579 = arith.mulf %sub3A_578, %sub3A_578 : vector<16xf32>
      %add3A_580 = arith.addf %add3A_570, %mul3A_579 : vector<16xf32>
      %add3A_581 = arith.constant 51 : i32
      %add3A_582 = vector.broadcast %add3A_581 : i32 to vector<16xi32>
      %add3A_583 = arith.addi %mul3A_59, %add3A_582 : vector<16xi32>
      %gather3A_584 = tpu.vector_load_idx %arg11[%add3A_70, %add3A_583] : memref<256x128xf32, #tpu.memory_space<vmem>>[vector<16xi32>, vector<16xi32>], vector<16xf32>,
      %gather3A_585 = tpu.vector_load_idx %arg12[%add3A_70, %add3A_583] : memref<256x128xf32, #tpu.memory_space<vmem>>[vector<16xi32>, vector<16xi32>], vector<16xf32>,
      %gather3A_586 = tpu.vector_load_idx %arg13[%add3A_70, %add3A_583] : memref<256x128xf32, #tpu.memory_space<vmem>>[vector<16xi32>, vector<16xi32>], vector<16xf32>,
      %add3A_587 = arith.addf %gather3A_584, %gather3A_585 : vector<16xf32>
      %sub3A_588 = arith.subf %add3A_587, %gather3A_586 : vector<16xf32>
      %mul3A_589 = arith.mulf %sub3A_588, %sub3A_588 : vector<16xf32>
      %add3A_590 = arith.addf %add3A_580, %mul3A_589 : vector<16xf32>
      %add3A_591 = arith.constant 52 : i32
      %add3A_592 = vector.broadcast %add3A_591 : i32 to vector<16xi32>
      %add3A_593 = arith.addi %mul3A_59, %add3A_592 : vector<16xi32>
      %gather3A_594 = tpu.vector_load_idx %arg11[%add3A_70, %add3A_593] : memref<256x128xf32, #tpu.memory_space<vmem>>[vector<16xi32>, vector<16xi32>], vector<16xf32>,
      %gather3A_595 = tpu.vector_load_idx %arg12[%add3A_70, %add3A_593] : memref<256x128xf32, #tpu.memory_space<vmem>>[vector<16xi32>, vector<16xi32>], vector<16xf32>,
      %gather3A_596 = tpu.vector_load_idx %arg13[%add3A_70, %add3A_593] : memref<256x128xf32, #tpu.memory_space<vmem>>[vector<16xi32>, vector<16xi32>], vector<16xf32>,
      %add3A_597 = arith.addf %gather3A_594, %gather3A_595 : vector<16xf32>
      %sub3A_598 = arith.subf %add3A_597, %gather3A_596 : vector<16xf32>
      %mul3A_599 = arith.mulf %sub3A_598, %sub3A_598 : vector<16xf32>
      %add3A_600 = arith.addf %add3A_590, %mul3A_599 : vector<16xf32>
      %add3A_601 = arith.constant 53 : i32
      %add3A_602 = vector.broadcast %add3A_601 : i32 to vector<16xi32>
      %add3A_603 = arith.addi %mul3A_59, %add3A_602 : vector<16xi32>
      %gather3A_604 = tpu.vector_load_idx %arg11[%add3A_70, %add3A_603] : memref<256x128xf32, #tpu.memory_space<vmem>>[vector<16xi32>, vector<16xi32>], vector<16xf32>,
      %gather3A_605 = tpu.vector_load_idx %arg12[%add3A_70, %add3A_603] : memref<256x128xf32, #tpu.memory_space<vmem>>[vector<16xi32>, vector<16xi32>], vector<16xf32>,
      %gather3A_606 = tpu.vector_load_idx %arg13[%add3A_70, %add3A_603] : memref<256x128xf32, #tpu.memory_space<vmem>>[vector<16xi32>, vector<16xi32>], vector<16xf32>,
      %add3A_607 = arith.addf %gather3A_604, %gather3A_605 : vector<16xf32>
      %sub3A_608 = arith.subf %add3A_607, %gather3A_606 : vector<16xf32>
      %mul3A_609 = arith.mulf %sub3A_608, %sub3A_608 : vector<16xf32>
      %add3A_610 = arith.addf %add3A_600, %mul3A_609 : vector<16xf32>
      %add3A_611 = arith.constant 54 : i32
      %add3A_612 = vector.broadcast %add3A_611 : i32 to vector<16xi32>
      %add3A_613 = arith.addi %mul3A_59, %add3A_612 : vector<16xi32>
      %gather3A_614 = tpu.vector_load_idx %arg11[%add3A_70, %add3A_613] : memref<256x128xf32, #tpu.memory_space<vmem>>[vector<16xi32>, vector<16xi32>], vector<16xf32>,
      %gather3A_615 = tpu.vector_load_idx %arg12[%add3A_70, %add3A_613] : memref<256x128xf32, #tpu.memory_space<vmem>>[vector<16xi32>, vector<16xi32>], vector<16xf32>,
      %gather3A_616 = tpu.vector_load_idx %arg13[%add3A_70, %add3A_613] : memref<256x128xf32, #tpu.memory_space<vmem>>[vector<16xi32>, vector<16xi32>], vector<16xf32>,
      %add3A_617 = arith.addf %gather3A_614, %gather3A_615 : vector<16xf32>
      %sub3A_618 = arith.subf %add3A_617, %gather3A_616 : vector<16xf32>
      %mul3A_619 = arith.mulf %sub3A_618, %sub3A_618 : vector<16xf32>
      %add3A_620 = arith.addf %add3A_610, %mul3A_619 : vector<16xf32>
      %add3A_621 = arith.constant 55 : i32
      %add3A_622 = vector.broadcast %add3A_621 : i32 to vector<16xi32>
      %add3A_623 = arith.addi %mul3A_59, %add3A_622 : vector<16xi32>
      %gather3A_624 = tpu.vector_load_idx %arg11[%add3A_70, %add3A_623] : memref<256x128xf32, #tpu.memory_space<vmem>>[vector<16xi32>, vector<16xi32>], vector<16xf32>,
      %gather3A_625 = tpu.vector_load_idx %arg12[%add3A_70, %add3A_623] : memref<256x128xf32, #tpu.memory_space<vmem>>[vector<16xi32>, vector<16xi32>], vector<16xf32>,
      %gather3A_626 = tpu.vector_load_idx %arg13[%add3A_70, %add3A_623] : memref<256x128xf32, #tpu.memory_space<vmem>>[vector<16xi32>, vector<16xi32>], vector<16xf32>,
      %add3A_627 = arith.addf %gather3A_624, %gather3A_625 : vector<16xf32>
      %sub3A_628 = arith.subf %add3A_627, %gather3A_626 : vector<16xf32>
      %mul3A_629 = arith.mulf %sub3A_628, %sub3A_628 : vector<16xf32>
      %add3A_630 = arith.addf %add3A_620, %mul3A_629 : vector<16xf32>
      %add3A_631 = arith.constant 56 : i32
      %add3A_632 = vector.broadcast %add3A_631 : i32 to vector<16xi32>
      %add3A_633 = arith.addi %mul3A_59, %add3A_632 : vector<16xi32>
      %gather3A_634 = tpu.vector_load_idx %arg11[%add3A_70, %add3A_633] : memref<256x128xf32, #tpu.memory_space<vmem>>[vector<16xi32>, vector<16xi32>], vector<16xf32>,
      %gather3A_635 = tpu.vector_load_idx %arg12[%add3A_70, %add3A_633] : memref<256x128xf32, #tpu.memory_space<vmem>>[vector<16xi32>, vector<16xi32>], vector<16xf32>,
      %gather3A_636 = tpu.vector_load_idx %arg13[%add3A_70, %add3A_633] : memref<256x128xf32, #tpu.memory_space<vmem>>[vector<16xi32>, vector<16xi32>], vector<16xf32>,
      %add3A_637 = arith.addf %gather3A_634, %gather3A_635 : vector<16xf32>
      %sub3A_638 = arith.subf %add3A_637, %gather3A_636 : vector<16xf32>
      %mul3A_639 = arith.mulf %sub3A_638, %sub3A_638 : vector<16xf32>
      %add3A_640 = arith.addf %add3A_630, %mul3A_639 : vector<16xf32>
      %add3A_641 = arith.constant 57 : i32
      %add3A_642 = vector.broadcast %add3A_641 : i32 to vector<16xi32>
      %add3A_643 = arith.addi %mul3A_59, %add3A_642 : vector<16xi32>
      %gather3A_644 = tpu.vector_load_idx %arg11[%add3A_70, %add3A_643] : memref<256x128xf32, #tpu.memory_space<vmem>>[vector<16xi32>, vector<16xi32>], vector<16xf32>,
      %gather3A_645 = tpu.vector_load_idx %arg12[%add3A_70, %add3A_643] : memref<256x128xf32, #tpu.memory_space<vmem>>[vector<16xi32>, vector<16xi32>], vector<16xf32>,
      %gather3A_646 = tpu.vector_load_idx %arg13[%add3A_70, %add3A_643] : memref<256x128xf32, #tpu.memory_space<vmem>>[vector<16xi32>, vector<16xi32>], vector<16xf32>,
      %add3A_647 = arith.addf %gather3A_644, %gather3A_645 : vector<16xf32>
      %sub3A_648 = arith.subf %add3A_647, %gather3A_646 : vector<16xf32>
      %mul3A_649 = arith.mulf %sub3A_648, %sub3A_648 : vector<16xf32>
      %add3A_650 = arith.addf %add3A_640, %mul3A_649 : vector<16xf32>
      %add3A_651 = arith.constant 58 : i32
      %add3A_652 = vector.broadcast %add3A_651 : i32 to vector<16xi32>
      %add3A_653 = arith.addi %mul3A_59, %add3A_652 : vector<16xi32>
      %gather3A_654 = tpu.vector_load_idx %arg11[%add3A_70, %add3A_653] : memref<256x128xf32, #tpu.memory_space<vmem>>[vector<16xi32>, vector<16xi32>], vector<16xf32>,
      %gather3A_655 = tpu.vector_load_idx %arg12[%add3A_70, %add3A_653] : memref<256x128xf32, #tpu.memory_space<vmem>>[vector<16xi32>, vector<16xi32>], vector<16xf32>,
      %gather3A_656 = tpu.vector_load_idx %arg13[%add3A_70, %add3A_653] : memref<256x128xf32, #tpu.memory_space<vmem>>[vector<16xi32>, vector<16xi32>], vector<16xf32>,
      %add3A_657 = arith.addf %gather3A_654, %gather3A_655 : vector<16xf32>
      %sub3A_658 = arith.subf %add3A_657, %gather3A_656 : vector<16xf32>
      %mul3A_659 = arith.mulf %sub3A_658, %sub3A_658 : vector<16xf32>
      %add3A_660 = arith.addf %add3A_650, %mul3A_659 : vector<16xf32>
      %add3A_661 = arith.constant 59 : i32
      %add3A_662 = vector.broadcast %add3A_661 : i32 to vector<16xi32>
      %add3A_663 = arith.addi %mul3A_59, %add3A_662 : vector<16xi32>
      %gather3A_664 = tpu.vector_load_idx %arg11[%add3A_70, %add3A_663] : memref<256x128xf32, #tpu.memory_space<vmem>>[vector<16xi32>, vector<16xi32>], vector<16xf32>,
      %gather3A_665 = tpu.vector_load_idx %arg12[%add3A_70, %add3A_663] : memref<256x128xf32, #tpu.memory_space<vmem>>[vector<16xi32>, vector<16xi32>], vector<16xf32>,
      %gather3A_666 = tpu.vector_load_idx %arg13[%add3A_70, %add3A_663] : memref<256x128xf32, #tpu.memory_space<vmem>>[vector<16xi32>, vector<16xi32>], vector<16xf32>,
      %add3A_667 = arith.addf %gather3A_664, %gather3A_665 : vector<16xf32>
      %sub3A_668 = arith.subf %add3A_667, %gather3A_666 : vector<16xf32>
      %mul3A_669 = arith.mulf %sub3A_668, %sub3A_668 : vector<16xf32>
      %add3A_670 = arith.addf %add3A_660, %mul3A_669 : vector<16xf32>
      %add3A_671 = arith.constant 60 : i32
      %add3A_672 = vector.broadcast %add3A_671 : i32 to vector<16xi32>
      %add3A_673 = arith.addi %mul3A_59, %add3A_672 : vector<16xi32>
      %gather3A_674 = tpu.vector_load_idx %arg11[%add3A_70, %add3A_673] : memref<256x128xf32, #tpu.memory_space<vmem>>[vector<16xi32>, vector<16xi32>], vector<16xf32>,
      %gather3A_675 = tpu.vector_load_idx %arg12[%add3A_70, %add3A_673] : memref<256x128xf32, #tpu.memory_space<vmem>>[vector<16xi32>, vector<16xi32>], vector<16xf32>,
      %gather3A_676 = tpu.vector_load_idx %arg13[%add3A_70, %add3A_673] : memref<256x128xf32, #tpu.memory_space<vmem>>[vector<16xi32>, vector<16xi32>], vector<16xf32>,
      %add3A_677 = arith.addf %gather3A_674, %gather3A_675 : vector<16xf32>
      %sub3A_678 = arith.subf %add3A_677, %gather3A_676 : vector<16xf32>
      %mul3A_679 = arith.mulf %sub3A_678, %sub3A_678 : vector<16xf32>
      %add3A_680 = arith.addf %add3A_670, %mul3A_679 : vector<16xf32>
      %add3A_681 = arith.constant 61 : i32
      %add3A_682 = vector.broadcast %add3A_681 : i32 to vector<16xi32>
      %add3A_683 = arith.addi %mul3A_59, %add3A_682 : vector<16xi32>
      %gather3A_684 = tpu.vector_load_idx %arg11[%add3A_70, %add3A_683] : memref<256x128xf32, #tpu.memory_space<vmem>>[vector<16xi32>, vector<16xi32>], vector<16xf32>,
      %gather3A_685 = tpu.vector_load_idx %arg12[%add3A_70, %add3A_683] : memref<256x128xf32, #tpu.memory_space<vmem>>[vector<16xi32>, vector<16xi32>], vector<16xf32>,
      %gather3A_686 = tpu.vector_load_idx %arg13[%add3A_70, %add3A_683] : memref<256x128xf32, #tpu.memory_space<vmem>>[vector<16xi32>, vector<16xi32>], vector<16xf32>,
      %add3A_687 = arith.addf %gather3A_684, %gather3A_685 : vector<16xf32>
      %sub3A_688 = arith.subf %add3A_687, %gather3A_686 : vector<16xf32>
      %mul3A_689 = arith.mulf %sub3A_688, %sub3A_688 : vector<16xf32>
      %add3A_690 = arith.addf %add3A_680, %mul3A_689 : vector<16xf32>
      %add3A_691 = arith.constant 62 : i32
      %add3A_692 = vector.broadcast %add3A_691 : i32 to vector<16xi32>
      %add3A_693 = arith.addi %mul3A_59, %add3A_692 : vector<16xi32>
      %gather3A_694 = tpu.vector_load_idx %arg11[%add3A_70, %add3A_693] : memref<256x128xf32, #tpu.memory_space<vmem>>[vector<16xi32>, vector<16xi32>], vector<16xf32>,
      %gather3A_695 = tpu.vector_load_idx %arg12[%add3A_70, %add3A_693] : memref<256x128xf32, #tpu.memory_space<vmem>>[vector<16xi32>, vector<16xi32>], vector<16xf32>,
      %gather3A_696 = tpu.vector_load_idx %arg13[%add3A_70, %add3A_693] : memref<256x128xf32, #tpu.memory_space<vmem>>[vector<16xi32>, vector<16xi32>], vector<16xf32>,
      %add3A_697 = arith.addf %gather3A_694, %gather3A_695 : vector<16xf32>
      %sub3A_698 = arith.subf %add3A_697, %gather3A_696 : vector<16xf32>
      %mul3A_699 = arith.mulf %sub3A_698, %sub3A_698 : vector<16xf32>
      %add3A_700 = arith.addf %add3A_690, %mul3A_699 : vector<16xf32>
      %add3A_701 = arith.constant 63 : i32
      %add3A_702 = vector.broadcast %add3A_701 : i32 to vector<16xi32>
      %add3A_703 = arith.addi %mul3A_59, %add3A_702 : vector<16xi32>
      %gather3A_704 = tpu.vector_load_idx %arg11[%add3A_70, %add3A_703] : memref<256x128xf32, #tpu.memory_space<vmem>>[vector<16xi32>, vector<16xi32>], vector<16xf32>,
      %gather3A_705 = tpu.vector_load_idx %arg12[%add3A_70, %add3A_703] : memref<256x128xf32, #tpu.memory_space<vmem>>[vector<16xi32>, vector<16xi32>], vector<16xf32>,
      %gather3A_706 = tpu.vector_load_idx %arg13[%add3A_70, %add3A_703] : memref<256x128xf32, #tpu.memory_space<vmem>>[vector<16xi32>, vector<16xi32>], vector<16xf32>,
      %add3A_707 = arith.addf %gather3A_704, %gather3A_705 : vector<16xf32>
      %sub3A_708 = arith.subf %add3A_707, %gather3A_706 : vector<16xf32>
      %mul3A_709 = arith.mulf %sub3A_708, %sub3A_708 : vector<16xf32>
      %add3A_710 = arith.addf %add3A_700, %mul3A_709 : vector<16xf32>
      %max3A = arith.constant 1.000000e-30 : f32
      %max3A_711 = vector.broadcast %max3A : f32 to vector<16xf32>
      %max3A_712 = arith.maximumf %add3A_710, %max3A_711 : vector<16xf32>
      %bitcast3A = vector.bitcast %max3A_712 : vector<16xf32> to vector<16xi32>
      %shift_right_arithmetic3A = arith.constant 1 : i32
      %shift_right_arithmetic3A_713 = vector.broadcast %shift_right_arithmetic3A : i32 to vector<16xi32>
      %shift_right_arithmetic3A_714 = arith.shrsi %bitcast3A, %shift_right_arithmetic3A_713 : vector<16xi32>
      %sub3A_715 = arith.constant 1597463007 : i32
      %sub3A_716 = vector.broadcast %sub3A_715 : i32 to vector<16xi32>
      %sub3A_717 = arith.subi %sub3A_716, %shift_right_arithmetic3A_714 : vector<16xi32>
      %bitcast3A_718 = vector.bitcast %sub3A_717 : vector<16xi32> to vector<16xf32>
      %mul3A_719 = arith.constant 5.000000e-01 : f32
      %mul3A_720 = vector.broadcast %mul3A_719 : f32 to vector<16xf32>
      %mul3A_721 = arith.mulf %mul3A_720, %max3A_712 : vector<16xf32>
      %mul3A_722 = arith.mulf %mul3A_721, %bitcast3A_718 : vector<16xf32>
      %mul3A_723 = arith.mulf %mul3A_722, %bitcast3A_718 : vector<16xf32>
      %sub3A_724 = arith.constant 1.500000e+00 : f32
      %sub3A_725 = vector.broadcast %sub3A_724 : f32 to vector<16xf32>
      %sub3A_726 = arith.subf %sub3A_725, %mul3A_723 : vector<16xf32>
      %mul3A_727 = arith.mulf %bitcast3A_718, %sub3A_726 : vector<16xf32>
      %mul3A_728 = arith.constant 5.000000e-01 : f32
      %mul3A_729 = vector.broadcast %mul3A_728 : f32 to vector<16xf32>
      %mul3A_730 = arith.mulf %mul3A_729, %max3A_712 : vector<16xf32>
      %mul3A_731 = arith.mulf %mul3A_730, %mul3A_727 : vector<16xf32>
      %mul3A_732 = arith.mulf %mul3A_731, %mul3A_727 : vector<16xf32>
      %sub3A_733 = arith.constant 1.500000e+00 : f32
      %sub3A_734 = vector.broadcast %sub3A_733 : f32 to vector<16xf32>
      %sub3A_735 = arith.subf %sub3A_734, %mul3A_732 : vector<16xf32>
      %mul3A_736 = arith.mulf %mul3A_727, %sub3A_735 : vector<16xf32>
      %mul3A_737 = arith.constant 5.000000e-01 : f32
      %mul3A_738 = vector.broadcast %mul3A_737 : f32 to vector<16xf32>
      %mul3A_739 = arith.mulf %mul3A_738, %max3A_712 : vector<16xf32>
      %mul3A_740 = arith.mulf %mul3A_739, %mul3A_736 : vector<16xf32>
      %mul3A_741 = arith.mulf %mul3A_740, %mul3A_736 : vector<16xf32>
      %sub3A_742 = arith.constant 1.500000e+00 : f32
      %sub3A_743 = vector.broadcast %sub3A_742 : f32 to vector<16xf32>
      %sub3A_744 = arith.subf %sub3A_743, %mul3A_741 : vector<16xf32>
      %mul3A_745 = arith.mulf %mul3A_736, %sub3A_744 : vector<16xf32>
      %mul3A_746 = arith.constant 16 : i32
      %mul3A_747 = arith.muli %scan3A_66, %mul3A_746 : i32
      %add3A_748 = vector.broadcast %mul3A_747 : i32 to vector<16xi32>
      %add3A_749 = arith.addi %add3A_748, %iota3A : vector<16xi32>
      %mul3A_750 = arith.mulf %max3A_712, %mul3A_745 : vector<16xf32>
      tpu.vector_store_idx %arg14[%add3A_749], %mul3A_750 : memref<512xf32, #tpu.memory_space<vmem>>[vector<16xi32>], vector<16xf32>,
    }
    %scan3A_65 = arith.constant 32 : i32
    "tpu.region"() ({
      %run_scoped3A = tpu.sem_alloc : memref<!tpu.dma_semaphore, #tpu.memory_space<semaphore_mem>>
      %dma_start3A = tpu.memref_slice %arg7[%mul3A_2] : memref<16384xf32, #tpu.memory_space<hbm>> -> memref<512xf32, #tpu.memory_space<hbm>>
      %dma_start3A_66 = tpu.memref_slice %arg7[%mul3A_2] : memref<16384xf32, #tpu.memory_space<hbm>> -> memref<512xf32, #tpu.memory_space<hbm>>
      tpu.enqueue_dma source(%arg14 : memref<512xf32, #tpu.memory_space<vmem>>) target(%dma_start3A_66 : memref<512xf32, #tpu.memory_space<hbm>>) target_semaphore(%run_scoped3A : memref<!tpu.dma_semaphore, #tpu.memory_space<semaphore_mem>>)
      %dma_wait3A = tpu.memref_slice %arg7[%mul3A_2] : memref<16384xf32, #tpu.memory_space<hbm>> -> memref<512xf32, #tpu.memory_space<hbm>>
      %dma_wait3A_67 = tpu.memref_slice %arg7[%mul3A_2] : memref<16384xf32, #tpu.memory_space<hbm>> -> memref<512xf32, #tpu.memory_space<hbm>>
      tpu.wait_dma2 semaphore(%run_scoped3A : memref<!tpu.dma_semaphore, #tpu.memory_space<semaphore_mem>>) src(%arg14 : memref<512xf32, #tpu.memory_space<vmem>>) dst(%dma_wait3A_67 : memref<512xf32, #tpu.memory_space<hbm>>)
      tpu.yield
    }) : () -> ()
    return
  }
}

</mosaic_0001>

<sc_bundles>
// kernel: kernel.3.cloned.1.call-start
scs
__scs_entry_jumppad:
0x0: {  	(pc) =	sbr.rel $0x88, $3  }
0x1: {  	(tag) =	ssettag $0x0;
	lr =	simm.s32 $0x1  }
0x2: {  	[smem:$0x3F9C] =	sst lr;
	_ =	strace $0xD0000000  }
0x3: {  	_ = 	snop  }
0x4: {  	_ = 	snop  }
0x5: {  	_ = 	snop  }
0x6: {  	_ = 	snop  }
0x7: {  	_ = 	snop  }
__scs_overlays_trampoline_lowered:
0x8: {  	[smem:$0x3FAB] =	sst s0  }
0x9: {  	[smem:$0x3FAC] =	sst s1  }
0xa: {  	[smem:$0x3FAD] =	sst s2  }
0xb: {  	[smem:$0x3FAE] =	sst s3  }
0xc: {  	[smem:$0x3FAF] =	sst s4  }
0xd: {  	[smem:$0x3FB0] =	sst s5  }
0xe: {  	[smem:$0x3FB1] =	sst s6  }
0xf: {  	[smem:$0x3FB2] =	sst s7  }
0x10: {  	[smem:$0x3FB3] =	sst s8  }
0x11: {  	[smem:$0x3FB4] =	sst s9;
	s0 =	simm.s32 @!p0 $0x0  }
0x12: {  	s1 =	sld [smem:$0x3F9A];
	s0 =	simm.s32 @p0 $0x1  }
0x13: {  	[smem:$0x3FB5] =	sst s0;
	s0 =	simm.s32 @!p1 $0x0  }
0x14: {  	s2 =	sld [smem:$0x3F99];
	s0 =	simm.s32 @p1 $0x1  }
0x15: {  	[smem:$0x3FB6] =	sst s0;
	s0 =	simm.s32 @!p2 $0x0  }
0x16: {  	s3 =	sld [smem:$0x3FDB];
	s0 =	simm.s32 @p2 $0x1  }
0x17: {  	s4 =	simm.s32 $0x1BF5;
	[smem:$0x3FB8] =	sst s0  }
0x18: {  	s0 =	sld [smem:$0x3F9B];
	_ =	swait.ge [sflag:s4], $0x0  }
0x19: {  	s7 =	sld [smem:$0x3F9C]  }
0x1a: {  	s8 =	sadd.s32 $0xFFFFE003, lr  }
0x1b: {  	s9 =	sadd.s32 $0xFFFFFEF7, lr;
	s5 =	simm.s32 $0xFFFFFFFF;
	p2 =	slt.u32 s8, $0xFFFFF086  }
0x1c: {  	p1 =	slt.u32 s9, $0xF7A;
	s5 =	simm.s32 @!p2 $0x0  }
0x1d: {  	s5 =	simm.s32 @p1 $0x1;
	p0 =	seq.s32 s7, s2  }
0x1e: {  	s7 =	smul.u32 @!p0 $0xF7A, s2;
	p2 =	seq.s32 @!p0 s5, $0x0  }
0x1f: {  	s9 =	smul.u32 $0xF7A, s1;
	s8 =	simm.s32 @!p0 $0x1BF5;
	p2 =	por !p2, p0  }
0x20: {  	[sflag:s8] =	ssyncset.s32 @!p0 $0xFFFFF086;
	s6 =	sadd.s32 @!p0 s3, s7;
	s7 =	simm.s32 @!p0 $0x108  }
0x21: {  	s3 =	sadd.s32 s3, s9;
	s6 =	sadd.s32 @!p0 $0x88, s6;
	s7 =	simm.s32 @p2 $0x1082  }
0x22: {  	[simem:s7], [sflag:s8] =	dma.local @!p0 [hbm:s6], $0xF7A  }
0x23: {  	s9 =	sor.u32 $0xD0000000, s2;
	s6 =	simm.s32 $0x108;
	_ =	swait.ge @!p0 [sflag:s8], $0x0  }
0x24: {  	s3 =	sadd.s32 $0x88, s3;
	s6 =	simm.s32 @!p1 $0x1082;
	[sflag:s4] =	ssyncset.s32 $0xFFFFF086  }
0x25: {  	[simem:s6], [sflag:s4] =	dma.local [hbm:s3], $0xF7A  }
0x26: {  	[smem:$0x3F9C] =	sst s1;
	(tag) =	ssettag s2;
	_ =	strace s9  }
0x27: {  	s1 =	sld [smem:$0x3FAC]  }
0x28: {  	s2 =	sld [smem:$0x3FAD]  }
0x29: {  	s4 =	sld [smem:$0x3FAF]  }
0x2a: {  	p0 =	seq.s32 s5, $0x0;
	s5 =	sld [smem:$0x3FB0]  }
0x2b: {  	s6 =	sld [smem:$0x3FB1]  }
0x2c: {  	s7 =	sld [smem:$0x3FB2]  }
0x2d: {  	s3 =	simm.s32 $0x108;
	s8 =	sld [smem:$0x3FB3]  }
0x2e: {  	s3 =	simm.s32 @!p0 $0x1082;
	s9 =	sld [smem:$0x3FB4]  }
0x2f: {  	lr =	sadd.s32 s0, s3;
	s0 =	sld [smem:$0x3FAB]  }
0x30: {  	s3 =	sld [smem:$0x3FAE]  }
0x31: {  	[smem:$0x3FB7] =	sst s10  }
0x32: {  	s10 =	sld [smem:$0x3FB5];
	_ =	sdelay $0x3  }
0x33: {  	p0 =	seq.s32 s10, $0x1;
	s10 =	sld [smem:$0x3FB7];
	_ =	sdelay $0x3  }
0x34: {  	[smem:$0x3FB7] =	sst s10  }
0x35: {  	s10 =	sld [smem:$0x3FB6];
	_ =	sdelay $0x3  }
0x36: {  	p1 =	seq.s32 s10, $0x1;
	s10 =	sld [smem:$0x3FB7];
	_ =	sdelay $0x3  }
0x37: {  	[smem:$0x3FB7] =	sst s10  }
0x38: {  	s10 =	sld [smem:$0x3FB8]  }
0x39: {  	_ = 	snop;
	(pc) =	sbr.ind lr, $3  }
0x3a: {  	_ = 	snop  }
0x3b: {  	_ = 	snop  }
0x3c: {  	p2 =	seq.s32 s10, $0x1;
	s10 =	sld [smem:$0x3FB7]  }
0x3d: {  	_ =	shalt  }
0x3e: {  	_ =	shalt  }
0x3f: {  	_ =	shalt  }
0x40: {  	_ =	shalt  }
0x41: {  	_ =	shalt  }
0x42: {  	_ =	shalt  }
0x43: {  	_ =	shalt  }
0x44: {  	_ =	shalt  }
0x45: {  	_ =	shalt  }
0x46: {  	_ =	shalt  }
0x47: {  	_ =	shalt  }
0x48: {  	_ =	shalt  }
0x49: {  	_ =	shalt  }
0x4a: {  	_ =	shalt  }
0x4b: {  	_ =	shalt  }
0x4c: {  	_ =	shalt  }
0x4d: {  	_ =	shalt  }
0x4e: {  	_ =	shalt  }
0x4f: {  	_ =	shalt  }
0x50: {  	_ =	shalt  }
0x51: {  	_ =	shalt  }
0x52: {  	_ =	shalt  }
0x53: {  	_ =	shalt  }
0x54: {  	_ =	shalt  }
0x55: {  	_ =	shalt  }
0x56: {  	_ =	shalt  }
0x57: {  	_ =	shalt  }
0x58: {  	_ =	shalt  }
0x59: {  	_ =	shalt  }
0x5a: {  	_ =	shalt  }
0x5b: {  	_ =	shalt  }
0x5c: {  	_ =	shalt  }
0x5d: {  	_ =	shalt  }
0x5e: {  	_ =	shalt  }
0x5f: {  	_ =	shalt  }
0x60: {  	_ =	shalt  }
0x61: {  	_ =	shalt  }
0x62: {  	_ =	shalt  }
0x63: {  	_ =	shalt  }
0x64: {  	_ =	shalt  }
0x65: {  	_ =	shalt  }
0x66: {  	_ =	shalt  }
0x67: {  	_ =	shalt  }
0x68: {  	_ =	shalt  }
0x69: {  	_ =	shalt  }
0x6a: {  	_ =	shalt  }
0x6b: {  	_ =	shalt  }
0x6c: {  	_ =	shalt  }
0x6d: {  	_ =	shalt  }
0x6e: {  	_ =	shalt  }
0x6f: {  	_ =	shalt  }
0x70: {  	_ =	shalt  }
0x71: {  	_ =	shalt  }
0x72: {  	_ =	shalt  }
0x73: {  	_ =	shalt  }
0x74: {  	_ =	shalt  }
0x75: {  	_ =	shalt  }
0x76: {  	_ =	shalt  }
0x77: {  	_ =	shalt  }
0x78: {  	_ =	shalt  }
0x79: {  	_ =	shalt  }
0x7a: {  	_ =	shalt  }
0x7b: {  	_ =	shalt  }
0x7c: {  	_ =	shalt  }
0x7d: {  	_ =	shalt  }
0x7e: {  	_ =	shalt  }
0x7f: {  	_ =	shalt  }
0x80: {  	_ =	shalt  }
0x81: {  	_ =	shalt  }
0x82: {  	_ =	shalt  }
0x83: {  	_ =	shalt  }
0x84: {  	_ =	shalt  }
0x85: {  	_ =	shalt  }
0x86: {  	_ =	shalt  }
0x87: {  	_ =	shalt  }
.Lfunc_end0:
.L_simem_size_0:
called_computation_lowered:
.L_overlay_start_0:
0x88: {  	s2 =	sld [smem:$0x3FD9]  }
0x89: {  	s3 =	sld [smem:$0x3FFE];
	_ =	sdelay $0x1  }
0x8a: {  	s1 =	srdreg.scid  }
0x8b: {  	s0 =	sand.u32 $0x1, s1  }
0x8c: {  	s17 =	sshll.u32 s0, $0xA;
	s2 =	sadd.s32 s3, s2  }
0x8d: {  	s2 =	sadd.s32 s2, s17  }
0x8e: {  	[smem:$0x3FC3] =	sst s2  }
0x8f: {  	_ = 	snop  }
0x90: {  	s2 =	sld [smem:$0x3FC9]  }
0x91: {  	s18 =	sld [smem:$0x3FC8]  }
0x92: {  	s4 =	sld [smem:$0x3FC7]  }
0x93: {  	s5 =	sld [smem:$0x3FD0];
	(tm) =	ssettm $0x1  }
0x94: {  	s6 =	sld [smem:$0x3FFB];
	_ =	sdelay $0x3  }
0x95: {  	_ =	strace s6  }
0x96: {  	s6 =	sld [smem:$0x3FFC];
	_ =	sdelay $0x3  }
0x97: {  	_ =	strace s6  }
0x98: {  	s6 =	sld [smem:$0x3FFD];
	_ =	sdelay $0x3  }
0x99: {  	_ =	strace s6  }
0x9a: {  	_ =	strace $0x8FFFFFFF  }
0x9b: {  	s19 =	sld [smem:$0x3FDB];
	_ =	sdelay $0x1  }
0x9c: {  	s7 =	simm.s32 $_scs_section_size  }
0x9d: {  	s8 =	simm.s32 $_size__tile_overlayer_lowered;
	s9 =	simm.s32 $_tile_overlayer_lowered  }
0x9e: {  	s22 =	simm.s32 $0x1BFF;
	s21 =	sshll.u32 s9, $0x1;
	s6 =	sadd.s32 s7, s19  }
0x9f: {  	s10 =	simm.s32 $0x0;
	s20 =	sshll.u32 s8, $0x1;
	s8 =	sadd.s32 s21, s6  }
0xa0: {  	[timem:s10], [sflag:s22] =	dma.local [hbm:s8], s20  }
0xa1: {  	_ =	swait.ge [sflag:s22], s20  }
0xa2: {  	s7 =	ssub.s32 $0x0, s20;
	[sflag:s22] =	ssyncset.done $0x0  }
0xa3: {  	[sflag:s22] =	ssyncadd.s32 s7;
	_ =	sdelay $0x1  }
0xa4: {  	s23 =	simm.s32 $0x1B8B  }
0xa5: {  	_ =	swait.ge [sflag:s23], $0x1  }
0xa6: {  	[sflag:s23] =	ssyncset.done $0x0  }
0xa7: {  	s25 =	simm.s32 $0x1B8E;
	s24 =	sld [smem:$0x3FFE];
	[sflag:s23] =	ssyncadd.s32 $0xFFFFFFFF  }
0xa8: {  	s26 =	simm.s32 $execute0_lowered;
	[smem:$0x3FD2] =	sst s25  }
0xa9: {  	s8 =	sshll.u32 s26, $0x1;
	_ =	strace $0x80000046;
	[dreg:$0x1] =	wrdreg $0xFFFFFFFF  }
0xaa: {  	s28 =	simm.s32 $_size_execute0_lowered;
	s6 =	sadd.s32 s6, s8;
	[dreg:$0x0] =	wrdreg $0x0  }
0xab: {  	s8 =	sshll.u32 s28, $0x1;
	[dreg:$0x2] =	wrdreg s6  }
0xac: {  	[dreg:$0x3] =	wrdreg s8  }
0xad: {  	[dreg:$0x4] =	wrdreg $0xC0  }
0xae: {  	_ =	task [dreg:s10], $0x5FFFF  }
0xaf: {  	[dreg:$0x1] =	wrdreg $0xFFFFFFFF  }
0xb0: {  	[dreg:$0x0] =	wrdreg $0x60  }
0xb1: {  	[dreg:$0x2] =	wrdreg s2  }
0xb2: {  	[dreg:$0x3] =	wrdreg s18  }
0xb3: {  	[dreg:$0x4] =	wrdreg s4  }
0xb4: {  	[dreg:$0x5] =	wrdreg s24  }
0xb5: {  	[dreg:$0x6] =	wrdreg s5  }
0xb6: {  	[dreg:$0x7] =	wrdreg $0x9  }
0xb7: {  	_ =	task.clear_ibuf [dreg:s10], $0x8FFFF;
	_ =	strace $0x90000046  }
0xb8: {  	s29 =	simm.s32 $0x9;
	_ =	strace $0x80000048  }
0xb9: {  	_ =	swait.ge [sflag:s29], $0x1  }
0xba: {  	[sflag:s29] =	ssyncadd.s32 $0xFFFFFFFF  }
0xbb: {  	_ =	strace $0x90000048  }
0xbc: {  	_ =	sfence  }
0xbd: {  	s30 =	sld [smem:$0x0];
	_ =	sdelay $0x2  }
0xbe: {  	s31 =	sshll.u32 s1, $0xD;
	s1 =	sshrl.u32 s1, $0x2  }
0xbf: {  	s3 =	sand.u32 $0x4000, s31;
	s1 =	sadd.s32 s1, s30  }
0xc0: {  	s0 =	sor.u32 s3, s0;
	s1 =	sshll.u32 s1, $0x11  }
0xc1: {  	s0 =	sor.u32 s1, s0  }
0xc2: {  	s0 =	sadd.s32 $0x8F2B, s0  }
0xc3: {  	[sflag:s0] =	ssyncadd.remote.s32 $0x1  }
0xc4: {  	_ =	sfence.sel $0xFFFF  }
0xc5: {  	[dreg:$0x0] =	wrdreg $0xFFFFFFFF;
	(pc) =	sbr.abs _section_cstart, $3  }
0xc6: {  	[dreg:$0x1] =	wrdreg $0xFFFFFFFF  }
0xc7: {  	_ =	task.clear_ibuf [dreg:s10], $0x2FFFF;
	_ =	strace $0x9FFFFFFF  }
0xc8: {  	(tm) =	ssettm $0x7FFFFFFF  }
0xc9: {  	_ =	shalt  }
tec
execute0_lowered:
.L_overlay_start_1:
0x0: {  	(tag) =	ssettag $0x1  }
0x1: {  	s0 =	rddreg [dreg:$0x0]  }
0x2: {  	v1 =	vlaneseq.u32;
	s2 =	rddreg [dreg:$0x1]  }
0x3: {  	s5 =	rddreg [dreg:$0x2];
	v0 =	vand.u32 $0x1, v1  }
0x4: {  	s4 =	rddreg [dreg:$0x3];
	s1 =	simm.s32 $0x0;
	v63 =	vshrl.u32 v1, $0x1;
	v2 =	vmul.u32 $0x40, v0  }
0x5: {  	[smem:$0x7FF] =	sst s1;
	v4 =	vmul.u32 $0x80, v63  }
0x6: {  	s6 =	rddreg [dreg:$0x4];
	_ =	strace $0x80000047;
	[tilespmem:$0x1FC40] =	vst v2  }
0x7: {  	v16 =	vor.u32 $0x18, v2;
	[tilespmem:$0x1FE80] =	vst v4  }
0x8: {  	v21 =	vor.u32 $0x19, v2;
	[tilespmem:$0x1FC50] =	vst v16  }
0x9: {  	v27 =	vor.u32 $0x1A, v2;
	[tilespmem:$0x1FC60] =	vst v21  }
0xa: {  	v29 =	vor.u32 $0x1B, v2;
	[tilespmem:$0x1FC70] =	vst v27  }
0xb: {  	v14 =	vor.u32 $0x1D, v2;
	[tilespmem:$0x1FC80] =	vst v29  }
0xc: {  	v33 =	vor.u32 $0x1E, v2;
	[tilespmem:$0x1FC90] =	vst v14  }
0xd: {  	v34 =	vor.u32 $0x1F, v2;
	[tilespmem:$0x1FCA0] =	vst v33  }
0xe: {  	v36 =	vor.u32 $0x20, v2;
	[tilespmem:$0x1FCB0] =	vst v34  }
0xf: {  	v37 =	vor.u32 $0x21, v2;
	[tilespmem:$0x1FCC0] =	vst v36  }
0x10: {  	v38 =	vor.u32 $0x22, v2;
	[tilespmem:$0x1FCD0] =	vst v37  }
0x11: {  	v39 =	vor.u32 $0x23, v2;
	[tilespmem:$0x1FCE0] =	vst v38  }
0x12: {  	v40 =	vor.u32 $0x24, v2;
	[tilespmem:$0x1FCF0] =	vst v39  }
0x13: {  	v41 =	vor.u32 $0x25, v2;
	[tilespmem:$0x1FD00] =	vst v40  }
0x14: {  	v42 =	vor.u32 $0x26, v2;
	[tilespmem:$0x1FD10] =	vst v41  }
0x15: {  	v43 =	vor.u32 $0x27, v2;
	[tilespmem:$0x1FD20] =	vst v42  }
0x16: {  	v44 =	vor.u32 $0x28, v2;
	[tilespmem:$0x1FD30] =	vst v43  }
0x17: {  	v45 =	vor.u32 $0x29, v2;
	[tilespmem:$0x1FD40] =	vst v44  }
0x18: {  	v46 =	vor.u32 $0x2A, v2;
	[tilespmem:$0x1FD50] =	vst v45  }
0x19: {  	v47 =	vor.u32 $0x2B, v2;
	[tilespmem:$0x1FD60] =	vst v46  }
0x1a: {  	v48 =	vor.u32 $0x2C, v2;
	[tilespmem:$0x1FD70] =	vst v47  }
0x1b: {  	v49 =	vor.u32 $0x2D, v2;
	[tilespmem:$0x1FD80] =	vst v48  }
0x1c: {  	v50 =	vor.u32 $0x2E, v2;
	[tilespmem:$0x1FD90] =	vst v49  }
0x1d: {  	v51 =	vor.u32 $0x2F, v2;
	[tilespmem:$0x1FDA0] =	vst v50  }
0x1e: {  	v52 =	vor.u32 $0x30, v2;
	[tilespmem:$0x1FDB0] =	vst v51  }
0x1f: {  	v53 =	vor.u32 $0x31, v2;
	[tilespmem:$0x1FDC0] =	vst v52  }
0x20: {  	v54 =	vor.u32 $0x32, v2;
	[tilespmem:$0x1FDD0] =	vst v53  }
0x21: {  	v55 =	vor.u32 $0x33, v2;
	[tilespmem:$0x1FDE0] =	vst v54  }
0x22: {  	v56 =	vor.u32 $0x34, v2;
	[tilespmem:$0x1FDF0] =	vst v55  }
0x23: {  	v57 =	vor.u32 $0x35, v2;
	[tilespmem:$0x1FE00] =	vst v56  }
0x24: {  	v58 =	vor.u32 $0x36, v2;
	[tilespmem:$0x1FE10] =	vst v57  }
0x25: {  	v59 =	vor.u32 $0x37, v2;
	[tilespmem:$0x1FE20] =	vst v58  }
0x26: {  	v60 =	vor.u32 $0x38, v2;
	[tilespmem:$0x1FE30] =	vst v59  }
0x27: {  	v61 =	vor.u32 $0x39, v2;
	[tilespmem:$0x1FE40] =	vst v60  }
0x28: {  	v62 =	vor.u32 $0x3A, v2;
	[tilespmem:$0x1FE50] =	vst v61  }
0x29: {  	v5 =	vor.u32 $0x11, v2;
	[tilespmem:$0x1FE60] =	vst v62  }
0x2a: {  	v17 =	vor.u32 $0x10, v2;
	[tilespmem:$0x1FE70] =	vst v5  }
0x2b: {  	v18 =	vor.u32 $0xF, v2;
	[tilespmem:$0x1FE90] =	vst v17  }
0x2c: {  	v19 =	vor.u32 $0xE, v2;
	[tilespmem:$0x1FEA0] =	vst v18  }
0x2d: {  	v20 =	vor.u32 $0xD, v2;
	[tilespmem:$0x1FEB0] =	vst v19  }
0x2e: {  	v22 =	vor.u32 $0x13, v2;
	[tilespmem:$0x1FEC0] =	vst v20  }
0x2f: {  	v25 =	vor.u32 $0xC, v2;
	[tilespmem:$0x1FED0] =	vst v22  }
0x30: {  	v23 =	vor.u32 $0x14, v2;
	[tilespmem:$0x1FEE0] =	vst v25  }
0x31: {  	v24 =	vor.u32 $0x15, v2;
	[tilespmem:$0x1FEF0] =	vst v23  }
0x32: {  	v32 =	vor.u32 $0xB, v2;
	[tilespmem:$0x1FF00] =	vst v24  }
0x33: {  	v13 =	vor.u32 $0xA, v2;
	[tilespmem:$0x1FF10] =	vst v32  }
0x34: {  	v26 =	vor.u32 $0x16, v2;
	[tilespmem:$0x1FF20] =	vst v13  }
0x35: {  	v15 =	vor.u32 $0x9, v2;
	[tilespmem:$0x1FF30] =	vst v26  }
0x36: {  	v12 =	vor.u32 $0x8, v2;
	[tilespmem:$0x1FF40] =	vst v15  }
0x37: {  	v11 =	vor.u32 $0x7, v2;
	[tilespmem:$0x1FF50] =	vst v12  }
0x38: {  	s3 =	srdreg.scid;
	s8 =	stileid.u32;
	s17 =	simm.s32 $0x8600;
	v10 =	vor.u32 $0x6, v2;
	[tilespmem:$0x1FF60] =	vst v11  }
0x39: {  	s18 =	simm.s32 $0x10600;
	s16 =	simm.s32 $0x80;
	s3 =	sand.u32 $0x1, s3;
	v28 =	vor.u32 $0x5, v2;
	[tilespmem:$0x1FF70] =	vst v10  }
0x3a: {  	s25 =	simm.s32 $0x400;
	s8 =	sshll.u32 s8, $0x7;
	s9 =	sshll.u32 s3, $0x6;
	v30 =	vor.u32 $0x4, v2;
	[tilespmem:$0x1FF80] =	vst v28  }
0x3b: {  	s11 =	simm.s32 $0x0;
	s12 =	sadd.s32 $0x400, s4;
	s8 =	sor.u32 s9, s8;
	v7 =	vor.u32 $0x1, v2;
	[tilespmem:$0x1FF90] =	vst v30  }
0x3c: {  	s7 =	ssub.s32 $0x2, s3;
	s3 =	sadd.s32 $0x4400, s4;
	v8 =	vor.u32 $0x2, v2;
	s0 =	sadd.s32 s0, s8;
	[tilespmem:$0x1FFA0] =	vst v7  }
0x3d: {  	s4 =	simm.s32 $0x400;
	v35 =	vor.u32 $0x12, v2;
	s28 =	sadd.s32 s2, s8;
	[dreg:$0x7] =	wrdreg s0;
	[tilespmem:$0x1FFB0] =	vst v8  }
0x3e: {  	s10 =	sshrl.u32 s7, $0x1;
	v9 =	vor.u32 $0x3, v2;
	s29 =	sadd.s32 s5, s8;
	[dreg:$0x8] =	wrdreg s28;
	[tilespmem:$0x1FFC0] =	vst v35  }
0x3f: {  	v6 =	vor.u32 $0x17, v2;
	s7 =	ssub.s32 s7, s10;
	s30 =	sadd.s32 s6, s8;
	[dreg:$0x9] =	wrdreg s29;
	[tilespmem:$0x1FFD0] =	vst v9  }
0x40: {  	v31 =	vor.u32 $0x1C, v2;
	s5 =	simm.s32 $0x4;
	[dreg:$0xa] =	wrdreg s30;
	s31 =	smax.u32 s7, $0x1;
	[tilespmem:$0x1FFE0] =	vst v6  }
0x41: {  	s2 =	simm.s32 $0x0;
	s7 =	simm.s32 $0x80;
	[tilespmem:$0x1FFF0] =	vst v31;
	[dreg:$0xb] =	wrdreg s31  }
.LBB2_1:
0x42: {  	[dreg:$0xc] =	wrdreg s2  }
0x43: {  	s0 =	rddreg [dreg:$0x7]  }
0x44: {  	[tilespmem:s1], [sflag:$0x4] =	stream.linear.gather [hbm4b:s0+s1], $0x200, $0x38;
	[tilespmem:$0x18800] =	vst v63  }
0x45: {  	_ =	swait.ge [sflag:s5], $0x200  }
0x46: {  	[sflag:s5] =	ssyncset.done $0x0  }
0x47: {  	s14 =	simm.s32 $0x200;
	s15 =	rddreg [dreg:$0x8];
	[sflag:s5] =	ssyncadd.s32 $0xFFFFFE00  }
0x48: {  	[tilespmem:s14], [sflag:$0x4] =	stream.linear.gather [hbm4b:s15+s1], $0x200, $0x38;
	[tilespmem:$0x18800] =	vst v63  }
0x49: {  	_ =	swait.ge [sflag:s5], $0x200  }
0x4a: {  	[sflag:s5] =	ssyncset.done $0x0  }
0x4b: {  	s19 =	rddreg [dreg:$0x9];
	[sflag:s5] =	ssyncadd.s32 $0xFFFFFE00  }
0x4c: {  	[tilespmem:s4], [sflag:$0x4] =	stream.linear.gather [hbm4b:s19+s1], $0x200, $0x38;
	[tilespmem:$0x18800] =	vst v63  }
0x4d: {  	_ =	swait.ge [sflag:s5], $0x200  }
0x4e: {  	[sflag:s5] =	ssyncset.done $0x0  }
0x4f: {  	[sflag:s5] =	ssyncadd.s32 $0xFFFFFE00  }
0x50: {  	v0 =	vld [tilespmem:s1+$0x0];
	_ =	sdelay $0x1  }
0x51: {  	v1 =	vld [tilespmem:s14+$0x0];
	_ =	sdelay $0x2  }
0x52: {  	v2 =	vshll.u32 v0, $0x4  }
0x53: {  	v3 =	vld [tilespmem:s4+$0x0];
	(v2sf) =	vpush v2, $0x0  }
0x54: {  	v62 =	vshll.u32 v1, $0x4  }
0x55: {  	(v2sf) =	vpush v62, $0x0;
	_ =	sdelay $0x1  }
0x56: {  	(v2sf) =	vpush v2, $0x1  }
0x57: {  	v63 =	vshll.u32 v3, $0x4  }
0x58: {  	(v2sf) =	vpush v63, $0x0;
	_ =	sdelay $0x5  }
0x59: {  	(v2sf) =	vpush v2, $0x2;
	_ =	sdelay $0x1  }
0x5a: {  	(v2sf) =	vpush v62, $0x1  }
0x5b: {  	s20 =	spop (v2sf)  }
0x5c: {  	s0 =	sand.u32 $0x1FFFFFF0, s20  }
0x5d: {  	s22 =	simm.s32 $0x600;
	s21 =	spop (v2sf);
	s0 =	sadd.s32 s3, s0  }
0x5e: {  	(v2sf) =	vpush v63, $0x1;
	[tilespmem:s22], [sflag:$0x1] =	stream.strided.gather [hbm4b:s0+s7], $0x0, s4, s7, $0x38;
	[tilespmem:$0x18800] =	vst v63  }
0x5f: {  	s2 =	sand.u32 $0x1FFFFFF0, s21;
	s6 =	spop (v2sf)  }
0x60: {  	[tilespmem:s22], [sflag:$0x1] =	stream.linear.gather [hbm4b:s0+s1], $0x40, $0x38;
	[tilespmem:$0x18800] =	vst v63  }
0x61: {  	s23 =	simm.s32 $0x8600;
	s2 =	sadd.s32 s12, s2;
	s24 =	spop (v2sf)  }
0x62: {  	[tilespmem:s23], [sflag:$0x2] =	stream.strided.gather [hbm4b:s2+s7], $0x0, s4, s7, $0x38;
	[tilespmem:$0x18800] =	vst v63  }
0x63: {  	s5 =	sand.u32 $0x1FFFFFF0, s24  }
0x64: {  	[tilespmem:s23], [sflag:$0x2] =	stream.linear.gather [hbm4b:s2+s1], $0x40, $0x38;
	[tilespmem:$0x18800] =	vst v63  }
0x65: {  	s26 =	simm.s32 $0x10600;
	s29 =	sadd.s32 s3, s5  }
0x66: {  	(v2sf) =	vpush v62, $0x2;
	[tilespmem:s26], [sflag:$0x3] =	stream.strided.gather [hbm4b:s29+s7], $0x0, s4, s7, $0x38;
	[tilespmem:$0x18800] =	vst v63  }
0x67: {  	s30 =	sand.u32 $0x1FFFFFF0, s6;
	s31 =	spop (v2sf)  }
0x68: {  	(v2sf) =	vpush v63, $0x2;
	[tilespmem:s26], [sflag:$0x3] =	stream.linear.gather [hbm4b:s29+s1], $0x40, $0x38;
	[tilespmem:$0x18800] =	vst v63  }
0x69: {  	s8 =	simm.s32 $0x640;
	s9 =	spop (v2sf);
	s5 =	sadd.s32 s3, s30  }
0x6a: {  	[tilespmem:s8], [sflag:$0x1] =	stream.strided.gather [hbm4b:s5+s7], $0x0, s4, s7, $0x38;
	[tilespmem:$0x18800] =	vst v63  }
0x6b: {  	s2 =	sand.u32 $0x1FFFFFF0, s9  }
0x6c: {  	(v2sf) =	vpush v2, $0x3;
	[tilespmem:s8], [sflag:$0x1] =	stream.linear.gather [hbm4b:s5+s1], $0x40, $0x38;
	[tilespmem:$0x18800] =	vst v63  }
0x6d: {  	s13 =	simm.s32 $0x8640;
	s2 =	sadd.s32 s12, s2;
	s10 =	spop (v2sf)  }
0x6e: {  	(v2sf) =	vpush v62, $0x3;
	[tilespmem:s13], [sflag:$0x2] =	stream.strided.gather [hbm4b:s2+s7], $0x0, s4, s7, $0x38;
	[tilespmem:$0x18800] =	vst v63  }
0x6f: {  	s0 =	sand.u32 $0x1FFFFFF0, s10  }
0x70: {  	[tilespmem:s13], [sflag:$0x2] =	stream.linear.gather [hbm4b:s2+s1], $0x40, $0x38;
	[tilespmem:$0x18800] =	vst v63  }
0x71: {  	s14 =	simm.s32 $0x10640;
	s0 =	sadd.s32 s3, s0  }
0x72: {  	[tilespmem:s14], [sflag:$0x3] =	stream.strided.gather [hbm4b:s0+s7], $0x0, s4, s7, $0x38;
	[tilespmem:$0x18800] =	vst v63  }
0x73: {  	s15 =	sand.u32 $0x1FFFFFF0, s31  }
0x74: {  	[tilespmem:s14], [sflag:$0x3] =	stream.linear.gather [hbm4b:s0+s1], $0x40, $0x38;
	[tilespmem:$0x18800] =	vst v63  }
0x75: {  	s20 =	simm.s32 $0x680;
	s19 =	spop (v2sf);
	s5 =	sadd.s32 s3, s15  }
0x76: {  	(v2sf) =	vpush v63, $0x3;
	[tilespmem:s20], [sflag:$0x1] =	stream.strided.gather [hbm4b:s5+s7], $0x0, s4, s7, $0x38;
	[tilespmem:$0x18800] =	vst v63  }
0x77: {  	s21 =	spop (v2sf);
	s0 =	sand.u32 $0x1FFFFFF0, s19  }
0x78: {  	(v2sf) =	vpush v2, $0x4;
	[tilespmem:s20], [sflag:$0x1] =	stream.linear.gather [hbm4b:s5+s1], $0x40, $0x38;
	[tilespmem:$0x18800] =	vst v63  }
0x79: {  	s22 =	simm.s32 $0x8680;
	s0 =	sadd.s32 s12, s0  }
0x7a: {  	(v2sf) =	vpush v62, $0x4;
	[tilespmem:s22], [sflag:$0x2] =	stream.strided.gather [hbm4b:s0+s7], $0x0, s4, s7, $0x38;
	[tilespmem:$0x18800] =	vst v63  }
0x7b: {  	s23 =	spop (v2sf);
	s2 =	sand.u32 $0x1FFFFFF0, s21  }
0x7c: {  	[tilespmem:s22], [sflag:$0x2] =	stream.linear.gather [hbm4b:s0+s1], $0x40, $0x38;
	[tilespmem:$0x18800] =	vst v63  }
0x7d: {  	s24 =	simm.s32 $0x10680;
	s26 =	spop (v2sf);
	s2 =	sadd.s32 s3, s2  }
0x7e: {  	(v2sf) =	vpush v63, $0x4;
	[tilespmem:s24], [sflag:$0x3] =	stream.strided.gather [hbm4b:s2+s7], $0x0, s4, s7, $0x38;
	[tilespmem:$0x18800] =	vst v63  }
0x7f: {  	s0 =	sand.u32 $0x1FFFFFF0, s23  }
0x80: {  	[tilespmem:s24], [sflag:$0x3] =	stream.linear.gather [hbm4b:s2+s1], $0x40, $0x38;
	[tilespmem:$0x18800] =	vst v63  }
0x81: {  	s29 =	simm.s32 $0x6C0;
	s0 =	sadd.s32 s3, s0  }
0x82: {  	[tilespmem:s29], [sflag:$0x1] =	stream.strided.gather [hbm4b:s0+s7], $0x0, s4, s7, $0x38;
	[tilespmem:$0x18800] =	vst v63  }
0x83: {  	s2 =	sand.u32 $0x1FFFFFF0, s26  }
0x84: {  	[tilespmem:s29], [sflag:$0x1] =	stream.linear.gather [hbm4b:s0+s1], $0x40, $0x38;
	[tilespmem:$0x18800] =	vst v63  }
0x85: {  	s31 =	simm.s32 $0x86C0;
	s30 =	spop (v2sf);
	s2 =	sadd.s32 s12, s2  }
0x86: {  	(v2sf) =	vpush v2, $0x5;
	[tilespmem:s31], [sflag:$0x2] =	stream.strided.gather [hbm4b:s2+s7], $0x0, s4, s7, $0x38;
	[tilespmem:$0x18800] =	vst v63  }
0x87: {  	s5 =	spop (v2sf);
	s0 =	sand.u32 $0x1FFFFFF0, s30  }
0x88: {  	(v2sf) =	vpush v62, $0x5;
	[tilespmem:s31], [sflag:$0x2] =	stream.linear.gather [hbm4b:s2+s1], $0x40, $0x38;
	[tilespmem:$0x18800] =	vst v63  }
0x89: {  	s6 =	simm.s32 $0x106C0;
	s8 =	spop (v2sf);
	s0 =	sadd.s32 s3, s0  }
0x8a: {  	(v2sf) =	vpush v63, $0x5;
	[tilespmem:s6], [sflag:$0x3] =	stream.strided.gather [hbm4b:s0+s7], $0x0, s4, s7, $0x38;
	[tilespmem:$0x18800] =	vst v63  }
0x8b: {  	s2 =	sand.u32 $0x1FFFFFF0, s5  }
0x8c: {  	[tilespmem:s6], [sflag:$0x3] =	stream.linear.gather [hbm4b:s0+s1], $0x40, $0x38;
	[tilespmem:$0x18800] =	vst v63  }
0x8d: {  	s9 =	simm.s32 $0x700;
	s10 =	spop (v2sf);
	s2 =	sadd.s32 s3, s2  }
0x8e: {  	(v2sf) =	vpush v2, $0x6;
	[tilespmem:s9], [sflag:$0x1] =	stream.strided.gather [hbm4b:s2+s7], $0x0, s4, s7, $0x38;
	[tilespmem:$0x18800] =	vst v63  }
0x8f: {  	s0 =	sand.u32 $0x1FFFFFF0, s8  }
0x90: {  	[tilespmem:s9], [sflag:$0x1] =	stream.linear.gather [hbm4b:s2+s1], $0x40, $0x38;
	[tilespmem:$0x18800] =	vst v63  }
0x91: {  	s13 =	simm.s32 $0x8700;
	s0 =	sadd.s32 s12, s0  }
0x92: {  	[tilespmem:s13], [sflag:$0x2] =	stream.strided.gather [hbm4b:s0+s7], $0x0, s4, s7, $0x38;
	[tilespmem:$0x18800] =	vst v63  }
0x93: {  	s2 =	sand.u32 $0x1FFFFFF0, s10  }
0x94: {  	[tilespmem:s13], [sflag:$0x2] =	stream.linear.gather [hbm4b:s0+s1], $0x40, $0x38;
	[tilespmem:$0x18800] =	vst v63  }
0x95: {  	s15 =	simm.s32 $0x10700;
	s14 =	spop (v2sf);
	s2 =	sadd.s32 s3, s2  }
0x96: {  	(v2sf) =	vpush v62, $0x6;
	[tilespmem:s15], [sflag:$0x3] =	stream.strided.gather [hbm4b:s2+s7], $0x0, s4, s7, $0x38;
	[tilespmem:$0x18800] =	vst v63  }
0x97: {  	s19 =	spop (v2sf);
	s0 =	sand.u32 $0x1FFFFFF0, s14  }
0x98: {  	(v2sf) =	vpush v63, $0x6;
	[tilespmem:s15], [sflag:$0x3] =	stream.linear.gather [hbm4b:s2+s1], $0x40, $0x38;
	[tilespmem:$0x18800] =	vst v63  }
0x99: {  	s20 =	simm.s32 $0x740;
	s21 =	spop (v2sf);
	s0 =	sadd.s32 s3, s0  }
0x9a: {  	(v2sf) =	vpush v2, $0x7;
	[tilespmem:s20], [sflag:$0x1] =	stream.strided.gather [hbm4b:s0+s7], $0x0, s4, s7, $0x38;
	[tilespmem:$0x18800] =	vst v63  }
0x9b: {  	s2 =	sand.u32 $0x1FFFFFF0, s19  }
0x9c: {  	[tilespmem:s20], [sflag:$0x1] =	stream.linear.gather [hbm4b:s0+s1], $0x40, $0x38;
	[tilespmem:$0x18800] =	vst v63  }
0x9d: {  	s22 =	simm.s32 $0x8740;
	s23 =	spop (v2sf);
	s2 =	sadd.s32 s12, s2  }
0x9e: {  	(v2sf) =	vpush v62, $0x7;
	[tilespmem:s22], [sflag:$0x2] =	stream.strided.gather [hbm4b:s2+s7], $0x0, s4, s7, $0x38;
	[tilespmem:$0x18800] =	vst v63  }
0x9f: {  	s0 =	sand.u32 $0x1FFFFFF0, s21  }
0xa0: {  	[tilespmem:s22], [sflag:$0x2] =	stream.linear.gather [hbm4b:s2+s1], $0x40, $0x38;
	[tilespmem:$0x18800] =	vst v63  }
0xa1: {  	s24 =	simm.s32 $0x10740;
	s0 =	sadd.s32 s3, s0  }
0xa2: {  	[tilespmem:s24], [sflag:$0x3] =	stream.strided.gather [hbm4b:s0+s7], $0x0, s4, s7, $0x38;
	[tilespmem:$0x18800] =	vst v63  }
0xa3: {  	s2 =	sand.u32 $0x1FFFFFF0, s23  }
0xa4: {  	[tilespmem:s24], [sflag:$0x3] =	stream.linear.gather [hbm4b:s0+s1], $0x40, $0x38;
	[tilespmem:$0x18800] =	vst v63  }
0xa5: {  	s29 =	simm.s32 $0x780;
	s26 =	spop (v2sf);
	s2 =	sadd.s32 s3, s2  }
0xa6: {  	(v2sf) =	vpush v63, $0x7;
	[tilespmem:s29], [sflag:$0x1] =	stream.strided.gather [hbm4b:s2+s7], $0x0, s4, s7, $0x38;
	[tilespmem:$0x18800] =	vst v63  }
0xa7: {  	s30 =	spop (v2sf);
	s0 =	sand.u32 $0x1FFFFFF0, s26  }
0xa8: {  	(v2sf) =	vpush v2, $0x8;
	[tilespmem:s29], [sflag:$0x1] =	stream.linear.gather [hbm4b:s2+s1], $0x40, $0x38;
	[tilespmem:$0x18800] =	vst v63  }
0xa9: {  	s31 =	simm.s32 $0x8780;
	s5 =	spop (v2sf);
	s0 =	sadd.s32 s12, s0  }
0xaa: {  	(v2sf) =	vpush v62, $0x8;
	[tilespmem:s31], [sflag:$0x2] =	stream.strided.gather [hbm4b:s0+s7], $0x0, s4, s7, $0x38;
	[tilespmem:$0x18800] =	vst v63  }
0xab: {  	s2 =	sand.u32 $0x1FFFFFF0, s30  }
0xac: {  	[tilespmem:s31], [sflag:$0x2] =	stream.linear.gather [hbm4b:s0+s1], $0x40, $0x38;
	[tilespmem:$0x18800] =	vst v63  }
0xad: {  	s6 =	simm.s32 $0x10780;
	s8 =	spop (v2sf);
	s2 =	sadd.s32 s3, s2  }
0xae: {  	(v2sf) =	vpush v63, $0x8;
	[tilespmem:s6], [sflag:$0x3] =	stream.strided.gather [hbm4b:s2+s7], $0x0, s4, s7, $0x38;
	[tilespmem:$0x18800] =	vst v63  }
0xaf: {  	s0 =	sand.u32 $0x1FFFFFF0, s5  }
0xb0: {  	[tilespmem:s6], [sflag:$0x3] =	stream.linear.gather [hbm4b:s2+s1], $0x40, $0x38;
	[tilespmem:$0x18800] =	vst v63  }
0xb1: {  	s9 =	simm.s32 $0x7C0;
	s0 =	sadd.s32 s3, s0  }
0xb2: {  	[tilespmem:s9], [sflag:$0x1] =	stream.strided.gather [hbm4b:s0+s7], $0x0, s4, s7, $0x38;
	[tilespmem:$0x18800] =	vst v63  }
0xb3: {  	s2 =	sand.u32 $0x1FFFFFF0, s8  }
0xb4: {  	[tilespmem:s9], [sflag:$0x1] =	stream.linear.gather [hbm4b:s0+s1], $0x40, $0x38;
	[tilespmem:$0x18800] =	vst v63  }
0xb5: {  	s13 =	simm.s32 $0x87C0;
	s10 =	spop (v2sf);
	s2 =	sadd.s32 s12, s2  }
0xb6: {  	(v2sf) =	vpush v2, $0x9;
	[tilespmem:s13], [sflag:$0x2] =	stream.strided.gather [hbm4b:s2+s7], $0x0, s4, s7, $0x38;
	[tilespmem:$0x18800] =	vst v63  }
0xb7: {  	s14 =	spop (v2sf);
	s0 =	sand.u32 $0x1FFFFFF0, s10  }
0xb8: {  	(v2sf) =	vpush v62, $0x9;
	[tilespmem:s13], [sflag:$0x2] =	stream.linear.gather [hbm4b:s2+s1], $0x40, $0x38;
	[tilespmem:$0x18800] =	vst v63  }
0xb9: {  	s15 =	simm.s32 $0x107C0;
	s19 =	spop (v2sf);
	s0 =	sadd.s32 s3, s0  }
0xba: {  	(v2sf) =	vpush v63, $0x9;
	[tilespmem:s15], [sflag:$0x3] =	stream.strided.gather [hbm4b:s0+s7], $0x0, s4, s7, $0x38;
	[tilespmem:$0x18800] =	vst v63  }
0xbb: {  	s2 =	sand.u32 $0x1FFFFFF0, s14  }
0xbc: {  	[tilespmem:s15], [sflag:$0x3] =	stream.linear.gather [hbm4b:s0+s1], $0x40, $0x38;
	[tilespmem:$0x18800] =	vst v63  }
0xbd: {  	s20 =	simm.s32 $0x800;
	s21 =	spop (v2sf);
	s2 =	sadd.s32 s3, s2  }
0xbe: {  	(v2sf) =	vpush v2, $0xA;
	[tilespmem:s20], [sflag:$0x1] =	stream.strided.gather [hbm4b:s2+s7], $0x0, s4, s7, $0x38;
	[tilespmem:$0x18800] =	vst v63  }
0xbf: {  	s0 =	sand.u32 $0x1FFFFFF0, s19  }
0xc0: {  	[tilespmem:s20], [sflag:$0x1] =	stream.linear.gather [hbm4b:s2+s1], $0x40, $0x38;
	[tilespmem:$0x18800] =	vst v63  }
0xc1: {  	s22 =	simm.s32 $0x8800;
	s0 =	sadd.s32 s12, s0  }
0xc2: {  	[tilespmem:s22], [sflag:$0x2] =	stream.strided.gather [hbm4b:s0+s7], $0x0, s4, s7, $0x38;
	[tilespmem:$0x18800] =	vst v63  }
0xc3: {  	s2 =	sand.u32 $0x1FFFFFF0, s21  }
0xc4: {  	[tilespmem:s22], [sflag:$0x2] =	stream.linear.gather [hbm4b:s0+s1], $0x40, $0x38;
	[tilespmem:$0x18800] =	vst v63  }
0xc5: {  	s24 =	simm.s32 $0x10800;
	s23 =	spop (v2sf);
	s2 =	sadd.s32 s3, s2  }
0xc6: {  	(v2sf) =	vpush v62, $0xA;
	[tilespmem:s24], [sflag:$0x3] =	stream.strided.gather [hbm4b:s2+s7], $0x0, s4, s7, $0x38;
	[tilespmem:$0x18800] =	vst v63  }
0xc7: {  	s26 =	spop (v2sf);
	s0 =	sand.u32 $0x1FFFFFF0, s23  }
0xc8: {  	(v2sf) =	vpush v63, $0xA;
	[tilespmem:s24], [sflag:$0x3] =	stream.linear.gather [hbm4b:s2+s1], $0x40, $0x38;
	[tilespmem:$0x18800] =	vst v63  }
0xc9: {  	s29 =	simm.s32 $0x840;
	s30 =	spop (v2sf);
	s0 =	sadd.s32 s3, s0  }
0xca: {  	(v2sf) =	vpush v2, $0xB;
	[tilespmem:s29], [sflag:$0x1] =	stream.strided.gather [hbm4b:s0+s7], $0x0, s4, s7, $0x38;
	[tilespmem:$0x18800] =	vst v63  }
0xcb: {  	s2 =	sand.u32 $0x1FFFFFF0, s26  }
0xcc: {  	[tilespmem:s29], [sflag:$0x1] =	stream.linear.gather [hbm4b:s0+s1], $0x40, $0x38;
	[tilespmem:$0x18800] =	vst v63  }
0xcd: {  	s31 =	simm.s32 $0x8840;
	s5 =	spop (v2sf);
	s2 =	sadd.s32 s12, s2  }
0xce: {  	(v2sf) =	vpush v62, $0xB;
	[tilespmem:s31], [sflag:$0x2] =	stream.strided.gather [hbm4b:s2+s7], $0x0, s4, s7, $0x38;
	[tilespmem:$0x18800] =	vst v63  }
0xcf: {  	s0 =	sand.u32 $0x1FFFFFF0, s30  }
0xd0: {  	[tilespmem:s31], [sflag:$0x2] =	stream.linear.gather [hbm4b:s2+s1], $0x40, $0x38;
	[tilespmem:$0x18800] =	vst v63  }
0xd1: {  	s6 =	simm.s32 $0x10840;
	s0 =	sadd.s32 s3, s0  }
0xd2: {  	[tilespmem:s6], [sflag:$0x3] =	stream.strided.gather [hbm4b:s0+s7], $0x0, s4, s7, $0x38;
	[tilespmem:$0x18800] =	vst v63  }
0xd3: {  	s2 =	sand.u32 $0x1FFFFFF0, s5  }
0xd4: {  	[tilespmem:s6], [sflag:$0x3] =	stream.linear.gather [hbm4b:s0+s1], $0x40, $0x38;
	[tilespmem:$0x18800] =	vst v63  }
0xd5: {  	s9 =	simm.s32 $0x880;
	s8 =	spop (v2sf);
	s2 =	sadd.s32 s3, s2  }
0xd6: {  	(v2sf) =	vpush v63, $0xB;
	[tilespmem:s9], [sflag:$0x1] =	stream.strided.gather [hbm4b:s2+s7], $0x0, s4, s7, $0x38;
	[tilespmem:$0x18800] =	vst v63  }
0xd7: {  	s10 =	spop (v2sf);
	s0 =	sand.u32 $0x1FFFFFF0, s8  }
0xd8: {  	(v2sf) =	vpush v2, $0xC;
	[tilespmem:s9], [sflag:$0x1] =	stream.linear.gather [hbm4b:s2+s1], $0x40, $0x38;
	[tilespmem:$0x18800] =	vst v63  }
0xd9: {  	s13 =	simm.s32 $0x8880;
	s14 =	spop (v2sf);
	s0 =	sadd.s32 s12, s0  }
0xda: {  	(v2sf) =	vpush v62, $0xC;
	[tilespmem:s13], [sflag:$0x2] =	stream.strided.gather [hbm4b:s0+s7], $0x0, s4, s7, $0x38;
	[tilespmem:$0x18800] =	vst v63  }
0xdb: {  	s2 =	sand.u32 $0x1FFFFFF0, s10  }
0xdc: {  	[tilespmem:s13], [sflag:$0x2] =	stream.linear.gather [hbm4b:s0+s1], $0x40, $0x38;
	[tilespmem:$0x18800] =	vst v63  }
0xdd: {  	s15 =	simm.s32 $0x10880;
	s19 =	spop (v2sf);
	s2 =	sadd.s32 s3, s2  }
0xde: {  	(v2sf) =	vpush v63, $0xC;
	[tilespmem:s15], [sflag:$0x3] =	stream.strided.gather [hbm4b:s2+s7], $0x0, s4, s7, $0x38;
	[tilespmem:$0x18800] =	vst v63  }
0xdf: {  	s0 =	sand.u32 $0x1FFFFFF0, s14  }
0xe0: {  	[tilespmem:s15], [sflag:$0x3] =	stream.linear.gather [hbm4b:s2+s1], $0x40, $0x38;
	[tilespmem:$0x18800] =	vst v63  }
0xe1: {  	s20 =	simm.s32 $0x8C0;
	s0 =	sadd.s32 s3, s0  }
0xe2: {  	[tilespmem:s20], [sflag:$0x1] =	stream.strided.gather [hbm4b:s0+s7], $0x0, s4, s7, $0x38;
	[tilespmem:$0x18800] =	vst v63  }
0xe3: {  	s2 =	sand.u32 $0x1FFFFFF0, s19  }
0xe4: {  	[tilespmem:s20], [sflag:$0x1] =	stream.linear.gather [hbm4b:s0+s1], $0x40, $0x38;
	[tilespmem:$0x18800] =	vst v63  }
0xe5: {  	s22 =	simm.s32 $0x88C0;
	s21 =	spop (v2sf);
	s2 =	sadd.s32 s12, s2  }
0xe6: {  	(v2sf) =	vpush v2, $0xD;
	[tilespmem:s22], [sflag:$0x2] =	stream.strided.gather [hbm4b:s2+s7], $0x0, s4, s7, $0x38;
	[tilespmem:$0x18800] =	vst v63  }
0xe7: {  	s23 =	spop (v2sf);
	s0 =	sand.u32 $0x1FFFFFF0, s21  }
0xe8: {  	(v2sf) =	vpush v62, $0xD;
	[tilespmem:s22], [sflag:$0x2] =	stream.linear.gather [hbm4b:s2+s1], $0x40, $0x38;
	[tilespmem:$0x18800] =	vst v63  }
0xe9: {  	s24 =	simm.s32 $0x108C0;
	s26 =	spop (v2sf);
	s0 =	sadd.s32 s3, s0  }
0xea: {  	(v2sf) =	vpush v63, $0xD;
	[tilespmem:s24], [sflag:$0x3] =	stream.strided.gather [hbm4b:s0+s7], $0x0, s4, s7, $0x38;
	[tilespmem:$0x18800] =	vst v63  }
0xeb: {  	s2 =	sand.u32 $0x1FFFFFF0, s23  }
0xec: {  	[tilespmem:s24], [sflag:$0x3] =	stream.linear.gather [hbm4b:s0+s1], $0x40, $0x38;
	[tilespmem:$0x18800] =	vst v63  }
0xed: {  	s29 =	simm.s32 $0x900;
	s30 =	spop (v2sf);
	s2 =	sadd.s32 s3, s2  }
0xee: {  	(v2sf) =	vpush v2, $0xE;
	[tilespmem:s29], [sflag:$0x1] =	stream.strided.gather [hbm4b:s2+s7], $0x0, s4, s7, $0x38;
	[tilespmem:$0x18800] =	vst v63  }
0xef: {  	s0 =	sand.u32 $0x1FFFFFF0, s26  }
0xf0: {  	[tilespmem:s29], [sflag:$0x1] =	stream.linear.gather [hbm4b:s2+s1], $0x40, $0x38;
	[tilespmem:$0x18800] =	vst v63  }
0xf1: {  	s31 =	simm.s32 $0x8900;
	s0 =	sadd.s32 s12, s0  }
0xf2: {  	[tilespmem:s31], [sflag:$0x2] =	stream.strided.gather [hbm4b:s0+s7], $0x0, s4, s7, $0x38;
	[tilespmem:$0x18800] =	vst v63  }
0xf3: {  	s2 =	sand.u32 $0x1FFFFFF0, s30  }
0xf4: {  	[tilespmem:s31], [sflag:$0x2] =	stream.linear.gather [hbm4b:s0+s1], $0x40, $0x38;
	[tilespmem:$0x18800] =	vst v63  }
0xf5: {  	s6 =	simm.s32 $0x10900;
	s5 =	spop (v2sf);
	s2 =	sadd.s32 s3, s2  }
0xf6: {  	(v2sf) =	vpush v62, $0xE;
	[tilespmem:s6], [sflag:$0x3] =	stream.strided.gather [hbm4b:s2+s7], $0x0, s4, s7, $0x38;
	[tilespmem:$0x18800] =	vst v63  }
0xf7: {  	s8 =	spop (v2sf);
	s0 =	sand.u32 $0x1FFFFFF0, s5  }
0xf8: {  	(v2sf) =	vpush v63, $0xE;
	[tilespmem:s6], [sflag:$0x3] =	stream.linear.gather [hbm4b:s2+s1], $0x40, $0x38;
	[tilespmem:$0x18800] =	vst v63  }
0xf9: {  	s9 =	simm.s32 $0x940;
	s10 =	spop (v2sf);
	s0 =	sadd.s32 s3, s0  }
0xfa: {  	(v2sf) =	vpush v2, $0xF;
	[tilespmem:s9], [sflag:$0x1] =	stream.strided.gather [hbm4b:s0+s7], $0x0, s4, s7, $0x38;
	[tilespmem:$0x18800] =	vst v63  }
0xfb: {  	s2 =	sand.u32 $0x1FFFFFF0, s8  }
0xfc: {  	(v2sf) =	vpush v62, $0xF;
	[tilespmem:s9], [sflag:$0x1] =	stream.linear.gather [hbm4b:s0+s1], $0x40, $0x38;
	[tilespmem:$0x18800] =	vst v63  }
0xfd: {  	s13 =	simm.s32 $0x8940;
	s14 =	spop (v2sf);
	s2 =	sadd.s32 s12, s2  }
0xfe: {  	(v2sf) =	vpush v63, $0xF;
	[tilespmem:s13], [sflag:$0x2] =	stream.strided.gather [hbm4b:s2+s7], $0x0, s4, s7, $0x38;
	[tilespmem:$0x18800] =	vst v63  }
0xff: {  	s0 =	sand.u32 $0x1FFFFFF0, s10  }
0x100: {  	[tilespmem:s13], [sflag:$0x2] =	stream.linear.gather [hbm4b:s2+s1], $0x40, $0x38;
	[tilespmem:$0x18800] =	vst v63  }
0x101: {  	s15 =	simm.s32 $0x10940;
	s0 =	sadd.s32 s3, s0  }
0x102: {  	[tilespmem:s15], [sflag:$0x3] =	stream.strided.gather [hbm4b:s0+s7], $0x0, s4, s7, $0x38;
	[tilespmem:$0x18800] =	vst v63  }
0x103: {  	s2 =	sand.u32 $0x1FFFFFF0, s14  }
0x104: {  	[tilespmem:s15], [sflag:$0x3] =	stream.linear.gather [hbm4b:s0+s1], $0x40, $0x38;
	[tilespmem:$0x18800] =	vst v63  }
0x105: {  	s20 =	simm.s32 $0x980;
	s19 =	spop (v2sf);
	s2 =	sadd.s32 s3, s2  }
0x106: {  	[tilespmem:s20], [sflag:$0x1] =	stream.strided.gather [hbm4b:s2+s7], $0x0, s4, s7, $0x38;
	[tilespmem:$0x18800] =	vst v63  }
0x107: {  	s21 =	spop (v2sf);
	s0 =	sand.u32 $0x1FFFFFF0, s19  }
0x108: {  	[tilespmem:s20], [sflag:$0x1] =	stream.linear.gather [hbm4b:s2+s1], $0x40, $0x38;
	[tilespmem:$0x18800] =	vst v63  }
0x109: {  	s22 =	simm.s32 $0x8980;
	s23 =	spop (v2sf);
	s0 =	sadd.s32 s12, s0  }
0x10a: {  	[tilespmem:s22], [sflag:$0x2] =	stream.strided.gather [hbm4b:s0+s7], $0x0, s4, s7, $0x38;
	[tilespmem:$0x18800] =	vst v63  }
0x10b: {  	s24 =	simm.s32 $0x10980;
	s26 =	spop (v2sf);
	s2 =	sand.u32 $0x1FFFFFF0, s21  }
0x10c: {  	[tilespmem:s22], [sflag:$0x2] =	stream.linear.gather [hbm4b:s0+s1], $0x40, $0x38;
	[tilespmem:$0x18800] =	vst v63  }
0x10d: {  	s29 =	simm.s32 $0x9C0;
	s30 =	spop (v2sf);
	s2 =	sadd.s32 s3, s2  }
0x10e: {  	[tilespmem:s24], [sflag:$0x3] =	stream.strided.gather [hbm4b:s2+s7], $0x0, s4, s7, $0x38;
	[tilespmem:$0x18800] =	vst v63  }
0x10f: {  	s31 =	sand.u32 $0x1FFFFFF0, s30;
	s6 =	simm.s32 $0x109C0;
	s0 =	sand.u32 $0x1FFFFFF0, s23  }
0x110: {  	[tilespmem:s24], [sflag:$0x3] =	stream.linear.gather [hbm4b:s2+s1], $0x40, $0x38;
	[tilespmem:$0x18800] =	vst v63  }
0x111: {  	s28 =	sadd.s32 s3, s31;
	s21 =	simm.s32 $0x1000;
	s0 =	sadd.s32 s3, s0  }
0x112: {  	[tilespmem:s29], [sflag:$0x1] =	stream.strided.gather [hbm4b:s0+s7], $0x0, s4, s7, $0x38;
	[tilespmem:$0x18800] =	vst v63  }
0x113: {  	s22 =	simm.s32 $0x10;
	s23 =	simm.s32 $0x210;
	s2 =	sand.u32 $0x1FFFFFF0, s26  }
0x114: {  	[tilespmem:s29], [sflag:$0x1] =	stream.linear.gather [hbm4b:s0+s1], $0x40, $0x38;
	[tilespmem:$0x18800] =	vst v63  }
0x115: {  	s24 =	simm.s32 $0x410;
	s2 =	sadd.s32 s12, s2;
	s0 =	simm.s32 $0x89C0  }
0x116: {  	[tilespmem:s0], [sflag:$0x2] =	stream.strided.gather [hbm4b:s2+s7], $0x0, s4, s7, $0x38;
	[tilespmem:$0x18800] =	vst v63  }
.LBB2_2:
0x117: {  	[tilespmem:s0], [sflag:$0x2] =	stream.linear.gather [hbm4b:s2+s1], $0x40, $0x38;
	[tilespmem:$0x18800] =	vst v63  }
0x118: {  	_ = 	snop  }
0x119: {  	[tilespmem:s6], [sflag:$0x3] =	stream.strided.gather [hbm4b:s28+s7], $0x0, s4, s7, $0x38;
	[tilespmem:$0x18800] =	vst v63  }
0x11a: {  	_ = 	snop  }
0x11b: {  	[tilespmem:s6], [sflag:$0x3] =	stream.linear.gather [hbm4b:s28+s1], $0x40, $0x38;
	[tilespmem:$0x18800] =	vst v63  }
0x11c: {  	v0 =	vld [tilespmem:s22+$0x0];
	_ =	sdelay $0x1  }
0x11d: {  	v1 =	vld [tilespmem:s23+$0x0];
	_ =	sdelay $0x2  }
0x11e: {  	v2 =	vshll.u32 v0, $0x4  }
0x11f: {  	v3 =	vld [tilespmem:s24+$0x0];
	(v2sf) =	vpush v2, $0x0  }
0x120: {  	v1 =	vshll.u32 v1, $0x4  }
0x121: {  	(v2sf) =	vpush v1, $0x0;
	_ =	sdelay $0x1  }
0x122: {  	(v2sf) =	vpush v2, $0x1  }
0x123: {  	v63 =	vshll.u32 v3, $0x4  }
0x124: {  	(v2sf) =	vpush v63, $0x0;
	_ =	sdelay $0x1  }
0x125: {  	(v2sf) =	vpush v2, $0x2;
	_ =	sdelay $0x1  }
0x126: {  	(v2sf) =	vpush v1, $0x1;
	_ =	sdelay $0x1  }
0x127: {  	(v2sf) =	vpush v63, $0x1;
	_ =	sdelay $0x1  }
0x128: {  	(v2sf) =	vpush v1, $0x2  }
0x129: {  	s9 =	smov.u32 s21;
	s10 =	spop (v2sf)  }
0x12a: {  	s26 =	sshra.s32 s9, $0x2;
	(v2sf) =	vpush v63, $0x2;
	s0 =	sand.u32 $0x1FFFFFF0, s10  }
0x12b: {  	s13 =	sadd.s32 $0x600, s26;
	s5 =	spop (v2sf);
	s0 =	sadd.s32 s3, s0  }
0x12c: {  	(v2sf) =	vpush v2, $0x3;
	[tilespmem:s13], [sflag:$0x1] =	stream.strided.gather [hbm4b:s0+s7], $0x0, s4, s7, $0x38;
	[tilespmem:$0x18800] =	vst v63  }
0x12d: {  	s5 =	sand.u32 $0x1FFFFFF0, s5;
	s15 =	spop (v2sf)  }
0x12e: {  	(v2sf) =	vpush v1, $0x3;
	[tilespmem:s13], [sflag:$0x1] =	stream.linear.gather [hbm4b:s0+s1], $0x40, $0x38;
	[tilespmem:$0x18800] =	vst v63  }
0x12f: {  	s19 =	sadd.s32 $0x8600, s26;
	s5 =	sadd.s32 s12, s5;
	s20 =	spop (v2sf)  }
0x130: {  	(v2sf) =	vpush v63, $0x3;
	[tilespmem:s19], [sflag:$0x2] =	stream.strided.gather [hbm4b:s5+s16], $0x0, s4, s16, $0x38;
	[tilespmem:$0x18800] =	vst v63  }
0x131: {  	s2 =	sadd.s32 $0x640, s26;
	s6 =	sand.u32 $0x1FFFFFF0, s20;
	s8 =	spop (v2sf)  }
0x132: {  	(v2sf) =	vpush v2, $0x4;
	[tilespmem:s19], [sflag:$0x2] =	stream.linear.gather [hbm4b:s5+s1], $0x40, $0x38;
	[tilespmem:$0x18800] =	vst v63  }
0x133: {  	s9 =	sadd.s32 $0x10600, s26;
	s6 =	sadd.s32 s3, s6;
	s10 =	spop (v2sf)  }
0x134: {  	(v2sf) =	vpush v1, $0x4;
	[tilespmem:s9], [sflag:$0x3] =	stream.strided.gather [hbm4b:s6+s16], $0x0, s4, s16, $0x38;
	[tilespmem:$0x18800] =	vst v63  }
0x135: {  	s14 =	sadd.s32 $0x109C0, s26;
	s7 =	sand.u32 $0x1FFFFFF0, s15;
	s30 =	spop (v2sf)  }
0x136: {  	(v2sf) =	vpush v63, $0x4;
	[tilespmem:s9], [sflag:$0x3] =	stream.linear.gather [hbm4b:s6+s1], $0x40, $0x38;
	[tilespmem:$0x18800] =	vst v63  }
0x137: {  	[dreg:$0x6] =	wrdreg s14;
	s31 =	spop (v2sf);
	s9 =	sadd.s32 s3, s7  }
0x138: {  	(v2sf) =	vpush v2, $0x5;
	[tilespmem:s2], [sflag:$0x1] =	stream.strided.gather [hbm4b:s9+s16], $0x0, s4, s16, $0x38;
	[tilespmem:$0x18800] =	vst v63  }
0x139: {  	s14 =	sadd.s32 $0x8640, s26;
	s29 =	sand.u32 $0x1FFFFFF0, s10;
	s10 =	spop (v2sf)  }
0x13a: {  	(v2sf) =	vpush v1, $0x5;
	[tilespmem:s2], [sflag:$0x1] =	stream.linear.gather [hbm4b:s9+s1], $0x40, $0x38;
	[tilespmem:$0x18800] =	vst v63  }
0x13b: {  	s20 =	sadd.s32 s12, s29;
	s13 =	sand.u32 $0x1FFFFFF0, s31;
	s15 =	spop (v2sf)  }
0x13c: {  	[tilespmem:s14], [sflag:$0x2] =	stream.strided.gather [hbm4b:s20+s16], $0x0, s4, s16, $0x38;
	[tilespmem:$0x18800] =	vst v63  }
0x13d: {  	s5 =	sand.u32 $0x1FFFFFF0, s8;
	s8 =	sand.u32 $0x1FFFFFF0, s30;
	s29 =	spop (v2sf)  }
0x13e: {  	(v2sf) =	vpush v63, $0x5;
	[tilespmem:s14], [sflag:$0x2] =	stream.linear.gather [hbm4b:s20+s1], $0x40, $0x38;
	[tilespmem:$0x18800] =	vst v63  }
0x13f: {  	s30 =	sadd.s32 $0x10640, s26;
	s8 =	sadd.s32 s3, s8;
	s31 =	spop (v2sf)  }
0x140: {  	(v2sf) =	vpush v2, $0x6;
	[tilespmem:s30], [sflag:$0x3] =	stream.strided.gather [hbm4b:s8+s16], $0x0, s4, s16, $0x38;
	[tilespmem:$0x18800] =	vst v63  }
0x141: {  	s28 =	sadd.s32 $0x8680, s26;
	s5 =	sadd.s32 s3, s5;
	s14 =	spop (v2sf)  }
0x142: {  	[tilespmem:s30], [sflag:$0x3] =	stream.linear.gather [hbm4b:s8+s1], $0x40, $0x38;
	[tilespmem:$0x18800] =	vst v63  }
0x143: {  	s6 =	sand.u32 $0x1FFFFFF0, s15;
	s20 =	sadd.s32 $0x680, s26;
	s15 =	spop (v2sf)  }
0x144: {  	(v2sf) =	vpush v1, $0x6;
	[tilespmem:s20], [sflag:$0x1] =	stream.strided.gather [hbm4b:s5+s16], $0x0, s4, s16, $0x38;
	[tilespmem:$0x18800] =	vst v63  }
0x145: {  	s19 =	sand.u32 $0x1FFFFFF0, s10;
	s0 =	sand.u32 $0x1FFFFFF0, s29;
	s29 =	spop (v2sf)  }
0x146: {  	[tilespmem:s20], [sflag:$0x1] =	stream.linear.gather [hbm4b:s5+s1], $0x40, $0x38;
	[tilespmem:$0x18800] =	vst v63  }
0x147: {  	s10 =	sand.u32 $0x1FFFFFF0, s31;
	s31 =	sadd.s32 s12, s13;
	s30 =	spop (v2sf)  }
0x148: {  	(v2sf) =	vpush v63, $0x6;
	[tilespmem:s28], [sflag:$0x2] =	stream.strided.gather [hbm4b:s31+s16], $0x0, s4, s16, $0x38;
	[tilespmem:$0x18800] =	vst v63  }
0x149: {  	s19 =	sadd.s32 s3, s19;
	s8 =	spop (v2sf)  }
0x14a: {  	(v2sf) =	vpush v2, $0x7;
	[tilespmem:s28], [sflag:$0x2] =	stream.linear.gather [hbm4b:s31+s1], $0x40, $0x38;
	[tilespmem:$0x18800] =	vst v63  }
0x14b: {  	s2 =	sand.u32 $0x1FFFFFF0, s14;
	s9 =	sand.u32 $0x1FFFFFF0, s29;
	s29 =	sadd.s32 $0x10680, s26  }
0x14c: {  	[tilespmem:s29], [sflag:$0x3] =	stream.strided.gather [hbm4b:s19+s16], $0x0, s4, s16, $0x38;
	[tilespmem:$0x18800] =	vst v63  }
0x14d: {  	s7 =	sand.u32 $0x1FFFFFF0, s15;
	s13 =	sand.u32 $0x1FFFFFF0, s30;
	s14 =	spop (v2sf)  }
0x14e: {  	[tilespmem:s29], [sflag:$0x3] =	stream.linear.gather [hbm4b:s19+s1], $0x40, $0x38;
	[tilespmem:$0x18800] =	vst v63  }
0x14f: {  	s30 =	sadd.s32 s3, s6;
	s15 =	spop (v2sf);
	s28 =	sadd.s32 $0x6C0, s26  }
0x150: {  	(v2sf) =	vpush v1, $0x7;
	[tilespmem:s28], [sflag:$0x1] =	stream.strided.gather [hbm4b:s30+s16], $0x0, s4, s16, $0x38;
	[tilespmem:$0x18800] =	vst v63  }
0x151: {  	s5 =	sand.u32 $0x1FFFFFF0, s8;
	s8 =	sand.u32 $0x1FFFFFF0, s14  }
0x152: {  	[tilespmem:s28], [sflag:$0x1] =	stream.linear.gather [hbm4b:s30+s1], $0x40, $0x38;
	[tilespmem:$0x18800] =	vst v63  }
0x153: {  	s14 =	sadd.s32 s12, s0;
	s31 =	sadd.s32 $0x86C0, s26;
	s20 =	spop (v2sf)  }
0x154: {  	(v2sf) =	vpush v63, $0x7;
	[tilespmem:s31], [sflag:$0x2] =	stream.strided.gather [hbm4b:s14+s16], $0x0, s4, s16, $0x38;
	[tilespmem:$0x18800] =	vst v63  }
0x155: {  	s6 =	sand.u32 $0x1FFFFFF0, s15  }
0x156: {  	[tilespmem:s31], [sflag:$0x2] =	stream.linear.gather [hbm4b:s14+s1], $0x40, $0x38;
	[tilespmem:$0x18800] =	vst v63  }
0x157: {  	s15 =	spop (v2sf);
	s28 =	sadd.s32 $0x106C0, s26;
	s30 =	sadd.s32 s3, s10  }
0x158: {  	(v2sf) =	vpush v2, $0x8;
	[tilespmem:s28], [sflag:$0x3] =	stream.strided.gather [hbm4b:s30+s16], $0x0, s4, s16, $0x38;
	[tilespmem:$0x18800] =	vst v63  }
0x159: {  	s31 =	spop (v2sf)  }
0x15a: {  	(v2sf) =	vpush v1, $0x8;
	[tilespmem:s28], [sflag:$0x3] =	stream.linear.gather [hbm4b:s30+s1], $0x40, $0x38;
	[tilespmem:$0x18800] =	vst v63  }
0x15b: {  	s10 =	sand.u32 $0x1FFFFFF0, s15;
	s15 =	sadd.s32 s3, s2;
	s14 =	sadd.s32 $0x700, s26  }
0x15c: {  	(v2sf) =	vpush v63, $0x8;
	[tilespmem:s14], [sflag:$0x1] =	stream.strided.gather [hbm4b:s15+s16], $0x0, s4, s16, $0x38;
	[tilespmem:$0x18800] =	vst v63  }
0x15d: {  	s2 =	sand.u32 $0x1FFFFFF0, s31  }
0x15e: {  	[tilespmem:s14], [sflag:$0x1] =	stream.linear.gather [hbm4b:s15+s1], $0x40, $0x38;
	[tilespmem:$0x18800] =	vst v63  }
0x15f: {  	s31 =	spop (v2sf);
	s28 =	sadd.s32 $0x8700, s26;
	s30 =	sadd.s32 s12, s7  }
0x160: {  	(v2sf) =	vpush v2, $0x9;
	[tilespmem:s28], [sflag:$0x2] =	stream.strided.gather [hbm4b:s30+s16], $0x0, s4, s16, $0x38;
	[tilespmem:$0x18800] =	vst v63  }
0x161: {  	s7 =	sand.u32 $0x1FFFFFF0, s31  }
0x162: {  	[tilespmem:s28], [sflag:$0x2] =	stream.linear.gather [hbm4b:s30+s1], $0x40, $0x38;
	[tilespmem:$0x18800] =	vst v63  }
0x163: {  	s31 =	sadd.s32 s3, s9;
	s14 =	spop (v2sf);
	s15 =	sadd.s32 $0x10700, s26  }
0x164: {  	(v2sf) =	vpush v1, $0x9;
	[tilespmem:s15], [sflag:$0x3] =	stream.strided.gather [hbm4b:s31+s16], $0x0, s4, s16, $0x38;
	[tilespmem:$0x18800] =	vst v63  }
0x165: {  	s13 =	sadd.s32 s3, s13  }
0x166: {  	(v2sf) =	vpush v63, $0x9;
	[tilespmem:s15], [sflag:$0x3] =	stream.linear.gather [hbm4b:s31+s1], $0x40, $0x38;
	[tilespmem:$0x18800] =	vst v63  }
0x167: {  	s0 =	sand.u32 $0x1FFFFFF0, s20;
	s30 =	spop (v2sf);
	s28 =	sadd.s32 $0x740, s26  }
0x168: {  	(v2sf) =	vpush v2, $0xA;
	[tilespmem:s28], [sflag:$0x1] =	stream.strided.gather [hbm4b:s13+s16], $0x0, s4, s16, $0x38;
	[tilespmem:$0x18800] =	vst v63  }
0x169: {  	s29 =	sadd.s32 $0x8740, s26;
	s9 =	sand.u32 $0x1FFFFFF0, s14;
	s31 =	spop (v2sf)  }
0x16a: {  	[tilespmem:s28], [sflag:$0x1] =	stream.linear.gather [hbm4b:s13+s1], $0x40, $0x38;
	[tilespmem:$0x18800] =	vst v63  }
0x16b: {  	s20 =	sand.u32 $0x1FFFFFF0, s30;
	s30 =	sadd.s32 s12, s5;
	s14 =	spop (v2sf)  }
0x16c: {  	(v2sf) =	vpush v1, $0xA;
	[tilespmem:s29], [sflag:$0x2] =	stream.strided.gather [hbm4b:s30+s16], $0x0, s4, s16, $0x38;
	[tilespmem:$0x18800] =	vst v63  }
0x16d: {  	s5 =	sand.u32 $0x1FFFFFF0, s14  }
0x16e: {  	(v2sf) =	vpush v63, $0xA;
	[tilespmem:s29], [sflag:$0x2] =	stream.linear.gather [hbm4b:s30+s1], $0x40, $0x38;
	[tilespmem:$0x18800] =	vst v63  }
0x16f: {  	s15 =	spop (v2sf);
	s14 =	sadd.s32 s3, s8;
	s28 =	sadd.s32 $0x10740, s26  }
0x170: {  	(v2sf) =	vpush v2, $0xB;
	[tilespmem:s28], [sflag:$0x3] =	stream.strided.gather [hbm4b:s14+s16], $0x0, s4, s16, $0x38;
	[tilespmem:$0x18800] =	vst v63  }
0x171: {  	_ = 	snop  }
0x172: {  	[tilespmem:s28], [sflag:$0x3] =	stream.linear.gather [hbm4b:s14+s1], $0x40, $0x38;
	[tilespmem:$0x18800] =	vst v63  }
0x173: {  	s8 =	spop (v2sf);
	s29 =	sadd.s32 $0x780, s26;
	s30 =	sadd.s32 s3, s6  }
0x174: {  	(v2sf) =	vpush v1, $0xB;
	[tilespmem:s29], [sflag:$0x1] =	stream.strided.gather [hbm4b:s30+s16], $0x0, s4, s16, $0x38;
	[tilespmem:$0x18800] =	vst v63  }
0x175: {  	s19 =	sand.u32 $0x1FFFFFF0, s15;
	s13 =	sand.u32 $0x1FFFFFF0, s31;
	s15 =	spop (v2sf)  }
0x176: {  	[tilespmem:s29], [sflag:$0x1] =	stream.linear.gather [hbm4b:s30+s1], $0x40, $0x38;
	[tilespmem:$0x18800] =	vst v63  }
0x177: {  	s31 =	sadd.s32 $0x8780, s26;
	s28 =	spop (v2sf);
	s14 =	sadd.s32 s12, s0  }
0x178: {  	(v2sf) =	vpush v63, $0xB;
	[tilespmem:s31], [sflag:$0x2] =	stream.strided.gather [hbm4b:s14+s16], $0x0, s4, s16, $0x38;
	[tilespmem:$0x18800] =	vst v63  }
0x179: {  	s6 =	sand.u32 $0x1FFFFFF0, s15;
	s15 =	sadd.s32 s3, s10  }
0x17a: {  	[tilespmem:s31], [sflag:$0x2] =	stream.linear.gather [hbm4b:s14+s1], $0x40, $0x38;
	[tilespmem:$0x18800] =	vst v63  }
0x17b: {  	s0 =	sand.u32 $0x1FFFFFF0, s28;
	s28 =	spop (v2sf);
	s30 =	sadd.s32 $0x10780, s26  }
0x17c: {  	[tilespmem:s30], [sflag:$0x3] =	stream.strided.gather [hbm4b:s15+s16], $0x0, s4, s16, $0x38;
	[tilespmem:$0x18800] =	vst v63  }
0x17d: {  	s29 =	spop (v2sf)  }
0x17e: {  	(v2sf) =	vpush v2, $0xC;
	[tilespmem:s30], [sflag:$0x3] =	stream.linear.gather [hbm4b:s15+s1], $0x40, $0x38;
	[tilespmem:$0x18800] =	vst v63  }
0x17f: {  	s2 =	sadd.s32 s3, s2;
	s14 =	spop (v2sf);
	s31 =	sadd.s32 $0x7C0, s26  }
0x180: {  	(v2sf) =	vpush v1, $0xC;
	[tilespmem:s31], [sflag:$0x1] =	stream.strided.gather [hbm4b:s2+s16], $0x0, s4, s16, $0x38;
	[tilespmem:$0x18800] =	vst v63  }
0x181: {  	_ = 	snop  }
0x182: {  	(v2sf) =	vpush v63, $0xC;
	[tilespmem:s31], [sflag:$0x1] =	stream.linear.gather [hbm4b:s2+s1], $0x40, $0x38;
	[tilespmem:$0x18800] =	vst v63  }
0x183: {  	s7 =	sadd.s32 s12, s7;
	s30 =	spop (v2sf);
	s15 =	sadd.s32 $0x87C0, s26  }
0x184: {  	(v2sf) =	vpush v2, $0xD;
	[tilespmem:s15], [sflag:$0x2] =	stream.strided.gather [hbm4b:s7+s16], $0x0, s4, s16, $0x38;
	[tilespmem:$0x18800] =	vst v63  }
0x185: {  	s9 =	sadd.s32 s3, s9;
	s10 =	sand.u32 $0x1FFFFFF0, s28  }
0x186: {  	[tilespmem:s15], [sflag:$0x2] =	stream.linear.gather [hbm4b:s7+s1], $0x40, $0x38;
	[tilespmem:$0x18800] =	vst v63  }
0x187: {  	s28 =	sand.u32 $0x1FFFFFF0, s14;
	s14 =	sadd.s32 $0x107C0, s26;
	s31 =	spop (v2sf)  }
0x188: {  	(v2sf) =	vpush v1, $0xD;
	[tilespmem:s14], [sflag:$0x3] =	stream.strided.gather [hbm4b:s9+s16], $0x0, s4, s16, $0x38;
	[tilespmem:$0x18800] =	vst v63  }
0x189: {  	_ = 	snop  }
0x18a: {  	(v2sf) =	vpush v63, $0xD;
	[tilespmem:s14], [sflag:$0x3] =	stream.linear.gather [hbm4b:s9+s1], $0x40, $0x38;
	[tilespmem:$0x18800] =	vst v63  }
0x18b: {  	s20 =	sadd.s32 s3, s20;
	s15 =	sadd.s32 $0x800, s26  }
0x18c: {  	[tilespmem:s15], [sflag:$0x1] =	stream.strided.gather [hbm4b:s20+s16], $0x0, s4, s16, $0x38;
	[tilespmem:$0x18800] =	vst v63  }
0x18d: {  	s7 =	spop (v2sf)  }
0x18e: {  	[tilespmem:s15], [sflag:$0x1] =	stream.linear.gather [hbm4b:s20+s1], $0x40, $0x38;
	[tilespmem:$0x18800] =	vst v63  }
0x18f: {  	s13 =	sadd.s32 s12, s13;
	s9 =	spop (v2sf);
	s14 =	sadd.s32 $0x8800, s26  }
0x190: {  	(v2sf) =	vpush v2, $0xE;
	[tilespmem:s14], [sflag:$0x2] =	stream.strided.gather [hbm4b:s13+s16], $0x0, s4, s16, $0x38;
	[tilespmem:$0x18800] =	vst v63  }
0x191: {  	s2 =	spop (v2sf)  }
0x192: {  	(v2sf) =	vpush v1, $0xE;
	[tilespmem:s14], [sflag:$0x2] =	stream.linear.gather [hbm4b:s13+s1], $0x40, $0x38;
	[tilespmem:$0x18800] =	vst v63  }
0x193: {  	s15 =	spop (v2sf);
	s20 =	sadd.s32 $0x10800, s26;
	s4 =	sadd.s32 s3, s5  }
0x194: {  	[tilespmem:s20], [sflag:$0x3] =	stream.strided.gather [hbm4b:s4+s16], $0x0, s25, s16, $0x38;
	[tilespmem:$0x18800] =	vst v63  }
0x195: {  	s5 =	sand.u32 $0x1FFFFFF0, s15  }
0x196: {  	[tilespmem:s20], [sflag:$0x3] =	stream.linear.gather [hbm4b:s4+s11], $0x40, $0x38;
	[tilespmem:$0x18800] =	vst v63  }
0x197: {  	s15 =	sadd.s32 s3, s19;
	s13 =	spop (v2sf);
	s14 =	sadd.s32 $0x840, s26  }
0x198: {  	[tilespmem:s14], [sflag:$0x1] =	stream.strided.gather [hbm4b:s15+s16], $0x0, s25, s16, $0x38;
	[tilespmem:$0x18800] =	vst v63  }
0x199: {  	s1 =	spop (v2sf);
	s20 =	sand.u32 $0x1FFFFFF0, s8  }
0x19a: {  	[tilespmem:s14], [sflag:$0x1] =	stream.linear.gather [hbm4b:s15+s11], $0x40, $0x38;
	[tilespmem:$0x18800] =	vst v63  }
0x19b: {  	s8 =	sand.u32 $0x1FFFFFF0, s1;
	s1 =	sadd.s32 $0x8840, s26;
	s4 =	sadd.s32 s12, s20  }
0x19c: {  	[tilespmem:s1], [sflag:$0x2] =	stream.strided.gather [hbm4b:s4+s16], $0x0, s25, s16, $0x38;
	[tilespmem:$0x18800] =	vst v63  }
0x19d: {  	_ = 	snop  }
0x19e: {  	[tilespmem:s1], [sflag:$0x2] =	stream.linear.gather [hbm4b:s4+s11], $0x40, $0x38;
	[tilespmem:$0x18800] =	vst v63  }
0x19f: {  	s20 =	spop (v2sf);
	s14 =	sadd.s32 $0x10840, s26;
	s15 =	sadd.s32 s3, s6  }
0x1a0: {  	[tilespmem:s14], [sflag:$0x3] =	stream.strided.gather [hbm4b:s15+s16], $0x0, s25, s16, $0x38;
	[tilespmem:$0x18800] =	vst v63  }
0x1a1: {  	s19 =	sand.u32 $0x1FFFFFF0, s13;
	s13 =	spop (v2sf)  }
0x1a2: {  	[tilespmem:s14], [sflag:$0x3] =	stream.linear.gather [hbm4b:s15+s11], $0x40, $0x38;
	[tilespmem:$0x18800] =	vst v63  }
0x1a3: {  	s6 =	sand.u32 $0x1FFFFFF0, s13;
	s13 =	sadd.s32 s3, s0;
	s4 =	sadd.s32 $0x880, s26  }
0x1a4: {  	[tilespmem:s4], [sflag:$0x1] =	stream.strided.gather [hbm4b:s13+s16], $0x0, s25, s16, $0x38;
	[tilespmem:$0x18800] =	vst v63  }
0x1a5: {  	_ = 	snop  }
0x1a6: {  	[tilespmem:s4], [sflag:$0x1] =	stream.linear.gather [hbm4b:s13+s11], $0x40, $0x38;
	[tilespmem:$0x18800] =	vst v63  }
0x1a7: {  	s14 =	sadd.s32 $0x8880, s26;
	s15 =	sadd.s32 s12, s10  }
0x1a8: {  	[tilespmem:s14], [sflag:$0x2] =	stream.strided.gather [hbm4b:s15+s16], $0x0, s25, s16, $0x38;
	[tilespmem:$0x18800] =	vst v63  }
0x1a9: {  	s29 =	sand.u32 $0x1FFFFFF0, s29  }
0x1aa: {  	[tilespmem:s14], [sflag:$0x2] =	stream.linear.gather [hbm4b:s15+s11], $0x40, $0x38;
	[tilespmem:$0x18800] =	vst v63  }
0x1ab: {  	s4 =	sadd.s32 $0x10880, s26;
	s13 =	sadd.s32 s3, s29  }
0x1ac: {  	[tilespmem:s4], [sflag:$0x3] =	stream.strided.gather [hbm4b:s13+s16], $0x0, s25, s16, $0x38;
	[tilespmem:$0x18800] =	vst v63  }
0x1ad: {  	_ = 	snop  }
0x1ae: {  	[tilespmem:s4], [sflag:$0x3] =	stream.linear.gather [hbm4b:s13+s11], $0x40, $0x38;
	[tilespmem:$0x18800] =	vst v63  }
0x1af: {  	s14 =	sadd.s32 $0x8C0, s26;
	s15 =	sadd.s32 s3, s28  }
0x1b0: {  	[tilespmem:s14], [sflag:$0x1] =	stream.strided.gather [hbm4b:s15+s16], $0x0, s25, s16, $0x38;
	[tilespmem:$0x18800] =	vst v63  }
0x1b1: {  	s30 =	sand.u32 $0x1FFFFFF0, s30  }
0x1b2: {  	[tilespmem:s14], [sflag:$0x1] =	stream.linear.gather [hbm4b:s15+s11], $0x40, $0x38;
	[tilespmem:$0x18800] =	vst v63  }
0x1b3: {  	s4 =	sadd.s32 $0x88C0, s26;
	s13 =	sadd.s32 s12, s30  }
0x1b4: {  	[tilespmem:s4], [sflag:$0x2] =	stream.strided.gather [hbm4b:s13+s16], $0x0, s25, s16, $0x38;
	[tilespmem:$0x18800] =	vst v63  }
0x1b5: {  	s31 =	sand.u32 $0x1FFFFFF0, s31  }
0x1b6: {  	[tilespmem:s4], [sflag:$0x2] =	stream.linear.gather [hbm4b:s13+s11], $0x40, $0x38;
	[tilespmem:$0x18800] =	vst v63  }
0x1b7: {  	s14 =	sadd.s32 $0x108C0, s26;
	s15 =	sadd.s32 s3, s31  }
0x1b8: {  	[tilespmem:s14], [sflag:$0x3] =	stream.strided.gather [hbm4b:s15+s16], $0x0, s25, s16, $0x38;
	[tilespmem:$0x18800] =	vst v63  }
0x1b9: {  	s7 =	sand.u32 $0x1FFFFFF0, s7  }
0x1ba: {  	[tilespmem:s14], [sflag:$0x3] =	stream.linear.gather [hbm4b:s15+s11], $0x40, $0x38;
	[tilespmem:$0x18800] =	vst v63  }
0x1bb: {  	s30 =	sadd.s32 $0x900, s26;
	s31 =	sadd.s32 s3, s7  }
0x1bc: {  	[tilespmem:s30], [sflag:$0x1] =	stream.strided.gather [hbm4b:s31+s16], $0x0, s25, s16, $0x38;
	[tilespmem:$0x18800] =	vst v63  }
0x1bd: {  	s9 =	sand.u32 $0x1FFFFFF0, s9  }
0x1be: {  	[tilespmem:s30], [sflag:$0x1] =	stream.linear.gather [hbm4b:s31+s11], $0x40, $0x38;
	[tilespmem:$0x18800] =	vst v63  }
0x1bf: {  	s7 =	sadd.s32 s12, s9;
	s13 =	sadd.s32 $0x8900, s26  }
0x1c0: {  	[tilespmem:s13], [sflag:$0x2] =	stream.strided.gather [hbm4b:s7+s16], $0x0, s25, s16, $0x38;
	[tilespmem:$0x18800] =	vst v63  }
0x1c1: {  	s2 =	sand.u32 $0x1FFFFFF0, s2  }
0x1c2: {  	[tilespmem:s13], [sflag:$0x2] =	stream.linear.gather [hbm4b:s7+s11], $0x40, $0x38;
	[tilespmem:$0x18800] =	vst v63  }
0x1c3: {  	s2 =	sadd.s32 s3, s2;
	s14 =	sadd.s32 $0x10900, s26;
	s7 =	simm.s32 $0x80  }
0x1c4: {  	[tilespmem:s14], [sflag:$0x3] =	stream.strided.gather [hbm4b:s2+s7], $0x0, s25, s7, $0x38;
	[tilespmem:$0x18800] =	vst v63  }
0x1c5: {  	_ = 	snop  }
0x1c6: {  	(v2sf) =	vpush v63, $0xE;
	[tilespmem:s14], [sflag:$0x3] =	stream.linear.gather [hbm4b:s2+s11], $0x40, $0x38;
	[tilespmem:$0x18800] =	vst v63  }
0x1c7: {  	s5 =	sadd.s32 s3, s5;
	s15 =	sadd.s32 $0x940, s26  }
0x1c8: {  	[tilespmem:s15], [sflag:$0x1] =	stream.strided.gather [hbm4b:s5+s7], $0x0, s25, s7, $0x38;
	[tilespmem:$0x18800] =	vst v63  }
0x1c9: {  	_ = 	snop  }
0x1ca: {  	(v2sf) =	vpush v2, $0xF;
	[tilespmem:s15], [sflag:$0x1] =	stream.linear.gather [hbm4b:s5+s11], $0x40, $0x38;
	[tilespmem:$0x18800] =	vst v63  }
0x1cb: {  	s30 =	sadd.s32 $0x8940, s26;
	s31 =	sadd.s32 s12, s19  }
0x1cc: {  	(v2sf) =	vpush v1, $0xF;
	[tilespmem:s30], [sflag:$0x2] =	stream.strided.gather [hbm4b:s31+s7], $0x0, s25, s7, $0x38;
	[tilespmem:$0x18800] =	vst v63  }
0x1cd: {  	_ = 	snop  }
0x1ce: {  	[tilespmem:s30], [sflag:$0x2] =	stream.linear.gather [hbm4b:s31+s11], $0x40, $0x38;
	[tilespmem:$0x18800] =	vst v63  }
0x1cf: {  	s9 =	sadd.s32 s3, s8;
	s5 =	sadd.s32 $0x10940, s26  }
0x1d0: {  	(v2sf) =	vpush v63, $0xF;
	[tilespmem:s5], [sflag:$0x3] =	stream.strided.gather [hbm4b:s9+s7], $0x0, s25, s7, $0x38;
	[tilespmem:$0x18800] =	vst v63  }
0x1d1: {  	s20 =	sand.u32 $0x1FFFFFF0, s20  }
0x1d2: {  	[tilespmem:s5], [sflag:$0x3] =	stream.linear.gather [hbm4b:s9+s11], $0x40, $0x38;
	[tilespmem:$0x18800] =	vst v63  }
0x1d3: {  	s13 =	sadd.s32 $0x980, s26;
	s14 =	sadd.s32 s3, s20  }
0x1d4: {  	[tilespmem:s13], [sflag:$0x1] =	stream.strided.gather [hbm4b:s14+s7], $0x0, s25, s7, $0x38;
	[tilespmem:$0x18800] =	vst v63  }
0x1d5: {  	p0 =	sne.s32 s21, $0x1F000;
	s1 =	spop (v2sf)  }
0x1d6: {  	[tilespmem:s13], [sflag:$0x1] =	stream.linear.gather [hbm4b:s14+s11], $0x40, $0x38;
	[tilespmem:$0x18800] =	vst v63  }
0x1d7: {  	s0 =	sand.u32 $0x1FFFFFF0, s1;
	s19 =	sadd.s32 s12, s6;
	s15 =	sadd.s32 $0x8980, s26  }
0x1d8: {  	[tilespmem:s15], [sflag:$0x2] =	stream.strided.gather [hbm4b:s19+s7], $0x0, s25, s7, $0x38;
	[tilespmem:$0x18800] =	vst v63  }
0x1d9: {  	s21 =	sadd.s32 $0x1000, s21;
	s0 =	sadd.s32 s3, s0;
	s1 =	spop (v2sf)  }
0x1da: {  	[tilespmem:s15], [sflag:$0x2] =	stream.linear.gather [hbm4b:s19+s11], $0x40, $0x38;
	[tilespmem:$0x18800] =	vst v63  }
0x1db: {  	s10 =	sand.u32 $0x1FFFFFF0, s1;
	s1 =	spop (v2sf);
	s20 =	sadd.s32 $0x10980, s26  }
0x1dc: {  	[tilespmem:s20], [sflag:$0x3] =	stream.strided.gather [hbm4b:s0+s7], $0x0, s25, s7, $0x38;
	[tilespmem:$0x18800] =	vst v63  }
0x1dd: {  	s22 =	sadd.s32 $0x10, s22;
	s23 =	sadd.s32 $0x10, s23;
	s29 =	sand.u32 $0x1FFFFFF0, s1  }
0x1de: {  	[tilespmem:s20], [sflag:$0x3] =	stream.linear.gather [hbm4b:s0+s11], $0x40, $0x38;
	[tilespmem:$0x18800] =	vst v63  }
0x1df: {  	s1 =	spop (v2sf);
	s30 =	sadd.s32 $0x9C0, s26;
	s31 =	sadd.s32 s3, s10  }
0x1e0: {  	[tilespmem:s30], [sflag:$0x1] =	stream.strided.gather [hbm4b:s31+s7], $0x0, s25, s7, $0x38;
	[tilespmem:$0x18800] =	vst v63  }
.Ltmp0:
0x1e1: {  	s24 =	sadd.s32 $0x10, s24;
	s1 =	sand.u32 $0x1FFFFFF0, s1;
	(pc) =	sbr.rel @p0 .LBB2_2-.Ltmp0, $4  }
0x1e2: {  	s28 =	sadd.s32 s3, s1;
	s1 =	simm.s32 $0x0;
	s4 =	simm.s32 $0x400  }
0x1e3: {  	[tilespmem:s30], [sflag:$0x1] =	stream.linear.gather [hbm4b:s31+s1], $0x40, $0x38;
	[tilespmem:$0x18800] =	vst v63  }
0x1e4: {  	s6 =	rddreg [dreg:$0x6];
	s2 =	sadd.s32 s12, s29;
	s0 =	sadd.s32 $0x89C0, s26  }
0x1e5: {  	[tilespmem:s0], [sflag:$0x2] =	stream.strided.gather [hbm4b:s2+s7], $0x0, s4, s7, $0x38;
	[tilespmem:$0x18800] =	vst v63  }
0x1e6: {  	[tilespmem:s0], [sflag:$0x2] =	stream.linear.gather [hbm4b:s2+s1], $0x40, $0x38;
	[tilespmem:$0x18800] =	vst v63  }
0x1e7: {  	_ = 	snop  }
0x1e8: {  	[tilespmem:s6], [sflag:$0x3] =	stream.strided.gather [hbm4b:s28+s7], $0x0, s4, s7, $0x38;
	[tilespmem:$0x18800] =	vst v63  }
0x1e9: {  	s2 =	simm.s32 $0x1  }
0x1ea: {  	[tilespmem:s6], [sflag:$0x3] =	stream.linear.gather [hbm4b:s28+s1], $0x40, $0x38;
	[tilespmem:$0x18800] =	vst v63  }
0x1eb: {  	_ =	swait.ge [sflag:s2], $0x40  }
0x1ec: {  	[sflag:s2] =	ssyncset.done $0x0  }
0x1ed: {  	s5 =	simm.s32 $0x2;
	[sflag:s2] =	ssyncadd.s32 $0xFFFFFFC0  }
0x1ee: {  	_ =	swait.ge [sflag:s5], $0x40  }
0x1ef: {  	[sflag:s5] =	ssyncset.done $0x0  }
0x1f0: {  	s6 =	simm.s32 $0x3;
	[sflag:s5] =	ssyncadd.s32 $0xFFFFFFC0  }
0x1f1: {  	_ =	swait.ge [sflag:s6], $0x40  }
0x1f2: {  	[sflag:s6] =	ssyncset.done $0x0  }
0x1f3: {  	[sflag:s6] =	ssyncadd.s32 $0xFFFFFFC0  }
0x1f4: {  	_ =	swait.ge [sflag:s2], $0x40  }
0x1f5: {  	[sflag:s2] =	ssyncset.done $0x0  }
0x1f6: {  	[sflag:s2] =	ssyncadd.s32 $0xFFFFFFC0  }
0x1f7: {  	_ =	swait.ge [sflag:s5], $0x40  }
0x1f8: {  	[sflag:s5] =	ssyncset.done $0x0  }
0x1f9: {  	[sflag:s5] =	ssyncadd.s32 $0xFFFFFFC0  }
0x1fa: {  	_ =	swait.ge [sflag:s6], $0x40  }
0x1fb: {  	v16 =	vmov v6;
	s0 =	simm.s32 $0xFF;
	[sflag:s6] =	ssyncset.done $0x0;
	v6 =	vld [tilespmem:$0x1FC40]  }
.LBB2_4:
0x1fc: {  	p0 =	sne.s32 s0, $0x1;
	s0 =	sadd.s32 $0xFFFFFFFF, s0;
	[sflag:s6] =	ssyncadd.s32 $0xFFFFFFC0  }
0x1fd: {  	_ =	swait.ge [sflag:s2], $0x40  }
0x1fe: {  	[sflag:s2] =	ssyncset.done $0x0  }
0x1ff: {  	[sflag:s2] =	ssyncadd.s32 $0xFFFFFFC0  }
0x200: {  	_ =	swait.ge [sflag:s5], $0x40  }
0x201: {  	[sflag:s5] =	ssyncset.done $0x0  }
0x202: {  	[sflag:s5] =	ssyncadd.s32 $0xFFFFFFC0  }
0x203: {  	_ =	swait.ge [sflag:s6], $0x40  }
0x204: {  	[sflag:s6] =	ssyncset.done $0x0  }
0x205: {  	[sflag:s6] =	ssyncadd.s32 $0xFFFFFFC0  }
0x206: {  	_ =	swait.ge [sflag:s2], $0x40  }
0x207: {  	[sflag:s2] =	ssyncset.done $0x0  }
0x208: {  	[sflag:s2] =	ssyncadd.s32 $0xFFFFFFC0  }
.Ltmp1:
0x209: {  	_ =	swait.ge [sflag:s5], $0x40;
	(pc) =	sbr.rel @p0 .LBB2_4-.Ltmp1, $4  }
0x20a: {  	[sflag:s5] =	ssyncset.done $0x0  }
0x20b: {  	[sflag:s5] =	ssyncadd.s32 $0xFFFFFFC0  }
0x20c: {  	_ =	swait.ge [sflag:s6], $0x40  }
0x20d: {  	[sflag:s6] =	ssyncset.done $0x0  }
0x20e: {  	s21 =	simm.s32 $0x0  }
0x20f: {  	v0 =	vmov s21  }
0x210: {  	v0 =	vshll.u32 v0, $0x7  }
0x211: {  	v4 =	vor.u32 v4, v0  }
0x212: {  	v1 =	vor.u32 v26, v4  }
0x213: {  	v3 =	vor.u32 v22, v4;
	v22 =	vor.u32 v32, v4  }
0x214: {  	v28 =	vor.u32 v28, v4  }
0x215: {  	v29 =	vor.u32 v30, v4  }
0x216: {  	[sflag:s6] =	ssyncadd.s32 $0xFFFFFFC0;
	v30 =	vor.u32 v9, v4  }
0x217: {  	v31 =	vor.u32 v8, v4;
	v14 =	vld.idx.msk [tilespmem:v1+s17+$0x0], $0xffff  }
0x218: {  	v27 =	vor.u32 v10, v4;
	v10 =	vld.idx.msk [tilespmem:v22+s17+$0x0], $0xffff  }
0x219: {  	v0 =	vor.u32 v24, v4;
	v40 =	vld.idx.msk [tilespmem:v28+s17+$0x0], $0xffff  }
0x21a: {  	v63 =	vor.u32 v7, v4;
	v41 =	vld.idx.msk [tilespmem:v29+s17+$0x0], $0xffff  }
0x21b: {  	v42 =	vld.idx.msk [tilespmem:v30+s17+$0x0], $0xffff  }
0x21c: {  	s2 =	simm.s32 $0x600;
	v33 =	vor.u32 v6, v4;
	v43 =	vld.idx.msk [tilespmem:v31+s17+$0x0], $0xffff  }
0x21d: {  	v44 =	vld.idx.msk [tilespmem:v31+s2+$0x0], $0xffff  }
0x21e: {  	v2 =	vor.u32 v23, v4;
	[tilespmem:$0x1F750] =	vst v14;
	v14 =	vld.idx.msk [tilespmem:v0+s17+$0x0], $0xffff  }
0x21f: {  	v45 =	vld.idx.msk [tilespmem:v63+s17+$0x0], $0xffff  }
0x220: {  	v46 =	vld.idx.msk [tilespmem:v63+s2+$0x0], $0xffff  }
0x221: {  	v47 =	vld.idx.msk [tilespmem:v33+s17+$0x0], $0xffff  }
0x222: {  	v48 =	vld.idx.msk [tilespmem:v33+s2+$0x0], $0xffff  }
0x223: {  	[tilespmem:$0x1F740] =	vst v14;
	v14 =	vld.idx.msk [tilespmem:v2+s17+$0x0], $0xffff  }
0x224: {  	v32 =	vld.idx.msk [tilespmem:v63+s18+$0x0], $0xffff  }
0x225: {  	v49 =	vld.idx.msk [tilespmem:v33+s18+$0x0], $0xffff  }
0x226: {  	v50 =	vld.idx.msk [tilespmem:v30+s2+$0x0], $0xffff  }
0x227: {  	v51 =	vld.idx.msk [tilespmem:v31+s18+$0x0], $0xffff  }
0x228: {  	v5 =	vor.u32 v5, v4;
	[tilespmem:$0x1F730] =	vst v14;
	v14 =	vld.idx.msk [tilespmem:v3+s17+$0x0], $0xffff  }
0x229: {  	v52 =	vld.idx.msk [tilespmem:v29+s2+$0x0], $0xffff  }
0x22a: {  	v30 =	vld.idx.msk [tilespmem:v30+s18+$0x0], $0xffff  }
0x22b: {  	v53 =	vld.idx.msk [tilespmem:v28+s2+$0x0], $0xffff  }
0x22c: {  	v54 =	vld.idx.msk [tilespmem:v29+s18+$0x0], $0xffff  }
0x22d: {  	v17 =	vor.u32 v17, v4;
	[tilespmem:$0x1F720] =	vst v14;
	v14 =	vld.idx.msk [tilespmem:v5+s17+$0x0], $0xffff  }
0x22e: {  	v7 =	vld.idx.msk [tilespmem:v22+s18+$0x0], $0xffff  }
0x22f: {  	v9 =	vld.idx.msk [tilespmem:v5+s2+$0x0], $0xffff  }
0x230: {  	v31 =	vld.idx.msk [tilespmem:v5+s18+$0x0], $0xffff  }
0x231: {  	v45 =	vadd.f32 v45, v46;
	v46 =	vld.idx.msk [tilespmem:v3+s18+$0x0], $0xffff  }
0x232: {  	[tilespmem:$0x1F710] =	vst v14;
	v14 =	vld.idx.msk [tilespmem:v17+s17+$0x0], $0xffff  }
0x233: {  	v43 =	vadd.f32 v43, v44;
	v44 =	vld.idx.msk [tilespmem:v2+s18+$0x0], $0xffff;
	v5 =	vadd.f32 v47, v48  }
0x234: {  	v32 =	vsub.f32 v45, v32;
	v45 =	vadd.f32 v42, v50;
	v42 =	vld.idx.msk [tilespmem:v0+s18+$0x0], $0xffff  }
0x235: {  	v47 =	vld.idx.msk [tilespmem:v0+s2+$0x0], $0xffff;
	v5 =	vsub.f32 v5, v49  }
0x236: {  	v32 =	vmul.f32 v32, v32;
	v0 =	vld [tilespmem:$0x1FFF0]  }
0x237: {  	v5 =	vmul.f32 v5, v5;
	[tilespmem:$0x1F700] =	vst v14;
	v14 =	vmov v6;
	v6 =	vld.idx.msk [tilespmem:v22+s2+$0x0], $0xffff;
	v22 =	vor.u32 v35, v4  }
0x238: {  	v52 =	vadd.f32 v41, v52;
	v41 =	vld.idx.msk [tilespmem:v1+s18+$0x0], $0xffff;
	v43 =	vsub.f32 v43, v51  }
0x239: {  	v48 =	vld.idx.msk [tilespmem:v2+s2+$0x0], $0xffff;
	v2 =	vadd.f32 v32, v5  }
0x23a: {  	v5 =	vsub.f32 v45, v30;
	v30 =	vmul.f32 v43, v43;
	v43 =	vld.idx.msk [tilespmem:v1+s2+$0x0], $0xffff;
	v49 =	vor.u32 $0x3E, v14  }
0x23b: {  	[tilespmem:$0x1F7B0] =	vst v49;
	v1 =	vor.u32 v49, v4;
	v49 =	vor.u32 v0, v4;
	v0 =	vld [tilespmem:$0x1FC80]  }
0x23c: {  	v33 =	vld.idx.msk [tilespmem:v22+s17+$0x0], $0xffff  }
0x23d: {  	v35 =	vld.idx.msk [tilespmem:v22+s2+$0x0], $0xffff  }
0x23e: {  	v21 =	vor.u32 v25, v4;
	v29 =	vld.idx.msk [tilespmem:v22+s18+$0x0], $0xffff  }
0x23f: {  	v25 =	vor.u32 v12, v4;
	v22 =	vld.idx.msk [tilespmem:v3+s2+$0x0], $0xffff;
	v3 =	vor.u32 v16, v4;
	v16 =	vor.u32 $0x3F, v14  }
0x240: {  	[tilespmem:$0x1F7A0] =	vst v16;
	v16 =	vor.u32 v16, v4;
	v50 =	vor.u32 v0, v4;
	v0 =	vld [tilespmem:$0x1FC70]  }
0x241: {  	v26 =	vor.u32 v11, v4;
	_ =	sdelay $0x2  }
0x242: {  	v37 =	vld.idx.msk [tilespmem:v25+s17+$0x0], $0xffff;
	v2 =	vadd.f32 v30, v2  }
0x243: {  	v30 =	vadd.f32 v40, v53;
	v40 =	vsub.f32 v52, v54;
	v52 =	vor.u32 v0, v4;
	v0 =	vld.idx.msk [tilespmem:v16+s17+$0x0], $0xffff  }
0x244: {  	v38 =	vld.idx.msk [tilespmem:v26+s17+$0x0], $0xffff  }
0x245: {  	v39 =	vld.idx.msk [tilespmem:v27+s17+$0x0], $0xffff  }
0x246: {  	v55 =	vld.idx.msk [tilespmem:v27+s2+$0x0], $0xffff  }
0x247: {  	v56 =	vld.idx.msk [tilespmem:v28+s18+$0x0], $0xffff  }
0x248: {  	[tilespmem:$0x1F790] =	vst v0;
	v0 =	vld [tilespmem:$0x1FC60]  }
0x249: {  	v57 =	vld.idx.msk [tilespmem:v26+s2+$0x0], $0xffff  }
0x24a: {  	v58 =	vld.idx.msk [tilespmem:v27+s18+$0x0], $0xffff  }
0x24b: {  	v24 =	vor.u32 v15, v4;
	v59 =	vld.idx.msk [tilespmem:v25+s2+$0x0], $0xffff  }
0x24c: {  	v60 =	vld.idx.msk [tilespmem:v26+s18+$0x0], $0xffff;
	v5 =	vmul.f32 v5, v5  }
0x24d: {  	v23 =	vor.u32 v13, v4;
	v51 =	vadd.f32 v39, v55;
	v53 =	vor.u32 v0, v4;
	v0 =	vld.idx.msk [tilespmem:v1+s17+$0x0], $0xffff  }
0x24e: {  	v5 =	vadd.f32 v5, v2;
	v30 =	vsub.f32 v30, v56;
	v40 =	vmul.f32 v40, v40  }
0x24f: {  	v62 =	vld.idx.msk [tilespmem:v25+s18+$0x0], $0xffff;
	v57 =	vadd.f32 v38, v57  }
0x250: {  	v36 =	vld.idx.msk [tilespmem:v24+s17+$0x0], $0xffff;
	v58 =	vsub.f32 v51, v58;
	v5 =	vadd.f32 v40, v5;
	v30 =	vmul.f32 v30, v30  }
0x251: {  	v61 =	vld.idx.msk [tilespmem:v24+s2+$0x0], $0xffff;
	v51 =	vadd.f32 v37, v59  }
0x252: {  	v54 =	vsub.f32 v57, v60;
	v40 =	vmul.f32 v58, v58;
	v5 =	vadd.f32 v30, v5;
	[tilespmem:$0x1F780] =	vst v0;
	v0 =	vld [tilespmem:$0x1FC50]  }
0x253: {  	v34 =	vld.idx.msk [tilespmem:v23+s17+$0x0], $0xffff  }
0x254: {  	v25 =	vld.idx.msk [tilespmem:v24+s18+$0x0], $0xffff;
	v60 =	vsub.f32 v51, v62;
	v62 =	vmul.f32 v54, v54;
	v5 =	vadd.f32 v40, v5  }
0x255: {  	v63 =	vld.idx.msk [tilespmem:v23+s2+$0x0], $0xffff  }
0x256: {  	v40 =	vmul.f32 v60, v60;
	v5 =	vadd.f32 v62, v5  }
0x257: {  	v23 =	vld.idx.msk [tilespmem:v23+s18+$0x0], $0xffff;
	v36 =	vadd.f32 v36, v61;
	v55 =	vor.u32 v0, v4;
	v0 =	vor.u32 $0x3D, v14  }
0x258: {  	v40 =	vadd.f32 v40, v5;
	[tilespmem:$0x1F7C0] =	vst v0;
	v5 =	vor.u32 v0, v4;
	v0 =	vld [tilespmem:$0x1FC90]  }
0x259: {  	v11 =	vld.idx.msk [tilespmem:v21+s17+$0x0], $0xffff;
	v25 =	vsub.f32 v36, v25  }
0x25a: {  	v26 =	vld.idx.msk [tilespmem:v21+s2+$0x0], $0xffff;
	v34 =	vadd.f32 v34, v63  }
0x25b: {  	v20 =	vor.u32 v20, v4;
	v25 =	vmul.f32 v25, v25  }
0x25c: {  	v21 =	vld.idx.msk [tilespmem:v21+s18+$0x0], $0xffff;
	v23 =	vsub.f32 v34, v23;
	v6 =	vadd.f32 v10, v6  }
0x25d: {  	v10 =	vadd.f32 v25, v40;
	v25 =	vor.u32 v0, v4;
	v0 =	vor.u32 $0x3C, v14  }
0x25e: {  	v6 =	vsub.f32 v6, v7;
	[tilespmem:$0x1F7D0] =	vst v0;
	v7 =	vor.u32 v0, v4;
	v0 =	vld [tilespmem:$0x1FCD0]  }
0x25f: {  	v11 =	vadd.f32 v11, v26;
	v23 =	vmul.f32 v23, v23  }
0x260: {  	v12 =	vld.idx.msk [tilespmem:v20+s17+$0x0], $0xffff  }
0x261: {  	v27 =	vld.idx.msk [tilespmem:v20+s2+$0x0], $0xffff;
	v11 =	vsub.f32 v11, v21;
	v21 =	vmul.f32 v6, v6;
	v10 =	vadd.f32 v23, v10  }
0x262: {  	v20 =	vld.idx.msk [tilespmem:v20+s18+$0x0], $0xffff  }
0x263: {  	v10 =	vadd.f32 v21, v10;
	v21 =	vor.u32 v0, v4;
	v0 =	vld [tilespmem:$0x1FCC0];
	_ =	sdelay $0x1  }
0x264: {  	v19 =	vor.u32 v19, v4  }
0x265: {  	v12 =	vadd.f32 v12, v27;
	_ =	sdelay $0x1  }
0x266: {  	v12 =	vsub.f32 v12, v20;
	v20 =	vor.u32 v0, v4;
	v0 =	vld [tilespmem:$0x1FCB0];
	_ =	sdelay $0x1  }
0x267: {  	v15 =	vld.idx.msk [tilespmem:v19+s17+$0x0], $0xffff  }
0x268: {  	v24 =	vld.idx.msk [tilespmem:v19+s2+$0x0], $0xffff  }
0x269: {  	v19 =	vld.idx.msk [tilespmem:v19+s18+$0x0], $0xffff  }
0x26a: {  	v23 =	vor.u32 v0, v4;
	v0 =	vld [tilespmem:$0x1FCA0]  }
0x26b: {  	v18 =	vor.u32 v18, v4;
	_ =	sdelay $0x1  }
0x26c: {  	v15 =	vadd.f32 v15, v24  }
0x26d: {  	v8 =	vld.idx.msk [tilespmem:v17+s2+$0x0], $0xffff  }
0x26e: {  	v15 =	vsub.f32 v15, v19;
	v19 =	vor.u32 v0, v4;
	v0 =	vld [tilespmem:$0x1F700]  }
0x26f: {  	v13 =	vld.idx.msk [tilespmem:v18+s17+$0x0], $0xffff  }
0x270: {  	v28 =	vld.idx.msk [tilespmem:v18+s2+$0x0], $0xffff;
	_ =	sdelay $0x1  }
0x271: {  	v18 =	vld.idx.msk [tilespmem:v18+s18+$0x0], $0xffff  }
0x272: {  	v11 =	vmul.f32 v11, v11;
	v8 =	vadd.f32 v0, v8;
	v0 =	vld [tilespmem:$0x1F710]  }
0x273: {  	v17 =	vld.idx.msk [tilespmem:v17+s18+$0x0], $0xffff  }
0x274: {  	v13 =	vadd.f32 v13, v28;
	v12 =	vmul.f32 v12, v12;
	v11 =	vadd.f32 v11, v10;
	_ =	sdelay $0x1  }
0x275: {  	v11 =	vadd.f32 v12, v11;
	v12 =	vsub.f32 v13, v18;
	v13 =	vmul.f32 v15, v15  }
0x276: {  	v9 =	vadd.f32 v0, v9;
	v0 =	vld [tilespmem:$0x1FE60]  }
0x277: {  	v11 =	vadd.f32 v13, v11;
	v12 =	vmul.f32 v12, v12;
	v8 =	vsub.f32 v8, v17;
	_ =	sdelay $0x1  }
0x278: {  	v11 =	vadd.f32 v12, v11;
	v8 =	vmul.f32 v8, v8;
	_ =	sdelay $0x1  }
0x279: {  	v8 =	vadd.f32 v8, v11;
	v11 =	vor.u32 v0, v4;
	v0 =	vld [tilespmem:$0x1F720];
	_ =	sdelay $0x4  }
0x27a: {  	[tilespmem:$0x1F770] =	vst v16;
	v16 =	vadd.f32 v0, v22;
	v0 =	vld [tilespmem:$0x1FE50];
	_ =	sdelay $0x2  }
0x27b: {  	v12 =	vadd.f32 v33, v35;
	_ =	sdelay $0x1  }
0x27c: {  	[tilespmem:$0x1F760] =	vst v1;
	v1 =	vor.u32 $0x3B, v14;
	v14 =	vsub.f32 v12, v29;
	v12 =	vor.u32 v0, v4;
	v0 =	vld [tilespmem:$0x1FE40];
	_ =	sdelay $0x3  }
0x27d: {  	v27 =	vld [tilespmem:$0x1FD80]  }
0x27e: {  	v15 =	vor.u32 v0, v4;
	v0 =	vld [tilespmem:$0x1F730]  }
0x27f: {  	v28 =	vld [tilespmem:$0x1FD30];
	v9 =	vsub.f32 v9, v31  }
0x280: {  	v38 =	vld.idx.msk [tilespmem:v49+s17+$0x0], $0xffff  }
0x281: {  	v26 =	vld.idx.msk [tilespmem:v49+s2+$0x0], $0xffff;
	v9 =	vmul.f32 v9, v9  }
0x282: {  	v49 =	vld.idx.msk [tilespmem:v49+s18+$0x0], $0xffff  }
0x283: {  	v8 =	vadd.f32 v9, v8;
	v9 =	vmul.f32 v14, v14;
	v14 =	vadd.f32 v0, v48;
	v0 =	vld [tilespmem:$0x1FE30]  }
0x284: {  	v45 =	vld.idx.msk [tilespmem:v3+s17+$0x0], $0xffff  }
0x285: {  	v32 =	vld.idx.msk [tilespmem:v3+s2+$0x0], $0xffff  }
0x286: {  	v39 =	vld.idx.msk [tilespmem:v3+s18+$0x0], $0xffff  }
0x287: {  	v37 =	vld.idx.msk [tilespmem:v50+s17+$0x0], $0xffff  }
0x288: {  	v17 =	vor.u32 v0, v4;
	v0 =	vld [tilespmem:$0x1FE20]  }
0x289: {  	v58 =	vld.idx.msk [tilespmem:v50+s2+$0x0], $0xffff  }
0x28a: {  	v63 =	vld.idx.msk [tilespmem:v19+s17+$0x0], $0xffff  }
0x28b: {  	v13 =	vld.idx.msk [tilespmem:v19+s2+$0x0], $0xffff  }
0x28c: {  	v33 =	vld.idx.msk [tilespmem:v19+s18+$0x0], $0xffff  }
0x28d: {  	v19 =	vor.u32 v0, v4;
	v0 =	vld [tilespmem:$0x1FE10]  }
0x28e: {  	v50 =	vld.idx.msk [tilespmem:v50+s18+$0x0], $0xffff  }
0x28f: {  	v61 =	vld.idx.msk [tilespmem:v20+s17+$0x0], $0xffff  }
0x290: {  	v29 =	vld.idx.msk [tilespmem:v20+s2+$0x0], $0xffff  }
0x291: {  	v16 =	vsub.f32 v16, v46;
	v46 =	vld.idx.msk [tilespmem:v20+s18+$0x0], $0xffff  }
0x292: {  	v20 =	vor.u32 v0, v4;
	v0 =	vld [tilespmem:$0x1F740]  }
0x293: {  	v30 =	vld.idx.msk [tilespmem:v52+s17+$0x0], $0xffff  }
0x294: {  	v62 =	vld.idx.msk [tilespmem:v23+s17+$0x0], $0xffff  }
0x295: {  	v35 =	vld.idx.msk [tilespmem:v23+s18+$0x0], $0xffff  }
0x296: {  	v31 =	vld.idx.msk [tilespmem:v23+s2+$0x0], $0xffff  }
0x297: {  	v23 =	vadd.f32 v0, v47;
	v0 =	vld [tilespmem:$0x1FE00]  }
0x298: {  	v40 =	vld.idx.msk [tilespmem:v52+s18+$0x0], $0xffff;
	v2 =	vor.u32 v1, v4  }
0x299: {  	v56 =	vld.idx.msk [tilespmem:v53+s17+$0x0], $0xffff  }
0x29a: {  	v51 =	vld.idx.msk [tilespmem:v53+s2+$0x0], $0xffff  }
0x29b: {  	v53 =	vld.idx.msk [tilespmem:v53+s18+$0x0], $0xffff  }
0x29c: {  	v22 =	vor.u32 v0, v4;
	v0 =	vld [tilespmem:$0x1FD20]  }
0x29d: {  	v10 =	vld.idx.msk [tilespmem:v2+s17+$0x0], $0xffff  }
0x29e: {  	v54 =	vld.idx.msk [tilespmem:v55+s17+$0x0], $0xffff  }
0x29f: {  	v57 =	vld.idx.msk [tilespmem:v55+s2+$0x0], $0xffff  }
0x2a0: {  	v36 =	vld.idx.msk [tilespmem:v55+s18+$0x0], $0xffff  }
0x2a1: {  	v14 =	vsub.f32 v14, v44;
	v44 =	vor.u32 v0, v4;
	v0 =	vld [tilespmem:$0x1F750]  }
0x2a2: {  	v55 =	vld.idx.msk [tilespmem:v52+s2+$0x0], $0xffff  }
0x2a3: {  	v52 =	vld.idx.msk [tilespmem:v25+s17+$0x0], $0xffff  }
0x2a4: {  	v59 =	vld.idx.msk [tilespmem:v25+s2+$0x0], $0xffff  }
0x2a5: {  	v60 =	vld.idx.msk [tilespmem:v25+s18+$0x0], $0xffff  }
0x2a6: {  	v25 =	vadd.f32 v0, v43;
	v0 =	vld [tilespmem:$0x1FD10]  }
0x2a7: {  	v6 =	vld.idx.msk [tilespmem:v5+s17+$0x0], $0xffff  }
0x2a8: {  	v34 =	vld.idx.msk [tilespmem:v21+s17+$0x0], $0xffff  }
0x2a9: {  	v18 =	vld.idx.msk [tilespmem:v21+s2+$0x0], $0xffff  }
0x2aa: {  	v9 =	vadd.f32 v9, v8;
	v48 =	vld.idx.msk [tilespmem:v21+s18+$0x0], $0xffff  }
0x2ab: {  	v21 =	vmul.f32 v16, v16;
	v23 =	vsub.f32 v23, v42;
	v42 =	vor.u32 v0, v4;
	v0 =	vld [tilespmem:$0x1FD00]  }
0x2ac: {  	v3 =	vld.idx.msk [tilespmem:v7+s17+$0x0], $0xffff  }
0x2ad: {  	v8 =	vld.idx.msk [tilespmem:v11+s17+$0x0], $0xffff;
	v21 =	vadd.f32 v21, v9;
	v24 =	vmul.f32 v14, v14  }
0x2ae: {  	v32 =	vadd.f32 v45, v32;
	v16 =	vld.idx.msk [tilespmem:v12+s17+$0x0], $0xffff  }
0x2af: {  	v9 =	vld.idx.msk [tilespmem:v15+s17+$0x0], $0xffff;
	v43 =	vadd.f32 v24, v21;
	v25 =	vsub.f32 v25, v41;
	v41 =	vmul.f32 v23, v23  }
0x2b0: {  	v54 =	vadd.f32 v54, v57;
	v45 =	vor.u32 v0, v4;
	v0 =	vld [tilespmem:$0x1FCF0]  }
0x2b1: {  	v32 =	vsub.f32 v32, v39;
	v14 =	vld.idx.msk [tilespmem:v17+s17+$0x0], $0xffff;
	v41 =	vadd.f32 v41, v43;
	v25 =	vmul.f32 v25, v25  }
0x2b2: {  	v36 =	vsub.f32 v54, v36;
	v21 =	vld.idx.msk [tilespmem:v19+s17+$0x0], $0xffff  }
0x2b3: {  	v32 =	vmul.f32 v32, v32;
	v24 =	vld.idx.msk [tilespmem:v22+s17+$0x0], $0xffff;
	v43 =	vadd.f32 v56, v51;
	v25 =	vadd.f32 v25, v41  }
0x2b4: {  	v37 =	vadd.f32 v37, v58;
	v30 =	vadd.f32 v30, v55;
	v36 =	vmul.f32 v36, v36;
	v39 =	vld.idx.msk [tilespmem:v44+s17+$0x0], $0xffff  }
0x2b5: {  	v56 =	vsub.f32 v43, v53;
	v25 =	vadd.f32 v32, v25;
	v47 =	vor.u32 v0, v4;
	v0 =	vld [tilespmem:$0x1FCE0]  }
0x2b6: {  	v37 =	vsub.f32 v37, v50;
	v23 =	vld.idx.msk [tilespmem:v20+s17+$0x0], $0xffff  }
0x2b7: {  	v30 =	vsub.f32 v30, v40;
	v32 =	vmul.f32 v56, v56;
	v51 =	vld.idx.msk [tilespmem:v42+s17+$0x0], $0xffff;
	v25 =	vadd.f32 v36, v25  }
0x2b8: {  	v58 =	vmul.f32 v37, v37;
	v37 =	vld.idx.msk [tilespmem:v42+s2+$0x0], $0xffff  }
0x2b9: {  	v30 =	vmul.f32 v30, v30;
	v42 =	vld.idx.msk [tilespmem:v42+s18+$0x0], $0xffff;
	v32 =	vadd.f32 v32, v25  }
0x2ba: {  	v57 =	vor.u32 v0, v4;
	v0 =	vld [tilespmem:$0x1FDF0]  }
0x2bb: {  	v30 =	vadd.f32 v30, v32;
	v32 =	vld.idx.msk [tilespmem:v44+s2+$0x0], $0xffff  }
0x2bc: {  	v44 =	vld.idx.msk [tilespmem:v44+s18+$0x0], $0xffff  }
0x2bd: {  	v41 =	vld.idx.msk [tilespmem:v45+s17+$0x0], $0xffff  }
0x2be: {  	v38 =	vadd.f32 v38, v26;
	v50 =	vld.idx.msk [tilespmem:v45+s2+$0x0], $0xffff  }
0x2bf: {  	v52 =	vadd.f32 v52, v59;
	v25 =	vor.u32 v0, v4;
	v0 =	vld [tilespmem:$0x1FDE0]  }
0x2c0: {  	v38 =	vsub.f32 v38, v49;
	v29 =	vadd.f32 v61, v29;
	v45 =	vld.idx.msk [tilespmem:v45+s18+$0x0], $0xffff  }
0x2c1: {  	v52 =	vsub.f32 v52, v60;
	v30 =	vadd.f32 v58, v30;
	v58 =	vld [tilespmem:$0x1FD60]  }
0x2c2: {  	v38 =	vmul.f32 v38, v38;
	v29 =	vsub.f32 v29, v46;
	v46 =	vor.u32 v28, v4;
	v54 =	vld.idx.msk [tilespmem:v47+s17+$0x0], $0xffff  }
0x2c3: {  	v52 =	vmul.f32 v52, v52;
	v40 =	vld.idx.msk [tilespmem:v47+s2+$0x0], $0xffff  }
0x2c4: {  	v13 =	vadd.f32 v63, v13;
	v30 =	vadd.f32 v38, v30;
	v26 =	vor.u32 v0, v4;
	v0 =	vld [tilespmem:$0x1FDD0]  }
0x2c5: {  	v47 =	vld.idx.msk [tilespmem:v47+s18+$0x0], $0xffff  }
0x2c6: {  	v13 =	vsub.f32 v13, v33;
	v30 =	vadd.f32 v52, v30;
	v52 =	vor.u32 v27, v4;
	v27 =	vld [tilespmem:$0x1FD70]  }
0x2c7: {  	v31 =	vadd.f32 v62, v31;
	v41 =	vadd.f32 v41, v50;
	v50 =	vld.idx.msk [tilespmem:v46+s2+$0x0], $0xffff  }
0x2c8: {  	v43 =	vld.idx.msk [tilespmem:v57+s17+$0x0], $0xffff  }
0x2c9: {  	v13 =	vmul.f32 v13, v13;
	v31 =	vsub.f32 v31, v35;
	v49 =	vor.u32 v0, v4;
	v0 =	vld [tilespmem:$0x1FDC0]  }
0x2ca: {  	v53 =	vld.idx.msk [tilespmem:v57+s2+$0x0], $0xffff  }
0x2cb: {  	v13 =	vadd.f32 v13, v30;
	v30 =	vmul.f32 v31, v31;
	v36 =	vld.idx.msk [tilespmem:v57+s18+$0x0], $0xffff  }
0x2cc: {  	v57 =	vld [tilespmem:$0x1FD50]  }
0x2cd: {  	v13 =	vadd.f32 v30, v13;
	v35 =	vor.u32 v27, v4;
	v30 =	vld.idx.msk [tilespmem:v52+s17+$0x0], $0xffff  }
0x2ce: {  	v18 =	vadd.f32 v34, v18;
	v32 =	vadd.f32 v39, v32;
	v55 =	vor.u32 v0, v4;
	v0 =	vld [tilespmem:$0x1FDB0]  }
0x2cf: {  	v61 =	vor.u32 v58, v4;
	v27 =	vld [tilespmem:$0x1FD40]  }
0x2d0: {  	[tilespmem:$0x1F7E0] =	vst v1;
	v18 =	vsub.f32 v18, v48;
	v32 =	vsub.f32 v32, v44;
	v44 =	vld.idx.msk [tilespmem:v52+s2+$0x0], $0xffff  }
0x2d1: {  	v29 =	vmul.f32 v29, v29;
	v1 =	vld.idx.msk [tilespmem:v25+s17+$0x0], $0xffff;
	v31 =	vor.u32 v57, v4;
	v43 =	vadd.f32 v43, v53  }
0x2d2: {  	v18 =	vmul.f32 v18, v18;
	v48 =	vld.idx.msk [tilespmem:v35+s17+$0x0], $0xffff  }
0x2d3: {  	v13 =	vadd.f32 v29, v13;
	v29 =	vsub.f32 v43, v36;
	v56 =	vor.u32 v0, v4;
	v0 =	vld [tilespmem:$0x1FDA0]  }
0x2d4: {  	v40 =	vadd.f32 v54, v40;
	v53 =	vld.idx.msk [tilespmem:v61+s17+$0x0], $0xffff  }
0x2d5: {  	v13 =	vadd.f32 v18, v13;
	v43 =	vld.idx.msk [tilespmem:v46+s17+$0x0], $0xffff;
	v29 =	vmul.f32 v29, v29  }
0x2d6: {  	v18 =	vsub.f32 v40, v47;
	v36 =	vld.idx.msk [tilespmem:v31+s17+$0x0], $0xffff  }
0x2d7: {  	v13 =	vadd.f32 v29, v13;
	v29 =	vsub.f32 v41, v45;
	v45 =	vld.idx.msk [tilespmem:v46+s18+$0x0], $0xffff  }
0x2d8: {  	v38 =	vor.u32 v0, v4;
	v0 =	vld [tilespmem:$0x1FD90]  }
0x2d9: {  	v18 =	vmul.f32 v18, v18;
	v46 =	vld.idx.msk [tilespmem:v61+s2+$0x0], $0xffff  }
0x2da: {  	v61 =	vld.idx.msk [tilespmem:v61+s18+$0x0], $0xffff  }
0x2db: {  	v13 =	vadd.f32 v18, v13;
	v18 =	vld.idx.msk [tilespmem:v31+s2+$0x0], $0xffff  }
0x2dc: {  	v31 =	vld.idx.msk [tilespmem:v31+s18+$0x0], $0xffff  }
0x2dd: {  	v59 =	vld.idx.msk [tilespmem:v49+s17+$0x0], $0xffff;
	v33 =	vor.u32 v0, v4;
	v4 =	vor.u32 v27, v4  }
0x2de: {  	v46 =	vadd.f32 v53, v46;
	v53 =	vld.idx.msk [tilespmem:v49+s2+$0x0], $0xffff  }
0x2df: {  	v60 =	vld.idx.msk [tilespmem:v55+s17+$0x0], $0xffff  }
0x2e0: {  	v62 =	vld.idx.msk [tilespmem:v56+s17+$0x0], $0xffff  }
0x2e1: {  	v37 =	vadd.f32 v51, v37;
	v0 =	vld.idx.msk [tilespmem:v26+s17+$0x0], $0xffff  }
0x2e2: {  	v51 =	vld.idx.msk [tilespmem:v4+s17+$0x0], $0xffff  }
0x2e3: {  	v37 =	vsub.f32 v37, v42;
	v29 =	vmul.f32 v29, v29;
	v54 =	vld.idx.msk [tilespmem:v4+s2+$0x0], $0xffff  }
0x2e4: {  	v63 =	vld.idx.msk [tilespmem:v38+s17+$0x0], $0xffff  }
0x2e5: {  	v13 =	vadd.f32 v29, v13;
	v29 =	vmul.f32 v37, v37;
	v4 =	vld.idx.msk [tilespmem:v4+s18+$0x0], $0xffff  }
0x2e6: {  	v40 =	vadd.f32 v43, v50;
	v34 =	vld.idx.msk [tilespmem:v33+s17+$0x0], $0xffff  }
0x2e7: {  	v13 =	vadd.f32 v29, v13;
	v47 =	vld.idx.msk [tilespmem:v33+s2+$0x0], $0xffff  }
0x2e8: {  	v29 =	vmul.f32 v32, v32;
	v50 =	vadd.f32 v51, v54;
	v51 =	vld.idx.msk [tilespmem:v35+s2+$0x0], $0xffff;
	v54 =	vsub.f32 v40, v45  }
0x2e9: {  	v18 =	vadd.f32 v36, v18;
	v33 =	vld.idx.msk [tilespmem:v33+s18+$0x0], $0xffff  }
0x2ea: {  	v13 =	vadd.f32 v29, v13;
	v45 =	vld.idx.msk [tilespmem:v35+s18+$0x0], $0xffff;
	v29 =	vmul.f32 v54, v54;
	v4 =	vsub.f32 v50, v4  }
0x2eb: {  	v50 =	vld.idx.msk [tilespmem:v56+s2+$0x0], $0xffff  }
0x2ec: {  	v18 =	vsub.f32 v18, v31;
	v54 =	vld.idx.msk [tilespmem:v55+s18+$0x0], $0xffff;
	v13 =	vadd.f32 v29, v13;
	v4 =	vmul.f32 v4, v4  }
0x2ed: {  	v29 =	vld.idx.msk [tilespmem:v52+s18+$0x0], $0xffff;
	v31 =	vadd.f32 v48, v51  }
0x2ee: {  	v48 =	vld.idx.msk [tilespmem:v38+s2+$0x0], $0xffff;
	v4 =	vadd.f32 v4, v13;
	v13 =	vmul.f32 v18, v18;
	v18 =	vsub.f32 v46, v61  }
0x2ef: {  	v30 =	vadd.f32 v30, v44;
	v52 =	vld.idx.msk [tilespmem:v55+s2+$0x0], $0xffff  }
0x2f0: {  	v61 =	vld.idx.msk [tilespmem:v25+s2+$0x0], $0xffff;
	v4 =	vadd.f32 v13, v4;
	v13 =	vmul.f32 v18, v18;
	v18 =	vsub.f32 v31, v45  }
0x2f1: {  	v51 =	vadd.f32 v34, v47;
	v31 =	vld.idx.msk [tilespmem:v38+s18+$0x0], $0xffff  }
0x2f2: {  	v25 =	vld.idx.msk [tilespmem:v25+s18+$0x0], $0xffff;
	v4 =	vadd.f32 v13, v4;
	v13 =	vmul.f32 v18, v18;
	v18 =	vsub.f32 v30, v29  }
0x2f3: {  	v55 =	vadd.f32 v62, v50;
	v29 =	vld.idx.msk [tilespmem:v56+s18+$0x0], $0xffff;
	v30 =	vadd.f32 v63, v48  }
0x2f4: {  	v62 =	vld.idx.msk [tilespmem:v22+s2+$0x0], $0xffff;
	v4 =	vadd.f32 v13, v4;
	v13 =	vmul.f32 v18, v18;
	v18 =	vsub.f32 v51, v33  }
0x2f5: {  	v22 =	vld.idx.msk [tilespmem:v22+s18+$0x0], $0xffff  }
0x2f6: {  	v56 =	vld.idx.msk [tilespmem:v26+s2+$0x0], $0xffff;
	v4 =	vadd.f32 v13, v4;
	v13 =	vmul.f32 v18, v18;
	v18 =	vsub.f32 v30, v31  }
0x2f7: {  	v30 =	vld.idx.msk [tilespmem:v49+s18+$0x0], $0xffff;
	v31 =	vadd.f32 v60, v52  }
0x2f8: {  	v26 =	vld.idx.msk [tilespmem:v26+s18+$0x0], $0xffff;
	v4 =	vadd.f32 v13, v4;
	v13 =	vmul.f32 v18, v18;
	v18 =	vsub.f32 v55, v29  }
0x2f9: {  	v63 =	vld.idx.msk [tilespmem:v20+s2+$0x0], $0xffff;
	v29 =	vadd.f32 v59, v53  }
0x2fa: {  	v20 =	vld.idx.msk [tilespmem:v20+s18+$0x0], $0xffff;
	v4 =	vadd.f32 v13, v4;
	v13 =	vmul.f32 v18, v18;
	v18 =	vsub.f32 v31, v54  }
0x2fb: {  	v31 =	vadd.f32 v0, v56;
	v0 =	vld [tilespmem:$0x1F770]  }
0x2fc: {  	v4 =	vadd.f32 v13, v4;
	v13 =	vmul.f32 v18, v18;
	v18 =	vsub.f32 v29, v30;
	v30 =	vld.idx.msk [tilespmem:v19+s2+$0x0], $0xffff  }
0x2fd: {  	v29 =	vadd.f32 v1, v61;
	v19 =	vld.idx.msk [tilespmem:v19+s18+$0x0], $0xffff  }
0x2fe: {  	v1 =	vld [tilespmem:$0x1F760];
	v4 =	vadd.f32 v13, v4;
	v13 =	vmul.f32 v18, v18;
	v18 =	vsub.f32 v31, v26  }
0x2ff: {  	v24 =	vadd.f32 v24, v62;
	v26 =	vld.idx.msk [tilespmem:v17+s2+$0x0], $0xffff  }
0x300: {  	v17 =	vld.idx.msk [tilespmem:v17+s18+$0x0], $0xffff;
	v4 =	vadd.f32 v13, v4;
	v13 =	vmul.f32 v18, v18;
	v18 =	vsub.f32 v29, v25  }
0x301: {  	v23 =	vadd.f32 v23, v63;
	v25 =	vld.idx.msk [tilespmem:v15+s2+$0x0], $0xffff  }
0x302: {  	v15 =	vld.idx.msk [tilespmem:v15+s18+$0x0], $0xffff;
	v4 =	vadd.f32 v13, v4;
	v13 =	vmul.f32 v18, v18;
	v18 =	vsub.f32 v24, v22  }
0x303: {  	v21 =	vadd.f32 v21, v30;
	v22 =	vld.idx.msk [tilespmem:v12+s2+$0x0], $0xffff  }
0x304: {  	v12 =	vld.idx.msk [tilespmem:v12+s18+$0x0], $0xffff;
	v4 =	vadd.f32 v13, v4;
	v13 =	vmul.f32 v18, v18;
	v18 =	vsub.f32 v23, v20  }
0x305: {  	v14 =	vadd.f32 v14, v26;
	v20 =	vld.idx.msk [tilespmem:v11+s2+$0x0], $0xffff  }
0x306: {  	v11 =	vld.idx.msk [tilespmem:v11+s18+$0x0], $0xffff;
	v4 =	vadd.f32 v13, v4;
	v13 =	vmul.f32 v18, v18;
	v18 =	vsub.f32 v21, v19  }
0x307: {  	v9 =	vadd.f32 v9, v25;
	v14 =	vsub.f32 v14, v17;
	v17 =	vld.idx.msk [tilespmem:v7+s2+$0x0], $0xffff  }
0x308: {  	v19 =	vld.idx.msk [tilespmem:v2+s2+$0x0], $0xffff;
	v4 =	vadd.f32 v13, v4;
	v13 =	vmul.f32 v18, v18  }
0x309: {  	v9 =	vsub.f32 v9, v15;
	v15 =	vld.idx.msk [tilespmem:v5+s2+$0x0], $0xffff  }
0x30a: {  	v16 =	vadd.f32 v16, v22;
	v4 =	vadd.f32 v13, v4;
	v13 =	vmul.f32 v14, v14;
	v14 =	vld.idx.msk [tilespmem:v2+s18+$0x0], $0xffff  }
0x30b: {  	v8 =	vadd.f32 v8, v20;
	v2 =	vld [tilespmem:$0x1F780]  }
0x30c: {  	v9 =	vmul.f32 v9, v9;
	v12 =	vsub.f32 v16, v12;
	v4 =	vadd.f32 v13, v4;
	v13 =	vld.idx.msk [tilespmem:v1+s2+$0x0], $0xffff  }
0x30d: {  	v7 =	vld.idx.msk [tilespmem:v7+s18+$0x0], $0xffff;
	v10 =	vadd.f32 v10, v19  }
0x30e: {  	v5 =	vld.idx.msk [tilespmem:v5+s18+$0x0], $0xffff;
	v8 =	vsub.f32 v8, v11;
	v4 =	vadd.f32 v9, v4;
	v9 =	vmul.f32 v12, v12  }
0x30f: {  	v11 =	vadd.f32 v3, v17;
	v1 =	vld.idx.msk [tilespmem:v1+s18+$0x0], $0xffff  }
0x310: {  	v8 =	vmul.f32 v8, v8;
	v12 =	vld.idx.msk [tilespmem:v0+s2+$0x0], $0xffff;
	v4 =	vadd.f32 v9, v4;
	v9 =	vsub.f32 v10, v14  }
0x311: {  	v6 =	vadd.f32 v6, v15;
	v3 =	vadd.f32 v2, v13;
	v2 =	vld [tilespmem:$0x1F790]  }
0x312: {  	v7 =	vsub.f32 v11, v7;
	v4 =	vadd.f32 v8, v4;
	v8 =	vmul.f32 v9, v9  }
0x313: {  	v0 =	vld.idx.msk [tilespmem:v0+s18+$0x0], $0xffff  }
0x314: {  	v5 =	vsub.f32 v6, v5;
	v7 =	vmul.f32 v7, v7;
	v4 =	vadd.f32 v8, v4  }
0x315: {  	v1 =	vsub.f32 v3, v1  }
0x316: {  	v5 =	vmul.f32 v5, v5;
	v2 =	vadd.f32 v2, v12;
	v4 =	vadd.f32 v7, v4;
	_ =	sdelay $0x1  }
0x317: {  	v1 =	vmul.f32 v1, v1;
	v3 =	vadd.f32 v5, v4;
	v0 =	vsub.f32 v2, v0;
	_ =	sdelay $0x1  }
0x318: {  	v1 =	vadd.f32 v1, v3;
	v0 =	vmul.f32 v0, v0;
	_ =	sdelay $0x1  }
0x319: {  	v0 =	vadd.f32 v0, v1;
	_ =	sdelay $0x1  }
0x31a: {  	v0 =	vmax.f32 v0, $1.000000000e-30  }
0x31b: {  	v1 =	vshra.s32 v0, $0x1;
	v2 =	vmul.f32 $5.000000000e-01, v0  }
0x31c: {  	v1 =	vsub.s32 $0x5F3759DF, v1  }
0x31d: {  	v3 =	vmul.f32 v1, v2;
	_ =	sdelay $0x1  }
0x31e: {  	v3 =	vmul.f32 v1, v3;
	_ =	sdelay $0x1  }
0x31f: {  	v3 =	vsub.f32 $1.500000000e+00, v3;
	_ =	sdelay $0x1  }
0x320: {  	v1 =	vmul.f32 v1, v3;
	_ =	sdelay $0x1  }
0x321: {  	v3 =	vmul.f32 v1, v2;
	_ =	sdelay $0x1  }
0x322: {  	v3 =	vmul.f32 v3, v1;
	_ =	sdelay $0x1  }
0x323: {  	v3 =	vsub.f32 $1.500000000e+00, v3;
	_ =	sdelay $0x1  }
0x324: {  	v1 =	vmul.f32 v3, v1  }
0x325: {  	v4 =	vld [tilespmem:$0x1FE80]  }
0x326: {  	v2 =	vmul.f32 v1, v2  }
0x327: {  	s0 =	simm.s32 $0x8  }
0x328: {  	v3 =	vmov s0;
	v2 =	vmul.f32 v2, v1  }
0x329: {  	v3 =	vshll.u32 v3, $0x7  }
0x32a: {  	v51 =	vor.u32 v4, v3;
	v3 =	vlaneseq.u32;
	v2 =	vsub.f32 $1.500000000e+00, v2  }
0x32b: {  	v4 =	vld [tilespmem:$0x1F7A0];
	v3 =	vor.u32 s21, v3  }
0x32c: {  	v1 =	vmul.f32 v2, v1;
	_ =	sdelay $0x1  }
0x32d: {  	v0 =	vmul.f32 v1, v0  }
0x32e: {  	s6 =	simm.s32 $0x18600  }
0x32f: {  	v4 =	vor.u32 v4, v51;
	[tilespmem:v3+s6+$0x0] =	vst.idx.msk $0xffff, v0;
	v0 =	vld [tilespmem:$0x1FE60];
	_ =	sdelay $0x3  }
0x330: {  	v2 =	vld [tilespmem:$0x1F7B0]  }
0x331: {  	v3 =	vor.u32 v0, v51;
	v0 =	vld.idx.msk [tilespmem:v4+s17+$0x0], $0xffff;
	_ =	sdelay $0x4  }
0x332: {  	v2 =	vor.u32 v2, v51;
	[tilespmem:$0x1F800] =	vst v0;
	v0 =	vld [tilespmem:$0x1FE50];
	_ =	sdelay $0x3  }
0x333: {  	v5 =	vld [tilespmem:$0x1F7C0]  }
0x334: {  	[tilespmem:$0x1F7F0] =	vst v4;
	v4 =	vor.u32 v0, v51;
	v0 =	vld.idx.msk [tilespmem:v2+s17+$0x0], $0xffff;
	_ =	sdelay $0x4  }
0x335: {  	v5 =	vor.u32 v5, v51;
	[tilespmem:$0x1F820] =	vst v0;
	v0 =	vld [tilespmem:$0x1FE40];
	_ =	sdelay $0x3  }
0x336: {  	v1 =	vld [tilespmem:$0x1F7D0]  }
0x337: {  	[tilespmem:$0x1F810] =	vst v2;
	v2 =	vor.u32 v0, v51;
	v0 =	vld.idx.msk [tilespmem:v5+s17+$0x0], $0xffff;
	_ =	sdelay $0x4  }
0x338: {  	v1 =	vor.u32 v1, v51;
	[tilespmem:$0x1F840] =	vst v0;
	v0 =	vld [tilespmem:$0x1FE30];
	_ =	sdelay $0x3  }
0x339: {  	v6 =	vld [tilespmem:$0x1F7E0]  }
0x33a: {  	[tilespmem:$0x1F830] =	vst v5;
	v5 =	vor.u32 v0, v51;
	v0 =	vld.idx.msk [tilespmem:v1+s17+$0x0], $0xffff;
	_ =	sdelay $0x4  }
0x33b: {  	v6 =	vor.u32 v6, v51;
	[tilespmem:$0x1F860] =	vst v0;
	v0 =	vld [tilespmem:$0x1FE20];
	_ =	sdelay $0x4  }
0x33c: {  	[tilespmem:$0x1F850] =	vst v1;
	v1 =	vor.u32 v0, v51;
	v0 =	vld.idx.msk [tilespmem:v6+s17+$0x0], $0xffff;
	_ =	sdelay $0x4  }
0x33d: {  	[tilespmem:$0x1F880] =	vst v0;
	v0 =	vld [tilespmem:$0x1FE10];
	_ =	sdelay $0x4  }
0x33e: {  	[tilespmem:$0x1F870] =	vst v6;
	v6 =	vor.u32 v0, v51;
	v0 =	vld.idx.msk [tilespmem:v3+s17+$0x0], $0xffff;
	_ =	sdelay $0x4  }
0x33f: {  	[tilespmem:$0x1F8A0] =	vst v0;
	v0 =	vld [tilespmem:$0x1FE00];
	_ =	sdelay $0x4  }
0x340: {  	[tilespmem:$0x1F890] =	vst v3;
	v3 =	vor.u32 v0, v51;
	v0 =	vld.idx.msk [tilespmem:v4+s17+$0x0], $0xffff;
	_ =	sdelay $0x4  }
0x341: {  	[tilespmem:$0x1F8C0] =	vst v0;
	v0 =	vld [tilespmem:$0x1FDF0];
	_ =	sdelay $0x4  }
0x342: {  	[tilespmem:$0x1F8B0] =	vst v4;
	v4 =	vor.u32 v0, v51;
	v0 =	vld.idx.msk [tilespmem:v2+s17+$0x0], $0xffff;
	_ =	sdelay $0x4  }
0x343: {  	[tilespmem:$0x1F8E0] =	vst v0;
	v0 =	vld [tilespmem:$0x1FDE0];
	_ =	sdelay $0x4  }
0x344: {  	[tilespmem:$0x1F8D0] =	vst v2;
	v2 =	vor.u32 v0, v51;
	v0 =	vld.idx.msk [tilespmem:v5+s17+$0x0], $0xffff;
	_ =	sdelay $0x4  }
0x345: {  	[tilespmem:$0x1F900] =	vst v0;
	v0 =	vld [tilespmem:$0x1FDD0];
	_ =	sdelay $0x4  }
0x346: {  	[tilespmem:$0x1F8F0] =	vst v5;
	v5 =	vor.u32 v0, v51;
	v0 =	vld.idx.msk [tilespmem:v1+s17+$0x0], $0xffff;
	_ =	sdelay $0x4  }
0x347: {  	[tilespmem:$0x1F920] =	vst v0;
	v0 =	vld [tilespmem:$0x1FDC0];
	_ =	sdelay $0x4  }
0x348: {  	[tilespmem:$0x1F910] =	vst v1;
	v1 =	vor.u32 v0, v51;
	v0 =	vld.idx.msk [tilespmem:v6+s17+$0x0], $0xffff;
	_ =	sdelay $0x4  }
0x349: {  	[tilespmem:$0x1F940] =	vst v0;
	v0 =	vld [tilespmem:$0x1FDB0];
	_ =	sdelay $0x4  }
0x34a: {  	[tilespmem:$0x1F930] =	vst v6;
	v6 =	vor.u32 v0, v51;
	v0 =	vld.idx.msk [tilespmem:v3+s17+$0x0], $0xffff;
	_ =	sdelay $0x4  }
0x34b: {  	[tilespmem:$0x1F960] =	vst v0;
	v0 =	vld [tilespmem:$0x1FDA0];
	_ =	sdelay $0x4  }
0x34c: {  	[tilespmem:$0x1F950] =	vst v3;
	v3 =	vor.u32 v0, v51;
	v0 =	vld.idx.msk [tilespmem:v4+s17+$0x0], $0xffff;
	_ =	sdelay $0x4  }
0x34d: {  	[tilespmem:$0x1F980] =	vst v0;
	v0 =	vld [tilespmem:$0x1FD90];
	_ =	sdelay $0x4  }
0x34e: {  	[tilespmem:$0x1F970] =	vst v4;
	v4 =	vor.u32 v0, v51;
	v0 =	vld.idx.msk [tilespmem:v2+s17+$0x0], $0xffff;
	_ =	sdelay $0x4  }
0x34f: {  	[tilespmem:$0x1F9A0] =	vst v0;
	v0 =	vld [tilespmem:$0x1FD80];
	_ =	sdelay $0x4  }
0x350: {  	[tilespmem:$0x1F990] =	vst v2;
	v2 =	vor.u32 v0, v51;
	v0 =	vld.idx.msk [tilespmem:v5+s17+$0x0], $0xffff;
	_ =	sdelay $0x4  }
0x351: {  	[tilespmem:$0x1F9C0] =	vst v0;
	v0 =	vld [tilespmem:$0x1FD70];
	_ =	sdelay $0x4  }
0x352: {  	[tilespmem:$0x1F9B0] =	vst v5;
	v5 =	vor.u32 v0, v51;
	v0 =	vld.idx.msk [tilespmem:v1+s17+$0x0], $0xffff;
	_ =	sdelay $0x4  }
0x353: {  	[tilespmem:$0x1F9E0] =	vst v0;
	v0 =	vld.idx.msk [tilespmem:v6+s17+$0x0], $0xffff;
	_ =	sdelay $0x4  }
0x354: {  	[tilespmem:$0x1FA00] =	vst v0;
	v0 =	vld.idx.msk [tilespmem:v3+s17+$0x0], $0xffff;
	_ =	sdelay $0x4  }
0x355: {  	[tilespmem:$0x1FA20] =	vst v0;
	v0 =	vld.idx.msk [tilespmem:v4+s17+$0x0], $0xffff;
	_ =	sdelay $0x4  }
0x356: {  	[tilespmem:$0x1FA40] =	vst v0;
	v0 =	vld.idx.msk [tilespmem:v2+s17+$0x0], $0xffff;
	_ =	sdelay $0x4  }
0x357: {  	[tilespmem:$0x1FA60] =	vst v0;
	v0 =	vld [tilespmem:$0x1FD20];
	_ =	sdelay $0x4  }
0x358: {  	[tilespmem:$0x1FA50] =	vst v2;
	v2 =	vor.u32 v0, v51;
	v0 =	vld.idx.msk [tilespmem:v5+s17+$0x0], $0xffff;
	_ =	sdelay $0x3  }
0x359: {  	[tilespmem:$0x1F9D0] =	vst v1  }
0x35a: {  	v1 =	vor.u32 v58, v51;
	[tilespmem:$0x1FA80] =	vst v0;
	v0 =	vld [tilespmem:$0x1FD10];
	_ =	sdelay $0x4  }
0x35b: {  	[tilespmem:$0x1FA70] =	vst v5;
	v5 =	vor.u32 v0, v51;
	v0 =	vld.idx.msk [tilespmem:v1+s17+$0x0], $0xffff;
	_ =	sdelay $0x3  }
0x35c: {  	[tilespmem:$0x1F9F0] =	vst v6  }
0x35d: {  	v6 =	vor.u32 v57, v51;
	[tilespmem:$0x1FAA0] =	vst v0;
	v0 =	vld [tilespmem:$0x1FD00];
	_ =	sdelay $0x4  }
0x35e: {  	v7 =	vor.u32 v0, v51;
	v0 =	vld.idx.msk [tilespmem:v6+s17+$0x0], $0xffff;
	_ =	sdelay $0x3  }
0x35f: {  	[tilespmem:$0x1FA10] =	vst v3  }
0x360: {  	v3 =	vor.u32 v27, v51;
	[tilespmem:$0x1FAC0] =	vst v0;
	v0 =	vld [tilespmem:$0x1FCF0];
	_ =	sdelay $0x4  }
0x361: {  	[tilespmem:$0x1FAB0] =	vst v6;
	v6 =	vor.u32 v0, v51;
	v0 =	vld.idx.msk [tilespmem:v3+s17+$0x0], $0xffff  }
0x362: {  	[tilespmem:$0x1FA90] =	vst v1;
	v1 =	vld.idx.msk [tilespmem:v5+s17+$0x0], $0xffff;
	_ =	sdelay $0x2  }
0x363: {  	[tilespmem:$0x1FA30] =	vst v4  }
0x364: {  	v4 =	vor.u32 v28, v51;
	[tilespmem:$0x1FAE0] =	vst v0;
	v0 =	vld [tilespmem:$0x1FCE0]  }
0x365: {  	[tilespmem:$0x1FB40] =	vst v1;
	v1 =	vld [tilespmem:$0x1FCB0];
	_ =	sdelay $0x3  }
0x366: {  	v60 =	vor.u32 v0, v51;
	v0 =	vld.idx.msk [tilespmem:v4+s17+$0x0], $0xffff  }
0x367: {  	[tilespmem:$0x1FAF0] =	vst v4;
	v4 =	vor.u32 v1, v51;
	v1 =	vld.idx.msk [tilespmem:v7+s17+$0x0], $0xffff;
	_ =	sdelay $0x4  }
0x368: {  	[tilespmem:$0x1FB60] =	vst v1;
	v1 =	vld [tilespmem:$0x1FCA0];
	_ =	sdelay $0x4  }
0x369: {  	v8 =	vor.u32 v1, v51;
	v1 =	vld.idx.msk [tilespmem:v6+s17+$0x0], $0xffff;
	_ =	sdelay $0x4  }
0x36a: {  	[tilespmem:$0x1FB80] =	vst v1;
	v1 =	vld [tilespmem:$0x1FC90];
	_ =	sdelay $0x3  }
0x36b: {  	[tilespmem:$0x1FB00] =	vst v0;
	v0 =	vld [tilespmem:$0x1FCD0]  }
0x36c: {  	v12 =	vor.u32 v1, v51;
	v1 =	vld.idx.msk [tilespmem:v60+s17+$0x0], $0xffff;
	_ =	sdelay $0x3  }
0x36d: {  	v62 =	vor.u32 v0, v51;
	v0 =	vld.idx.msk [tilespmem:v2+s17+$0x0], $0xffff  }
0x36e: {  	[tilespmem:$0x1FB90] =	vst v1;
	v1 =	vld [tilespmem:$0x1FFF0];
	_ =	sdelay $0x3  }
0x36f: {  	[tilespmem:$0x1FB20] =	vst v0;
	v0 =	vld [tilespmem:$0x1FCC0]  }
0x370: {  	v16 =	vor.u32 v1, v51;
	v1 =	vld.idx.msk [tilespmem:v62+s17+$0x0], $0xffff;
	_ =	sdelay $0x4  }
0x371: {  	v0 =	vor.u32 v0, v51;
	[tilespmem:$0x1FBA0] =	vst v1;
	v1 =	vld [tilespmem:$0x1FC80];
	_ =	sdelay $0x4  }
0x372: {  	v19 =	vor.u32 v1, v51;
	v1 =	vld.idx.msk [tilespmem:v0+s17+$0x0], $0xffff;
	_ =	sdelay $0x4  }
0x373: {  	[tilespmem:$0x1FBB0] =	vst v1;
	v1 =	vld [tilespmem:$0x1FC70];
	_ =	sdelay $0x4  }
0x374: {  	v23 =	vor.u32 v1, v51;
	v1 =	vld.idx.msk [tilespmem:v4+s17+$0x0], $0xffff;
	_ =	sdelay $0x4  }
0x375: {  	[tilespmem:$0x1FBC0] =	vst v1;
	v1 =	vld [tilespmem:$0x1FC60];
	_ =	sdelay $0x4  }
0x376: {  	v27 =	vor.u32 v1, v51;
	v1 =	vld.idx.msk [tilespmem:v8+s17+$0x0], $0xffff;
	_ =	sdelay $0x4  }
0x377: {  	[tilespmem:$0x1FBD0] =	vst v1;
	v1 =	vld [tilespmem:$0x1FC50];
	_ =	sdelay $0x4  }
0x378: {  	v31 =	vor.u32 v1, v51;
	v1 =	vld.idx.msk [tilespmem:v12+s17+$0x0], $0xffff;
	_ =	sdelay $0x4  }
0x379: {  	[tilespmem:$0x1FBE0] =	vst v1;
	v1 =	vld [tilespmem:$0x1FFE0];
	_ =	sdelay $0x4  }
0x37a: {  	v35 =	vor.u32 v1, v51;
	v1 =	vld.idx.msk [tilespmem:v16+s17+$0x0], $0xffff;
	_ =	sdelay $0x4  }
0x37b: {  	[tilespmem:$0x1FBF0] =	vst v1;
	v1 =	vld [tilespmem:$0x1FF30];
	_ =	sdelay $0x4  }
0x37c: {  	v39 =	vor.u32 v1, v51;
	v1 =	vld.idx.msk [tilespmem:v19+s17+$0x0], $0xffff;
	_ =	sdelay $0x3  }
0x37d: {  	[tilespmem:$0x1FB10] =	vst v2;
	v2 =	vld [tilespmem:$0x1FEC0]  }
0x37e: {  	[tilespmem:$0x1FC00] =	vst v1;
	v1 =	vld [tilespmem:$0x1FF00];
	_ =	sdelay $0x3  }
0x37f: {  	v20 =	vor.u32 v2, v51;
	v2 =	vld [tilespmem:$0x1FEE0]  }
0x380: {  	v43 =	vor.u32 v1, v51;
	v1 =	vld.idx.msk [tilespmem:v23+s17+$0x0], $0xffff;
	_ =	sdelay $0x3  }
0x381: {  	v59 =	vor.u32 v2, v51;
	v2 =	vld [tilespmem:$0x1FF10]  }
0x382: {  	[tilespmem:$0x1FC10] =	vst v1;
	v1 =	vld [tilespmem:$0x1FEF0];
	_ =	sdelay $0x3  }
0x383: {  	v61 =	vor.u32 v2, v51;
	v2 =	vld [tilespmem:$0x1FF20]  }
0x384: {  	[tilespmem:$0x1FAD0] =	vst v3;
	v3 =	vor.u32 v1, v51;
	v1 =	vld.idx.msk [tilespmem:v27+s17+$0x0], $0xffff;
	_ =	sdelay $0x3  }
0x385: {  	v28 =	vor.u32 v2, v51;
	v2 =	vld [tilespmem:$0x1FF40]  }
0x386: {  	[tilespmem:$0x1FC20] =	vst v1;
	v1 =	vld [tilespmem:$0x1FED0];
	_ =	sdelay $0x1  }
0x387: {  	v14 =	vld [tilespmem:$0x1FF90];
	_ =	sdelay $0x1  }
0x388: {  	v30 =	vor.u32 v2, v51;
	v2 =	vld [tilespmem:$0x1FF50]  }
0x389: {  	v47 =	vor.u32 v1, v51;
	v1 =	vld.idx.msk [tilespmem:v31+s17+$0x0], $0xffff;
	_ =	sdelay $0x1  }
0x38a: {  	v42 =	vor.u32 v14, v51;
	v14 =	vld [tilespmem:$0x1FFD0];
	_ =	sdelay $0x1  }
0x38b: {  	v32 =	vor.u32 v2, v51;
	v2 =	vld [tilespmem:$0x1FF60]  }
0x38c: {  	[tilespmem:$0x1FC30] =	vst v1;
	v1 =	vld [tilespmem:$0x1FFC0];
	_ =	sdelay $0x1  }
0x38d: {  	v18 =	vor.u32 v14, v51;
	v14 =	vld [tilespmem:$0x1FFB0];
	_ =	sdelay $0x1  }
0x38e: {  	[tilespmem:$0x1FB70] =	vst v6;
	v6 =	vor.u32 v2, v51;
	v2 =	vld [tilespmem:$0x1FF70]  }
0x38f: {  	v49 =	vor.u32 v1, v51;
	v1 =	vld [tilespmem:$0x1FE70];
	_ =	sdelay $0x1  }
0x390: {  	v44 =	vor.u32 v14, v51;
	v14 =	vld [tilespmem:$0x1FFA0]  }
0x391: {  	v22 =	vld.idx.msk [tilespmem:v20+s17+$0x0], $0xffff  }
0x392: {  	v10 =	vor.u32 v2, v51;
	v2 =	vld [tilespmem:$0x1FF80]  }
0x393: {  	v11 =	vor.u32 v1, v51;
	v1 =	vld [tilespmem:$0x1FE90]  }
0x394: {  	v24 =	vld.idx.msk [tilespmem:v59+s17+$0x0], $0xffff  }
0x395: {  	v26 =	vld.idx.msk [tilespmem:v61+s17+$0x0], $0xffff  }
0x396: {  	v63 =	vld.idx.msk [tilespmem:v28+s17+$0x0], $0xffff  }
0x397: {  	v34 =	vld.idx.msk [tilespmem:v32+s17+$0x0], $0xffff;
	v40 =	vor.u32 v2, v51  }
0x398: {  	v53 =	vor.u32 v1, v51;
	v1 =	vld [tilespmem:$0x1FEA0]  }
0x399: {  	v36 =	vld.idx.msk [tilespmem:v6+s17+$0x0], $0xffff  }
0x39a: {  	v2 =	vld.idx.msk [tilespmem:v30+s17+$0x0], $0xffff  }
0x39b: {  	v38 =	vld.idx.msk [tilespmem:v10+s17+$0x0], $0xffff  }
0x39c: {  	v46 =	vor.u32 v14, v51;
	v14 =	vld.idx.msk [tilespmem:v40+s17+$0x0], $0xffff  }
0x39d: {  	v17 =	vor.u32 v1, v51;
	v1 =	vld [tilespmem:$0x1FEB0]  }
0x39e: {  	v37 =	vld.idx.msk [tilespmem:v35+s17+$0x0], $0xffff  }
0x39f: {  	v41 =	vld.idx.msk [tilespmem:v39+s17+$0x0], $0xffff  }
0x3a0: {  	v45 =	vld.idx.msk [tilespmem:v43+s17+$0x0], $0xffff  }
0x3a1: {  	[tilespmem:$0x1FB30] =	vst v5;
	v5 =	vld.idx.msk [tilespmem:v3+s17+$0x0], $0xffff  }
0x3a2: {  	[tilespmem:$0x1FB50] =	vst v7;
	v7 =	vld.idx.msk [tilespmem:v47+s17+$0x0], $0xffff;
	v1 =	vor.u32 v1, v51  }
0x3a3: {  	v9 =	vld.idx.msk [tilespmem:v49+s17+$0x0], $0xffff  }
0x3a4: {  	v13 =	vld.idx.msk [tilespmem:v11+s17+$0x0], $0xffff  }
0x3a5: {  	v15 =	vld.idx.msk [tilespmem:v53+s17+$0x0], $0xffff  }
0x3a6: {  	v55 =	vld.idx.msk [tilespmem:v17+s17+$0x0], $0xffff  }
0x3a7: {  	s22 =	simm.s32 $0x10;
	s5 =	simm.s32 $0x4;
	v57 =	vld.idx.msk [tilespmem:v1+s17+$0x0], $0xffff  }
.LBB2_6:
0x3a8: {  	v25 =	vld [tilespmem:$0x1FC40];
	_ =	sdelay $0x3  }
0x3a9: {  	v21 =	vld.idx.msk [tilespmem:v42+s17+$0x0], $0xffff  }
0x3aa: {  	v48 =	vld.idx.msk [tilespmem:v18+s17+$0x0], $0xffff;
	v51 =	vor.u32 v25, v51  }
0x3ab: {  	v50 =	vld.idx.msk [tilespmem:v44+s2+$0x0], $0xffff  }
0x3ac: {  	v52 =	vld.idx.msk [tilespmem:v46+s17+$0x0], $0xffff  }
0x3ad: {  	v29 =	vld.idx.msk [tilespmem:v46+s2+$0x0], $0xffff  }
0x3ae: {  	v46 =	vld.idx.msk [tilespmem:v46+s18+$0x0], $0xffff  }
0x3af: {  	v54 =	vld.idx.msk [tilespmem:v51+s17+$0x0], $0xffff  }
0x3b0: {  	v33 =	vld.idx.msk [tilespmem:v51+s2+$0x0], $0xffff  }
0x3b1: {  	v25 =	vld.idx.msk [tilespmem:v44+s17+$0x0], $0xffff  }
0x3b2: {  	v51 =	vld.idx.msk [tilespmem:v51+s18+$0x0], $0xffff  }
0x3b3: {  	v56 =	vld.idx.msk [tilespmem:v18+s2+$0x0], $0xffff  }
0x3b4: {  	v44 =	vld.idx.msk [tilespmem:v44+s18+$0x0], $0xffff;
	v29 =	vadd.f32 v52, v29  }
0x3b5: {  	v58 =	vld.idx.msk [tilespmem:v42+s2+$0x0], $0xffff;
	v33 =	vadd.f32 v54, v33  }
0x3b6: {  	v18 =	vld.idx.msk [tilespmem:v18+s18+$0x0], $0xffff;
	v29 =	vsub.f32 v29, v46  }
0x3b7: {  	v25 =	vadd.f32 v25, v50;
	v50 =	vld.idx.msk [tilespmem:v40+s2+$0x0], $0xffff;
	v33 =	vsub.f32 v33, v51  }
0x3b8: {  	v42 =	vld.idx.msk [tilespmem:v42+s18+$0x0], $0xffff;
	v46 =	vadd.f32 v48, v56  }
0x3b9: {  	v29 =	vmul.f32 v29, v29;
	v25 =	vsub.f32 v25, v44;
	v54 =	vld.idx.msk [tilespmem:v40+s18+$0x0], $0xffff;
	v33 =	vmul.f32 v33, v33  }
0x3ba: {  	v52 =	vld.idx.msk [tilespmem:v10+s2+$0x0], $0xffff;
	v21 =	vadd.f32 v21, v58  }
0x3bb: {  	v56 =	vld.idx.msk [tilespmem:v6+s2+$0x0], $0xffff;
	v18 =	vsub.f32 v46, v18;
	v25 =	vmul.f32 v25, v25;
	v29 =	vadd.f32 v29, v33  }
0x3bc: {  	v10 =	vld.idx.msk [tilespmem:v10+s18+$0x0], $0xffff;
	v14 =	vadd.f32 v14, v50  }
0x3bd: {  	v21 =	vsub.f32 v21, v42;
	v6 =	vld.idx.msk [tilespmem:v6+s18+$0x0], $0xffff;
	v18 =	vmul.f32 v18, v18;
	v25 =	vadd.f32 v25, v29  }
0x3be: {  	v51 =	vld.idx.msk [tilespmem:v32+s2+$0x0], $0xffff;
	v14 =	vsub.f32 v14, v54  }
0x3bf: {  	v21 =	vmul.f32 v21, v21;
	v29 =	vadd.f32 v38, v52;
	v52 =	vld.idx.msk [tilespmem:v30+s2+$0x0], $0xffff;
	v18 =	vadd.f32 v18, v25  }
0x3c0: {  	v54 =	vadd.f32 v36, v56;
	v25 =	vld.idx.msk [tilespmem:v32+s18+$0x0], $0xffff  }
0x3c1: {  	v56 =	vld.idx.msk [tilespmem:v28+s2+$0x0], $0xffff;
	v14 =	vmul.f32 v14, v14;
	v10 =	vsub.f32 v29, v10;
	v18 =	vadd.f32 v21, v18  }
0x3c2: {  	v6 =	vsub.f32 v54, v6;
	v21 =	vld.idx.msk [tilespmem:v30+s18+$0x0], $0xffff  }
0x3c3: {  	v29 =	vadd.f32 v34, v51;
	v30 =	vld.idx.msk [tilespmem:v61+s2+$0x0], $0xffff;
	v10 =	vmul.f32 v10, v10;
	v14 =	vadd.f32 v14, v18  }
0x3c4: {  	v2 =	vadd.f32 v2, v52;
	v18 =	vld.idx.msk [tilespmem:v28+s18+$0x0], $0xffff  }
0x3c5: {  	v6 =	vmul.f32 v6, v6;
	v28 =	vld.idx.msk [tilespmem:v59+s2+$0x0], $0xffff;
	v10 =	vadd.f32 v10, v14;
	v14 =	vsub.f32 v29, v25  }
0x3c6: {  	v25 =	vld.idx.msk [tilespmem:v61+s18+$0x0], $0xffff;
	v29 =	vadd.f32 v63, v56  }
0x3c7: {  	v63 =	vld.idx.msk [tilespmem:v20+s2+$0x0], $0xffff;
	v2 =	vsub.f32 v2, v21;
	v6 =	vadd.f32 v6, v10;
	v10 =	vmul.f32 v14, v14  }
0x3c8: {  	v21 =	vadd.f32 v26, v30;
	v14 =	vld.idx.msk [tilespmem:v59+s18+$0x0], $0xffff  }
0x3c9: {  	v26 =	vld.idx.msk [tilespmem:v1+s2+$0x0], $0xffff;
	v2 =	vmul.f32 v2, v2;
	v6 =	vadd.f32 v10, v6;
	v10 =	vsub.f32 v29, v18  }
0x3ca: {  	v18 =	vld.idx.msk [tilespmem:v20+s18+$0x0], $0xffff;
	v20 =	vadd.f32 v24, v28  }
0x3cb: {  	v24 =	vld.idx.msk [tilespmem:v17+s2+$0x0], $0xffff;
	v2 =	vadd.f32 v2, v6;
	v6 =	vmul.f32 v10, v10;
	v10 =	vsub.f32 v21, v25  }
0x3cc: {  	v1 =	vld.idx.msk [tilespmem:v1+s18+$0x0], $0xffff;
	v21 =	vadd.f32 v22, v63  }
0x3cd: {  	v22 =	vld.idx.msk [tilespmem:v53+s2+$0x0], $0xffff;
	v2 =	vadd.f32 v6, v2;
	v6 =	vmul.f32 v10, v10;
	v10 =	vsub.f32 v20, v14  }
0x3ce: {  	v14 =	vld.idx.msk [tilespmem:v17+s18+$0x0], $0xffff;
	v17 =	vadd.f32 v57, v26  }
0x3cf: {  	v20 =	vld.idx.msk [tilespmem:v11+s2+$0x0], $0xffff;
	v2 =	vadd.f32 v6, v2;
	v6 =	vmul.f32 v10, v10;
	v10 =	vsub.f32 v21, v18  }
0x3d0: {  	v18 =	vld.idx.msk [tilespmem:v53+s18+$0x0], $0xffff;
	v21 =	vadd.f32 v55, v24  }
0x3d1: {  	v24 =	vld.idx.msk [tilespmem:v49+s2+$0x0], $0xffff;
	v1 =	vsub.f32 v17, v1;
	v2 =	vadd.f32 v6, v2;
	v6 =	vmul.f32 v10, v10  }
0x3d2: {  	v10 =	vld.idx.msk [tilespmem:v11+s18+$0x0], $0xffff;
	v11 =	vadd.f32 v15, v22  }
0x3d3: {  	v15 =	vld.idx.msk [tilespmem:v47+s2+$0x0], $0xffff;
	v1 =	vmul.f32 v1, v1;
	v2 =	vadd.f32 v6, v2;
	v6 =	vsub.f32 v21, v14  }
0x3d4: {  	v13 =	vadd.f32 v13, v20;
	v14 =	vld.idx.msk [tilespmem:v49+s18+$0x0], $0xffff  }
0x3d5: {  	v17 =	vld.idx.msk [tilespmem:v3+s2+$0x0], $0xffff;
	v1 =	vadd.f32 v1, v2;
	v2 =	vmul.f32 v6, v6;
	v6 =	vsub.f32 v11, v18  }
0x3d6: {  	v9 =	vadd.f32 v9, v24;
	v11 =	vld.idx.msk [tilespmem:v47+s18+$0x0], $0xffff  }
0x3d7: {  	v3 =	vld.idx.msk [tilespmem:v3+s18+$0x0], $0xffff;
	v1 =	vadd.f32 v2, v1;
	v2 =	vmul.f32 v6, v6;
	v6 =	vsub.f32 v13, v10  }
0x3d8: {  	v18 =	vld.idx.msk [tilespmem:v43+s2+$0x0], $0xffff;
	v7 =	vadd.f32 v7, v15  }
0x3d9: {  	v10 =	vld.idx.msk [tilespmem:v39+s2+$0x0], $0xffff;
	v1 =	vadd.f32 v2, v1;
	v2 =	vmul.f32 v6, v6;
	v6 =	vsub.f32 v9, v14  }
0x3da: {  	v5 =	vadd.f32 v5, v17;
	v9 =	vld.idx.msk [tilespmem:v43+s18+$0x0], $0xffff  }
0x3db: {  	v13 =	vld.idx.msk [tilespmem:v35+s2+$0x0], $0xffff;
	v1 =	vadd.f32 v2, v1;
	v2 =	vmul.f32 v6, v6;
	v6 =	vsub.f32 v7, v11  }
0x3dc: {  	v3 =	vsub.f32 v5, v3;
	v7 =	vld.idx.msk [tilespmem:v39+s18+$0x0], $0xffff  }
0x3dd: {  	v11 =	vadd.f32 v45, v18;
	v1 =	vadd.f32 v2, v1;
	v2 =	vmul.f32 v6, v6  }
0x3de: {  	v5 =	vld.idx.msk [tilespmem:v35+s18+$0x0], $0xffff;
	v6 =	vadd.f32 v41, v10  }
0x3df: {  	v14 =	vld.idx.msk [tilespmem:v31+s2+$0x0], $0xffff;
	v1 =	vadd.f32 v2, v1;
	v2 =	vmul.f32 v3, v3;
	v3 =	vsub.f32 v11, v9  }
0x3e0: {  	v10 =	vld.idx.msk [tilespmem:v27+s2+$0x0], $0xffff;
	v11 =	vadd.f32 v37, v13  }
0x3e1: {  	v1 =	vadd.f32 v2, v1;
	v2 =	vmul.f32 v3, v3;
	v3 =	vsub.f32 v6, v7;
	v7 =	vld [tilespmem:$0x1FC30]  }
0x3e2: {  	v9 =	vld.idx.msk [tilespmem:v31+s18+$0x0], $0xffff  }
0x3e3: {  	v1 =	vadd.f32 v2, v1;
	v2 =	vmul.f32 v3, v3;
	v3 =	vsub.f32 v11, v5;
	v11 =	vld [tilespmem:$0x1FC20];
	_ =	sdelay $0x1  }
0x3e4: {  	v6 =	vld.idx.msk [tilespmem:v27+s18+$0x0], $0xffff  }
0x3e5: {  	v13 =	vld.idx.msk [tilespmem:v23+s2+$0x0], $0xffff;
	v7 =	vadd.f32 v7, v14  }
0x3e6: {  	v5 =	vld.idx.msk [tilespmem:v23+s18+$0x0], $0xffff;
	v1 =	vadd.f32 v2, v1  }
0x3e7: {  	v2 =	vmul.f32 v3, v3;
	v10 =	vadd.f32 v11, v10;
	v3 =	vsub.f32 v7, v9;
	v9 =	vld [tilespmem:$0x1FC10]  }
0x3e8: {  	v14 =	vld.idx.msk [tilespmem:v19+s2+$0x0], $0xffff  }
0x3e9: {  	v1 =	vadd.f32 v2, v1;
	v2 =	vmul.f32 v3, v3;
	v3 =	vsub.f32 v10, v6;
	v10 =	vld [tilespmem:$0x1FC00]  }
0x3ea: {  	v11 =	vld.idx.msk [tilespmem:v16+s2+$0x0], $0xffff  }
0x3eb: {  	v7 =	vld.idx.msk [tilespmem:v19+s18+$0x0], $0xffff  }
0x3ec: {  	v6 =	vld.idx.msk [tilespmem:v16+s18+$0x0], $0xffff;
	v9 =	vadd.f32 v9, v13  }
0x3ed: {  	v1 =	vadd.f32 v2, v1;
	v13 =	vld.idx.msk [tilespmem:v12+s2+$0x0], $0xffff  }
0x3ee: {  	v2 =	vmul.f32 v3, v3;
	v10 =	vadd.f32 v10, v14;
	v3 =	vsub.f32 v9, v5;
	v9 =	vld [tilespmem:$0x1FBF0]  }
0x3ef: {  	v14 =	vld.idx.msk [tilespmem:v8+s2+$0x0], $0xffff  }
0x3f0: {  	v1 =	vadd.f32 v2, v1;
	v2 =	vmul.f32 v3, v3;
	v3 =	vsub.f32 v10, v7;
	v7 =	vld.idx.msk [tilespmem:v8+s18+$0x0], $0xffff  }
0x3f1: {  	v8 =	vld [tilespmem:$0x1FBE0];
	_ =	sdelay $0x1  }
0x3f2: {  	v5 =	vld.idx.msk [tilespmem:v12+s18+$0x0], $0xffff;
	v9 =	vadd.f32 v9, v11;
	_ =	sdelay $0x1  }
0x3f3: {  	v1 =	vadd.f32 v2, v1;
	v2 =	vmul.f32 v3, v3;
	v3 =	vsub.f32 v9, v6;
	v6 =	vld [tilespmem:$0x1FBD0]  }
0x3f4: {  	v8 =	vadd.f32 v8, v13  }
0x3f5: {  	v11 =	vld.idx.msk [tilespmem:v4+s2+$0x0], $0xffff  }
0x3f6: {  	v1 =	vadd.f32 v2, v1;
	v2 =	vmul.f32 v3, v3;
	v3 =	vsub.f32 v8, v5;
	v5 =	vld [tilespmem:$0x1FBC0];
	_ =	sdelay $0x1  }
0x3f7: {  	v12 =	vld [tilespmem:$0x1FB50];
	v6 =	vadd.f32 v6, v14  }
0x3f8: {  	v10 =	vld.idx.msk [tilespmem:v0+s2+$0x0], $0xffff  }
0x3f9: {  	v1 =	vadd.f32 v2, v1;
	v2 =	vmul.f32 v3, v3;
	v3 =	vsub.f32 v6, v7;
	v7 =	vld [tilespmem:$0x1FBB0]  }
0x3fa: {  	v5 =	vadd.f32 v5, v11;
	v11 =	vld [tilespmem:$0x1FB70]  }
0x3fb: {  	v4 =	vld.idx.msk [tilespmem:v4+s18+$0x0], $0xffff  }
0x3fc: {  	v0 =	vld.idx.msk [tilespmem:v0+s18+$0x0], $0xffff  }
0x3fd: {  	v9 =	vld.idx.msk [tilespmem:v62+s2+$0x0], $0xffff  }
0x3fe: {  	v8 =	vld.idx.msk [tilespmem:v60+s2+$0x0], $0xffff  }
0x3ff: {  	v6 =	vld.idx.msk [tilespmem:v62+s18+$0x0], $0xffff;
	v7 =	vadd.f32 v7, v10  }
0x400: {  	v1 =	vadd.f32 v2, v1;
	v2 =	vmul.f32 v3, v3;
	v3 =	vsub.f32 v5, v4;
	v5 =	vld [tilespmem:$0x1FBA0]  }
0x401: {  	v0 =	vsub.f32 v7, v0;
	v7 =	vld [tilespmem:$0x1FB90]  }
0x402: {  	v10 =	vld.idx.msk [tilespmem:v11+s2+$0x0], $0xffff  }
0x403: {  	v1 =	vadd.f32 v2, v1;
	v2 =	vmul.f32 v3, v3;
	v3 =	vld.idx.msk [tilespmem:v11+s18+$0x0], $0xffff  }
0x404: {  	v11 =	vld [tilespmem:$0x1FB30];
	_ =	sdelay $0x1  }
0x405: {  	v4 =	vld.idx.msk [tilespmem:v60+s18+$0x0], $0xffff;
	v5 =	vadd.f32 v5, v9  }
0x406: {  	v9 =	vld.idx.msk [tilespmem:v12+s2+$0x0], $0xffff  }
0x407: {  	v1 =	vadd.f32 v2, v1;
	v2 =	vsub.f32 v5, v6;
	v6 =	vld [tilespmem:$0x1FB80]  }
0x408: {  	v0 =	vmul.f32 v0, v0;
	v5 =	vld.idx.msk [tilespmem:v12+s18+$0x0], $0xffff;
	v7 =	vadd.f32 v7, v8  }
0x409: {  	v12 =	vld [tilespmem:$0x1FB10]  }
0x40a: {  	v0 =	vadd.f32 v0, v1;
	v1 =	vmul.f32 v2, v2;
	v2 =	vsub.f32 v7, v4;
	v7 =	vld [tilespmem:$0x1FB60]  }
0x40b: {  	v8 =	vld.idx.msk [tilespmem:v11+s2+$0x0], $0xffff  }
0x40c: {  	v6 =	vadd.f32 v6, v10;
	v4 =	vld.idx.msk [tilespmem:v11+s18+$0x0], $0xffff  }
0x40d: {  	v11 =	vld [tilespmem:$0x1FAF0]  }
0x40e: {  	v0 =	vadd.f32 v1, v0;
	v1 =	vmul.f32 v2, v2;
	v2 =	vsub.f32 v6, v3;
	v6 =	vld [tilespmem:$0x1FB40];
	_ =	sdelay $0x2  }
0x40f: {  	v10 =	vld.idx.msk [tilespmem:v12+s2+$0x0], $0xffff;
	v7 =	vadd.f32 v7, v9  }
0x410: {  	v3 =	vld.idx.msk [tilespmem:v12+s18+$0x0], $0xffff;
	v0 =	vadd.f32 v1, v0  }
0x411: {  	v12 =	vld [tilespmem:$0x1FAD0];
	v1 =	vmul.f32 v2, v2;
	v6 =	vadd.f32 v6, v8;
	v2 =	vsub.f32 v7, v5  }
0x412: {  	v7 =	vld [tilespmem:$0x1FB20]  }
0x413: {  	v0 =	vadd.f32 v1, v0;
	v1 =	vmul.f32 v2, v2;
	v2 =	vsub.f32 v6, v4;
	v6 =	vld [tilespmem:$0x1FB00]  }
0x414: {  	v9 =	vld.idx.msk [tilespmem:v11+s2+$0x0], $0xffff  }
0x415: {  	v5 =	vld.idx.msk [tilespmem:v11+s18+$0x0], $0xffff  }
0x416: {  	v11 =	vld [tilespmem:$0x1FAB0];
	_ =	sdelay $0x2  }
0x417: {  	v8 =	vld.idx.msk [tilespmem:v12+s2+$0x0], $0xffff;
	v7 =	vadd.f32 v7, v10  }
0x418: {  	v4 =	vld.idx.msk [tilespmem:v12+s18+$0x0], $0xffff;
	v0 =	vadd.f32 v1, v0  }
0x419: {  	v12 =	vld [tilespmem:$0x1FA90];
	v1 =	vmul.f32 v2, v2;
	v2 =	vsub.f32 v7, v3;
	v6 =	vadd.f32 v6, v9  }
0x41a: {  	v7 =	vld [tilespmem:$0x1FAE0]  }
0x41b: {  	v0 =	vadd.f32 v1, v0;
	v1 =	vmul.f32 v2, v2;
	v2 =	vsub.f32 v6, v5;
	v6 =	vld [tilespmem:$0x1FAC0]  }
0x41c: {  	v10 =	vld.idx.msk [tilespmem:v11+s2+$0x0], $0xffff  }
0x41d: {  	v3 =	vld.idx.msk [tilespmem:v11+s18+$0x0], $0xffff  }
0x41e: {  	v11 =	vld [tilespmem:$0x1FA70];
	_ =	sdelay $0x2  }
0x41f: {  	v9 =	vld.idx.msk [tilespmem:v12+s2+$0x0], $0xffff;
	v7 =	vadd.f32 v7, v8  }
0x420: {  	v0 =	vadd.f32 v1, v0;
	v5 =	vld.idx.msk [tilespmem:v12+s18+$0x0], $0xffff  }
0x421: {  	v12 =	vld [tilespmem:$0x1FA50];
	v1 =	vmul.f32 v2, v2;
	v2 =	vsub.f32 v7, v4;
	v6 =	vadd.f32 v6, v10  }
0x422: {  	v7 =	vld [tilespmem:$0x1FAA0]  }
0x423: {  	v0 =	vadd.f32 v1, v0;
	v1 =	vmul.f32 v2, v2;
	v2 =	vsub.f32 v6, v3;
	v6 =	vld [tilespmem:$0x1FA80]  }
0x424: {  	v8 =	vld.idx.msk [tilespmem:v11+s2+$0x0], $0xffff  }
0x425: {  	v4 =	vld.idx.msk [tilespmem:v11+s18+$0x0], $0xffff  }
0x426: {  	v11 =	vld [tilespmem:$0x1FA30];
	_ =	sdelay $0x2  }
0x427: {  	v7 =	vadd.f32 v7, v9;
	v10 =	vld.idx.msk [tilespmem:v12+s2+$0x0], $0xffff  }
0x428: {  	v0 =	vadd.f32 v1, v0;
	v3 =	vld.idx.msk [tilespmem:v12+s18+$0x0], $0xffff  }
0x429: {  	v12 =	vld [tilespmem:$0x1FA10];
	v1 =	vmul.f32 v2, v2;
	v2 =	vsub.f32 v7, v5;
	v6 =	vadd.f32 v6, v8  }
0x42a: {  	v7 =	vld [tilespmem:$0x1FA60]  }
0x42b: {  	v0 =	vadd.f32 v1, v0;
	v1 =	vmul.f32 v2, v2;
	v2 =	vsub.f32 v6, v4;
	v6 =	vld [tilespmem:$0x1FA40]  }
0x42c: {  	v9 =	vld.idx.msk [tilespmem:v11+s2+$0x0], $0xffff  }
0x42d: {  	v5 =	vld.idx.msk [tilespmem:v11+s18+$0x0], $0xffff  }
0x42e: {  	v11 =	vld [tilespmem:$0x1F9F0];
	_ =	sdelay $0x2  }
0x42f: {  	v7 =	vadd.f32 v7, v10;
	v8 =	vld.idx.msk [tilespmem:v12+s2+$0x0], $0xffff  }
0x430: {  	v0 =	vadd.f32 v1, v0;
	v4 =	vld.idx.msk [tilespmem:v12+s18+$0x0], $0xffff  }
0x431: {  	v12 =	vld [tilespmem:$0x1F9D0];
	v1 =	vmul.f32 v2, v2;
	v2 =	vsub.f32 v7, v3;
	v6 =	vadd.f32 v6, v9  }
0x432: {  	v7 =	vld [tilespmem:$0x1FA20]  }
0x433: {  	v0 =	vadd.f32 v1, v0;
	v1 =	vmul.f32 v2, v2;
	v2 =	vsub.f32 v6, v5;
	v6 =	vld [tilespmem:$0x1FA00]  }
0x434: {  	v10 =	vld.idx.msk [tilespmem:v11+s2+$0x0], $0xffff  }
0x435: {  	v3 =	vld.idx.msk [tilespmem:v11+s18+$0x0], $0xffff  }
0x436: {  	v11 =	vld [tilespmem:$0x1F9B0];
	_ =	sdelay $0x2  }
0x437: {  	v7 =	vadd.f32 v7, v8;
	v9 =	vld.idx.msk [tilespmem:v12+s2+$0x0], $0xffff  }
0x438: {  	v0 =	vadd.f32 v1, v0;
	v5 =	vld.idx.msk [tilespmem:v12+s18+$0x0], $0xffff  }
0x439: {  	v12 =	vld [tilespmem:$0x1F990];
	v1 =	vmul.f32 v2, v2;
	v2 =	vsub.f32 v7, v4;
	v6 =	vadd.f32 v6, v10  }
0x43a: {  	v7 =	vld [tilespmem:$0x1F9E0]  }
0x43b: {  	v0 =	vadd.f32 v1, v0;
	v1 =	vmul.f32 v2, v2;
	v2 =	vsub.f32 v6, v3;
	v6 =	vld [tilespmem:$0x1F9C0]  }
0x43c: {  	v8 =	vld.idx.msk [tilespmem:v11+s2+$0x0], $0xffff  }
0x43d: {  	v4 =	vld.idx.msk [tilespmem:v11+s18+$0x0], $0xffff  }
0x43e: {  	v11 =	vld [tilespmem:$0x1F970];
	_ =	sdelay $0x2  }
0x43f: {  	v7 =	vadd.f32 v7, v9;
	v10 =	vld.idx.msk [tilespmem:v12+s2+$0x0], $0xffff  }
0x440: {  	v0 =	vadd.f32 v1, v0;
	v3 =	vld.idx.msk [tilespmem:v12+s18+$0x0], $0xffff  }
0x441: {  	v12 =	vld [tilespmem:$0x1F950];
	v1 =	vmul.f32 v2, v2;
	v2 =	vsub.f32 v7, v5;
	v6 =	vadd.f32 v6, v8  }
0x442: {  	v7 =	vld [tilespmem:$0x1F9A0]  }
0x443: {  	v0 =	vadd.f32 v1, v0;
	v1 =	vmul.f32 v2, v2;
	v2 =	vsub.f32 v6, v4;
	v6 =	vld [tilespmem:$0x1F980]  }
0x444: {  	v9 =	vld.idx.msk [tilespmem:v11+s2+$0x0], $0xffff  }
0x445: {  	v5 =	vld.idx.msk [tilespmem:v11+s18+$0x0], $0xffff  }
0x446: {  	v11 =	vld [tilespmem:$0x1F930];
	_ =	sdelay $0x2  }
0x447: {  	v7 =	vadd.f32 v7, v10;
	v8 =	vld.idx.msk [tilespmem:v12+s2+$0x0], $0xffff  }
0x448: {  	v0 =	vadd.f32 v1, v0;
	v4 =	vld.idx.msk [tilespmem:v12+s18+$0x0], $0xffff  }
0x449: {  	v12 =	vld [tilespmem:$0x1F910];
	v1 =	vmul.f32 v2, v2;
	v2 =	vsub.f32 v7, v3;
	v6 =	vadd.f32 v6, v9  }
0x44a: {  	v7 =	vld [tilespmem:$0x1F960]  }
0x44b: {  	v0 =	vadd.f32 v1, v0;
	v1 =	vmul.f32 v2, v2;
	v2 =	vsub.f32 v6, v5;
	v6 =	vld [tilespmem:$0x1F940]  }
0x44c: {  	v10 =	vld.idx.msk [tilespmem:v11+s2+$0x0], $0xffff  }
0x44d: {  	v3 =	vld.idx.msk [tilespmem:v11+s18+$0x0], $0xffff  }
0x44e: {  	v11 =	vld [tilespmem:$0x1F8F0];
	_ =	sdelay $0x2  }
0x44f: {  	v7 =	vadd.f32 v7, v8;
	v9 =	vld.idx.msk [tilespmem:v12+s2+$0x0], $0xffff  }
0x450: {  	v0 =	vadd.f32 v1, v0;
	v5 =	vld.idx.msk [tilespmem:v12+s18+$0x0], $0xffff  }
0x451: {  	v12 =	vld [tilespmem:$0x1F8D0];
	v1 =	vmul.f32 v2, v2;
	v2 =	vsub.f32 v7, v4;
	v6 =	vadd.f32 v6, v10  }
0x452: {  	v7 =	vld [tilespmem:$0x1F920]  }
0x453: {  	v0 =	vadd.f32 v1, v0;
	v1 =	vmul.f32 v2, v2;
	v2 =	vsub.f32 v6, v3;
	v6 =	vld [tilespmem:$0x1F900]  }
0x454: {  	v8 =	vld.idx.msk [tilespmem:v11+s2+$0x0], $0xffff  }
0x455: {  	v4 =	vld.idx.msk [tilespmem:v11+s18+$0x0], $0xffff  }
0x456: {  	v11 =	vld [tilespmem:$0x1F8B0];
	_ =	sdelay $0x2  }
0x457: {  	v7 =	vadd.f32 v7, v9;
	v10 =	vld.idx.msk [tilespmem:v12+s2+$0x0], $0xffff  }
0x458: {  	v0 =	vadd.f32 v1, v0;
	v3 =	vld.idx.msk [tilespmem:v12+s18+$0x0], $0xffff  }
0x459: {  	v12 =	vld [tilespmem:$0x1F890];
	v1 =	vmul.f32 v2, v2;
	v2 =	vsub.f32 v7, v5;
	v6 =	vadd.f32 v6, v8  }
0x45a: {  	v7 =	vld [tilespmem:$0x1F8E0]  }
0x45b: {  	v0 =	vadd.f32 v1, v0;
	v1 =	vmul.f32 v2, v2;
	v2 =	vsub.f32 v6, v4;
	v6 =	vld [tilespmem:$0x1F8C0]  }
0x45c: {  	v9 =	vld.idx.msk [tilespmem:v11+s2+$0x0], $0xffff  }
0x45d: {  	v5 =	vld.idx.msk [tilespmem:v11+s18+$0x0], $0xffff  }
0x45e: {  	v11 =	vld [tilespmem:$0x1F870];
	_ =	sdelay $0x2  }
0x45f: {  	v7 =	vadd.f32 v7, v10;
	v8 =	vld.idx.msk [tilespmem:v12+s2+$0x0], $0xffff  }
0x460: {  	v0 =	vadd.f32 v1, v0;
	v4 =	vld.idx.msk [tilespmem:v12+s18+$0x0], $0xffff  }
0x461: {  	v12 =	vld [tilespmem:$0x1F850];
	v1 =	vmul.f32 v2, v2;
	v2 =	vsub.f32 v7, v3;
	v6 =	vadd.f32 v6, v9  }
0x462: {  	v7 =	vld [tilespmem:$0x1F8A0]  }
0x463: {  	v0 =	vadd.f32 v1, v0;
	v1 =	vmul.f32 v2, v2;
	v2 =	vsub.f32 v6, v5;
	v6 =	vld [tilespmem:$0x1F880]  }
0x464: {  	v10 =	vld.idx.msk [tilespmem:v11+s2+$0x0], $0xffff  }
0x465: {  	v3 =	vld.idx.msk [tilespmem:v11+s18+$0x0], $0xffff  }
0x466: {  	v11 =	vld [tilespmem:$0x1F830];
	_ =	sdelay $0x2  }
0x467: {  	v7 =	vadd.f32 v7, v8;
	v9 =	vld.idx.msk [tilespmem:v12+s2+$0x0], $0xffff  }
0x468: {  	v0 =	vadd.f32 v1, v0;
	v5 =	vld.idx.msk [tilespmem:v12+s18+$0x0], $0xffff  }
0x469: {  	v12 =	vld [tilespmem:$0x1F810];
	v1 =	vmul.f32 v2, v2;
	v2 =	vsub.f32 v7, v4;
	v6 =	vadd.f32 v6, v10  }
0x46a: {  	v7 =	vld [tilespmem:$0x1F860]  }
0x46b: {  	v0 =	vadd.f32 v1, v0;
	v1 =	vmul.f32 v2, v2;
	v2 =	vsub.f32 v6, v3;
	v6 =	vld [tilespmem:$0x1F840]  }
0x46c: {  	v8 =	vld.idx.msk [tilespmem:v11+s2+$0x0], $0xffff  }
0x46d: {  	v4 =	vld.idx.msk [tilespmem:v11+s18+$0x0], $0xffff  }
0x46e: {  	v11 =	vld [tilespmem:$0x1F7F0];
	_ =	sdelay $0x2  }
0x46f: {  	v7 =	vadd.f32 v7, v9  }
0x470: {  	v0 =	vadd.f32 v1, v0;
	v10 =	vld.idx.msk [tilespmem:v12+s2+$0x0], $0xffff  }
0x471: {  	v3 =	vld.idx.msk [tilespmem:v12+s18+$0x0], $0xffff;
	v1 =	vmul.f32 v2, v2;
	v2 =	vsub.f32 v7, v5;
	v6 =	vadd.f32 v6, v8  }
0x472: {  	v7 =	vld [tilespmem:$0x1F820]  }
0x473: {  	v0 =	vadd.f32 v1, v0;
	v1 =	vmul.f32 v2, v2;
	v2 =	vsub.f32 v6, v4;
	v4 =	vld [tilespmem:$0x1F800]  }
0x474: {  	v9 =	vld.idx.msk [tilespmem:v11+s2+$0x0], $0xffff;
	_ =	sdelay $0x1  }
0x475: {  	v5 =	vld.idx.msk [tilespmem:v11+s18+$0x0], $0xffff  }
0x476: {  	v7 =	vadd.f32 v7, v10  }
0x477: {  	v0 =	vadd.f32 v1, v0  }
0x478: {  	v1 =	vmul.f32 v2, v2;
	v2 =	vsub.f32 v7, v3;
	v4 =	vadd.f32 v4, v9;
	_ =	sdelay $0x1  }
0x479: {  	v0 =	vadd.f32 v1, v0;
	v1 =	vmul.f32 v2, v2;
	v2 =	vsub.f32 v4, v5;
	_ =	sdelay $0x1  }
0x47a: {  	v0 =	vadd.f32 v1, v0;
	v1 =	vmul.f32 v2, v2;
	_ =	sdelay $0x1  }
0x47b: {  	v0 =	vadd.f32 v1, v0;
	_ =	sdelay $0x1  }
0x47c: {  	v0 =	vmax.f32 v0, $1.000000000e-30  }
0x47d: {  	v1 =	vshra.s32 v0, $0x1;
	v2 =	vmul.f32 $5.000000000e-01, v0  }
0x47e: {  	v1 =	vsub.s32 $0x5F3759DF, v1  }
0x47f: {  	v3 =	vmul.f32 v1, v2;
	_ =	sdelay $0x1  }
0x480: {  	v3 =	vmul.f32 v1, v3;
	_ =	sdelay $0x1  }
0x481: {  	v3 =	vsub.f32 $1.500000000e+00, v3;
	_ =	sdelay $0x1  }
0x482: {  	v1 =	vmul.f32 v1, v3;
	_ =	sdelay $0x1  }
0x483: {  	v3 =	vmul.f32 v1, v2;
	_ =	sdelay $0x1  }
0x484: {  	v3 =	vmul.f32 v3, v1;
	_ =	sdelay $0x1  }
0x485: {  	v3 =	vsub.f32 $1.500000000e+00, v3;
	_ =	sdelay $0x1  }
0x486: {  	v1 =	vmul.f32 v3, v1;
	_ =	sdelay $0x1  }
0x487: {  	v4 =	vld [tilespmem:$0x1FE80];
	v2 =	vmul.f32 v1, v2;
	_ =	sdelay $0x1  }
0x488: {  	v2 =	vmul.f32 v2, v1  }
0x489: {  	v3 =	vmov s22  }
0x48a: {  	s21 =	sadd.s32 $0x10, s21;
	v58 =	vlaneseq.u32;
	v3 =	vshll.u32 v3, $0x7;
	v2 =	vsub.f32 $1.500000000e+00, v2  }
0x48b: {  	v51 =	vor.u32 v4, v3;
	v3 =	vor.u32 s21, v58;
	v4 =	vld [tilespmem:$0x1F7A0]  }
0x48c: {  	v1 =	vmul.f32 v2, v1;
	_ =	sdelay $0x1  }
0x48d: {  	v0 =	vmul.f32 v1, v0;
	_ =	sdelay $0x1  }
0x48e: {  	v4 =	vor.u32 v4, v51;
	[tilespmem:v3+s6+$0x0] =	vst.idx.msk $0xffff, v0;
	v0 =	vld [tilespmem:$0x1FE60];
	_ =	sdelay $0x3  }
0x48f: {  	v2 =	vld [tilespmem:$0x1F7B0]  }
0x490: {  	v3 =	vor.u32 v0, v51;
	v0 =	vld.idx.msk [tilespmem:v4+s17+$0x0], $0xffff;
	_ =	sdelay $0x4  }
0x491: {  	v5 =	vor.u32 v2, v51;
	[tilespmem:$0x1F800] =	vst v0;
	v0 =	vld [tilespmem:$0x1FE50];
	_ =	sdelay $0x3  }
0x492: {  	v2 =	vld [tilespmem:$0x1F7C0]  }
0x493: {  	[tilespmem:$0x1F7F0] =	vst v4;
	v4 =	vor.u32 v0, v51;
	v0 =	vld.idx.msk [tilespmem:v5+s17+$0x0], $0xffff;
	_ =	sdelay $0x4  }
0x494: {  	v2 =	vor.u32 v2, v51;
	[tilespmem:$0x1F820] =	vst v0;
	v0 =	vld [tilespmem:$0x1FE40];
	_ =	sdelay $0x3  }
0x495: {  	v1 =	vld [tilespmem:$0x1F7D0]  }
0x496: {  	[tilespmem:$0x1F810] =	vst v5;
	v5 =	vor.u32 v0, v51;
	v0 =	vld.idx.msk [tilespmem:v2+s17+$0x0], $0xffff;
	_ =	sdelay $0x4  }
0x497: {  	v6 =	vor.u32 v1, v51;
	[tilespmem:$0x1F840] =	vst v0;
	v0 =	vld [tilespmem:$0x1FE30];
	_ =	sdelay $0x3  }
0x498: {  	v1 =	vld [tilespmem:$0x1F7E0]  }
0x499: {  	[tilespmem:$0x1F830] =	vst v2;
	v2 =	vor.u32 v0, v51;
	v0 =	vld.idx.msk [tilespmem:v6+s17+$0x0], $0xffff;
	_ =	sdelay $0x4  }
0x49a: {  	v1 =	vor.u32 v1, v51;
	[tilespmem:$0x1F860] =	vst v0;
	v0 =	vld [tilespmem:$0x1FE20];
	_ =	sdelay $0x4  }
0x49b: {  	[tilespmem:$0x1F850] =	vst v6;
	v6 =	vor.u32 v0, v51;
	v0 =	vld.idx.msk [tilespmem:v1+s17+$0x0], $0xffff;
	_ =	sdelay $0x4  }
0x49c: {  	[tilespmem:$0x1F880] =	vst v0;
	v0 =	vld [tilespmem:$0x1FE10];
	_ =	sdelay $0x4  }
0x49d: {  	[tilespmem:$0x1F870] =	vst v1;
	v1 =	vor.u32 v0, v51;
	v0 =	vld.idx.msk [tilespmem:v3+s17+$0x0], $0xffff;
	_ =	sdelay $0x4  }
0x49e: {  	[tilespmem:$0x1F8A0] =	vst v0;
	v0 =	vld [tilespmem:$0x1FE00];
	_ =	sdelay $0x4  }
0x49f: {  	[tilespmem:$0x1F890] =	vst v3;
	v3 =	vor.u32 v0, v51;
	v0 =	vld.idx.msk [tilespmem:v4+s17+$0x0], $0xffff;
	_ =	sdelay $0x4  }
0x4a0: {  	[tilespmem:$0x1F8C0] =	vst v0;
	v0 =	vld [tilespmem:$0x1FDF0];
	_ =	sdelay $0x4  }
0x4a1: {  	[tilespmem:$0x1F8B0] =	vst v4;
	v4 =	vor.u32 v0, v51;
	v0 =	vld.idx.msk [tilespmem:v5+s17+$0x0], $0xffff;
	_ =	sdelay $0x4  }
0x4a2: {  	[tilespmem:$0x1F8E0] =	vst v0;
	v0 =	vld [tilespmem:$0x1FDE0];
	_ =	sdelay $0x4  }
0x4a3: {  	[tilespmem:$0x1F8D0] =	vst v5;
	v5 =	vor.u32 v0, v51;
	v0 =	vld.idx.msk [tilespmem:v2+s17+$0x0], $0xffff;
	_ =	sdelay $0x4  }
0x4a4: {  	[tilespmem:$0x1F900] =	vst v0;
	v0 =	vld [tilespmem:$0x1FDD0];
	_ =	sdelay $0x4  }
0x4a5: {  	[tilespmem:$0x1F8F0] =	vst v2;
	v2 =	vor.u32 v0, v51;
	v0 =	vld.idx.msk [tilespmem:v6+s17+$0x0], $0xffff;
	_ =	sdelay $0x4  }
0x4a6: {  	[tilespmem:$0x1F920] =	vst v0;
	v0 =	vld [tilespmem:$0x1FDC0];
	_ =	sdelay $0x4  }
0x4a7: {  	[tilespmem:$0x1F910] =	vst v6;
	v6 =	vor.u32 v0, v51;
	v0 =	vld.idx.msk [tilespmem:v1+s17+$0x0], $0xffff;
	_ =	sdelay $0x4  }
0x4a8: {  	[tilespmem:$0x1F940] =	vst v0;
	v0 =	vld [tilespmem:$0x1FDB0];
	_ =	sdelay $0x4  }
0x4a9: {  	[tilespmem:$0x1F930] =	vst v1;
	v1 =	vor.u32 v0, v51;
	v0 =	vld.idx.msk [tilespmem:v3+s17+$0x0], $0xffff;
	_ =	sdelay $0x4  }
0x4aa: {  	[tilespmem:$0x1F960] =	vst v0;
	v0 =	vld [tilespmem:$0x1FDA0];
	_ =	sdelay $0x4  }
0x4ab: {  	[tilespmem:$0x1F950] =	vst v3;
	v3 =	vor.u32 v0, v51;
	v0 =	vld.idx.msk [tilespmem:v4+s17+$0x0], $0xffff;
	_ =	sdelay $0x4  }
0x4ac: {  	[tilespmem:$0x1F980] =	vst v0;
	v0 =	vld [tilespmem:$0x1FD90];
	_ =	sdelay $0x4  }
0x4ad: {  	[tilespmem:$0x1F970] =	vst v4;
	v4 =	vor.u32 v0, v51;
	v0 =	vld.idx.msk [tilespmem:v5+s17+$0x0], $0xffff;
	_ =	sdelay $0x4  }
0x4ae: {  	[tilespmem:$0x1F9A0] =	vst v0;
	v0 =	vld [tilespmem:$0x1FD80];
	_ =	sdelay $0x4  }
0x4af: {  	[tilespmem:$0x1F990] =	vst v5;
	v5 =	vor.u32 v0, v51;
	v0 =	vld.idx.msk [tilespmem:v2+s17+$0x0], $0xffff;
	_ =	sdelay $0x4  }
0x4b0: {  	[tilespmem:$0x1F9C0] =	vst v0;
	v0 =	vld [tilespmem:$0x1FD70];
	_ =	sdelay $0x4  }
0x4b1: {  	[tilespmem:$0x1F9B0] =	vst v2;
	v2 =	vor.u32 v0, v51;
	v0 =	vld.idx.msk [tilespmem:v6+s17+$0x0], $0xffff;
	_ =	sdelay $0x4  }
0x4b2: {  	[tilespmem:$0x1F9E0] =	vst v0;
	v0 =	vld [tilespmem:$0x1FD60];
	_ =	sdelay $0x4  }
0x4b3: {  	[tilespmem:$0x1F9D0] =	vst v6;
	v6 =	vor.u32 v0, v51;
	v0 =	vld.idx.msk [tilespmem:v1+s17+$0x0], $0xffff;
	_ =	sdelay $0x4  }
0x4b4: {  	[tilespmem:$0x1FA00] =	vst v0;
	v0 =	vld [tilespmem:$0x1FD50];
	_ =	sdelay $0x4  }
0x4b5: {  	[tilespmem:$0x1F9F0] =	vst v1;
	v1 =	vor.u32 v0, v51;
	v0 =	vld.idx.msk [tilespmem:v3+s17+$0x0], $0xffff;
	_ =	sdelay $0x4  }
0x4b6: {  	[tilespmem:$0x1FA20] =	vst v0;
	v0 =	vld [tilespmem:$0x1FD40];
	_ =	sdelay $0x4  }
0x4b7: {  	[tilespmem:$0x1FA10] =	vst v3;
	v3 =	vor.u32 v0, v51;
	v0 =	vld.idx.msk [tilespmem:v4+s17+$0x0], $0xffff;
	_ =	sdelay $0x4  }
0x4b8: {  	[tilespmem:$0x1FA40] =	vst v0;
	v0 =	vld [tilespmem:$0x1FD30];
	_ =	sdelay $0x4  }
0x4b9: {  	[tilespmem:$0x1FA30] =	vst v4;
	v4 =	vor.u32 v0, v51;
	v0 =	vld.idx.msk [tilespmem:v5+s17+$0x0], $0xffff;
	_ =	sdelay $0x4  }
0x4ba: {  	[tilespmem:$0x1FA60] =	vst v0;
	v0 =	vld [tilespmem:$0x1FD20];
	_ =	sdelay $0x4  }
0x4bb: {  	[tilespmem:$0x1FA50] =	vst v5;
	v5 =	vor.u32 v0, v51;
	v0 =	vld.idx.msk [tilespmem:v2+s17+$0x0], $0xffff;
	_ =	sdelay $0x4  }
0x4bc: {  	[tilespmem:$0x1FA80] =	vst v0;
	v0 =	vld [tilespmem:$0x1FD10];
	_ =	sdelay $0x4  }
0x4bd: {  	[tilespmem:$0x1FA70] =	vst v2;
	v2 =	vor.u32 v0, v51;
	v0 =	vld.idx.msk [tilespmem:v6+s17+$0x0], $0xffff;
	_ =	sdelay $0x4  }
0x4be: {  	[tilespmem:$0x1FAA0] =	vst v0;
	v0 =	vld [tilespmem:$0x1FD00];
	_ =	sdelay $0x4  }
0x4bf: {  	[tilespmem:$0x1FA90] =	vst v6;
	v6 =	vor.u32 v0, v51;
	v0 =	vld.idx.msk [tilespmem:v1+s17+$0x0], $0xffff;
	_ =	sdelay $0x4  }
0x4c0: {  	[tilespmem:$0x1FAC0] =	vst v0;
	v0 =	vld [tilespmem:$0x1FCF0];
	_ =	sdelay $0x4  }
0x4c1: {  	v7 =	vor.u32 v0, v51;
	v0 =	vld.idx.msk [tilespmem:v3+s17+$0x0], $0xffff  }
0x4c2: {  	[tilespmem:$0x1FAB0] =	vst v1;
	v1 =	vld.idx.msk [tilespmem:v2+s17+$0x0], $0xffff;
	_ =	sdelay $0x3  }
0x4c3: {  	[tilespmem:$0x1FAE0] =	vst v0;
	v0 =	vld [tilespmem:$0x1FCE0]  }
0x4c4: {  	[tilespmem:$0x1FB40] =	vst v1;
	v1 =	vld [tilespmem:$0x1FCB0];
	_ =	sdelay $0x3  }
0x4c5: {  	v60 =	vor.u32 v0, v51;
	v0 =	vld.idx.msk [tilespmem:v4+s17+$0x0], $0xffff  }
0x4c6: {  	[tilespmem:$0x1FAF0] =	vst v4;
	v4 =	vor.u32 v1, v51;
	v1 =	vld.idx.msk [tilespmem:v6+s17+$0x0], $0xffff;
	_ =	sdelay $0x4  }
0x4c7: {  	[tilespmem:$0x1FB60] =	vst v1;
	v1 =	vld [tilespmem:$0x1FCA0];
	_ =	sdelay $0x4  }
0x4c8: {  	v8 =	vor.u32 v1, v51;
	v1 =	vld.idx.msk [tilespmem:v7+s17+$0x0], $0xffff;
	_ =	sdelay $0x4  }
0x4c9: {  	[tilespmem:$0x1FB80] =	vst v1;
	v1 =	vld [tilespmem:$0x1FC90];
	_ =	sdelay $0x3  }
0x4ca: {  	[tilespmem:$0x1FB00] =	vst v0;
	v0 =	vld [tilespmem:$0x1FCD0]  }
0x4cb: {  	v12 =	vor.u32 v1, v51;
	v1 =	vld.idx.msk [tilespmem:v60+s17+$0x0], $0xffff;
	_ =	sdelay $0x3  }
0x4cc: {  	v62 =	vor.u32 v0, v51;
	v0 =	vld.idx.msk [tilespmem:v5+s17+$0x0], $0xffff  }
0x4cd: {  	[tilespmem:$0x1FB90] =	vst v1;
	v1 =	vld [tilespmem:$0x1FFF0];
	_ =	sdelay $0x3  }
0x4ce: {  	[tilespmem:$0x1FB20] =	vst v0;
	v0 =	vld [tilespmem:$0x1FCC0]  }
0x4cf: {  	v16 =	vor.u32 v1, v51;
	v1 =	vld.idx.msk [tilespmem:v62+s17+$0x0], $0xffff;
	_ =	sdelay $0x4  }
0x4d0: {  	v0 =	vor.u32 v0, v51;
	[tilespmem:$0x1FBA0] =	vst v1;
	v1 =	vld [tilespmem:$0x1FC80];
	_ =	sdelay $0x4  }
0x4d1: {  	v19 =	vor.u32 v1, v51;
	v1 =	vld.idx.msk [tilespmem:v0+s17+$0x0], $0xffff;
	_ =	sdelay $0x4  }
0x4d2: {  	[tilespmem:$0x1FBB0] =	vst v1;
	v1 =	vld [tilespmem:$0x1FC70];
	_ =	sdelay $0x4  }
0x4d3: {  	v23 =	vor.u32 v1, v51;
	v1 =	vld.idx.msk [tilespmem:v4+s17+$0x0], $0xffff;
	_ =	sdelay $0x4  }
0x4d4: {  	[tilespmem:$0x1FBC0] =	vst v1;
	v1 =	vld [tilespmem:$0x1FC60];
	_ =	sdelay $0x4  }
0x4d5: {  	v27 =	vor.u32 v1, v51;
	v1 =	vld.idx.msk [tilespmem:v8+s17+$0x0], $0xffff;
	_ =	sdelay $0x4  }
0x4d6: {  	[tilespmem:$0x1FBD0] =	vst v1;
	v1 =	vld [tilespmem:$0x1FC50];
	_ =	sdelay $0x4  }
0x4d7: {  	v31 =	vor.u32 v1, v51;
	v1 =	vld.idx.msk [tilespmem:v12+s17+$0x0], $0xffff;
	_ =	sdelay $0x4  }
0x4d8: {  	[tilespmem:$0x1FBE0] =	vst v1;
	v1 =	vld [tilespmem:$0x1FFE0];
	_ =	sdelay $0x4  }
0x4d9: {  	v35 =	vor.u32 v1, v51;
	v1 =	vld.idx.msk [tilespmem:v16+s17+$0x0], $0xffff;
	_ =	sdelay $0x4  }
0x4da: {  	[tilespmem:$0x1FBF0] =	vst v1;
	v1 =	vld [tilespmem:$0x1FF30];
	_ =	sdelay $0x4  }
0x4db: {  	v39 =	vor.u32 v1, v51;
	v1 =	vld.idx.msk [tilespmem:v19+s17+$0x0], $0xffff;
	_ =	sdelay $0x2  }
0x4dc: {  	[tilespmem:$0x1FB30] =	vst v2;
	v2 =	vld [tilespmem:$0x1FEC0];
	_ =	sdelay $0x1  }
0x4dd: {  	[tilespmem:$0x1FC00] =	vst v1;
	v1 =	vld [tilespmem:$0x1FF00];
	_ =	sdelay $0x2  }
0x4de: {  	v20 =	vor.u32 v2, v51;
	v2 =	vld [tilespmem:$0x1FEE0];
	_ =	sdelay $0x1  }
0x4df: {  	v43 =	vor.u32 v1, v51;
	v1 =	vld.idx.msk [tilespmem:v23+s17+$0x0], $0xffff;
	_ =	sdelay $0x2  }
0x4e0: {  	v59 =	vor.u32 v2, v51;
	v2 =	vld [tilespmem:$0x1FF10];
	_ =	sdelay $0x1  }
0x4e1: {  	[tilespmem:$0x1FC10] =	vst v1;
	v1 =	vld [tilespmem:$0x1FEF0];
	_ =	sdelay $0x2  }
0x4e2: {  	v61 =	vor.u32 v2, v51;
	v2 =	vld [tilespmem:$0x1FF20];
	_ =	sdelay $0x1  }
0x4e3: {  	[tilespmem:$0x1FAD0] =	vst v3;
	v3 =	vor.u32 v1, v51;
	v1 =	vld.idx.msk [tilespmem:v27+s17+$0x0], $0xffff;
	_ =	sdelay $0x2  }
0x4e4: {  	v28 =	vor.u32 v2, v51;
	v2 =	vld [tilespmem:$0x1FF40];
	_ =	sdelay $0x1  }
0x4e5: {  	[tilespmem:$0x1FC20] =	vst v1;
	v1 =	vld [tilespmem:$0x1FED0];
	_ =	sdelay $0x2  }
0x4e6: {  	v30 =	vor.u32 v2, v51;
	v2 =	vld [tilespmem:$0x1FF50];
	_ =	sdelay $0x1  }
0x4e7: {  	v47 =	vor.u32 v1, v51;
	v1 =	vld.idx.msk [tilespmem:v31+s17+$0x0], $0xffff  }
0x4e8: {  	v14 =	vld [tilespmem:$0x1FFD0];
	_ =	sdelay $0x1  }
0x4e9: {  	v32 =	vor.u32 v2, v51;
	v2 =	vld [tilespmem:$0x1FF60];
	_ =	sdelay $0x1  }
0x4ea: {  	[tilespmem:$0x1FC30] =	vst v1;
	v1 =	vld [tilespmem:$0x1FFC0]  }
0x4eb: {  	v18 =	vor.u32 v14, v51;
	v14 =	vld [tilespmem:$0x1FFB0];
	_ =	sdelay $0x1  }
0x4ec: {  	[tilespmem:$0x1FB50] =	vst v6;
	v6 =	vor.u32 v2, v51;
	v2 =	vld [tilespmem:$0x1FF70];
	_ =	sdelay $0x1  }
0x4ed: {  	v49 =	vor.u32 v1, v51;
	v1 =	vld [tilespmem:$0x1FE70]  }
0x4ee: {  	v44 =	vor.u32 v14, v51;
	v14 =	vld [tilespmem:$0x1FFA0]  }
0x4ef: {  	v22 =	vld.idx.msk [tilespmem:v20+s17+$0x0], $0xffff  }
0x4f0: {  	v10 =	vor.u32 v2, v51;
	v2 =	vld [tilespmem:$0x1FF80]  }
0x4f1: {  	v24 =	vld.idx.msk [tilespmem:v59+s17+$0x0], $0xffff  }
0x4f2: {  	v11 =	vor.u32 v1, v51;
	v1 =	vld [tilespmem:$0x1FE90]  }
0x4f3: {  	v26 =	vld.idx.msk [tilespmem:v61+s17+$0x0], $0xffff  }
0x4f4: {  	v63 =	vld.idx.msk [tilespmem:v28+s17+$0x0], $0xffff  }
0x4f5: {  	v40 =	vor.u32 v2, v51;
	v2 =	vld [tilespmem:$0x1FF90]  }
0x4f6: {  	v34 =	vld.idx.msk [tilespmem:v32+s17+$0x0], $0xffff  }
0x4f7: {  	v53 =	vor.u32 v1, v51;
	v1 =	vld [tilespmem:$0x1FEA0]  }
0x4f8: {  	v36 =	vld.idx.msk [tilespmem:v6+s17+$0x0], $0xffff  }
0x4f9: {  	v38 =	vld.idx.msk [tilespmem:v10+s17+$0x0], $0xffff  }
0x4fa: {  	v42 =	vor.u32 v2, v51;
	v2 =	vld.idx.msk [tilespmem:v30+s17+$0x0], $0xffff  }
0x4fb: {  	v46 =	vor.u32 v14, v51;
	v14 =	vld.idx.msk [tilespmem:v40+s17+$0x0], $0xffff  }
0x4fc: {  	v17 =	vor.u32 v1, v51;
	v1 =	vld [tilespmem:$0x1FEB0]  }
0x4fd: {  	v37 =	vld.idx.msk [tilespmem:v35+s17+$0x0], $0xffff  }
0x4fe: {  	v41 =	vld.idx.msk [tilespmem:v39+s17+$0x0], $0xffff  }
0x4ff: {  	v45 =	vld.idx.msk [tilespmem:v43+s17+$0x0], $0xffff  }
0x500: {  	[tilespmem:$0x1FB10] =	vst v5;
	v5 =	vld.idx.msk [tilespmem:v3+s17+$0x0], $0xffff  }
0x501: {  	p0 =	sne.s32 s22, $0xF8;
	[tilespmem:$0x1FB70] =	vst v7;
	v7 =	vld.idx.msk [tilespmem:v47+s17+$0x0], $0xffff;
	v1 =	vor.u32 v1, v51  }
.Ltmp2:
0x502: {  	v9 =	vld.idx.msk [tilespmem:v49+s17+$0x0], $0xffff;
	(pc) =	sbr.rel @p0 .LBB2_6-.Ltmp2, $4  }
0x503: {  	v13 =	vld.idx.msk [tilespmem:v11+s17+$0x0], $0xffff  }
0x504: {  	v15 =	vld.idx.msk [tilespmem:v53+s17+$0x0], $0xffff  }
0x505: {  	v55 =	vld.idx.msk [tilespmem:v17+s17+$0x0], $0xffff  }
0x506: {  	s22 =	sadd.s32 $0x8, s22;
	v57 =	vld.idx.msk [tilespmem:v1+s17+$0x0], $0xffff  }
0x507: {  	v21 =	vld [tilespmem:$0x1FC40];
	_ =	sdelay $0x3  }
0x508: {  	v25 =	vld.idx.msk [tilespmem:v46+s17+$0x0], $0xffff  }
0x509: {  	v29 =	vld.idx.msk [tilespmem:v46+s2+$0x0], $0xffff;
	v21 =	vor.u32 v21, v51  }
0x50a: {  	v33 =	vld.idx.msk [tilespmem:v46+s18+$0x0], $0xffff  }
0x50b: {  	v50 =	vld.idx.msk [tilespmem:v44+s17+$0x0], $0xffff  }
0x50c: {  	v52 =	vld.idx.msk [tilespmem:v18+s17+$0x0], $0xffff  }
0x50d: {  	v54 =	vld.idx.msk [tilespmem:v18+s2+$0x0], $0xffff  }
0x50e: {  	v46 =	vld.idx.msk [tilespmem:v21+s17+$0x0], $0xffff  }
0x50f: {  	v48 =	vld.idx.msk [tilespmem:v21+s2+$0x0], $0xffff  }
0x510: {  	v51 =	vld.idx.msk [tilespmem:v44+s2+$0x0], $0xffff  }
0x511: {  	v21 =	vld.idx.msk [tilespmem:v21+s18+$0x0], $0xffff  }
0x512: {  	v56 =	vld.idx.msk [tilespmem:v42+s17+$0x0], $0xffff  }
0x513: {  	v44 =	vld.idx.msk [tilespmem:v44+s18+$0x0], $0xffff;
	v25 =	vadd.f32 v25, v29  }
0x514: {  	v29 =	vld.idx.msk [tilespmem:v42+s2+$0x0], $0xffff;
	v46 =	vadd.f32 v46, v48  }
0x515: {  	v18 =	vld.idx.msk [tilespmem:v18+s18+$0x0], $0xffff;
	v25 =	vsub.f32 v25, v33  }
0x516: {  	v33 =	vld.idx.msk [tilespmem:v40+s2+$0x0], $0xffff;
	v48 =	vadd.f32 v50, v51;
	v21 =	vsub.f32 v46, v21  }
0x517: {  	v42 =	vld.idx.msk [tilespmem:v42+s18+$0x0], $0xffff;
	v25 =	vmul.f32 v25, v25  }
0x518: {  	v46 =	vadd.f32 v52, v54;
	v44 =	vsub.f32 v48, v44;
	v54 =	vld.idx.msk [tilespmem:v40+s18+$0x0], $0xffff;
	v21 =	vmul.f32 v21, v21  }
0x519: {  	v29 =	vadd.f32 v56, v29;
	v52 =	vld.idx.msk [tilespmem:v10+s2+$0x0], $0xffff  }
0x51a: {  	v56 =	vld.idx.msk [tilespmem:v6+s2+$0x0], $0xffff;
	v18 =	vsub.f32 v46, v18;
	v21 =	vadd.f32 v25, v21;
	v25 =	vmul.f32 v44, v44  }
0x51b: {  	v14 =	vadd.f32 v14, v33;
	v10 =	vld.idx.msk [tilespmem:v10+s18+$0x0], $0xffff  }
0x51c: {  	v6 =	vld.idx.msk [tilespmem:v6+s18+$0x0], $0xffff;
	v18 =	vmul.f32 v18, v18;
	v21 =	vadd.f32 v25, v21;
	v25 =	vsub.f32 v29, v42  }
0x51d: {  	v14 =	vsub.f32 v14, v54;
	v29 =	vld.idx.msk [tilespmem:v32+s2+$0x0], $0xffff  }
0x51e: {  	v42 =	vadd.f32 v38, v52;
	v18 =	vadd.f32 v18, v21;
	v21 =	vmul.f32 v25, v25;
	v25 =	vld.idx.msk [tilespmem:v30+s2+$0x0], $0xffff  }
0x51f: {  	v36 =	vadd.f32 v36, v56;
	v46 =	vld.idx.msk [tilespmem:v32+s18+$0x0], $0xffff  }
0x520: {  	v14 =	vmul.f32 v14, v14;
	v10 =	vsub.f32 v42, v10;
	v18 =	vadd.f32 v21, v18;
	v21 =	vld.idx.msk [tilespmem:v28+s2+$0x0], $0xffff  }
0x521: {  	v6 =	vsub.f32 v36, v6;
	v30 =	vld.idx.msk [tilespmem:v30+s18+$0x0], $0xffff  }
0x522: {  	v10 =	vmul.f32 v10, v10;
	v29 =	vadd.f32 v34, v29;
	v14 =	vadd.f32 v14, v18;
	v18 =	vld.idx.msk [tilespmem:v61+s2+$0x0], $0xffff  }
0x523: {  	v2 =	vadd.f32 v2, v25;
	v25 =	vld.idx.msk [tilespmem:v28+s18+$0x0], $0xffff  }
0x524: {  	v6 =	vmul.f32 v6, v6;
	v28 =	vld.idx.msk [tilespmem:v59+s2+$0x0], $0xffff;
	v10 =	vadd.f32 v10, v14;
	v14 =	vsub.f32 v29, v46  }
0x525: {  	v29 =	vld.idx.msk [tilespmem:v61+s18+$0x0], $0xffff;
	v21 =	vadd.f32 v63, v21  }
0x526: {  	v2 =	vsub.f32 v2, v30;
	v6 =	vadd.f32 v6, v10;
	v10 =	vmul.f32 v14, v14;
	v14 =	vld.idx.msk [tilespmem:v20+s2+$0x0], $0xffff  }
0x527: {  	v18 =	vadd.f32 v26, v18;
	v26 =	vld.idx.msk [tilespmem:v59+s18+$0x0], $0xffff  }
0x528: {  	v2 =	vmul.f32 v2, v2;
	v6 =	vadd.f32 v10, v6;
	v10 =	vsub.f32 v21, v25;
	v21 =	vld.idx.msk [tilespmem:v1+s2+$0x0], $0xffff  }
0x529: {  	v20 =	vld.idx.msk [tilespmem:v20+s18+$0x0], $0xffff;
	v24 =	vadd.f32 v24, v28  }
0x52a: {  	v2 =	vadd.f32 v2, v6;
	v6 =	vsub.f32 v18, v29;
	v10 =	vmul.f32 v10, v10;
	v18 =	vld.idx.msk [tilespmem:v17+s2+$0x0], $0xffff  }
0x52b: {  	v48 =	vld.idx.msk [tilespmem:v1+s18+$0x0], $0xffff;
	v14 =	vadd.f32 v22, v14  }
0x52c: {  	v22 =	vld.idx.msk [tilespmem:v53+s2+$0x0], $0xffff;
	v2 =	vadd.f32 v10, v2;
	v10 =	vsub.f32 v24, v26;
	v6 =	vmul.f32 v6, v6  }
0x52d: {  	v17 =	vld.idx.msk [tilespmem:v17+s18+$0x0], $0xffff;
	v21 =	vadd.f32 v57, v21  }
0x52e: {  	v2 =	vadd.f32 v6, v2;
	v6 =	vsub.f32 v14, v20;
	v10 =	vmul.f32 v10, v10;
	v14 =	vld.idx.msk [tilespmem:v11+s2+$0x0], $0xffff  }
0x52f: {  	v20 =	vld.idx.msk [tilespmem:v53+s18+$0x0], $0xffff;
	v18 =	vadd.f32 v55, v18  }
0x530: {  	v1 =	vsub.f32 v21, v48;
	v2 =	vadd.f32 v10, v2;
	v6 =	vmul.f32 v6, v6;
	v10 =	vld.idx.msk [tilespmem:v49+s2+$0x0], $0xffff  }
0x531: {  	v11 =	vld.idx.msk [tilespmem:v11+s18+$0x0], $0xffff;
	v15 =	vadd.f32 v15, v22  }
0x532: {  	v1 =	vmul.f32 v1, v1;
	v2 =	vadd.f32 v6, v2;
	v6 =	vsub.f32 v18, v17;
	v17 =	vld.idx.msk [tilespmem:v47+s2+$0x0], $0xffff  }
0x533: {  	v13 =	vadd.f32 v13, v14;
	v14 =	vld.idx.msk [tilespmem:v49+s18+$0x0], $0xffff  }
0x534: {  	v50 =	vsub.f32 v15, v20;
	v15 =	vld.idx.msk [tilespmem:v3+s2+$0x0], $0xffff;
	v1 =	vadd.f32 v1, v2;
	v6 =	vmul.f32 v6, v6  }
0x535: {  	v9 =	vadd.f32 v9, v10;
	v10 =	vld.idx.msk [tilespmem:v47+s18+$0x0], $0xffff  }
0x536: {  	v2 =	vmul.f32 v50, v50;
	v1 =	vadd.f32 v6, v1;
	v6 =	vsub.f32 v13, v11;
	v11 =	vld.idx.msk [tilespmem:v43+s2+$0x0], $0xffff;
	_ =	sdelay $0x1  }
0x537: {  	v3 =	vld.idx.msk [tilespmem:v3+s18+$0x0], $0xffff;
	v1 =	vadd.f32 v2, v1;
	v6 =	vmul.f32 v6, v6  }
0x538: {  	v7 =	vadd.f32 v7, v17;
	v51 =	vsub.f32 v9, v14;
	v9 =	vld.idx.msk [tilespmem:v39+s2+$0x0], $0xffff  }
0x539: {  	v13 =	vld.idx.msk [tilespmem:v43+s18+$0x0], $0xffff;
	v5 =	vadd.f32 v5, v15;
	v1 =	vadd.f32 v6, v1  }
0x53a: {  	v6 =	vsub.f32 v7, v10;
	v2 =	vmul.f32 v51, v51;
	v10 =	vadd.f32 v45, v11;
	v11 =	vld.idx.msk [tilespmem:v39+s18+$0x0], $0xffff;
	_ =	sdelay $0x1  }
0x53b: {  	v7 =	vld.idx.msk [tilespmem:v35+s2+$0x0], $0xffff;
	v52 =	vsub.f32 v5, v3;
	v1 =	vadd.f32 v2, v1;
	v3 =	vmul.f32 v6, v6  }
0x53c: {  	v5 =	vld.idx.msk [tilespmem:v31+s2+$0x0], $0xffff;
	v6 =	vadd.f32 v41, v9  }
0x53d: {  	v9 =	vld.idx.msk [tilespmem:v35+s18+$0x0], $0xffff;
	v1 =	vadd.f32 v3, v1  }
0x53e: {  	v2 =	vmul.f32 v52, v52;
	v3 =	vsub.f32 v10, v13;
	v53 =	vsub.f32 v6, v11;
	v11 =	vld [tilespmem:$0x1FC30];
	_ =	sdelay $0x1  }
0x53f: {  	v13 =	vld.idx.msk [tilespmem:v31+s18+$0x0], $0xffff;
	v7 =	vadd.f32 v37, v7;
	v1 =	vadd.f32 v2, v1;
	v3 =	vmul.f32 v3, v3  }
0x540: {  	v10 =	vld.idx.msk [tilespmem:v27+s2+$0x0], $0xffff  }
0x541: {  	v1 =	vadd.f32 v3, v1;
	v3 =	vsub.f32 v7, v9;
	v9 =	vld [tilespmem:$0x1FC20]  }
0x542: {  	v6 =	vld.idx.msk [tilespmem:v23+s2+$0x0], $0xffff;
	v5 =	vadd.f32 v11, v5  }
0x543: {  	v11 =	vld.idx.msk [tilespmem:v27+s18+$0x0], $0xffff  }
0x544: {  	v2 =	vmul.f32 v53, v53;
	v54 =	vsub.f32 v5, v13;
	v13 =	vld [tilespmem:$0x1FC10];
	_ =	sdelay $0x1  }
0x545: {  	v1 =	vadd.f32 v2, v1;
	v3 =	vmul.f32 v3, v3;
	v9 =	vadd.f32 v9, v10;
	v10 =	vld.idx.msk [tilespmem:v23+s18+$0x0], $0xffff;
	_ =	sdelay $0x1  }
0x546: {  	v7 =	vld.idx.msk [tilespmem:v19+s2+$0x0], $0xffff;
	v1 =	vadd.f32 v3, v1  }
0x547: {  	v3 =	vsub.f32 v9, v11;
	v11 =	vld [tilespmem:$0x1FC00];
	v6 =	vadd.f32 v13, v6  }
0x548: {  	v5 =	vld.idx.msk [tilespmem:v16+s2+$0x0], $0xffff  }
0x549: {  	v55 =	vsub.f32 v6, v10;
	v10 =	vld [tilespmem:$0x1FBF0];
	_ =	sdelay $0x1  }
0x54a: {  	v13 =	vld.idx.msk [tilespmem:v19+s18+$0x0], $0xffff  }
0x54b: {  	v2 =	vmul.f32 v54, v54;
	v7 =	vadd.f32 v11, v7;
	v11 =	vld.idx.msk [tilespmem:v16+s18+$0x0], $0xffff  }
0x54c: {  	v9 =	vld.idx.msk [tilespmem:v12+s2+$0x0], $0xffff  }
0x54d: {  	v1 =	vadd.f32 v2, v1;
	v3 =	vmul.f32 v3, v3;
	v5 =	vadd.f32 v10, v5;
	v10 =	vld.idx.msk [tilespmem:v12+s18+$0x0], $0xffff  }
0x54e: {  	v12 =	vld [tilespmem:$0x1FBE0]  }
0x54f: {  	v6 =	vld.idx.msk [tilespmem:v8+s2+$0x0], $0xffff;
	v1 =	vadd.f32 v3, v1  }
0x550: {  	v2 =	vmul.f32 v55, v55;
	v3 =	vsub.f32 v7, v13;
	v56 =	vsub.f32 v5, v11;
	v11 =	vld [tilespmem:$0x1FBD0];
	_ =	sdelay $0x1  }
0x551: {  	v8 =	vld.idx.msk [tilespmem:v8+s18+$0x0], $0xffff;
	v1 =	vadd.f32 v2, v1;
	v3 =	vmul.f32 v3, v3  }
0x552: {  	v7 =	vld.idx.msk [tilespmem:v4+s2+$0x0], $0xffff;
	v9 =	vadd.f32 v12, v9  }
0x553: {  	v4 =	vld.idx.msk [tilespmem:v4+s18+$0x0], $0xffff;
	v1 =	vadd.f32 v3, v1  }
0x554: {  	v6 =	vadd.f32 v11, v6;
	v3 =	vsub.f32 v9, v10;
	v10 =	vld [tilespmem:$0x1FBC0]  }
0x555: {  	v5 =	vld.idx.msk [tilespmem:v0+s2+$0x0], $0xffff  }
0x556: {  	v2 =	vmul.f32 v56, v56;
	v59 =	vsub.f32 v6, v8;
	v8 =	vld [tilespmem:$0x1FBB0];
	_ =	sdelay $0x1  }
0x557: {  	v57 =	vld.idx.msk [tilespmem:v0+s18+$0x0], $0xffff;
	v1 =	vadd.f32 v2, v1;
	v3 =	vmul.f32 v3, v3  }
0x558: {  	v7 =	vadd.f32 v10, v7;
	v10 =	vld [tilespmem:$0x1FB70]  }
0x559: {  	v9 =	vld.idx.msk [tilespmem:v62+s2+$0x0], $0xffff;
	v1 =	vadd.f32 v3, v1  }
0x55a: {  	v5 =	vadd.f32 v8, v5;
	v3 =	vsub.f32 v7, v4;
	v7 =	vld [tilespmem:$0x1FBA0]  }
0x55b: {  	v6 =	vld.idx.msk [tilespmem:v60+s2+$0x0], $0xffff  }
0x55c: {  	v0 =	vsub.f32 v5, v57;
	v5 =	vld [tilespmem:$0x1FB90]  }
0x55d: {  	v11 =	vld [tilespmem:$0x1FB50]  }
0x55e: {  	v8 =	vld.idx.msk [tilespmem:v62+s18+$0x0], $0xffff  }
0x55f: {  	v7 =	vadd.f32 v7, v9;
	v9 =	vld.idx.msk [tilespmem:v60+s18+$0x0], $0xffff  }
0x560: {  	v4 =	vld.idx.msk [tilespmem:v10+s2+$0x0], $0xffff  }
0x561: {  	v5 =	vadd.f32 v5, v6;
	v6 =	vld.idx.msk [tilespmem:v10+s18+$0x0], $0xffff  }
0x562: {  	v10 =	vld [tilespmem:$0x1FB30]  }
0x563: {  	v61 =	vsub.f32 v7, v8;
	v8 =	vld [tilespmem:$0x1FB80];
	_ =	sdelay $0x2  }
0x564: {  	v60 =	vmul.f32 v3, v3;
	v3 =	vld.idx.msk [tilespmem:v11+s2+$0x0], $0xffff  }
0x565: {  	v62 =	vsub.f32 v5, v9;
	v9 =	vld [tilespmem:$0x1FB60]  }
0x566: {  	v4 =	vadd.f32 v8, v4;
	v8 =	vld.idx.msk [tilespmem:v11+s18+$0x0], $0xffff  }
0x567: {  	v11 =	vld [tilespmem:$0x1FB10]  }
0x568: {  	v63 =	vsub.f32 v4, v6;
	v6 =	vld [tilespmem:$0x1FB40]  }
0x569: {  	v7 =	vld.idx.msk [tilespmem:v10+s2+$0x0], $0xffff  }
0x56a: {  	v3 =	vadd.f32 v9, v3;
	v9 =	vld.idx.msk [tilespmem:v10+s18+$0x0], $0xffff  }
0x56b: {  	v10 =	vld [tilespmem:$0x1FAF0];
	_ =	sdelay $0x2  }
0x56c: {  	v32 =	vsub.f32 v3, v8;
	v8 =	vld [tilespmem:$0x1FB20]  }
0x56d: {  	v5 =	vld.idx.msk [tilespmem:v11+s2+$0x0], $0xffff  }
0x56e: {  	v6 =	vadd.f32 v6, v7;
	v7 =	vld.idx.msk [tilespmem:v11+s18+$0x0], $0xffff  }
0x56f: {  	v11 =	vld [tilespmem:$0x1FAD0]  }
0x570: {  	v33 =	vsub.f32 v6, v9;
	v9 =	vld [tilespmem:$0x1FB00]  }
0x571: {  	v4 =	vld.idx.msk [tilespmem:v10+s2+$0x0], $0xffff  }
0x572: {  	v5 =	vadd.f32 v8, v5;
	v8 =	vld.idx.msk [tilespmem:v10+s18+$0x0], $0xffff  }
0x573: {  	v10 =	vld [tilespmem:$0x1FAB0];
	_ =	sdelay $0x2  }
0x574: {  	v34 =	vsub.f32 v5, v7;
	v7 =	vld [tilespmem:$0x1FAE0]  }
0x575: {  	v3 =	vld.idx.msk [tilespmem:v11+s2+$0x0], $0xffff  }
0x576: {  	v4 =	vadd.f32 v9, v4;
	v9 =	vld.idx.msk [tilespmem:v11+s18+$0x0], $0xffff  }
0x577: {  	v11 =	vld [tilespmem:$0x1FA90]  }
0x578: {  	v35 =	vsub.f32 v4, v8;
	v8 =	vld [tilespmem:$0x1FAC0]  }
0x579: {  	v6 =	vld.idx.msk [tilespmem:v10+s2+$0x0], $0xffff  }
0x57a: {  	v3 =	vadd.f32 v7, v3;
	v7 =	vld.idx.msk [tilespmem:v10+s18+$0x0], $0xffff  }
0x57b: {  	v10 =	vld [tilespmem:$0x1FA70];
	_ =	sdelay $0x2  }
0x57c: {  	v36 =	vsub.f32 v3, v9;
	v9 =	vld [tilespmem:$0x1FAA0]  }
0x57d: {  	v5 =	vld.idx.msk [tilespmem:v11+s2+$0x0], $0xffff  }
0x57e: {  	v6 =	vadd.f32 v8, v6;
	v8 =	vld.idx.msk [tilespmem:v11+s18+$0x0], $0xffff  }
0x57f: {  	v11 =	vld [tilespmem:$0x1FA50]  }
0x580: {  	v37 =	vsub.f32 v6, v7;
	v7 =	vld [tilespmem:$0x1FA80]  }
0x581: {  	v4 =	vld.idx.msk [tilespmem:v10+s2+$0x0], $0xffff  }
0x582: {  	v5 =	vadd.f32 v9, v5;
	v9 =	vld.idx.msk [tilespmem:v10+s18+$0x0], $0xffff  }
0x583: {  	v10 =	vld [tilespmem:$0x1FA30];
	_ =	sdelay $0x2  }
0x584: {  	v38 =	vsub.f32 v5, v8;
	v8 =	vld [tilespmem:$0x1FA60]  }
0x585: {  	v3 =	vld.idx.msk [tilespmem:v11+s2+$0x0], $0xffff  }
0x586: {  	v4 =	vadd.f32 v7, v4;
	v7 =	vld.idx.msk [tilespmem:v11+s18+$0x0], $0xffff  }
0x587: {  	v11 =	vld [tilespmem:$0x1FA10]  }
0x588: {  	v39 =	vsub.f32 v4, v9;
	v9 =	vld [tilespmem:$0x1FA40]  }
0x589: {  	v6 =	vld.idx.msk [tilespmem:v10+s2+$0x0], $0xffff  }
0x58a: {  	v3 =	vadd.f32 v8, v3;
	v8 =	vld.idx.msk [tilespmem:v10+s18+$0x0], $0xffff  }
0x58b: {  	v10 =	vld [tilespmem:$0x1F9F0];
	_ =	sdelay $0x2  }
0x58c: {  	v40 =	vsub.f32 v3, v7;
	v7 =	vld [tilespmem:$0x1FA20]  }
0x58d: {  	v5 =	vld.idx.msk [tilespmem:v11+s2+$0x0], $0xffff  }
0x58e: {  	v6 =	vadd.f32 v9, v6;
	v9 =	vld.idx.msk [tilespmem:v11+s18+$0x0], $0xffff  }
0x58f: {  	v11 =	vld [tilespmem:$0x1F9D0]  }
0x590: {  	v41 =	vsub.f32 v6, v8;
	v8 =	vld [tilespmem:$0x1FA00]  }
0x591: {  	v4 =	vld.idx.msk [tilespmem:v10+s2+$0x0], $0xffff  }
0x592: {  	v5 =	vadd.f32 v7, v5;
	v7 =	vld.idx.msk [tilespmem:v10+s18+$0x0], $0xffff  }
0x593: {  	v10 =	vld [tilespmem:$0x1F9B0];
	_ =	sdelay $0x2  }
0x594: {  	v42 =	vsub.f32 v5, v9;
	v9 =	vld [tilespmem:$0x1F9E0]  }
0x595: {  	v3 =	vld.idx.msk [tilespmem:v11+s2+$0x0], $0xffff  }
0x596: {  	v4 =	vadd.f32 v8, v4;
	v8 =	vld.idx.msk [tilespmem:v11+s18+$0x0], $0xffff  }
0x597: {  	v11 =	vld [tilespmem:$0x1F990]  }
0x598: {  	v43 =	vsub.f32 v4, v7;
	v7 =	vld [tilespmem:$0x1F9C0]  }
0x599: {  	v6 =	vld.idx.msk [tilespmem:v10+s2+$0x0], $0xffff  }
0x59a: {  	v3 =	vadd.f32 v9, v3;
	v9 =	vld.idx.msk [tilespmem:v10+s18+$0x0], $0xffff  }
0x59b: {  	v10 =	vld [tilespmem:$0x1F970];
	_ =	sdelay $0x2  }
0x59c: {  	v44 =	vsub.f32 v3, v8;
	v8 =	vld [tilespmem:$0x1F9A0]  }
0x59d: {  	v5 =	vld.idx.msk [tilespmem:v11+s2+$0x0], $0xffff  }
0x59e: {  	v6 =	vadd.f32 v7, v6;
	v7 =	vld.idx.msk [tilespmem:v11+s18+$0x0], $0xffff  }
0x59f: {  	v11 =	vld [tilespmem:$0x1F950]  }
0x5a0: {  	v45 =	vsub.f32 v6, v9;
	v9 =	vld [tilespmem:$0x1F980]  }
0x5a1: {  	v4 =	vld.idx.msk [tilespmem:v10+s2+$0x0], $0xffff  }
0x5a2: {  	v5 =	vadd.f32 v8, v5;
	v8 =	vld.idx.msk [tilespmem:v10+s18+$0x0], $0xffff  }
0x5a3: {  	v2 =	vmul.f32 v59, v59;
	v10 =	vld [tilespmem:$0x1F930];
	_ =	sdelay $0x1  }
0x5a4: {  	v1 =	vadd.f32 v2, v1  }
0x5a5: {  	v46 =	vsub.f32 v5, v7;
	v7 =	vld [tilespmem:$0x1F960]  }
0x5a6: {  	v0 =	vmul.f32 v0, v0;
	v1 =	vadd.f32 v60, v1;
	v3 =	vld.idx.msk [tilespmem:v11+s2+$0x0], $0xffff  }
0x5a7: {  	v4 =	vadd.f32 v9, v4;
	v9 =	vld.idx.msk [tilespmem:v11+s18+$0x0], $0xffff  }
0x5a8: {  	v0 =	vadd.f32 v0, v1;
	v2 =	vmul.f32 v61, v61;
	v11 =	vld [tilespmem:$0x1F910]  }
0x5a9: {  	v47 =	vsub.f32 v4, v8;
	v8 =	vld [tilespmem:$0x1F940]  }
0x5aa: {  	v0 =	vadd.f32 v2, v0;
	v1 =	vmul.f32 v62, v62;
	v6 =	vld.idx.msk [tilespmem:v10+s2+$0x0], $0xffff  }
0x5ab: {  	v3 =	vadd.f32 v7, v3;
	v7 =	vld.idx.msk [tilespmem:v10+s18+$0x0], $0xffff  }
0x5ac: {  	v0 =	vadd.f32 v1, v0;
	v2 =	vmul.f32 v63, v63;
	v10 =	vld [tilespmem:$0x1F8F0];
	_ =	sdelay $0x1  }
0x5ad: {  	v0 =	vadd.f32 v2, v0;
	v1 =	vmul.f32 v32, v32  }
0x5ae: {  	v48 =	vsub.f32 v3, v9;
	v9 =	vld [tilespmem:$0x1F920]  }
0x5af: {  	v0 =	vadd.f32 v1, v0;
	v2 =	vmul.f32 v33, v33;
	v5 =	vld.idx.msk [tilespmem:v11+s2+$0x0], $0xffff  }
0x5b0: {  	v6 =	vadd.f32 v8, v6;
	v8 =	vld.idx.msk [tilespmem:v11+s18+$0x0], $0xffff  }
0x5b1: {  	v0 =	vadd.f32 v2, v0;
	v1 =	vmul.f32 v34, v34;
	v11 =	vld [tilespmem:$0x1F8D0]  }
0x5b2: {  	v49 =	vsub.f32 v6, v7;
	v7 =	vld [tilespmem:$0x1F900]  }
0x5b3: {  	v0 =	vadd.f32 v1, v0;
	v2 =	vmul.f32 v35, v35;
	v4 =	vld.idx.msk [tilespmem:v10+s2+$0x0], $0xffff  }
0x5b4: {  	v5 =	vadd.f32 v9, v5;
	v9 =	vld.idx.msk [tilespmem:v10+s18+$0x0], $0xffff  }
0x5b5: {  	v0 =	vadd.f32 v2, v0;
	v1 =	vmul.f32 v36, v36;
	v10 =	vld [tilespmem:$0x1F8B0];
	_ =	sdelay $0x1  }
0x5b6: {  	v0 =	vadd.f32 v1, v0;
	v2 =	vmul.f32 v37, v37  }
0x5b7: {  	v50 =	vsub.f32 v5, v8;
	v8 =	vld [tilespmem:$0x1F8E0]  }
0x5b8: {  	v0 =	vadd.f32 v2, v0;
	v1 =	vmul.f32 v38, v38;
	v3 =	vld.idx.msk [tilespmem:v11+s2+$0x0], $0xffff  }
0x5b9: {  	v4 =	vadd.f32 v7, v4;
	v7 =	vld.idx.msk [tilespmem:v11+s18+$0x0], $0xffff  }
0x5ba: {  	v0 =	vadd.f32 v1, v0;
	v2 =	vmul.f32 v39, v39;
	v11 =	vld [tilespmem:$0x1F890]  }
0x5bb: {  	v51 =	vsub.f32 v4, v9;
	v9 =	vld [tilespmem:$0x1F8C0]  }
0x5bc: {  	v0 =	vadd.f32 v2, v0;
	v1 =	vmul.f32 v40, v40;
	v6 =	vld.idx.msk [tilespmem:v10+s2+$0x0], $0xffff  }
0x5bd: {  	v3 =	vadd.f32 v8, v3;
	v8 =	vld.idx.msk [tilespmem:v10+s18+$0x0], $0xffff  }
0x5be: {  	v0 =	vadd.f32 v1, v0;
	v2 =	vmul.f32 v41, v41;
	v10 =	vld [tilespmem:$0x1F870];
	_ =	sdelay $0x1  }
0x5bf: {  	v0 =	vadd.f32 v2, v0;
	v1 =	vmul.f32 v42, v42  }
0x5c0: {  	v52 =	vsub.f32 v3, v7;
	v7 =	vld [tilespmem:$0x1F8A0]  }
0x5c1: {  	v0 =	vadd.f32 v1, v0;
	v2 =	vmul.f32 v43, v43;
	v5 =	vld.idx.msk [tilespmem:v11+s2+$0x0], $0xffff  }
0x5c2: {  	v6 =	vadd.f32 v9, v6;
	v9 =	vld.idx.msk [tilespmem:v11+s18+$0x0], $0xffff  }
0x5c3: {  	v0 =	vadd.f32 v2, v0;
	v1 =	vmul.f32 v44, v44;
	v11 =	vld [tilespmem:$0x1F850]  }
0x5c4: {  	v53 =	vsub.f32 v6, v8;
	v8 =	vld [tilespmem:$0x1F880]  }
0x5c5: {  	v0 =	vadd.f32 v1, v0;
	v2 =	vmul.f32 v45, v45;
	v4 =	vld.idx.msk [tilespmem:v10+s2+$0x0], $0xffff  }
0x5c6: {  	v5 =	vadd.f32 v7, v5;
	v7 =	vld.idx.msk [tilespmem:v10+s18+$0x0], $0xffff  }
0x5c7: {  	v0 =	vadd.f32 v2, v0;
	v1 =	vmul.f32 v46, v46;
	v10 =	vld [tilespmem:$0x1F830];
	_ =	sdelay $0x1  }
0x5c8: {  	v0 =	vadd.f32 v1, v0;
	v2 =	vmul.f32 v47, v47  }
0x5c9: {  	v54 =	vsub.f32 v5, v9;
	v9 =	vld [tilespmem:$0x1F860]  }
0x5ca: {  	v0 =	vadd.f32 v2, v0;
	v1 =	vmul.f32 v48, v48;
	v3 =	vld.idx.msk [tilespmem:v11+s2+$0x0], $0xffff  }
0x5cb: {  	v4 =	vadd.f32 v8, v4;
	v8 =	vld.idx.msk [tilespmem:v11+s18+$0x0], $0xffff  }
0x5cc: {  	v0 =	vadd.f32 v1, v0;
	v2 =	vmul.f32 v49, v49;
	v11 =	vld [tilespmem:$0x1F810]  }
0x5cd: {  	v55 =	vsub.f32 v4, v7;
	v7 =	vld [tilespmem:$0x1F840]  }
0x5ce: {  	v0 =	vadd.f32 v2, v0;
	v1 =	vmul.f32 v50, v50;
	v6 =	vld.idx.msk [tilespmem:v10+s2+$0x0], $0xffff  }
0x5cf: {  	v3 =	vadd.f32 v9, v3;
	v9 =	vld.idx.msk [tilespmem:v10+s18+$0x0], $0xffff  }
0x5d0: {  	v0 =	vadd.f32 v1, v0;
	v2 =	vmul.f32 v51, v51;
	v10 =	vld [tilespmem:$0x1F7F0];
	_ =	sdelay $0x1  }
0x5d1: {  	v0 =	vadd.f32 v2, v0;
	v1 =	vmul.f32 v52, v52;
	_ =	sdelay $0x1  }
0x5d2: {  	v0 =	vadd.f32 v1, v0;
	v2 =	vmul.f32 v53, v53;
	v56 =	vsub.f32 v3, v8;
	v3 =	vld [tilespmem:$0x1F820]  }
0x5d3: {  	v5 =	vld.idx.msk [tilespmem:v11+s2+$0x0], $0xffff;
	v6 =	vadd.f32 v7, v6  }
0x5d4: {  	v0 =	vadd.f32 v2, v0;
	v1 =	vmul.f32 v54, v54;
	v7 =	vld.idx.msk [tilespmem:v11+s18+$0x0], $0xffff  }
0x5d5: {  	v57 =	vsub.f32 v6, v9;
	v6 =	vld [tilespmem:$0x1F800]  }
0x5d6: {  	v0 =	vadd.f32 v1, v0;
	v2 =	vmul.f32 v55, v55;
	v4 =	vld.idx.msk [tilespmem:v10+s2+$0x0], $0xffff;
	_ =	sdelay $0x1  }
0x5d7: {  	v0 =	vadd.f32 v2, v0;
	v1 =	vmul.f32 v56, v56;
	v3 =	vadd.f32 v3, v5;
	v5 =	vld.idx.msk [tilespmem:v10+s18+$0x0], $0xffff;
	_ =	sdelay $0x1  }
0x5d8: {  	v0 =	vadd.f32 v1, v0  }
0x5d9: {  	v2 =	vmul.f32 v57, v57;
	v59 =	vsub.f32 v3, v7;
	v4 =	vadd.f32 v6, v4;
	_ =	sdelay $0x1  }
0x5da: {  	v0 =	vadd.f32 v2, v0;
	v1 =	vmul.f32 v59, v59;
	v60 =	vsub.f32 v4, v5;
	_ =	sdelay $0x1  }
0x5db: {  	v0 =	vadd.f32 v1, v0;
	v61 =	vmul.f32 v60, v60;
	_ =	sdelay $0x1  }
0x5dc: {  	v0 =	vadd.f32 v61, v0;
	_ =	sdelay $0x1  }
0x5dd: {  	v0 =	vmax.f32 v0, $1.000000000e-30  }
0x5de: {  	v62 =	vshra.s32 v0, $0x1;
	v63 =	vmul.f32 $5.000000000e-01, v0  }
0x5df: {  	v1 =	vsub.s32 $0x5F3759DF, v62  }
0x5e0: {  	v3 =	vmul.f32 v1, v63;
	_ =	sdelay $0x1  }
0x5e1: {  	v3 =	vmul.f32 v1, v3;
	_ =	sdelay $0x1  }
0x5e2: {  	v3 =	vsub.f32 $1.500000000e+00, v3;
	_ =	sdelay $0x1  }
0x5e3: {  	v1 =	vmul.f32 v1, v3;
	_ =	sdelay $0x1  }
0x5e4: {  	v3 =	vmul.f32 v1, v63;
	_ =	sdelay $0x1  }
0x5e5: {  	v3 =	vmul.f32 v3, v1;
	_ =	sdelay $0x1  }
0x5e6: {  	v3 =	vsub.f32 $1.500000000e+00, v3;
	_ =	sdelay $0x1  }
0x5e7: {  	v1 =	vmul.f32 v3, v1;
	_ =	sdelay $0x1  }
0x5e8: {  	v2 =	vmul.f32 v1, v63;
	_ =	sdelay $0x1  }
0x5e9: {  	v2 =	vmul.f32 v2, v1;
	_ =	sdelay $0x1  }
0x5ea: {  	s0 =	sadd.s32 $0x10, s21;
	v2 =	vsub.f32 $1.500000000e+00, v2  }
0x5eb: {  	v3 =	vor.u32 s0, v58  }
0x5ec: {  	v1 =	vmul.f32 v2, v1;
	_ =	sdelay $0x1  }
0x5ed: {  	v0 =	vmul.f32 v1, v0;
	_ =	sdelay $0x1  }
0x5ee: {  	s29 =	rddreg [dreg:$0xa];
	[tilespmem:v3+s6+$0x0] =	vst.idx.msk $0xffff, v0  }
0x5ef: {  	[hbm4b:s29+s1] =	stream.linear.scatter [tilespmem:s6], [sflag:$0x4], $0x200, $0x38;
	[tilespmem:$0x18800] =	vst v63  }
0x5f0: {  	_ =	swait.ge [sflag:s5], $0x200  }
0x5f1: {  	v4 =	vld [tilespmem:$0x1FE80]  }
0x5f2: {  	v7 =	vld [tilespmem:$0x1FFA0]  }
0x5f3: {  	v8 =	vld [tilespmem:$0x1FFB0]  }
0x5f4: {  	v9 =	vld [tilespmem:$0x1FFD0]  }
0x5f5: {  	v30 =	vld [tilespmem:$0x1FF90]  }
0x5f6: {  	v28 =	vld [tilespmem:$0x1FF80]  }
0x5f7: {  	v10 =	vld [tilespmem:$0x1FF70]  }
0x5f8: {  	v11 =	vld [tilespmem:$0x1FF60]  }
0x5f9: {  	v12 =	vld [tilespmem:$0x1FF50]  }
0x5fa: {  	v15 =	vld [tilespmem:$0x1FF40]  }
0x5fb: {  	v13 =	vld [tilespmem:$0x1FF20]  }
0x5fc: {  	v32 =	vld [tilespmem:$0x1FF10]  }
0x5fd: {  	v25 =	vld [tilespmem:$0x1FEE0]  }
0x5fe: {  	v20 =	vld [tilespmem:$0x1FEC0]  }
0x5ff: {  	v19 =	vld [tilespmem:$0x1FEB0]  }
0x600: {  	v18 =	vld [tilespmem:$0x1FEA0]  }
0x601: {  	s30 =	rddreg [dreg:$0xc];
	v17 =	vld [tilespmem:$0x1FE90]  }
0x602: {  	s31 =	rddreg [dreg:$0xb];
	v5 =	vld [tilespmem:$0x1FE70];
	s2 =	sadd.s32 $0x1, s30  }
0x603: {  	v35 =	vld [tilespmem:$0x1FFC0];
	p0 =	sne.s32 s2, s31  }
.Ltmp3:
0x604: {  	v22 =	vld [tilespmem:$0x1FED0];
	(pc) =	sbr.rel @p0 .LBB2_1-.Ltmp3, $4  }
0x605: {  	v23 =	vld [tilespmem:$0x1FEF0]  }
0x606: {  	v24 =	vld [tilespmem:$0x1FF00]  }
0x607: {  	[sflag:s5] =	ssyncset.done $0x0;
	v26 =	vld [tilespmem:$0x1FF30]  }
0x608: {  	v6 =	vld [tilespmem:$0x1FFE0];
	[sflag:s5] =	ssyncadd.s32 $0xFFFFFE00  }
0x609: {  	_ =	sfence.sel $0x180000  }
0x60a: {  	[bflag:$0x0] =	sbarrier.arrive $0xFFFF  }
0x60b: {  	_ =	strace $0x90000047  }
0x60c: {  	s0 =	stileid.u32;
	[bflag:$0x2] =	sbarrier.arrive $0xFFFF  }
0x60d: {  	p0 =	sne.s32 s0, $0x0;
	s0 =	rddreg [dreg:$0x5]  }
0x60e: {  	s0 =	sadd.s32 @!p0 $0x100000, s0  }
0x60f: {  	[sflag:s0] =	ssyncadd.tile.s32 @!p0 $0x1;
	_ =	shalt  }
.Lfunc_end2:
_tile_overlayer_lowered:
.L_overlay_start_2:
0x610: {  	(tag) =	ssettag $0x2  }
0x611: {  	s0 =	rddreg [dreg:$0x0];
	s2 =	stileid.u32  }
0x612: {  	s1 =	rddreg [dreg:$0x1];
	p0 =	sne.s32 s2, $0x0  }
0x613: {  	s3 =	rddreg [dreg:$0x2];
	[bflag:$0x3] =	sbarrier.arrive $0xFFFF;
	s2 =	simm.s32 @!p0 $0x1C04  }
0x614: {  	[timem:s3], [sflag:s2] =	dma.local @!p0 [hbm:s0], s1  }
0x615: {  	s0 =	simm.s32 @!p0 $0x4  }
0x616: {  	_ =	swait.ge @!p0 [sflag:s0], s1  }
0x617: {  	s1 =	ssub.s32 @!p0 $0x0, s1;
	[sflag:s0] =	ssyncset.done @!p0 $0x0  }
0x618: {  	[sflag:s0] =	ssyncadd.s32 @!p0 s1  }
0x619: {  	[bflag:$0x3] =	sbarrier.arrive $0xFFFF  }
0x61a: {  	_ =	shalt  }

</sc_bundles>
